<compile_context>
chip_gen: v7x
topology: tpu7x:2x2x1
jax: 0.10.2.dev20260603
libtpu: 0.0.44.dev20260713+nightly
codegen_flags: <defaults>
</compile_context>

<pallas_src>
import functools

import jax
import jax.numpy as jnp
from jax import lax
from jax.experimental import pallas as pl
from jax.experimental.pallas import tpu as pltpu
from jax.experimental.pallas import tpu_sc as plsc

R, C = 128, 32768
NC, NS, L = 2, 16, 16
NW = NC * NS
R_SC = 64
R_TC = R - R_SC
RPW = R_SC // NW
K = 16
NVC = C // L

_mesh = plsc.VectorSubcoreMesh(
    core_axis_name="c", subcore_axis_name="s", num_cores=NC
)


def _merge(a, b):
    va, ca = a
    vb, cb = b
    take = (vb > va) | ((vb == va) & (cb < ca))
    return jnp.where(take, vb, va), jnp.where(take, cb, ca)


@functools.partial(
    pl.kernel,
    out_type=jax.ShapeDtypeStruct((NW, L), jnp.int32),
    mesh=_mesh,
    scratch_types=[
        pltpu.VMEM((C,), jnp.float32),
        pltpu.VMEM((C,), jnp.float32),
        pltpu.VMEM((L,), jnp.int32),
        pltpu.SemaphoreType.DMA,
        pltpu.SemaphoreType.DMA,
    ],
)
def _argmax_sc(x_hbm, out_hbm, buf_a, buf_b, res_v, sem_a, sem_b):
    wid = lax.axis_index("s") * NC + lax.axis_index("c")
    row0 = R_TC + wid * RPW
    bufs = (buf_a, buf_b)
    sems = (sem_a, sem_b)
    lane = jnp.arange(L, dtype=jnp.int32)

    copies = [None, None]
    copies[0] = pltpu.async_copy(x_hbm.at[row0], buf_a, sem_a)

    resvec = jnp.zeros((L,), jnp.int32)
    for r in range(RPW):
        buf = bufs[r % 2]
        copies[r % 2].wait()
        if r + 1 < RPW:
            copies[(r + 1) % 2] = pltpu.async_copy(
                x_hbm.at[row0 + r + 1], bufs[(r + 1) % 2], sems[(r + 1) % 2]
            )

        init = tuple(
            (jnp.full((L,), -jnp.inf, jnp.float32), jnp.zeros((L,), jnp.int32))
            for _ in range(K)
        )

        def body(i, accs, buf=buf):
            base = i * (K * L)
            ib = jnp.full((L,), i, jnp.int32)
            out = []
            for u in range(K):
                vmax, vidx = accs[u]
                xv = buf[pl.ds(base + u * L, L)]
                gt = xv > vmax
                out.append((jnp.where(gt, xv, vmax), jnp.where(gt, ib, vidx)))
            return tuple(out)

        accs = plsc.parallel_loop(0, NVC // K, carry=init, unroll=2)(body)

        pairs = [
            (vmax, vidx * (K * L) + u * L + lane)
            for u, (vmax, vidx) in enumerate(accs)
        ]
        while len(pairs) > 1:
            pairs = [_merge(pairs[j], pairs[j + 1]) for j in range(0, len(pairs), 2)]

        vals, idxs = pairs[0]
        for sh in (8, 4, 2, 1):
            perm = lane ^ sh
            ov = vals.at[perm].get(mode="promise_in_bounds")
            oi = idxs.at[perm].get(mode="promise_in_bounds")
            vals, idxs = _merge((vals, idxs), (ov, oi))
        resvec = jnp.where(lane == r, idxs, resvec)

    res_v[...] = resvec
    pltpu.sync_copy(res_v, out_hbm.at[wid])


RB = 8
NG = 16
GW = NG * 128
NOC = C // GW
NRB = R_TC // RB


def _tc_body(x_ref, o_ref):
    lane = lax.broadcasted_iota(jnp.int32, (RB, 128), 1)
    accs = [
        (jnp.full((RB, 128), -jnp.inf, jnp.float32), jnp.zeros((RB, 128), jnp.int32))
        for _ in range(NG)
    ]
    for c in range(NOC):
        for k in range(NG):
            xv = x_ref[:, c * GW + k * 128:c * GW + (k + 1) * 128]
            vmax, vc = accs[k]
            gt = xv > vmax
            accs[k] = (jnp.where(gt, xv, vmax), jnp.where(gt, c, vc))

    pairs = [(v, vc * GW + k * 128 + lane) for k, (v, vc) in enumerate(accs)]
    while len(pairs) > 1:
        pairs = [_merge(pairs[j], pairs[j + 1]) for j in range(0, len(pairs), 2)]
    vals, cols = pairs[0]
    rowmax = jnp.max(vals, axis=1, keepdims=True)
    cand = jnp.where(vals == rowmax, cols, jnp.int32(2**31 - 1))
    argcol = jnp.min(cand, axis=1, keepdims=True)
    o_ref[...] = jnp.broadcast_to(argcol, (RB, 128))[None]


_argmax_tc = pl.pallas_call(
    _tc_body,
    grid=(NRB,),
    in_specs=[pl.BlockSpec((RB, C), lambda i: (i, 0))],
    out_specs=pl.BlockSpec((1, RB, 128), lambda i: (i, 0, 0)),
    out_shape=jax.ShapeDtypeStruct((NRB, RB, 128), jnp.int32),
    compiler_params=pltpu.CompilerParams(
        dimension_semantics=("parallel",),
    ),
)


def kernel(x):
    sc_out = _argmax_sc(x)
    tc_out = _argmax_tc(x)
    return jnp.concatenate(
        [tc_out[:, :, 0].reshape(R_TC), sc_out[:, :RPW].reshape(R_SC)]
    )

# --- scband reference (transcript-rebuilt; emitter-appended) ---
"""Pipeline reference for scband-argmin-76501957476849 (READ-ONLY COPY).

The authoritative reference and input builder live on the scoring server;
editing this copy changes nothing except your own understanding.
"""

import jax, jax.numpy as jnp
import numpy as np

def setup_inputs(seed: int = 0) -> dict:
    key = jax.random.key(seed)
    x = jax.random.normal(key, (128, 32768), dtype=jnp.float32)
    return {"x": x}

def reference(x):
    return jnp.argmax(x, axis=-1)

if __name__ == "__main__":
    import jax
    _d = setup_inputs()
    print(jax.jit(kernel)(*tuple(_d.values())))

</pallas_src>

<mosaic_0001>
#map = affine_map<(d0, d1) -> (0, 0)>
module attributes {stable_mosaic.version = 14 : i64} {
  func.func @_argmax_sc(%arg0: i32, %arg1: i32, %arg2: memref<128x32768xf32, #tpu.memory_space<hbm>>, %arg3: memref<32x16xi32, #tpu.memory_space<hbm>>, %arg4: memref<32768xf32, #tpu.memory_space<vmem>>, %arg5: memref<32768xf32, #tpu.memory_space<vmem>>, %arg6: memref<16xi32, #tpu.memory_space<vmem>>, %arg7: memref<!tpu.dma_semaphore, #tpu.memory_space<semaphore_mem>>, %arg8: memref<!tpu.dma_semaphore, #tpu.memory_space<semaphore_mem>>) attributes {dimension_semantics = [#tpu.dimension_semantics<core_parallel>, #tpu.dimension_semantics<subcore_parallel>], iteration_bounds = array<i64: 2, 16>, scalar_prefetch = 0 : i64, scratch_operands = 5 : i64, tpu.core_type = #tpu.core_type<sc_vector_subcore>, window_params = [{transform_indices = #map}, {transform_indices = #map}]} {
    %mul3A = arith.constant 2 : i32
    %mul3A_0 = arith.muli %arg1, %mul3A : i32
    %add3A = arith.addi %mul3A_0, %arg0 : i32
    %mul3A_1 = arith.constant 2 : i32
    %mul3A_2 = arith.muli %add3A, %mul3A_1 : i32
    %add3A_3 = arith.constant 64 : i32
    %add3A_4 = arith.addi %add3A_3, %mul3A_2 : i32
    %iota3A = tpu.iota {dimensions = array<i32: 0>} : vector<16xi32>
    %dma_start3A = arith.constant 0 : i32
    %dma_start3A_5 = tpu.memref_slice %arg2[%add3A_4, %dma_start3A] : memref<128x32768xf32, #tpu.memory_space<hbm>> -> memref<1x32768xf32, #tpu.memory_space<hbm>>
    %dma_start3A_6 = tpu.memref_squeeze %dma_start3A_5 : memref<1x32768xf32, #tpu.memory_space<hbm>> -> memref<32768xf32, #tpu.memory_space<hbm>>
    %dma_start3A_7 = arith.constant 0 : i32
    %dma_start3A_8 = tpu.memref_slice %arg2[%add3A_4, %dma_start3A_7] : memref<128x32768xf32, #tpu.memory_space<hbm>> -> memref<1x32768xf32, #tpu.memory_space<hbm>>
    %dma_start3A_9 = tpu.memref_squeeze %dma_start3A_8 : memref<1x32768xf32, #tpu.memory_space<hbm>> -> memref<32768xf32, #tpu.memory_space<hbm>>
    tpu.enqueue_dma source(%dma_start3A_9 : memref<32768xf32, #tpu.memory_space<hbm>>) target(%arg4 : memref<32768xf32, #tpu.memory_space<vmem>>) target_semaphore(%arg7 : memref<!tpu.dma_semaphore, #tpu.memory_space<semaphore_mem>>)
    %broadcast_in_dim3A = arith.constant 0 : i32
    %broadcast_in_dim3A_10 = vector.broadcast %broadcast_in_dim3A : i32 to vector<16xi32>
    %dma_wait3A = arith.constant 0 : i32
    %dma_wait3A_11 = tpu.memref_slice %arg2[%add3A_4, %dma_wait3A] : memref<128x32768xf32, #tpu.memory_space<hbm>> -> memref<1x32768xf32, #tpu.memory_space<hbm>>
    %dma_wait3A_12 = tpu.memref_squeeze %dma_wait3A_11 : memref<1x32768xf32, #tpu.memory_space<hbm>> -> memref<32768xf32, #tpu.memory_space<hbm>>
    %dma_wait3A_13 = arith.constant 0 : i32
    %dma_wait3A_14 = tpu.memref_slice %arg2[%add3A_4, %dma_wait3A_13] : memref<128x32768xf32, #tpu.memory_space<hbm>> -> memref<1x32768xf32, #tpu.memory_space<hbm>>
    %dma_wait3A_15 = tpu.memref_squeeze %dma_wait3A_14 : memref<1x32768xf32, #tpu.memory_space<hbm>> -> memref<32768xf32, #tpu.memory_space<hbm>>
    tpu.wait_dma2 semaphore(%arg7 : memref<!tpu.dma_semaphore, #tpu.memory_space<semaphore_mem>>) src(%dma_wait3A_15 : memref<32768xf32, #tpu.memory_space<hbm>>) dst(%arg4 : memref<32768xf32, #tpu.memory_space<vmem>>)
    %add3A_16 = arith.constant 0 : i32
    %add3A_17 = arith.addi %add3A_4, %add3A_16 : i32
    %add3A_18 = arith.constant 1 : i32
    %add3A_19 = arith.addi %add3A_17, %add3A_18 : i32
    %dma_start3A_20 = arith.constant 0 : i32
    %dma_start3A_21 = tpu.memref_slice %arg2[%add3A_19, %dma_start3A_20] : memref<128x32768xf32, #tpu.memory_space<hbm>> -> memref<1x32768xf32, #tpu.memory_space<hbm>>
    %dma_start3A_22 = tpu.memref_squeeze %dma_start3A_21 : memref<1x32768xf32, #tpu.memory_space<hbm>> -> memref<32768xf32, #tpu.memory_space<hbm>>
    %dma_start3A_23 = arith.constant 0 : i32
    %dma_start3A_24 = tpu.memref_slice %arg2[%add3A_19, %dma_start3A_23] : memref<128x32768xf32, #tpu.memory_space<hbm>> -> memref<1x32768xf32, #tpu.memory_space<hbm>>
    %dma_start3A_25 = tpu.memref_squeeze %dma_start3A_24 : memref<1x32768xf32, #tpu.memory_space<hbm>> -> memref<32768xf32, #tpu.memory_space<hbm>>
    tpu.enqueue_dma source(%dma_start3A_25 : memref<32768xf32, #tpu.memory_space<hbm>>) target(%arg5 : memref<32768xf32, #tpu.memory_space<vmem>>) target_semaphore(%arg8 : memref<!tpu.dma_semaphore, #tpu.memory_space<semaphore_mem>>)
    %broadcast_in_dim3A_26 = arith.constant 0xFF800000 : f32
    %broadcast_in_dim3A_27 = vector.broadcast %broadcast_in_dim3A_26 : f32 to vector<16xf32>
    %broadcast_in_dim3A_28 = arith.constant 0 : i32
    %broadcast_in_dim3A_29 = vector.broadcast %broadcast_in_dim3A_28 : i32 to vector<16xi32>
    %broadcast_in_dim3A_30 = arith.constant 0xFF800000 : f32
    %broadcast_in_dim3A_31 = vector.broadcast %broadcast_in_dim3A_30 : f32 to vector<16xf32>
    %broadcast_in_dim3A_32 = arith.constant 0 : i32
    %broadcast_in_dim3A_33 = vector.broadcast %broadcast_in_dim3A_32 : i32 to vector<16xi32>
    %broadcast_in_dim3A_34 = arith.constant 0xFF800000 : f32
    %broadcast_in_dim3A_35 = vector.broadcast %broadcast_in_dim3A_34 : f32 to vector<16xf32>
    %broadcast_in_dim3A_36 = arith.constant 0 : i32
    %broadcast_in_dim3A_37 = vector.broadcast %broadcast_in_dim3A_36 : i32 to vector<16xi32>
    %broadcast_in_dim3A_38 = arith.constant 0xFF800000 : f32
    %broadcast_in_dim3A_39 = vector.broadcast %broadcast_in_dim3A_38 : f32 to vector<16xf32>
    %broadcast_in_dim3A_40 = arith.constant 0 : i32
    %broadcast_in_dim3A_41 = vector.broadcast %broadcast_in_dim3A_40 : i32 to vector<16xi32>
    %broadcast_in_dim3A_42 = arith.constant 0xFF800000 : f32
    %broadcast_in_dim3A_43 = vector.broadcast %broadcast_in_dim3A_42 : f32 to vector<16xf32>
    %broadcast_in_dim3A_44 = arith.constant 0 : i32
    %broadcast_in_dim3A_45 = vector.broadcast %broadcast_in_dim3A_44 : i32 to vector<16xi32>
    %broadcast_in_dim3A_46 = arith.constant 0xFF800000 : f32
    %broadcast_in_dim3A_47 = vector.broadcast %broadcast_in_dim3A_46 : f32 to vector<16xf32>
    %broadcast_in_dim3A_48 = arith.constant 0 : i32
    %broadcast_in_dim3A_49 = vector.broadcast %broadcast_in_dim3A_48 : i32 to vector<16xi32>
    %broadcast_in_dim3A_50 = arith.constant 0xFF800000 : f32
    %broadcast_in_dim3A_51 = vector.broadcast %broadcast_in_dim3A_50 : f32 to vector<16xf32>
    %broadcast_in_dim3A_52 = arith.constant 0 : i32
    %broadcast_in_dim3A_53 = vector.broadcast %broadcast_in_dim3A_52 : i32 to vector<16xi32>
    %broadcast_in_dim3A_54 = arith.constant 0xFF800000 : f32
    %broadcast_in_dim3A_55 = vector.broadcast %broadcast_in_dim3A_54 : f32 to vector<16xf32>
    %broadcast_in_dim3A_56 = arith.constant 0 : i32
    %broadcast_in_dim3A_57 = vector.broadcast %broadcast_in_dim3A_56 : i32 to vector<16xi32>
    %broadcast_in_dim3A_58 = arith.constant 0xFF800000 : f32
    %broadcast_in_dim3A_59 = vector.broadcast %broadcast_in_dim3A_58 : f32 to vector<16xf32>
    %broadcast_in_dim3A_60 = arith.constant 0 : i32
    %broadcast_in_dim3A_61 = vector.broadcast %broadcast_in_dim3A_60 : i32 to vector<16xi32>
    %broadcast_in_dim3A_62 = arith.constant 0xFF800000 : f32
    %broadcast_in_dim3A_63 = vector.broadcast %broadcast_in_dim3A_62 : f32 to vector<16xf32>
    %broadcast_in_dim3A_64 = arith.constant 0 : i32
    %broadcast_in_dim3A_65 = vector.broadcast %broadcast_in_dim3A_64 : i32 to vector<16xi32>
    %broadcast_in_dim3A_66 = arith.constant 0xFF800000 : f32
    %broadcast_in_dim3A_67 = vector.broadcast %broadcast_in_dim3A_66 : f32 to vector<16xf32>
    %broadcast_in_dim3A_68 = arith.constant 0 : i32
    %broadcast_in_dim3A_69 = vector.broadcast %broadcast_in_dim3A_68 : i32 to vector<16xi32>
    %broadcast_in_dim3A_70 = arith.constant 0xFF800000 : f32
    %broadcast_in_dim3A_71 = vector.broadcast %broadcast_in_dim3A_70 : f32 to vector<16xf32>
    %broadcast_in_dim3A_72 = arith.constant 0 : i32
    %broadcast_in_dim3A_73 = vector.broadcast %broadcast_in_dim3A_72 : i32 to vector<16xi32>
    %broadcast_in_dim3A_74 = arith.constant 0xFF800000 : f32
    %broadcast_in_dim3A_75 = vector.broadcast %broadcast_in_dim3A_74 : f32 to vector<16xf32>
    %broadcast_in_dim3A_76 = arith.constant 0 : i32
    %broadcast_in_dim3A_77 = vector.broadcast %broadcast_in_dim3A_76 : i32 to vector<16xi32>
    %broadcast_in_dim3A_78 = arith.constant 0xFF800000 : f32
    %broadcast_in_dim3A_79 = vector.broadcast %broadcast_in_dim3A_78 : f32 to vector<16xf32>
    %broadcast_in_dim3A_80 = arith.constant 0 : i32
    %broadcast_in_dim3A_81 = vector.broadcast %broadcast_in_dim3A_80 : i32 to vector<16xi32>
    %broadcast_in_dim3A_82 = arith.constant 0xFF800000 : f32
    %broadcast_in_dim3A_83 = vector.broadcast %broadcast_in_dim3A_82 : f32 to vector<16xf32>
    %broadcast_in_dim3A_84 = arith.constant 0 : i32
    %broadcast_in_dim3A_85 = vector.broadcast %broadcast_in_dim3A_84 : i32 to vector<16xi32>
    %broadcast_in_dim3A_86 = arith.constant 0xFF800000 : f32
    %broadcast_in_dim3A_87 = vector.broadcast %broadcast_in_dim3A_86 : f32 to vector<16xf32>
    %broadcast_in_dim3A_88 = arith.constant 0 : i32
    %broadcast_in_dim3A_89 = vector.broadcast %broadcast_in_dim3A_88 : i32 to vector<16xi32>
    %parallel_loop3A = arith.constant 0 : i32
    %parallel_loop3A_90 = arith.constant 128 : i32
    %parallel_loop3A_91 = arith.constant 1 : i32
    %parallel_loop3A_92:32 = scf.for %parallel_loop3A_844 = %parallel_loop3A to %parallel_loop3A_90 step %parallel_loop3A_91 iter_args(%parallel_loop3A_845 = %broadcast_in_dim3A_27, %parallel_loop3A_846 = %broadcast_in_dim3A_29, %parallel_loop3A_847 = %broadcast_in_dim3A_31, %parallel_loop3A_848 = %broadcast_in_dim3A_33, %parallel_loop3A_849 = %broadcast_in_dim3A_35, %parallel_loop3A_850 = %broadcast_in_dim3A_37, %parallel_loop3A_851 = %broadcast_in_dim3A_39, %parallel_loop3A_852 = %broadcast_in_dim3A_41, %parallel_loop3A_853 = %broadcast_in_dim3A_43, %parallel_loop3A_854 = %broadcast_in_dim3A_45, %parallel_loop3A_855 = %broadcast_in_dim3A_47, %parallel_loop3A_856 = %broadcast_in_dim3A_49, %parallel_loop3A_857 = %broadcast_in_dim3A_51, %parallel_loop3A_858 = %broadcast_in_dim3A_53, %parallel_loop3A_859 = %broadcast_in_dim3A_55, %parallel_loop3A_860 = %broadcast_in_dim3A_57, %parallel_loop3A_861 = %broadcast_in_dim3A_59, %parallel_loop3A_862 = %broadcast_in_dim3A_61, %parallel_loop3A_863 = %broadcast_in_dim3A_63, %parallel_loop3A_864 = %broadcast_in_dim3A_65, %parallel_loop3A_865 = %broadcast_in_dim3A_67, %parallel_loop3A_866 = %broadcast_in_dim3A_69, %parallel_loop3A_867 = %broadcast_in_dim3A_71, %parallel_loop3A_868 = %broadcast_in_dim3A_73, %parallel_loop3A_869 = %broadcast_in_dim3A_75, %parallel_loop3A_870 = %broadcast_in_dim3A_77, %parallel_loop3A_871 = %broadcast_in_dim3A_79, %parallel_loop3A_872 = %broadcast_in_dim3A_81, %parallel_loop3A_873 = %broadcast_in_dim3A_83, %parallel_loop3A_874 = %broadcast_in_dim3A_85, %parallel_loop3A_875 = %broadcast_in_dim3A_87, %parallel_loop3A_876 = %broadcast_in_dim3A_89) -> (vector<16xf32>, vector<16xi32>, vector<16xf32>, vector<16xi32>, vector<16xf32>, vector<16xi32>, vector<16xf32>, vector<16xi32>, vector<16xf32>, vector<16xi32>, vector<16xf32>, vector<16xi32>, vector<16xf32>, vector<16xi32>, vector<16xf32>, vector<16xi32>, vector<16xf32>, vector<16xi32>, vector<16xf32>, vector<16xi32>, vector<16xf32>, vector<16xi32>, vector<16xf32>, vector<16xi32>, vector<16xf32>, vector<16xi32>, vector<16xf32>, vector<16xi32>, vector<16xf32>, vector<16xi32>, vector<16xf32>, vector<16xi32>)  : i32 {
      %parallel_loop3A_877 = arith.constant 256 : i32
      %parallel_loop3A_878 = arith.muli %parallel_loop3A_844, %parallel_loop3A_877 : i32
      %parallel_loop3A_879 = vector.broadcast %parallel_loop3A_844 : i32 to vector<16xi32>
      %parallel_loop3A_880 = arith.constant 0 : i32
      %parallel_loop3A_881 = arith.addi %parallel_loop3A_878, %parallel_loop3A_880 : i32
      %parallel_loop3A_882 = arith.index_cast %parallel_loop3A_881 : i32 to index
      %parallel_loop3A_883 = tpu.vector_load %arg4[%parallel_loop3A_882] {strides = array<i32>} : memref<32768xf32, #tpu.memory_space<vmem>>, vector<16xf32>,
      %parallel_loop3A_884 = vector.shape_cast %parallel_loop3A_883 : vector<16xf32> to vector<16xf32>
      %parallel_loop3A_885 = arith.cmpf ogt, %parallel_loop3A_884, %parallel_loop3A_845 : vector<16xf32>
      %parallel_loop3A_886 = arith.select %parallel_loop3A_885, %parallel_loop3A_884, %parallel_loop3A_845 : vector<16xi1>, vector<16xf32>
      %parallel_loop3A_887 = arith.select %parallel_loop3A_885, %parallel_loop3A_879, %parallel_loop3A_846 : vector<16xi1>, vector<16xi32>
      %parallel_loop3A_888 = arith.constant 16 : i32
      %parallel_loop3A_889 = arith.addi %parallel_loop3A_878, %parallel_loop3A_888 : i32
      %parallel_loop3A_890 = arith.index_cast %parallel_loop3A_889 : i32 to index
      %parallel_loop3A_891 = tpu.vector_load %arg4[%parallel_loop3A_890] {strides = array<i32>} : memref<32768xf32, #tpu.memory_space<vmem>>, vector<16xf32>,
      %parallel_loop3A_892 = vector.shape_cast %parallel_loop3A_891 : vector<16xf32> to vector<16xf32>
      %parallel_loop3A_893 = arith.cmpf ogt, %parallel_loop3A_892, %parallel_loop3A_847 : vector<16xf32>
      %parallel_loop3A_894 = arith.select %parallel_loop3A_893, %parallel_loop3A_892, %parallel_loop3A_847 : vector<16xi1>, vector<16xf32>
      %parallel_loop3A_895 = arith.select %parallel_loop3A_893, %parallel_loop3A_879, %parallel_loop3A_848 : vector<16xi1>, vector<16xi32>
      %parallel_loop3A_896 = arith.constant 32 : i32
      %parallel_loop3A_897 = arith.addi %parallel_loop3A_878, %parallel_loop3A_896 : i32
      %parallel_loop3A_898 = arith.index_cast %parallel_loop3A_897 : i32 to index
      %parallel_loop3A_899 = tpu.vector_load %arg4[%parallel_loop3A_898] {strides = array<i32>} : memref<32768xf32, #tpu.memory_space<vmem>>, vector<16xf32>,
      %parallel_loop3A_900 = vector.shape_cast %parallel_loop3A_899 : vector<16xf32> to vector<16xf32>
      %parallel_loop3A_901 = arith.cmpf ogt, %parallel_loop3A_900, %parallel_loop3A_849 : vector<16xf32>
      %parallel_loop3A_902 = arith.select %parallel_loop3A_901, %parallel_loop3A_900, %parallel_loop3A_849 : vector<16xi1>, vector<16xf32>
      %parallel_loop3A_903 = arith.select %parallel_loop3A_901, %parallel_loop3A_879, %parallel_loop3A_850 : vector<16xi1>, vector<16xi32>
      %parallel_loop3A_904 = arith.constant 48 : i32
      %parallel_loop3A_905 = arith.addi %parallel_loop3A_878, %parallel_loop3A_904 : i32
      %parallel_loop3A_906 = arith.index_cast %parallel_loop3A_905 : i32 to index
      %parallel_loop3A_907 = tpu.vector_load %arg4[%parallel_loop3A_906] {strides = array<i32>} : memref<32768xf32, #tpu.memory_space<vmem>>, vector<16xf32>,
      %parallel_loop3A_908 = vector.shape_cast %parallel_loop3A_907 : vector<16xf32> to vector<16xf32>
      %parallel_loop3A_909 = arith.cmpf ogt, %parallel_loop3A_908, %parallel_loop3A_851 : vector<16xf32>
      %parallel_loop3A_910 = arith.select %parallel_loop3A_909, %parallel_loop3A_908, %parallel_loop3A_851 : vector<16xi1>, vector<16xf32>
      %parallel_loop3A_911 = arith.select %parallel_loop3A_909, %parallel_loop3A_879, %parallel_loop3A_852 : vector<16xi1>, vector<16xi32>
      %parallel_loop3A_912 = arith.constant 64 : i32
      %parallel_loop3A_913 = arith.addi %parallel_loop3A_878, %parallel_loop3A_912 : i32
      %parallel_loop3A_914 = arith.index_cast %parallel_loop3A_913 : i32 to index
      %parallel_loop3A_915 = tpu.vector_load %arg4[%parallel_loop3A_914] {strides = array<i32>} : memref<32768xf32, #tpu.memory_space<vmem>>, vector<16xf32>,
      %parallel_loop3A_916 = vector.shape_cast %parallel_loop3A_915 : vector<16xf32> to vector<16xf32>
      %parallel_loop3A_917 = arith.cmpf ogt, %parallel_loop3A_916, %parallel_loop3A_853 : vector<16xf32>
      %parallel_loop3A_918 = arith.select %parallel_loop3A_917, %parallel_loop3A_916, %parallel_loop3A_853 : vector<16xi1>, vector<16xf32>
      %parallel_loop3A_919 = arith.select %parallel_loop3A_917, %parallel_loop3A_879, %parallel_loop3A_854 : vector<16xi1>, vector<16xi32>
      %parallel_loop3A_920 = arith.constant 80 : i32
      %parallel_loop3A_921 = arith.addi %parallel_loop3A_878, %parallel_loop3A_920 : i32
      %parallel_loop3A_922 = arith.index_cast %parallel_loop3A_921 : i32 to index
      %parallel_loop3A_923 = tpu.vector_load %arg4[%parallel_loop3A_922] {strides = array<i32>} : memref<32768xf32, #tpu.memory_space<vmem>>, vector<16xf32>,
      %parallel_loop3A_924 = vector.shape_cast %parallel_loop3A_923 : vector<16xf32> to vector<16xf32>
      %parallel_loop3A_925 = arith.cmpf ogt, %parallel_loop3A_924, %parallel_loop3A_855 : vector<16xf32>
      %parallel_loop3A_926 = arith.select %parallel_loop3A_925, %parallel_loop3A_924, %parallel_loop3A_855 : vector<16xi1>, vector<16xf32>
      %parallel_loop3A_927 = arith.select %parallel_loop3A_925, %parallel_loop3A_879, %parallel_loop3A_856 : vector<16xi1>, vector<16xi32>
      %parallel_loop3A_928 = arith.constant 96 : i32
      %parallel_loop3A_929 = arith.addi %parallel_loop3A_878, %parallel_loop3A_928 : i32
      %parallel_loop3A_930 = arith.index_cast %parallel_loop3A_929 : i32 to index
      %parallel_loop3A_931 = tpu.vector_load %arg4[%parallel_loop3A_930] {strides = array<i32>} : memref<32768xf32, #tpu.memory_space<vmem>>, vector<16xf32>,
      %parallel_loop3A_932 = vector.shape_cast %parallel_loop3A_931 : vector<16xf32> to vector<16xf32>
      %parallel_loop3A_933 = arith.cmpf ogt, %parallel_loop3A_932, %parallel_loop3A_857 : vector<16xf32>
      %parallel_loop3A_934 = arith.select %parallel_loop3A_933, %parallel_loop3A_932, %parallel_loop3A_857 : vector<16xi1>, vector<16xf32>
      %parallel_loop3A_935 = arith.select %parallel_loop3A_933, %parallel_loop3A_879, %parallel_loop3A_858 : vector<16xi1>, vector<16xi32>
      %parallel_loop3A_936 = arith.constant 112 : i32
      %parallel_loop3A_937 = arith.addi %parallel_loop3A_878, %parallel_loop3A_936 : i32
      %parallel_loop3A_938 = arith.index_cast %parallel_loop3A_937 : i32 to index
      %parallel_loop3A_939 = tpu.vector_load %arg4[%parallel_loop3A_938] {strides = array<i32>} : memref<32768xf32, #tpu.memory_space<vmem>>, vector<16xf32>,
      %parallel_loop3A_940 = vector.shape_cast %parallel_loop3A_939 : vector<16xf32> to vector<16xf32>
      %parallel_loop3A_941 = arith.cmpf ogt, %parallel_loop3A_940, %parallel_loop3A_859 : vector<16xf32>
      %parallel_loop3A_942 = arith.select %parallel_loop3A_941, %parallel_loop3A_940, %parallel_loop3A_859 : vector<16xi1>, vector<16xf32>
      %parallel_loop3A_943 = arith.select %parallel_loop3A_941, %parallel_loop3A_879, %parallel_loop3A_860 : vector<16xi1>, vector<16xi32>
      %parallel_loop3A_944 = arith.constant 128 : i32
      %parallel_loop3A_945 = arith.addi %parallel_loop3A_878, %parallel_loop3A_944 : i32
      %parallel_loop3A_946 = arith.index_cast %parallel_loop3A_945 : i32 to index
      %parallel_loop3A_947 = tpu.vector_load %arg4[%parallel_loop3A_946] {strides = array<i32>} : memref<32768xf32, #tpu.memory_space<vmem>>, vector<16xf32>,
      %parallel_loop3A_948 = vector.shape_cast %parallel_loop3A_947 : vector<16xf32> to vector<16xf32>
      %parallel_loop3A_949 = arith.cmpf ogt, %parallel_loop3A_948, %parallel_loop3A_861 : vector<16xf32>
      %parallel_loop3A_950 = arith.select %parallel_loop3A_949, %parallel_loop3A_948, %parallel_loop3A_861 : vector<16xi1>, vector<16xf32>
      %parallel_loop3A_951 = arith.select %parallel_loop3A_949, %parallel_loop3A_879, %parallel_loop3A_862 : vector<16xi1>, vector<16xi32>
      %parallel_loop3A_952 = arith.constant 144 : i32
      %parallel_loop3A_953 = arith.addi %parallel_loop3A_878, %parallel_loop3A_952 : i32
      %parallel_loop3A_954 = arith.index_cast %parallel_loop3A_953 : i32 to index
      %parallel_loop3A_955 = tpu.vector_load %arg4[%parallel_loop3A_954] {strides = array<i32>} : memref<32768xf32, #tpu.memory_space<vmem>>, vector<16xf32>,
      %parallel_loop3A_956 = vector.shape_cast %parallel_loop3A_955 : vector<16xf32> to vector<16xf32>
      %parallel_loop3A_957 = arith.cmpf ogt, %parallel_loop3A_956, %parallel_loop3A_863 : vector<16xf32>
      %parallel_loop3A_958 = arith.select %parallel_loop3A_957, %parallel_loop3A_956, %parallel_loop3A_863 : vector<16xi1>, vector<16xf32>
      %parallel_loop3A_959 = arith.select %parallel_loop3A_957, %parallel_loop3A_879, %parallel_loop3A_864 : vector<16xi1>, vector<16xi32>
      %parallel_loop3A_960 = arith.constant 160 : i32
      %parallel_loop3A_961 = arith.addi %parallel_loop3A_878, %parallel_loop3A_960 : i32
      %parallel_loop3A_962 = arith.index_cast %parallel_loop3A_961 : i32 to index
      %parallel_loop3A_963 = tpu.vector_load %arg4[%parallel_loop3A_962] {strides = array<i32>} : memref<32768xf32, #tpu.memory_space<vmem>>, vector<16xf32>,
      %parallel_loop3A_964 = vector.shape_cast %parallel_loop3A_963 : vector<16xf32> to vector<16xf32>
      %parallel_loop3A_965 = arith.cmpf ogt, %parallel_loop3A_964, %parallel_loop3A_865 : vector<16xf32>
      %parallel_loop3A_966 = arith.select %parallel_loop3A_965, %parallel_loop3A_964, %parallel_loop3A_865 : vector<16xi1>, vector<16xf32>
      %parallel_loop3A_967 = arith.select %parallel_loop3A_965, %parallel_loop3A_879, %parallel_loop3A_866 : vector<16xi1>, vector<16xi32>
      %parallel_loop3A_968 = arith.constant 176 : i32
      %parallel_loop3A_969 = arith.addi %parallel_loop3A_878, %parallel_loop3A_968 : i32
      %parallel_loop3A_970 = arith.index_cast %parallel_loop3A_969 : i32 to index
      %parallel_loop3A_971 = tpu.vector_load %arg4[%parallel_loop3A_970] {strides = array<i32>} : memref<32768xf32, #tpu.memory_space<vmem>>, vector<16xf32>,
      %parallel_loop3A_972 = vector.shape_cast %parallel_loop3A_971 : vector<16xf32> to vector<16xf32>
      %parallel_loop3A_973 = arith.cmpf ogt, %parallel_loop3A_972, %parallel_loop3A_867 : vector<16xf32>
      %parallel_loop3A_974 = arith.select %parallel_loop3A_973, %parallel_loop3A_972, %parallel_loop3A_867 : vector<16xi1>, vector<16xf32>
      %parallel_loop3A_975 = arith.select %parallel_loop3A_973, %parallel_loop3A_879, %parallel_loop3A_868 : vector<16xi1>, vector<16xi32>
      %parallel_loop3A_976 = arith.constant 192 : i32
      %parallel_loop3A_977 = arith.addi %parallel_loop3A_878, %parallel_loop3A_976 : i32
      %parallel_loop3A_978 = arith.index_cast %parallel_loop3A_977 : i32 to index
      %parallel_loop3A_979 = tpu.vector_load %arg4[%parallel_loop3A_978] {strides = array<i32>} : memref<32768xf32, #tpu.memory_space<vmem>>, vector<16xf32>,
      %parallel_loop3A_980 = vector.shape_cast %parallel_loop3A_979 : vector<16xf32> to vector<16xf32>
      %parallel_loop3A_981 = arith.cmpf ogt, %parallel_loop3A_980, %parallel_loop3A_869 : vector<16xf32>
      %parallel_loop3A_982 = arith.select %parallel_loop3A_981, %parallel_loop3A_980, %parallel_loop3A_869 : vector<16xi1>, vector<16xf32>
      %parallel_loop3A_983 = arith.select %parallel_loop3A_981, %parallel_loop3A_879, %parallel_loop3A_870 : vector<16xi1>, vector<16xi32>
      %parallel_loop3A_984 = arith.constant 208 : i32
      %parallel_loop3A_985 = arith.addi %parallel_loop3A_878, %parallel_loop3A_984 : i32
      %parallel_loop3A_986 = arith.index_cast %parallel_loop3A_985 : i32 to index
      %parallel_loop3A_987 = tpu.vector_load %arg4[%parallel_loop3A_986] {strides = array<i32>} : memref<32768xf32, #tpu.memory_space<vmem>>, vector<16xf32>,
      %parallel_loop3A_988 = vector.shape_cast %parallel_loop3A_987 : vector<16xf32> to vector<16xf32>
      %parallel_loop3A_989 = arith.cmpf ogt, %parallel_loop3A_988, %parallel_loop3A_871 : vector<16xf32>
      %parallel_loop3A_990 = arith.select %parallel_loop3A_989, %parallel_loop3A_988, %parallel_loop3A_871 : vector<16xi1>, vector<16xf32>
      %parallel_loop3A_991 = arith.select %parallel_loop3A_989, %parallel_loop3A_879, %parallel_loop3A_872 : vector<16xi1>, vector<16xi32>
      %parallel_loop3A_992 = arith.constant 224 : i32
      %parallel_loop3A_993 = arith.addi %parallel_loop3A_878, %parallel_loop3A_992 : i32
      %parallel_loop3A_994 = arith.index_cast %parallel_loop3A_993 : i32 to index
      %parallel_loop3A_995 = tpu.vector_load %arg4[%parallel_loop3A_994] {strides = array<i32>} : memref<32768xf32, #tpu.memory_space<vmem>>, vector<16xf32>,
      %parallel_loop3A_996 = vector.shape_cast %parallel_loop3A_995 : vector<16xf32> to vector<16xf32>
      %parallel_loop3A_997 = arith.cmpf ogt, %parallel_loop3A_996, %parallel_loop3A_873 : vector<16xf32>
      %parallel_loop3A_998 = arith.select %parallel_loop3A_997, %parallel_loop3A_996, %parallel_loop3A_873 : vector<16xi1>, vector<16xf32>
      %parallel_loop3A_999 = arith.select %parallel_loop3A_997, %parallel_loop3A_879, %parallel_loop3A_874 : vector<16xi1>, vector<16xi32>
      %parallel_loop3A_1000 = arith.constant 240 : i32
      %parallel_loop3A_1001 = arith.addi %parallel_loop3A_878, %parallel_loop3A_1000 : i32
      %parallel_loop3A_1002 = arith.index_cast %parallel_loop3A_1001 : i32 to index
      %parallel_loop3A_1003 = tpu.vector_load %arg4[%parallel_loop3A_1002] {strides = array<i32>} : memref<32768xf32, #tpu.memory_space<vmem>>, vector<16xf32>,
      %parallel_loop3A_1004 = vector.shape_cast %parallel_loop3A_1003 : vector<16xf32> to vector<16xf32>
      %parallel_loop3A_1005 = arith.cmpf ogt, %parallel_loop3A_1004, %parallel_loop3A_875 : vector<16xf32>
      %parallel_loop3A_1006 = arith.select %parallel_loop3A_1005, %parallel_loop3A_1004, %parallel_loop3A_875 : vector<16xi1>, vector<16xf32>
      %parallel_loop3A_1007 = arith.select %parallel_loop3A_1005, %parallel_loop3A_879, %parallel_loop3A_876 : vector<16xi1>, vector<16xi32>
      scf.yield %parallel_loop3A_886, %parallel_loop3A_887, %parallel_loop3A_894, %parallel_loop3A_895, %parallel_loop3A_902, %parallel_loop3A_903, %parallel_loop3A_910, %parallel_loop3A_911, %parallel_loop3A_918, %parallel_loop3A_919, %parallel_loop3A_926, %parallel_loop3A_927, %parallel_loop3A_934, %parallel_loop3A_935, %parallel_loop3A_942, %parallel_loop3A_943, %parallel_loop3A_950, %parallel_loop3A_951, %parallel_loop3A_958, %parallel_loop3A_959, %parallel_loop3A_966, %parallel_loop3A_967, %parallel_loop3A_974, %parallel_loop3A_975, %parallel_loop3A_982, %parallel_loop3A_983, %parallel_loop3A_990, %parallel_loop3A_991, %parallel_loop3A_998, %parallel_loop3A_999, %parallel_loop3A_1006, %parallel_loop3A_1007 : vector<16xf32>, vector<16xi32>, vector<16xf32>, vector<16xi32>, vector<16xf32>, vector<16xi32>, vector<16xf32>, vector<16xi32>, vector<16xf32>, vector<16xi32>, vector<16xf32>, vector<16xi32>, vector<16xf32>, vector<16xi32>, vector<16xf32>, vector<16xi32>, vector<16xf32>, vector<16xi32>, vector<16xf32>, vector<16xi32>, vector<16xf32>, vector<16xi32>, vector<16xf32>, vector<16xi32>, vector<16xf32>, vector<16xi32>, vector<16xf32>, vector<16xi32>, vector<16xf32>, vector<16xi32>, vector<16xf32>, vector<16xi32>
    } {sc.loop_unroll_factor = 2 : i64, sc.parallel_access}
    %mul3A_93 = arith.constant 256 : i32
    %mul3A_94 = vector.broadcast %mul3A_93 : i32 to vector<16xi32>
    %mul3A_95 = arith.muli %parallel_loop3A_92#1, %mul3A_94 : vector<16xi32>
    %add3A_96 = arith.constant 0 : i32
    %add3A_97 = vector.broadcast %add3A_96 : i32 to vector<16xi32>
    %add3A_98 = arith.addi %mul3A_95, %add3A_97 : vector<16xi32>
    %add3A_99 = arith.addi %add3A_98, %iota3A : vector<16xi32>
    %mul3A_100 = arith.constant 256 : i32
    %mul3A_101 = vector.broadcast %mul3A_100 : i32 to vector<16xi32>
    %mul3A_102 = arith.muli %parallel_loop3A_92#3, %mul3A_101 : vector<16xi32>
    %add3A_103 = arith.constant 16 : i32
    %add3A_104 = vector.broadcast %add3A_103 : i32 to vector<16xi32>
    %add3A_105 = arith.addi %mul3A_102, %add3A_104 : vector<16xi32>
    %add3A_106 = arith.addi %add3A_105, %iota3A : vector<16xi32>
    %mul3A_107 = arith.constant 256 : i32
    %mul3A_108 = vector.broadcast %mul3A_107 : i32 to vector<16xi32>
    %mul3A_109 = arith.muli %parallel_loop3A_92#5, %mul3A_108 : vector<16xi32>
    %add3A_110 = arith.constant 32 : i32
    %add3A_111 = vector.broadcast %add3A_110 : i32 to vector<16xi32>
    %add3A_112 = arith.addi %mul3A_109, %add3A_111 : vector<16xi32>
    %add3A_113 = arith.addi %add3A_112, %iota3A : vector<16xi32>
    %mul3A_114 = arith.constant 256 : i32
    %mul3A_115 = vector.broadcast %mul3A_114 : i32 to vector<16xi32>
    %mul3A_116 = arith.muli %parallel_loop3A_92#7, %mul3A_115 : vector<16xi32>
    %add3A_117 = arith.constant 48 : i32
    %add3A_118 = vector.broadcast %add3A_117 : i32 to vector<16xi32>
    %add3A_119 = arith.addi %mul3A_116, %add3A_118 : vector<16xi32>
    %add3A_120 = arith.addi %add3A_119, %iota3A : vector<16xi32>
    %mul3A_121 = arith.constant 256 : i32
    %mul3A_122 = vector.broadcast %mul3A_121 : i32 to vector<16xi32>
    %mul3A_123 = arith.muli %parallel_loop3A_92#9, %mul3A_122 : vector<16xi32>
    %add3A_124 = arith.constant 64 : i32
    %add3A_125 = vector.broadcast %add3A_124 : i32 to vector<16xi32>
    %add3A_126 = arith.addi %mul3A_123, %add3A_125 : vector<16xi32>
    %add3A_127 = arith.addi %add3A_126, %iota3A : vector<16xi32>
    %mul3A_128 = arith.constant 256 : i32
    %mul3A_129 = vector.broadcast %mul3A_128 : i32 to vector<16xi32>
    %mul3A_130 = arith.muli %parallel_loop3A_92#11, %mul3A_129 : vector<16xi32>
    %add3A_131 = arith.constant 80 : i32
    %add3A_132 = vector.broadcast %add3A_131 : i32 to vector<16xi32>
    %add3A_133 = arith.addi %mul3A_130, %add3A_132 : vector<16xi32>
    %add3A_134 = arith.addi %add3A_133, %iota3A : vector<16xi32>
    %mul3A_135 = arith.constant 256 : i32
    %mul3A_136 = vector.broadcast %mul3A_135 : i32 to vector<16xi32>
    %mul3A_137 = arith.muli %parallel_loop3A_92#13, %mul3A_136 : vector<16xi32>
    %add3A_138 = arith.constant 96 : i32
    %add3A_139 = vector.broadcast %add3A_138 : i32 to vector<16xi32>
    %add3A_140 = arith.addi %mul3A_137, %add3A_139 : vector<16xi32>
    %add3A_141 = arith.addi %add3A_140, %iota3A : vector<16xi32>
    %mul3A_142 = arith.constant 256 : i32
    %mul3A_143 = vector.broadcast %mul3A_142 : i32 to vector<16xi32>
    %mul3A_144 = arith.muli %parallel_loop3A_92#15, %mul3A_143 : vector<16xi32>
    %add3A_145 = arith.constant 112 : i32
    %add3A_146 = vector.broadcast %add3A_145 : i32 to vector<16xi32>
    %add3A_147 = arith.addi %mul3A_144, %add3A_146 : vector<16xi32>
    %add3A_148 = arith.addi %add3A_147, %iota3A : vector<16xi32>
    %mul3A_149 = arith.constant 256 : i32
    %mul3A_150 = vector.broadcast %mul3A_149 : i32 to vector<16xi32>
    %mul3A_151 = arith.muli %parallel_loop3A_92#17, %mul3A_150 : vector<16xi32>
    %add3A_152 = arith.constant 128 : i32
    %add3A_153 = vector.broadcast %add3A_152 : i32 to vector<16xi32>
    %add3A_154 = arith.addi %mul3A_151, %add3A_153 : vector<16xi32>
    %add3A_155 = arith.addi %add3A_154, %iota3A : vector<16xi32>
    %mul3A_156 = arith.constant 256 : i32
    %mul3A_157 = vector.broadcast %mul3A_156 : i32 to vector<16xi32>
    %mul3A_158 = arith.muli %parallel_loop3A_92#19, %mul3A_157 : vector<16xi32>
    %add3A_159 = arith.constant 144 : i32
    %add3A_160 = vector.broadcast %add3A_159 : i32 to vector<16xi32>
    %add3A_161 = arith.addi %mul3A_158, %add3A_160 : vector<16xi32>
    %add3A_162 = arith.addi %add3A_161, %iota3A : vector<16xi32>
    %mul3A_163 = arith.constant 256 : i32
    %mul3A_164 = vector.broadcast %mul3A_163 : i32 to vector<16xi32>
    %mul3A_165 = arith.muli %parallel_loop3A_92#21, %mul3A_164 : vector<16xi32>
    %add3A_166 = arith.constant 160 : i32
    %add3A_167 = vector.broadcast %add3A_166 : i32 to vector<16xi32>
    %add3A_168 = arith.addi %mul3A_165, %add3A_167 : vector<16xi32>
    %add3A_169 = arith.addi %add3A_168, %iota3A : vector<16xi32>
    %mul3A_170 = arith.constant 256 : i32
    %mul3A_171 = vector.broadcast %mul3A_170 : i32 to vector<16xi32>
    %mul3A_172 = arith.muli %parallel_loop3A_92#23, %mul3A_171 : vector<16xi32>
    %add3A_173 = arith.constant 176 : i32
    %add3A_174 = vector.broadcast %add3A_173 : i32 to vector<16xi32>
    %add3A_175 = arith.addi %mul3A_172, %add3A_174 : vector<16xi32>
    %add3A_176 = arith.addi %add3A_175, %iota3A : vector<16xi32>
    %mul3A_177 = arith.constant 256 : i32
    %mul3A_178 = vector.broadcast %mul3A_177 : i32 to vector<16xi32>
    %mul3A_179 = arith.muli %parallel_loop3A_92#25, %mul3A_178 : vector<16xi32>
    %add3A_180 = arith.constant 192 : i32
    %add3A_181 = vector.broadcast %add3A_180 : i32 to vector<16xi32>
    %add3A_182 = arith.addi %mul3A_179, %add3A_181 : vector<16xi32>
    %add3A_183 = arith.addi %add3A_182, %iota3A : vector<16xi32>
    %mul3A_184 = arith.constant 256 : i32
    %mul3A_185 = vector.broadcast %mul3A_184 : i32 to vector<16xi32>
    %mul3A_186 = arith.muli %parallel_loop3A_92#27, %mul3A_185 : vector<16xi32>
    %add3A_187 = arith.constant 208 : i32
    %add3A_188 = vector.broadcast %add3A_187 : i32 to vector<16xi32>
    %add3A_189 = arith.addi %mul3A_186, %add3A_188 : vector<16xi32>
    %add3A_190 = arith.addi %add3A_189, %iota3A : vector<16xi32>
    %mul3A_191 = arith.constant 256 : i32
    %mul3A_192 = vector.broadcast %mul3A_191 : i32 to vector<16xi32>
    %mul3A_193 = arith.muli %parallel_loop3A_92#29, %mul3A_192 : vector<16xi32>
    %add3A_194 = arith.constant 224 : i32
    %add3A_195 = vector.broadcast %add3A_194 : i32 to vector<16xi32>
    %add3A_196 = arith.addi %mul3A_193, %add3A_195 : vector<16xi32>
    %add3A_197 = arith.addi %add3A_196, %iota3A : vector<16xi32>
    %mul3A_198 = arith.constant 256 : i32
    %mul3A_199 = vector.broadcast %mul3A_198 : i32 to vector<16xi32>
    %mul3A_200 = arith.muli %parallel_loop3A_92#31, %mul3A_199 : vector<16xi32>
    %add3A_201 = arith.constant 240 : i32
    %add3A_202 = vector.broadcast %add3A_201 : i32 to vector<16xi32>
    %add3A_203 = arith.addi %mul3A_200, %add3A_202 : vector<16xi32>
    %add3A_204 = arith.addi %add3A_203, %iota3A : vector<16xi32>
    %gt3A = arith.cmpf ogt, %parallel_loop3A_92#2, %parallel_loop3A_92#0 : vector<16xf32>
    %eq3A = arith.cmpf oeq, %parallel_loop3A_92#2, %parallel_loop3A_92#0 : vector<16xf32>
    %lt3A = arith.cmpi slt, %add3A_106, %add3A_99 : vector<16xi32>
    %and3A = arith.andi %eq3A, %lt3A : vector<16xi1>
    %or3A = arith.ori %gt3A, %and3A : vector<16xi1>
    %select_n3A = arith.select %or3A, %parallel_loop3A_92#2, %parallel_loop3A_92#0 : vector<16xi1>, vector<16xf32>
    %select_n3A_205 = arith.select %or3A, %add3A_106, %add3A_99 : vector<16xi1>, vector<16xi32>
    %gt3A_206 = arith.cmpf ogt, %parallel_loop3A_92#6, %parallel_loop3A_92#4 : vector<16xf32>
    %eq3A_207 = arith.cmpf oeq, %parallel_loop3A_92#6, %parallel_loop3A_92#4 : vector<16xf32>
    %lt3A_208 = arith.cmpi slt, %add3A_120, %add3A_113 : vector<16xi32>
    %and3A_209 = arith.andi %eq3A_207, %lt3A_208 : vector<16xi1>
    %or3A_210 = arith.ori %gt3A_206, %and3A_209 : vector<16xi1>
    %select_n3A_211 = arith.select %or3A_210, %parallel_loop3A_92#6, %parallel_loop3A_92#4 : vector<16xi1>, vector<16xf32>
    %select_n3A_212 = arith.select %or3A_210, %add3A_120, %add3A_113 : vector<16xi1>, vector<16xi32>
    %gt3A_213 = arith.cmpf ogt, %parallel_loop3A_92#10, %parallel_loop3A_92#8 : vector<16xf32>
    %eq3A_214 = arith.cmpf oeq, %parallel_loop3A_92#10, %parallel_loop3A_92#8 : vector<16xf32>
    %lt3A_215 = arith.cmpi slt, %add3A_134, %add3A_127 : vector<16xi32>
    %and3A_216 = arith.andi %eq3A_214, %lt3A_215 : vector<16xi1>
    %or3A_217 = arith.ori %gt3A_213, %and3A_216 : vector<16xi1>
    %select_n3A_218 = arith.select %or3A_217, %parallel_loop3A_92#10, %parallel_loop3A_92#8 : vector<16xi1>, vector<16xf32>
    %select_n3A_219 = arith.select %or3A_217, %add3A_134, %add3A_127 : vector<16xi1>, vector<16xi32>
    %gt3A_220 = arith.cmpf ogt, %parallel_loop3A_92#14, %parallel_loop3A_92#12 : vector<16xf32>
    %eq3A_221 = arith.cmpf oeq, %parallel_loop3A_92#14, %parallel_loop3A_92#12 : vector<16xf32>
    %lt3A_222 = arith.cmpi slt, %add3A_148, %add3A_141 : vector<16xi32>
    %and3A_223 = arith.andi %eq3A_221, %lt3A_222 : vector<16xi1>
    %or3A_224 = arith.ori %gt3A_220, %and3A_223 : vector<16xi1>
    %select_n3A_225 = arith.select %or3A_224, %parallel_loop3A_92#14, %parallel_loop3A_92#12 : vector<16xi1>, vector<16xf32>
    %select_n3A_226 = arith.select %or3A_224, %add3A_148, %add3A_141 : vector<16xi1>, vector<16xi32>
    %gt3A_227 = arith.cmpf ogt, %parallel_loop3A_92#18, %parallel_loop3A_92#16 : vector<16xf32>
    %eq3A_228 = arith.cmpf oeq, %parallel_loop3A_92#18, %parallel_loop3A_92#16 : vector<16xf32>
    %lt3A_229 = arith.cmpi slt, %add3A_162, %add3A_155 : vector<16xi32>
    %and3A_230 = arith.andi %eq3A_228, %lt3A_229 : vector<16xi1>
    %or3A_231 = arith.ori %gt3A_227, %and3A_230 : vector<16xi1>
    %select_n3A_232 = arith.select %or3A_231, %parallel_loop3A_92#18, %parallel_loop3A_92#16 : vector<16xi1>, vector<16xf32>
    %select_n3A_233 = arith.select %or3A_231, %add3A_162, %add3A_155 : vector<16xi1>, vector<16xi32>
    %gt3A_234 = arith.cmpf ogt, %parallel_loop3A_92#22, %parallel_loop3A_92#20 : vector<16xf32>
    %eq3A_235 = arith.cmpf oeq, %parallel_loop3A_92#22, %parallel_loop3A_92#20 : vector<16xf32>
    %lt3A_236 = arith.cmpi slt, %add3A_176, %add3A_169 : vector<16xi32>
    %and3A_237 = arith.andi %eq3A_235, %lt3A_236 : vector<16xi1>
    %or3A_238 = arith.ori %gt3A_234, %and3A_237 : vector<16xi1>
    %select_n3A_239 = arith.select %or3A_238, %parallel_loop3A_92#22, %parallel_loop3A_92#20 : vector<16xi1>, vector<16xf32>
    %select_n3A_240 = arith.select %or3A_238, %add3A_176, %add3A_169 : vector<16xi1>, vector<16xi32>
    %gt3A_241 = arith.cmpf ogt, %parallel_loop3A_92#26, %parallel_loop3A_92#24 : vector<16xf32>
    %eq3A_242 = arith.cmpf oeq, %parallel_loop3A_92#26, %parallel_loop3A_92#24 : vector<16xf32>
    %lt3A_243 = arith.cmpi slt, %add3A_190, %add3A_183 : vector<16xi32>
    %and3A_244 = arith.andi %eq3A_242, %lt3A_243 : vector<16xi1>
    %or3A_245 = arith.ori %gt3A_241, %and3A_244 : vector<16xi1>
    %select_n3A_246 = arith.select %or3A_245, %parallel_loop3A_92#26, %parallel_loop3A_92#24 : vector<16xi1>, vector<16xf32>
    %select_n3A_247 = arith.select %or3A_245, %add3A_190, %add3A_183 : vector<16xi1>, vector<16xi32>
    %gt3A_248 = arith.cmpf ogt, %parallel_loop3A_92#30, %parallel_loop3A_92#28 : vector<16xf32>
    %eq3A_249 = arith.cmpf oeq, %parallel_loop3A_92#30, %parallel_loop3A_92#28 : vector<16xf32>
    %lt3A_250 = arith.cmpi slt, %add3A_204, %add3A_197 : vector<16xi32>
    %and3A_251 = arith.andi %eq3A_249, %lt3A_250 : vector<16xi1>
    %or3A_252 = arith.ori %gt3A_248, %and3A_251 : vector<16xi1>
    %select_n3A_253 = arith.select %or3A_252, %parallel_loop3A_92#30, %parallel_loop3A_92#28 : vector<16xi1>, vector<16xf32>
    %select_n3A_254 = arith.select %or3A_252, %add3A_204, %add3A_197 : vector<16xi1>, vector<16xi32>
    %gt3A_255 = arith.cmpf ogt, %select_n3A_211, %select_n3A : vector<16xf32>
    %eq3A_256 = arith.cmpf oeq, %select_n3A_211, %select_n3A : vector<16xf32>
    %lt3A_257 = arith.cmpi slt, %select_n3A_212, %select_n3A_205 : vector<16xi32>
    %and3A_258 = arith.andi %eq3A_256, %lt3A_257 : vector<16xi1>
    %or3A_259 = arith.ori %gt3A_255, %and3A_258 : vector<16xi1>
    %select_n3A_260 = arith.select %or3A_259, %select_n3A_211, %select_n3A : vector<16xi1>, vector<16xf32>
    %select_n3A_261 = arith.select %or3A_259, %select_n3A_212, %select_n3A_205 : vector<16xi1>, vector<16xi32>
    %gt3A_262 = arith.cmpf ogt, %select_n3A_225, %select_n3A_218 : vector<16xf32>
    %eq3A_263 = arith.cmpf oeq, %select_n3A_225, %select_n3A_218 : vector<16xf32>
    %lt3A_264 = arith.cmpi slt, %select_n3A_226, %select_n3A_219 : vector<16xi32>
    %and3A_265 = arith.andi %eq3A_263, %lt3A_264 : vector<16xi1>
    %or3A_266 = arith.ori %gt3A_262, %and3A_265 : vector<16xi1>
    %select_n3A_267 = arith.select %or3A_266, %select_n3A_225, %select_n3A_218 : vector<16xi1>, vector<16xf32>
    %select_n3A_268 = arith.select %or3A_266, %select_n3A_226, %select_n3A_219 : vector<16xi1>, vector<16xi32>
    %gt3A_269 = arith.cmpf ogt, %select_n3A_239, %select_n3A_232 : vector<16xf32>
    %eq3A_270 = arith.cmpf oeq, %select_n3A_239, %select_n3A_232 : vector<16xf32>
    %lt3A_271 = arith.cmpi slt, %select_n3A_240, %select_n3A_233 : vector<16xi32>
    %and3A_272 = arith.andi %eq3A_270, %lt3A_271 : vector<16xi1>
    %or3A_273 = arith.ori %gt3A_269, %and3A_272 : vector<16xi1>
    %select_n3A_274 = arith.select %or3A_273, %select_n3A_239, %select_n3A_232 : vector<16xi1>, vector<16xf32>
    %select_n3A_275 = arith.select %or3A_273, %select_n3A_240, %select_n3A_233 : vector<16xi1>, vector<16xi32>
    %gt3A_276 = arith.cmpf ogt, %select_n3A_253, %select_n3A_246 : vector<16xf32>
    %eq3A_277 = arith.cmpf oeq, %select_n3A_253, %select_n3A_246 : vector<16xf32>
    %lt3A_278 = arith.cmpi slt, %select_n3A_254, %select_n3A_247 : vector<16xi32>
    %and3A_279 = arith.andi %eq3A_277, %lt3A_278 : vector<16xi1>
    %or3A_280 = arith.ori %gt3A_276, %and3A_279 : vector<16xi1>
    %select_n3A_281 = arith.select %or3A_280, %select_n3A_253, %select_n3A_246 : vector<16xi1>, vector<16xf32>
    %select_n3A_282 = arith.select %or3A_280, %select_n3A_254, %select_n3A_247 : vector<16xi1>, vector<16xi32>
    %gt3A_283 = arith.cmpf ogt, %select_n3A_267, %select_n3A_260 : vector<16xf32>
    %eq3A_284 = arith.cmpf oeq, %select_n3A_267, %select_n3A_260 : vector<16xf32>
    %lt3A_285 = arith.cmpi slt, %select_n3A_268, %select_n3A_261 : vector<16xi32>
    %and3A_286 = arith.andi %eq3A_284, %lt3A_285 : vector<16xi1>
    %or3A_287 = arith.ori %gt3A_283, %and3A_286 : vector<16xi1>
    %select_n3A_288 = arith.select %or3A_287, %select_n3A_267, %select_n3A_260 : vector<16xi1>, vector<16xf32>
    %select_n3A_289 = arith.select %or3A_287, %select_n3A_268, %select_n3A_261 : vector<16xi1>, vector<16xi32>
    %gt3A_290 = arith.cmpf ogt, %select_n3A_281, %select_n3A_274 : vector<16xf32>
    %eq3A_291 = arith.cmpf oeq, %select_n3A_281, %select_n3A_274 : vector<16xf32>
    %lt3A_292 = arith.cmpi slt, %select_n3A_282, %select_n3A_275 : vector<16xi32>
    %and3A_293 = arith.andi %eq3A_291, %lt3A_292 : vector<16xi1>
    %or3A_294 = arith.ori %gt3A_290, %and3A_293 : vector<16xi1>
    %select_n3A_295 = arith.select %or3A_294, %select_n3A_281, %select_n3A_274 : vector<16xi1>, vector<16xf32>
    %select_n3A_296 = arith.select %or3A_294, %select_n3A_282, %select_n3A_275 : vector<16xi1>, vector<16xi32>
    %gt3A_297 = arith.cmpf ogt, %select_n3A_295, %select_n3A_288 : vector<16xf32>
    %eq3A_298 = arith.cmpf oeq, %select_n3A_295, %select_n3A_288 : vector<16xf32>
    %lt3A_299 = arith.cmpi slt, %select_n3A_296, %select_n3A_289 : vector<16xi32>
    %and3A_300 = arith.andi %eq3A_298, %lt3A_299 : vector<16xi1>
    %or3A_301 = arith.ori %gt3A_297, %and3A_300 : vector<16xi1>
    %select_n3A_302 = arith.select %or3A_301, %select_n3A_295, %select_n3A_288 : vector<16xi1>, vector<16xf32>
    %select_n3A_303 = arith.select %or3A_301, %select_n3A_296, %select_n3A_289 : vector<16xi1>, vector<16xi32>
    %xor3A = arith.constant 8 : i32
    %xor3A_304 = vector.broadcast %xor3A : i32 to vector<16xi32>
    %xor3A_305 = arith.xori %iota3A, %xor3A_304 : vector<16xi32>
    %lt3A_306 = arith.constant 0 : i32
    %lt3A_307 = vector.broadcast %lt3A_306 : i32 to vector<16xi32>
    %lt3A_308 = arith.cmpi slt, %xor3A_305, %lt3A_307 : vector<16xi32>
    %add3A_309 = arith.constant 16 : i32
    %add3A_310 = vector.broadcast %add3A_309 : i32 to vector<16xi32>
    %add3A_311 = arith.addi %xor3A_305, %add3A_310 : vector<16xi32>
    %select_n3A_312 = arith.select %lt3A_308, %add3A_311, %xor3A_305 : vector<16xi1>, vector<16xi32>
    %broadcast_in_dim3A_313 = vector.shape_cast %select_n3A_312 : vector<16xi32> to vector<16x1xi32>
    %gather3A = vector.shape_cast %broadcast_in_dim3A_313 : vector<16x1xi32> to vector<16xi32>
    %gather3A_314 = tpu.dynamic_gather %select_n3A_302[%gather3A] in [0] : vector<16xf32>, vector<16xi32> -> vector<16xf32>
    %lt3A_315 = arith.constant 0 : i32
    %lt3A_316 = vector.broadcast %lt3A_315 : i32 to vector<16xi32>
    %lt3A_317 = arith.cmpi slt, %xor3A_305, %lt3A_316 : vector<16xi32>
    %add3A_318 = arith.constant 16 : i32
    %add3A_319 = vector.broadcast %add3A_318 : i32 to vector<16xi32>
    %add3A_320 = arith.addi %xor3A_305, %add3A_319 : vector<16xi32>
    %select_n3A_321 = arith.select %lt3A_317, %add3A_320, %xor3A_305 : vector<16xi1>, vector<16xi32>
    %broadcast_in_dim3A_322 = vector.shape_cast %select_n3A_321 : vector<16xi32> to vector<16x1xi32>
    %gather3A_323 = vector.shape_cast %broadcast_in_dim3A_322 : vector<16x1xi32> to vector<16xi32>
    %gather3A_324 = tpu.dynamic_gather %select_n3A_303[%gather3A_323] in [0] : vector<16xi32>, vector<16xi32> -> vector<16xi32>
    %gt3A_325 = arith.cmpf ogt, %gather3A_314, %select_n3A_302 : vector<16xf32>
    %eq3A_326 = arith.cmpf oeq, %gather3A_314, %select_n3A_302 : vector<16xf32>
    %lt3A_327 = arith.cmpi slt, %gather3A_324, %select_n3A_303 : vector<16xi32>
    %and3A_328 = arith.andi %eq3A_326, %lt3A_327 : vector<16xi1>
    %or3A_329 = arith.ori %gt3A_325, %and3A_328 : vector<16xi1>
    %select_n3A_330 = arith.select %or3A_329, %gather3A_314, %select_n3A_302 : vector<16xi1>, vector<16xf32>
    %select_n3A_331 = arith.select %or3A_329, %gather3A_324, %select_n3A_303 : vector<16xi1>, vector<16xi32>
    %xor3A_332 = arith.constant 4 : i32
    %xor3A_333 = vector.broadcast %xor3A_332 : i32 to vector<16xi32>
    %xor3A_334 = arith.xori %iota3A, %xor3A_333 : vector<16xi32>
    %lt3A_335 = arith.constant 0 : i32
    %lt3A_336 = vector.broadcast %lt3A_335 : i32 to vector<16xi32>
    %lt3A_337 = arith.cmpi slt, %xor3A_334, %lt3A_336 : vector<16xi32>
    %add3A_338 = arith.constant 16 : i32
    %add3A_339 = vector.broadcast %add3A_338 : i32 to vector<16xi32>
    %add3A_340 = arith.addi %xor3A_334, %add3A_339 : vector<16xi32>
    %select_n3A_341 = arith.select %lt3A_337, %add3A_340, %xor3A_334 : vector<16xi1>, vector<16xi32>
    %broadcast_in_dim3A_342 = vector.shape_cast %select_n3A_341 : vector<16xi32> to vector<16x1xi32>
    %gather3A_343 = vector.shape_cast %broadcast_in_dim3A_342 : vector<16x1xi32> to vector<16xi32>
    %gather3A_344 = tpu.dynamic_gather %select_n3A_330[%gather3A_343] in [0] : vector<16xf32>, vector<16xi32> -> vector<16xf32>
    %lt3A_345 = arith.constant 0 : i32
    %lt3A_346 = vector.broadcast %lt3A_345 : i32 to vector<16xi32>
    %lt3A_347 = arith.cmpi slt, %xor3A_334, %lt3A_346 : vector<16xi32>
    %add3A_348 = arith.constant 16 : i32
    %add3A_349 = vector.broadcast %add3A_348 : i32 to vector<16xi32>
    %add3A_350 = arith.addi %xor3A_334, %add3A_349 : vector<16xi32>
    %select_n3A_351 = arith.select %lt3A_347, %add3A_350, %xor3A_334 : vector<16xi1>, vector<16xi32>
    %broadcast_in_dim3A_352 = vector.shape_cast %select_n3A_351 : vector<16xi32> to vector<16x1xi32>
    %gather3A_353 = vector.shape_cast %broadcast_in_dim3A_352 : vector<16x1xi32> to vector<16xi32>
    %gather3A_354 = tpu.dynamic_gather %select_n3A_331[%gather3A_353] in [0] : vector<16xi32>, vector<16xi32> -> vector<16xi32>
    %gt3A_355 = arith.cmpf ogt, %gather3A_344, %select_n3A_330 : vector<16xf32>
    %eq3A_356 = arith.cmpf oeq, %gather3A_344, %select_n3A_330 : vector<16xf32>
    %lt3A_357 = arith.cmpi slt, %gather3A_354, %select_n3A_331 : vector<16xi32>
    %and3A_358 = arith.andi %eq3A_356, %lt3A_357 : vector<16xi1>
    %or3A_359 = arith.ori %gt3A_355, %and3A_358 : vector<16xi1>
    %select_n3A_360 = arith.select %or3A_359, %gather3A_344, %select_n3A_330 : vector<16xi1>, vector<16xf32>
    %select_n3A_361 = arith.select %or3A_359, %gather3A_354, %select_n3A_331 : vector<16xi1>, vector<16xi32>
    %xor3A_362 = arith.constant 2 : i32
    %xor3A_363 = vector.broadcast %xor3A_362 : i32 to vector<16xi32>
    %xor3A_364 = arith.xori %iota3A, %xor3A_363 : vector<16xi32>
    %lt3A_365 = arith.constant 0 : i32
    %lt3A_366 = vector.broadcast %lt3A_365 : i32 to vector<16xi32>
    %lt3A_367 = arith.cmpi slt, %xor3A_364, %lt3A_366 : vector<16xi32>
    %add3A_368 = arith.constant 16 : i32
    %add3A_369 = vector.broadcast %add3A_368 : i32 to vector<16xi32>
    %add3A_370 = arith.addi %xor3A_364, %add3A_369 : vector<16xi32>
    %select_n3A_371 = arith.select %lt3A_367, %add3A_370, %xor3A_364 : vector<16xi1>, vector<16xi32>
    %broadcast_in_dim3A_372 = vector.shape_cast %select_n3A_371 : vector<16xi32> to vector<16x1xi32>
    %gather3A_373 = vector.shape_cast %broadcast_in_dim3A_372 : vector<16x1xi32> to vector<16xi32>
    %gather3A_374 = tpu.dynamic_gather %select_n3A_360[%gather3A_373] in [0] : vector<16xf32>, vector<16xi32> -> vector<16xf32>
    %lt3A_375 = arith.constant 0 : i32
    %lt3A_376 = vector.broadcast %lt3A_375 : i32 to vector<16xi32>
    %lt3A_377 = arith.cmpi slt, %xor3A_364, %lt3A_376 : vector<16xi32>
    %add3A_378 = arith.constant 16 : i32
    %add3A_379 = vector.broadcast %add3A_378 : i32 to vector<16xi32>
    %add3A_380 = arith.addi %xor3A_364, %add3A_379 : vector<16xi32>
    %select_n3A_381 = arith.select %lt3A_377, %add3A_380, %xor3A_364 : vector<16xi1>, vector<16xi32>
    %broadcast_in_dim3A_382 = vector.shape_cast %select_n3A_381 : vector<16xi32> to vector<16x1xi32>
    %gather3A_383 = vector.shape_cast %broadcast_in_dim3A_382 : vector<16x1xi32> to vector<16xi32>
    %gather3A_384 = tpu.dynamic_gather %select_n3A_361[%gather3A_383] in [0] : vector<16xi32>, vector<16xi32> -> vector<16xi32>
    %gt3A_385 = arith.cmpf ogt, %gather3A_374, %select_n3A_360 : vector<16xf32>
    %eq3A_386 = arith.cmpf oeq, %gather3A_374, %select_n3A_360 : vector<16xf32>
    %lt3A_387 = arith.cmpi slt, %gather3A_384, %select_n3A_361 : vector<16xi32>
    %and3A_388 = arith.andi %eq3A_386, %lt3A_387 : vector<16xi1>
    %or3A_389 = arith.ori %gt3A_385, %and3A_388 : vector<16xi1>
    %select_n3A_390 = arith.select %or3A_389, %gather3A_374, %select_n3A_360 : vector<16xi1>, vector<16xf32>
    %select_n3A_391 = arith.select %or3A_389, %gather3A_384, %select_n3A_361 : vector<16xi1>, vector<16xi32>
    %xor3A_392 = arith.constant 1 : i32
    %xor3A_393 = vector.broadcast %xor3A_392 : i32 to vector<16xi32>
    %xor3A_394 = arith.xori %iota3A, %xor3A_393 : vector<16xi32>
    %lt3A_395 = arith.constant 0 : i32
    %lt3A_396 = vector.broadcast %lt3A_395 : i32 to vector<16xi32>
    %lt3A_397 = arith.cmpi slt, %xor3A_394, %lt3A_396 : vector<16xi32>
    %add3A_398 = arith.constant 16 : i32
    %add3A_399 = vector.broadcast %add3A_398 : i32 to vector<16xi32>
    %add3A_400 = arith.addi %xor3A_394, %add3A_399 : vector<16xi32>
    %select_n3A_401 = arith.select %lt3A_397, %add3A_400, %xor3A_394 : vector<16xi1>, vector<16xi32>
    %broadcast_in_dim3A_402 = vector.shape_cast %select_n3A_401 : vector<16xi32> to vector<16x1xi32>
    %gather3A_403 = vector.shape_cast %broadcast_in_dim3A_402 : vector<16x1xi32> to vector<16xi32>
    %gather3A_404 = tpu.dynamic_gather %select_n3A_390[%gather3A_403] in [0] : vector<16xf32>, vector<16xi32> -> vector<16xf32>
    %lt3A_405 = arith.constant 0 : i32
    %lt3A_406 = vector.broadcast %lt3A_405 : i32 to vector<16xi32>
    %lt3A_407 = arith.cmpi slt, %xor3A_394, %lt3A_406 : vector<16xi32>
    %add3A_408 = arith.constant 16 : i32
    %add3A_409 = vector.broadcast %add3A_408 : i32 to vector<16xi32>
    %add3A_410 = arith.addi %xor3A_394, %add3A_409 : vector<16xi32>
    %select_n3A_411 = arith.select %lt3A_407, %add3A_410, %xor3A_394 : vector<16xi1>, vector<16xi32>
    %broadcast_in_dim3A_412 = vector.shape_cast %select_n3A_411 : vector<16xi32> to vector<16x1xi32>
    %gather3A_413 = vector.shape_cast %broadcast_in_dim3A_412 : vector<16x1xi32> to vector<16xi32>
    %gather3A_414 = tpu.dynamic_gather %select_n3A_391[%gather3A_413] in [0] : vector<16xi32>, vector<16xi32> -> vector<16xi32>
    %gt3A_415 = arith.cmpf ogt, %gather3A_404, %select_n3A_390 : vector<16xf32>
    %eq3A_416 = arith.cmpf oeq, %gather3A_404, %select_n3A_390 : vector<16xf32>
    %lt3A_417 = arith.cmpi slt, %gather3A_414, %select_n3A_391 : vector<16xi32>
    %and3A_418 = arith.andi %eq3A_416, %lt3A_417 : vector<16xi1>
    %or3A_419 = arith.ori %gt3A_415, %and3A_418 : vector<16xi1>
    %select_n3A_420 = arith.select %or3A_419, %gather3A_404, %select_n3A_390 : vector<16xi1>, vector<16xf32>
    %select_n3A_421 = arith.select %or3A_419, %gather3A_414, %select_n3A_391 : vector<16xi1>, vector<16xi32>
    %eq3A_422 = arith.constant 0 : i32
    %eq3A_423 = vector.broadcast %eq3A_422 : i32 to vector<16xi32>
    %eq3A_424 = arith.cmpi eq, %iota3A, %eq3A_423 : vector<16xi32>
    %select_n3A_425 = arith.select %eq3A_424, %select_n3A_421, %broadcast_in_dim3A_10 : vector<16xi1>, vector<16xi32>
    %dma_wait3A_426 = arith.constant 0 : i32
    %dma_wait3A_427 = tpu.memref_slice %arg2[%add3A_19, %dma_wait3A_426] : memref<128x32768xf32, #tpu.memory_space<hbm>> -> memref<1x32768xf32, #tpu.memory_space<hbm>>
    %dma_wait3A_428 = tpu.memref_squeeze %dma_wait3A_427 : memref<1x32768xf32, #tpu.memory_space<hbm>> -> memref<32768xf32, #tpu.memory_space<hbm>>
    %dma_wait3A_429 = arith.constant 0 : i32
    %dma_wait3A_430 = tpu.memref_slice %arg2[%add3A_19, %dma_wait3A_429] : memref<128x32768xf32, #tpu.memory_space<hbm>> -> memref<1x32768xf32, #tpu.memory_space<hbm>>
    %dma_wait3A_431 = tpu.memref_squeeze %dma_wait3A_430 : memref<1x32768xf32, #tpu.memory_space<hbm>> -> memref<32768xf32, #tpu.memory_space<hbm>>
    tpu.wait_dma2 semaphore(%arg8 : memref<!tpu.dma_semaphore, #tpu.memory_space<semaphore_mem>>) src(%dma_wait3A_431 : memref<32768xf32, #tpu.memory_space<hbm>>) dst(%arg5 : memref<32768xf32, #tpu.memory_space<vmem>>)
    %broadcast_in_dim3A_432 = arith.constant 0xFF800000 : f32
    %broadcast_in_dim3A_433 = vector.broadcast %broadcast_in_dim3A_432 : f32 to vector<16xf32>
    %broadcast_in_dim3A_434 = arith.constant 0 : i32
    %broadcast_in_dim3A_435 = vector.broadcast %broadcast_in_dim3A_434 : i32 to vector<16xi32>
    %broadcast_in_dim3A_436 = arith.constant 0xFF800000 : f32
    %broadcast_in_dim3A_437 = vector.broadcast %broadcast_in_dim3A_436 : f32 to vector<16xf32>
    %broadcast_in_dim3A_438 = arith.constant 0 : i32
    %broadcast_in_dim3A_439 = vector.broadcast %broadcast_in_dim3A_438 : i32 to vector<16xi32>
    %broadcast_in_dim3A_440 = arith.constant 0xFF800000 : f32
    %broadcast_in_dim3A_441 = vector.broadcast %broadcast_in_dim3A_440 : f32 to vector<16xf32>
    %broadcast_in_dim3A_442 = arith.constant 0 : i32
    %broadcast_in_dim3A_443 = vector.broadcast %broadcast_in_dim3A_442 : i32 to vector<16xi32>
    %broadcast_in_dim3A_444 = arith.constant 0xFF800000 : f32
    %broadcast_in_dim3A_445 = vector.broadcast %broadcast_in_dim3A_444 : f32 to vector<16xf32>
    %broadcast_in_dim3A_446 = arith.constant 0 : i32
    %broadcast_in_dim3A_447 = vector.broadcast %broadcast_in_dim3A_446 : i32 to vector<16xi32>
    %broadcast_in_dim3A_448 = arith.constant 0xFF800000 : f32
    %broadcast_in_dim3A_449 = vector.broadcast %broadcast_in_dim3A_448 : f32 to vector<16xf32>
    %broadcast_in_dim3A_450 = arith.constant 0 : i32
    %broadcast_in_dim3A_451 = vector.broadcast %broadcast_in_dim3A_450 : i32 to vector<16xi32>
    %broadcast_in_dim3A_452 = arith.constant 0xFF800000 : f32
    %broadcast_in_dim3A_453 = vector.broadcast %broadcast_in_dim3A_452 : f32 to vector<16xf32>
    %broadcast_in_dim3A_454 = arith.constant 0 : i32
    %broadcast_in_dim3A_455 = vector.broadcast %broadcast_in_dim3A_454 : i32 to vector<16xi32>
    %broadcast_in_dim3A_456 = arith.constant 0xFF800000 : f32
    %broadcast_in_dim3A_457 = vector.broadcast %broadcast_in_dim3A_456 : f32 to vector<16xf32>
    %broadcast_in_dim3A_458 = arith.constant 0 : i32
    %broadcast_in_dim3A_459 = vector.broadcast %broadcast_in_dim3A_458 : i32 to vector<16xi32>
    %broadcast_in_dim3A_460 = arith.constant 0xFF800000 : f32
    %broadcast_in_dim3A_461 = vector.broadcast %broadcast_in_dim3A_460 : f32 to vector<16xf32>
    %broadcast_in_dim3A_462 = arith.constant 0 : i32
    %broadcast_in_dim3A_463 = vector.broadcast %broadcast_in_dim3A_462 : i32 to vector<16xi32>
    %broadcast_in_dim3A_464 = arith.constant 0xFF800000 : f32
    %broadcast_in_dim3A_465 = vector.broadcast %broadcast_in_dim3A_464 : f32 to vector<16xf32>
    %broadcast_in_dim3A_466 = arith.constant 0 : i32
    %broadcast_in_dim3A_467 = vector.broadcast %broadcast_in_dim3A_466 : i32 to vector<16xi32>
    %broadcast_in_dim3A_468 = arith.constant 0xFF800000 : f32
    %broadcast_in_dim3A_469 = vector.broadcast %broadcast_in_dim3A_468 : f32 to vector<16xf32>
    %broadcast_in_dim3A_470 = arith.constant 0 : i32
    %broadcast_in_dim3A_471 = vector.broadcast %broadcast_in_dim3A_470 : i32 to vector<16xi32>
    %broadcast_in_dim3A_472 = arith.constant 0xFF800000 : f32
    %broadcast_in_dim3A_473 = vector.broadcast %broadcast_in_dim3A_472 : f32 to vector<16xf32>
    %broadcast_in_dim3A_474 = arith.constant 0 : i32
    %broadcast_in_dim3A_475 = vector.broadcast %broadcast_in_dim3A_474 : i32 to vector<16xi32>
    %broadcast_in_dim3A_476 = arith.constant 0xFF800000 : f32
    %broadcast_in_dim3A_477 = vector.broadcast %broadcast_in_dim3A_476 : f32 to vector<16xf32>
    %broadcast_in_dim3A_478 = arith.constant 0 : i32
    %broadcast_in_dim3A_479 = vector.broadcast %broadcast_in_dim3A_478 : i32 to vector<16xi32>
    %broadcast_in_dim3A_480 = arith.constant 0xFF800000 : f32
    %broadcast_in_dim3A_481 = vector.broadcast %broadcast_in_dim3A_480 : f32 to vector<16xf32>
    %broadcast_in_dim3A_482 = arith.constant 0 : i32
    %broadcast_in_dim3A_483 = vector.broadcast %broadcast_in_dim3A_482 : i32 to vector<16xi32>
    %broadcast_in_dim3A_484 = arith.constant 0xFF800000 : f32
    %broadcast_in_dim3A_485 = vector.broadcast %broadcast_in_dim3A_484 : f32 to vector<16xf32>
    %broadcast_in_dim3A_486 = arith.constant 0 : i32
    %broadcast_in_dim3A_487 = vector.broadcast %broadcast_in_dim3A_486 : i32 to vector<16xi32>
    %broadcast_in_dim3A_488 = arith.constant 0xFF800000 : f32
    %broadcast_in_dim3A_489 = vector.broadcast %broadcast_in_dim3A_488 : f32 to vector<16xf32>
    %broadcast_in_dim3A_490 = arith.constant 0 : i32
    %broadcast_in_dim3A_491 = vector.broadcast %broadcast_in_dim3A_490 : i32 to vector<16xi32>
    %broadcast_in_dim3A_492 = arith.constant 0xFF800000 : f32
    %broadcast_in_dim3A_493 = vector.broadcast %broadcast_in_dim3A_492 : f32 to vector<16xf32>
    %broadcast_in_dim3A_494 = arith.constant 0 : i32
    %broadcast_in_dim3A_495 = vector.broadcast %broadcast_in_dim3A_494 : i32 to vector<16xi32>
    %parallel_loop3A_496 = arith.constant 0 : i32
    %parallel_loop3A_497 = arith.constant 128 : i32
    %parallel_loop3A_498 = arith.constant 1 : i32
    %parallel_loop3A_499:32 = scf.for %parallel_loop3A_844 = %parallel_loop3A_496 to %parallel_loop3A_497 step %parallel_loop3A_498 iter_args(%parallel_loop3A_845 = %broadcast_in_dim3A_433, %parallel_loop3A_846 = %broadcast_in_dim3A_435, %parallel_loop3A_847 = %broadcast_in_dim3A_437, %parallel_loop3A_848 = %broadcast_in_dim3A_439, %parallel_loop3A_849 = %broadcast_in_dim3A_441, %parallel_loop3A_850 = %broadcast_in_dim3A_443, %parallel_loop3A_851 = %broadcast_in_dim3A_445, %parallel_loop3A_852 = %broadcast_in_dim3A_447, %parallel_loop3A_853 = %broadcast_in_dim3A_449, %parallel_loop3A_854 = %broadcast_in_dim3A_451, %parallel_loop3A_855 = %broadcast_in_dim3A_453, %parallel_loop3A_856 = %broadcast_in_dim3A_455, %parallel_loop3A_857 = %broadcast_in_dim3A_457, %parallel_loop3A_858 = %broadcast_in_dim3A_459, %parallel_loop3A_859 = %broadcast_in_dim3A_461, %parallel_loop3A_860 = %broadcast_in_dim3A_463, %parallel_loop3A_861 = %broadcast_in_dim3A_465, %parallel_loop3A_862 = %broadcast_in_dim3A_467, %parallel_loop3A_863 = %broadcast_in_dim3A_469, %parallel_loop3A_864 = %broadcast_in_dim3A_471, %parallel_loop3A_865 = %broadcast_in_dim3A_473, %parallel_loop3A_866 = %broadcast_in_dim3A_475, %parallel_loop3A_867 = %broadcast_in_dim3A_477, %parallel_loop3A_868 = %broadcast_in_dim3A_479, %parallel_loop3A_869 = %broadcast_in_dim3A_481, %parallel_loop3A_870 = %broadcast_in_dim3A_483, %parallel_loop3A_871 = %broadcast_in_dim3A_485, %parallel_loop3A_872 = %broadcast_in_dim3A_487, %parallel_loop3A_873 = %broadcast_in_dim3A_489, %parallel_loop3A_874 = %broadcast_in_dim3A_491, %parallel_loop3A_875 = %broadcast_in_dim3A_493, %parallel_loop3A_876 = %broadcast_in_dim3A_495) -> (vector<16xf32>, vector<16xi32>, vector<16xf32>, vector<16xi32>, vector<16xf32>, vector<16xi32>, vector<16xf32>, vector<16xi32>, vector<16xf32>, vector<16xi32>, vector<16xf32>, vector<16xi32>, vector<16xf32>, vector<16xi32>, vector<16xf32>, vector<16xi32>, vector<16xf32>, vector<16xi32>, vector<16xf32>, vector<16xi32>, vector<16xf32>, vector<16xi32>, vector<16xf32>, vector<16xi32>, vector<16xf32>, vector<16xi32>, vector<16xf32>, vector<16xi32>, vector<16xf32>, vector<16xi32>, vector<16xf32>, vector<16xi32>)  : i32 {
      %parallel_loop3A_877 = arith.constant 256 : i32
      %parallel_loop3A_878 = arith.muli %parallel_loop3A_844, %parallel_loop3A_877 : i32
      %parallel_loop3A_879 = vector.broadcast %parallel_loop3A_844 : i32 to vector<16xi32>
      %parallel_loop3A_880 = arith.constant 0 : i32
      %parallel_loop3A_881 = arith.addi %parallel_loop3A_878, %parallel_loop3A_880 : i32
      %parallel_loop3A_882 = arith.index_cast %parallel_loop3A_881 : i32 to index
      %parallel_loop3A_883 = tpu.vector_load %arg5[%parallel_loop3A_882] {strides = array<i32>} : memref<32768xf32, #tpu.memory_space<vmem>>, vector<16xf32>,
      %parallel_loop3A_884 = vector.shape_cast %parallel_loop3A_883 : vector<16xf32> to vector<16xf32>
      %parallel_loop3A_885 = arith.cmpf ogt, %parallel_loop3A_884, %parallel_loop3A_845 : vector<16xf32>
      %parallel_loop3A_886 = arith.select %parallel_loop3A_885, %parallel_loop3A_884, %parallel_loop3A_845 : vector<16xi1>, vector<16xf32>
      %parallel_loop3A_887 = arith.select %parallel_loop3A_885, %parallel_loop3A_879, %parallel_loop3A_846 : vector<16xi1>, vector<16xi32>
      %parallel_loop3A_888 = arith.constant 16 : i32
      %parallel_loop3A_889 = arith.addi %parallel_loop3A_878, %parallel_loop3A_888 : i32
      %parallel_loop3A_890 = arith.index_cast %parallel_loop3A_889 : i32 to index
      %parallel_loop3A_891 = tpu.vector_load %arg5[%parallel_loop3A_890] {strides = array<i32>} : memref<32768xf32, #tpu.memory_space<vmem>>, vector<16xf32>,
      %parallel_loop3A_892 = vector.shape_cast %parallel_loop3A_891 : vector<16xf32> to vector<16xf32>
      %parallel_loop3A_893 = arith.cmpf ogt, %parallel_loop3A_892, %parallel_loop3A_847 : vector<16xf32>
      %parallel_loop3A_894 = arith.select %parallel_loop3A_893, %parallel_loop3A_892, %parallel_loop3A_847 : vector<16xi1>, vector<16xf32>
      %parallel_loop3A_895 = arith.select %parallel_loop3A_893, %parallel_loop3A_879, %parallel_loop3A_848 : vector<16xi1>, vector<16xi32>
      %parallel_loop3A_896 = arith.constant 32 : i32
      %parallel_loop3A_897 = arith.addi %parallel_loop3A_878, %parallel_loop3A_896 : i32
      %parallel_loop3A_898 = arith.index_cast %parallel_loop3A_897 : i32 to index
      %parallel_loop3A_899 = tpu.vector_load %arg5[%parallel_loop3A_898] {strides = array<i32>} : memref<32768xf32, #tpu.memory_space<vmem>>, vector<16xf32>,
      %parallel_loop3A_900 = vector.shape_cast %parallel_loop3A_899 : vector<16xf32> to vector<16xf32>
      %parallel_loop3A_901 = arith.cmpf ogt, %parallel_loop3A_900, %parallel_loop3A_849 : vector<16xf32>
      %parallel_loop3A_902 = arith.select %parallel_loop3A_901, %parallel_loop3A_900, %parallel_loop3A_849 : vector<16xi1>, vector<16xf32>
      %parallel_loop3A_903 = arith.select %parallel_loop3A_901, %parallel_loop3A_879, %parallel_loop3A_850 : vector<16xi1>, vector<16xi32>
      %parallel_loop3A_904 = arith.constant 48 : i32
      %parallel_loop3A_905 = arith.addi %parallel_loop3A_878, %parallel_loop3A_904 : i32
      %parallel_loop3A_906 = arith.index_cast %parallel_loop3A_905 : i32 to index
      %parallel_loop3A_907 = tpu.vector_load %arg5[%parallel_loop3A_906] {strides = array<i32>} : memref<32768xf32, #tpu.memory_space<vmem>>, vector<16xf32>,
      %parallel_loop3A_908 = vector.shape_cast %parallel_loop3A_907 : vector<16xf32> to vector<16xf32>
      %parallel_loop3A_909 = arith.cmpf ogt, %parallel_loop3A_908, %parallel_loop3A_851 : vector<16xf32>
      %parallel_loop3A_910 = arith.select %parallel_loop3A_909, %parallel_loop3A_908, %parallel_loop3A_851 : vector<16xi1>, vector<16xf32>
      %parallel_loop3A_911 = arith.select %parallel_loop3A_909, %parallel_loop3A_879, %parallel_loop3A_852 : vector<16xi1>, vector<16xi32>
      %parallel_loop3A_912 = arith.constant 64 : i32
      %parallel_loop3A_913 = arith.addi %parallel_loop3A_878, %parallel_loop3A_912 : i32
      %parallel_loop3A_914 = arith.index_cast %parallel_loop3A_913 : i32 to index
      %parallel_loop3A_915 = tpu.vector_load %arg5[%parallel_loop3A_914] {strides = array<i32>} : memref<32768xf32, #tpu.memory_space<vmem>>, vector<16xf32>,
      %parallel_loop3A_916 = vector.shape_cast %parallel_loop3A_915 : vector<16xf32> to vector<16xf32>
      %parallel_loop3A_917 = arith.cmpf ogt, %parallel_loop3A_916, %parallel_loop3A_853 : vector<16xf32>
      %parallel_loop3A_918 = arith.select %parallel_loop3A_917, %parallel_loop3A_916, %parallel_loop3A_853 : vector<16xi1>, vector<16xf32>
      %parallel_loop3A_919 = arith.select %parallel_loop3A_917, %parallel_loop3A_879, %parallel_loop3A_854 : vector<16xi1>, vector<16xi32>
      %parallel_loop3A_920 = arith.constant 80 : i32
      %parallel_loop3A_921 = arith.addi %parallel_loop3A_878, %parallel_loop3A_920 : i32
      %parallel_loop3A_922 = arith.index_cast %parallel_loop3A_921 : i32 to index
      %parallel_loop3A_923 = tpu.vector_load %arg5[%parallel_loop3A_922] {strides = array<i32>} : memref<32768xf32, #tpu.memory_space<vmem>>, vector<16xf32>,
      %parallel_loop3A_924 = vector.shape_cast %parallel_loop3A_923 : vector<16xf32> to vector<16xf32>
      %parallel_loop3A_925 = arith.cmpf ogt, %parallel_loop3A_924, %parallel_loop3A_855 : vector<16xf32>
      %parallel_loop3A_926 = arith.select %parallel_loop3A_925, %parallel_loop3A_924, %parallel_loop3A_855 : vector<16xi1>, vector<16xf32>
      %parallel_loop3A_927 = arith.select %parallel_loop3A_925, %parallel_loop3A_879, %parallel_loop3A_856 : vector<16xi1>, vector<16xi32>
      %parallel_loop3A_928 = arith.constant 96 : i32
      %parallel_loop3A_929 = arith.addi %parallel_loop3A_878, %parallel_loop3A_928 : i32
      %parallel_loop3A_930 = arith.index_cast %parallel_loop3A_929 : i32 to index
      %parallel_loop3A_931 = tpu.vector_load %arg5[%parallel_loop3A_930] {strides = array<i32>} : memref<32768xf32, #tpu.memory_space<vmem>>, vector<16xf32>,
      %parallel_loop3A_932 = vector.shape_cast %parallel_loop3A_931 : vector<16xf32> to vector<16xf32>
      %parallel_loop3A_933 = arith.cmpf ogt, %parallel_loop3A_932, %parallel_loop3A_857 : vector<16xf32>
      %parallel_loop3A_934 = arith.select %parallel_loop3A_933, %parallel_loop3A_932, %parallel_loop3A_857 : vector<16xi1>, vector<16xf32>
      %parallel_loop3A_935 = arith.select %parallel_loop3A_933, %parallel_loop3A_879, %parallel_loop3A_858 : vector<16xi1>, vector<16xi32>
      %parallel_loop3A_936 = arith.constant 112 : i32
      %parallel_loop3A_937 = arith.addi %parallel_loop3A_878, %parallel_loop3A_936 : i32
      %parallel_loop3A_938 = arith.index_cast %parallel_loop3A_937 : i32 to index
      %parallel_loop3A_939 = tpu.vector_load %arg5[%parallel_loop3A_938] {strides = array<i32>} : memref<32768xf32, #tpu.memory_space<vmem>>, vector<16xf32>,
      %parallel_loop3A_940 = vector.shape_cast %parallel_loop3A_939 : vector<16xf32> to vector<16xf32>
      %parallel_loop3A_941 = arith.cmpf ogt, %parallel_loop3A_940, %parallel_loop3A_859 : vector<16xf32>
      %parallel_loop3A_942 = arith.select %parallel_loop3A_941, %parallel_loop3A_940, %parallel_loop3A_859 : vector<16xi1>, vector<16xf32>
      %parallel_loop3A_943 = arith.select %parallel_loop3A_941, %parallel_loop3A_879, %parallel_loop3A_860 : vector<16xi1>, vector<16xi32>
      %parallel_loop3A_944 = arith.constant 128 : i32
      %parallel_loop3A_945 = arith.addi %parallel_loop3A_878, %parallel_loop3A_944 : i32
      %parallel_loop3A_946 = arith.index_cast %parallel_loop3A_945 : i32 to index
      %parallel_loop3A_947 = tpu.vector_load %arg5[%parallel_loop3A_946] {strides = array<i32>} : memref<32768xf32, #tpu.memory_space<vmem>>, vector<16xf32>,
      %parallel_loop3A_948 = vector.shape_cast %parallel_loop3A_947 : vector<16xf32> to vector<16xf32>
      %parallel_loop3A_949 = arith.cmpf ogt, %parallel_loop3A_948, %parallel_loop3A_861 : vector<16xf32>
      %parallel_loop3A_950 = arith.select %parallel_loop3A_949, %parallel_loop3A_948, %parallel_loop3A_861 : vector<16xi1>, vector<16xf32>
      %parallel_loop3A_951 = arith.select %parallel_loop3A_949, %parallel_loop3A_879, %parallel_loop3A_862 : vector<16xi1>, vector<16xi32>
      %parallel_loop3A_952 = arith.constant 144 : i32
      %parallel_loop3A_953 = arith.addi %parallel_loop3A_878, %parallel_loop3A_952 : i32
      %parallel_loop3A_954 = arith.index_cast %parallel_loop3A_953 : i32 to index
      %parallel_loop3A_955 = tpu.vector_load %arg5[%parallel_loop3A_954] {strides = array<i32>} : memref<32768xf32, #tpu.memory_space<vmem>>, vector<16xf32>,
      %parallel_loop3A_956 = vector.shape_cast %parallel_loop3A_955 : vector<16xf32> to vector<16xf32>
      %parallel_loop3A_957 = arith.cmpf ogt, %parallel_loop3A_956, %parallel_loop3A_863 : vector<16xf32>
      %parallel_loop3A_958 = arith.select %parallel_loop3A_957, %parallel_loop3A_956, %parallel_loop3A_863 : vector<16xi1>, vector<16xf32>
      %parallel_loop3A_959 = arith.select %parallel_loop3A_957, %parallel_loop3A_879, %parallel_loop3A_864 : vector<16xi1>, vector<16xi32>
      %parallel_loop3A_960 = arith.constant 160 : i32
      %parallel_loop3A_961 = arith.addi %parallel_loop3A_878, %parallel_loop3A_960 : i32
      %parallel_loop3A_962 = arith.index_cast %parallel_loop3A_961 : i32 to index
      %parallel_loop3A_963 = tpu.vector_load %arg5[%parallel_loop3A_962] {strides = array<i32>} : memref<32768xf32, #tpu.memory_space<vmem>>, vector<16xf32>,
      %parallel_loop3A_964 = vector.shape_cast %parallel_loop3A_963 : vector<16xf32> to vector<16xf32>
      %parallel_loop3A_965 = arith.cmpf ogt, %parallel_loop3A_964, %parallel_loop3A_865 : vector<16xf32>
      %parallel_loop3A_966 = arith.select %parallel_loop3A_965, %parallel_loop3A_964, %parallel_loop3A_865 : vector<16xi1>, vector<16xf32>
      %parallel_loop3A_967 = arith.select %parallel_loop3A_965, %parallel_loop3A_879, %parallel_loop3A_866 : vector<16xi1>, vector<16xi32>
      %parallel_loop3A_968 = arith.constant 176 : i32
      %parallel_loop3A_969 = arith.addi %parallel_loop3A_878, %parallel_loop3A_968 : i32
      %parallel_loop3A_970 = arith.index_cast %parallel_loop3A_969 : i32 to index
      %parallel_loop3A_971 = tpu.vector_load %arg5[%parallel_loop3A_970] {strides = array<i32>} : memref<32768xf32, #tpu.memory_space<vmem>>, vector<16xf32>,
      %parallel_loop3A_972 = vector.shape_cast %parallel_loop3A_971 : vector<16xf32> to vector<16xf32>
      %parallel_loop3A_973 = arith.cmpf ogt, %parallel_loop3A_972, %parallel_loop3A_867 : vector<16xf32>
      %parallel_loop3A_974 = arith.select %parallel_loop3A_973, %parallel_loop3A_972, %parallel_loop3A_867 : vector<16xi1>, vector<16xf32>
      %parallel_loop3A_975 = arith.select %parallel_loop3A_973, %parallel_loop3A_879, %parallel_loop3A_868 : vector<16xi1>, vector<16xi32>
      %parallel_loop3A_976 = arith.constant 192 : i32
      %parallel_loop3A_977 = arith.addi %parallel_loop3A_878, %parallel_loop3A_976 : i32
      %parallel_loop3A_978 = arith.index_cast %parallel_loop3A_977 : i32 to index
      %parallel_loop3A_979 = tpu.vector_load %arg5[%parallel_loop3A_978] {strides = array<i32>} : memref<32768xf32, #tpu.memory_space<vmem>>, vector<16xf32>,
      %parallel_loop3A_980 = vector.shape_cast %parallel_loop3A_979 : vector<16xf32> to vector<16xf32>
      %parallel_loop3A_981 = arith.cmpf ogt, %parallel_loop3A_980, %parallel_loop3A_869 : vector<16xf32>
      %parallel_loop3A_982 = arith.select %parallel_loop3A_981, %parallel_loop3A_980, %parallel_loop3A_869 : vector<16xi1>, vector<16xf32>
      %parallel_loop3A_983 = arith.select %parallel_loop3A_981, %parallel_loop3A_879, %parallel_loop3A_870 : vector<16xi1>, vector<16xi32>
      %parallel_loop3A_984 = arith.constant 208 : i32
      %parallel_loop3A_985 = arith.addi %parallel_loop3A_878, %parallel_loop3A_984 : i32
      %parallel_loop3A_986 = arith.index_cast %parallel_loop3A_985 : i32 to index
      %parallel_loop3A_987 = tpu.vector_load %arg5[%parallel_loop3A_986] {strides = array<i32>} : memref<32768xf32, #tpu.memory_space<vmem>>, vector<16xf32>,
      %parallel_loop3A_988 = vector.shape_cast %parallel_loop3A_987 : vector<16xf32> to vector<16xf32>
      %parallel_loop3A_989 = arith.cmpf ogt, %parallel_loop3A_988, %parallel_loop3A_871 : vector<16xf32>
      %parallel_loop3A_990 = arith.select %parallel_loop3A_989, %parallel_loop3A_988, %parallel_loop3A_871 : vector<16xi1>, vector<16xf32>
      %parallel_loop3A_991 = arith.select %parallel_loop3A_989, %parallel_loop3A_879, %parallel_loop3A_872 : vector<16xi1>, vector<16xi32>
      %parallel_loop3A_992 = arith.constant 224 : i32
      %parallel_loop3A_993 = arith.addi %parallel_loop3A_878, %parallel_loop3A_992 : i32
      %parallel_loop3A_994 = arith.index_cast %parallel_loop3A_993 : i32 to index
      %parallel_loop3A_995 = tpu.vector_load %arg5[%parallel_loop3A_994] {strides = array<i32>} : memref<32768xf32, #tpu.memory_space<vmem>>, vector<16xf32>,
      %parallel_loop3A_996 = vector.shape_cast %parallel_loop3A_995 : vector<16xf32> to vector<16xf32>
      %parallel_loop3A_997 = arith.cmpf ogt, %parallel_loop3A_996, %parallel_loop3A_873 : vector<16xf32>
      %parallel_loop3A_998 = arith.select %parallel_loop3A_997, %parallel_loop3A_996, %parallel_loop3A_873 : vector<16xi1>, vector<16xf32>
      %parallel_loop3A_999 = arith.select %parallel_loop3A_997, %parallel_loop3A_879, %parallel_loop3A_874 : vector<16xi1>, vector<16xi32>
      %parallel_loop3A_1000 = arith.constant 240 : i32
      %parallel_loop3A_1001 = arith.addi %parallel_loop3A_878, %parallel_loop3A_1000 : i32
      %parallel_loop3A_1002 = arith.index_cast %parallel_loop3A_1001 : i32 to index
      %parallel_loop3A_1003 = tpu.vector_load %arg5[%parallel_loop3A_1002] {strides = array<i32>} : memref<32768xf32, #tpu.memory_space<vmem>>, vector<16xf32>,
      %parallel_loop3A_1004 = vector.shape_cast %parallel_loop3A_1003 : vector<16xf32> to vector<16xf32>
      %parallel_loop3A_1005 = arith.cmpf ogt, %parallel_loop3A_1004, %parallel_loop3A_875 : vector<16xf32>
      %parallel_loop3A_1006 = arith.select %parallel_loop3A_1005, %parallel_loop3A_1004, %parallel_loop3A_875 : vector<16xi1>, vector<16xf32>
      %parallel_loop3A_1007 = arith.select %parallel_loop3A_1005, %parallel_loop3A_879, %parallel_loop3A_876 : vector<16xi1>, vector<16xi32>
      scf.yield %parallel_loop3A_886, %parallel_loop3A_887, %parallel_loop3A_894, %parallel_loop3A_895, %parallel_loop3A_902, %parallel_loop3A_903, %parallel_loop3A_910, %parallel_loop3A_911, %parallel_loop3A_918, %parallel_loop3A_919, %parallel_loop3A_926, %parallel_loop3A_927, %parallel_loop3A_934, %parallel_loop3A_935, %parallel_loop3A_942, %parallel_loop3A_943, %parallel_loop3A_950, %parallel_loop3A_951, %parallel_loop3A_958, %parallel_loop3A_959, %parallel_loop3A_966, %parallel_loop3A_967, %parallel_loop3A_974, %parallel_loop3A_975, %parallel_loop3A_982, %parallel_loop3A_983, %parallel_loop3A_990, %parallel_loop3A_991, %parallel_loop3A_998, %parallel_loop3A_999, %parallel_loop3A_1006, %parallel_loop3A_1007 : vector<16xf32>, vector<16xi32>, vector<16xf32>, vector<16xi32>, vector<16xf32>, vector<16xi32>, vector<16xf32>, vector<16xi32>, vector<16xf32>, vector<16xi32>, vector<16xf32>, vector<16xi32>, vector<16xf32>, vector<16xi32>, vector<16xf32>, vector<16xi32>, vector<16xf32>, vector<16xi32>, vector<16xf32>, vector<16xi32>, vector<16xf32>, vector<16xi32>, vector<16xf32>, vector<16xi32>, vector<16xf32>, vector<16xi32>, vector<16xf32>, vector<16xi32>, vector<16xf32>, vector<16xi32>, vector<16xf32>, vector<16xi32>
    } {sc.loop_unroll_factor = 2 : i64, sc.parallel_access}
    %mul3A_500 = arith.constant 256 : i32
    %mul3A_501 = vector.broadcast %mul3A_500 : i32 to vector<16xi32>
    %mul3A_502 = arith.muli %parallel_loop3A_499#1, %mul3A_501 : vector<16xi32>
    %add3A_503 = arith.constant 0 : i32
    %add3A_504 = vector.broadcast %add3A_503 : i32 to vector<16xi32>
    %add3A_505 = arith.addi %mul3A_502, %add3A_504 : vector<16xi32>
    %add3A_506 = arith.addi %add3A_505, %iota3A : vector<16xi32>
    %mul3A_507 = arith.constant 256 : i32
    %mul3A_508 = vector.broadcast %mul3A_507 : i32 to vector<16xi32>
    %mul3A_509 = arith.muli %parallel_loop3A_499#3, %mul3A_508 : vector<16xi32>
    %add3A_510 = arith.constant 16 : i32
    %add3A_511 = vector.broadcast %add3A_510 : i32 to vector<16xi32>
    %add3A_512 = arith.addi %mul3A_509, %add3A_511 : vector<16xi32>
    %add3A_513 = arith.addi %add3A_512, %iota3A : vector<16xi32>
    %mul3A_514 = arith.constant 256 : i32
    %mul3A_515 = vector.broadcast %mul3A_514 : i32 to vector<16xi32>
    %mul3A_516 = arith.muli %parallel_loop3A_499#5, %mul3A_515 : vector<16xi32>
    %add3A_517 = arith.constant 32 : i32
    %add3A_518 = vector.broadcast %add3A_517 : i32 to vector<16xi32>
    %add3A_519 = arith.addi %mul3A_516, %add3A_518 : vector<16xi32>
    %add3A_520 = arith.addi %add3A_519, %iota3A : vector<16xi32>
    %mul3A_521 = arith.constant 256 : i32
    %mul3A_522 = vector.broadcast %mul3A_521 : i32 to vector<16xi32>
    %mul3A_523 = arith.muli %parallel_loop3A_499#7, %mul3A_522 : vector<16xi32>
    %add3A_524 = arith.constant 48 : i32
    %add3A_525 = vector.broadcast %add3A_524 : i32 to vector<16xi32>
    %add3A_526 = arith.addi %mul3A_523, %add3A_525 : vector<16xi32>
    %add3A_527 = arith.addi %add3A_526, %iota3A : vector<16xi32>
    %mul3A_528 = arith.constant 256 : i32
    %mul3A_529 = vector.broadcast %mul3A_528 : i32 to vector<16xi32>
    %mul3A_530 = arith.muli %parallel_loop3A_499#9, %mul3A_529 : vector<16xi32>
    %add3A_531 = arith.constant 64 : i32
    %add3A_532 = vector.broadcast %add3A_531 : i32 to vector<16xi32>
    %add3A_533 = arith.addi %mul3A_530, %add3A_532 : vector<16xi32>
    %add3A_534 = arith.addi %add3A_533, %iota3A : vector<16xi32>
    %mul3A_535 = arith.constant 256 : i32
    %mul3A_536 = vector.broadcast %mul3A_535 : i32 to vector<16xi32>
    %mul3A_537 = arith.muli %parallel_loop3A_499#11, %mul3A_536 : vector<16xi32>
    %add3A_538 = arith.constant 80 : i32
    %add3A_539 = vector.broadcast %add3A_538 : i32 to vector<16xi32>
    %add3A_540 = arith.addi %mul3A_537, %add3A_539 : vector<16xi32>
    %add3A_541 = arith.addi %add3A_540, %iota3A : vector<16xi32>
    %mul3A_542 = arith.constant 256 : i32
    %mul3A_543 = vector.broadcast %mul3A_542 : i32 to vector<16xi32>
    %mul3A_544 = arith.muli %parallel_loop3A_499#13, %mul3A_543 : vector<16xi32>
    %add3A_545 = arith.constant 96 : i32
    %add3A_546 = vector.broadcast %add3A_545 : i32 to vector<16xi32>
    %add3A_547 = arith.addi %mul3A_544, %add3A_546 : vector<16xi32>
    %add3A_548 = arith.addi %add3A_547, %iota3A : vector<16xi32>
    %mul3A_549 = arith.constant 256 : i32
    %mul3A_550 = vector.broadcast %mul3A_549 : i32 to vector<16xi32>
    %mul3A_551 = arith.muli %parallel_loop3A_499#15, %mul3A_550 : vector<16xi32>
    %add3A_552 = arith.constant 112 : i32
    %add3A_553 = vector.broadcast %add3A_552 : i32 to vector<16xi32>
    %add3A_554 = arith.addi %mul3A_551, %add3A_553 : vector<16xi32>
    %add3A_555 = arith.addi %add3A_554, %iota3A : vector<16xi32>
    %mul3A_556 = arith.constant 256 : i32
    %mul3A_557 = vector.broadcast %mul3A_556 : i32 to vector<16xi32>
    %mul3A_558 = arith.muli %parallel_loop3A_499#17, %mul3A_557 : vector<16xi32>
    %add3A_559 = arith.constant 128 : i32
    %add3A_560 = vector.broadcast %add3A_559 : i32 to vector<16xi32>
    %add3A_561 = arith.addi %mul3A_558, %add3A_560 : vector<16xi32>
    %add3A_562 = arith.addi %add3A_561, %iota3A : vector<16xi32>
    %mul3A_563 = arith.constant 256 : i32
    %mul3A_564 = vector.broadcast %mul3A_563 : i32 to vector<16xi32>
    %mul3A_565 = arith.muli %parallel_loop3A_499#19, %mul3A_564 : vector<16xi32>
    %add3A_566 = arith.constant 144 : i32
    %add3A_567 = vector.broadcast %add3A_566 : i32 to vector<16xi32>
    %add3A_568 = arith.addi %mul3A_565, %add3A_567 : vector<16xi32>
    %add3A_569 = arith.addi %add3A_568, %iota3A : vector<16xi32>
    %mul3A_570 = arith.constant 256 : i32
    %mul3A_571 = vector.broadcast %mul3A_570 : i32 to vector<16xi32>
    %mul3A_572 = arith.muli %parallel_loop3A_499#21, %mul3A_571 : vector<16xi32>
    %add3A_573 = arith.constant 160 : i32
    %add3A_574 = vector.broadcast %add3A_573 : i32 to vector<16xi32>
    %add3A_575 = arith.addi %mul3A_572, %add3A_574 : vector<16xi32>
    %add3A_576 = arith.addi %add3A_575, %iota3A : vector<16xi32>
    %mul3A_577 = arith.constant 256 : i32
    %mul3A_578 = vector.broadcast %mul3A_577 : i32 to vector<16xi32>
    %mul3A_579 = arith.muli %parallel_loop3A_499#23, %mul3A_578 : vector<16xi32>
    %add3A_580 = arith.constant 176 : i32
    %add3A_581 = vector.broadcast %add3A_580 : i32 to vector<16xi32>
    %add3A_582 = arith.addi %mul3A_579, %add3A_581 : vector<16xi32>
    %add3A_583 = arith.addi %add3A_582, %iota3A : vector<16xi32>
    %mul3A_584 = arith.constant 256 : i32
    %mul3A_585 = vector.broadcast %mul3A_584 : i32 to vector<16xi32>
    %mul3A_586 = arith.muli %parallel_loop3A_499#25, %mul3A_585 : vector<16xi32>
    %add3A_587 = arith.constant 192 : i32
    %add3A_588 = vector.broadcast %add3A_587 : i32 to vector<16xi32>
    %add3A_589 = arith.addi %mul3A_586, %add3A_588 : vector<16xi32>
    %add3A_590 = arith.addi %add3A_589, %iota3A : vector<16xi32>
    %mul3A_591 = arith.constant 256 : i32
    %mul3A_592 = vector.broadcast %mul3A_591 : i32 to vector<16xi32>
    %mul3A_593 = arith.muli %parallel_loop3A_499#27, %mul3A_592 : vector<16xi32>
    %add3A_594 = arith.constant 208 : i32
    %add3A_595 = vector.broadcast %add3A_594 : i32 to vector<16xi32>
    %add3A_596 = arith.addi %mul3A_593, %add3A_595 : vector<16xi32>
    %add3A_597 = arith.addi %add3A_596, %iota3A : vector<16xi32>
    %mul3A_598 = arith.constant 256 : i32
    %mul3A_599 = vector.broadcast %mul3A_598 : i32 to vector<16xi32>
    %mul3A_600 = arith.muli %parallel_loop3A_499#29, %mul3A_599 : vector<16xi32>
    %add3A_601 = arith.constant 224 : i32
    %add3A_602 = vector.broadcast %add3A_601 : i32 to vector<16xi32>
    %add3A_603 = arith.addi %mul3A_600, %add3A_602 : vector<16xi32>
    %add3A_604 = arith.addi %add3A_603, %iota3A : vector<16xi32>
    %mul3A_605 = arith.constant 256 : i32
    %mul3A_606 = vector.broadcast %mul3A_605 : i32 to vector<16xi32>
    %mul3A_607 = arith.muli %parallel_loop3A_499#31, %mul3A_606 : vector<16xi32>
    %add3A_608 = arith.constant 240 : i32
    %add3A_609 = vector.broadcast %add3A_608 : i32 to vector<16xi32>
    %add3A_610 = arith.addi %mul3A_607, %add3A_609 : vector<16xi32>
    %add3A_611 = arith.addi %add3A_610, %iota3A : vector<16xi32>
    %gt3A_612 = arith.cmpf ogt, %parallel_loop3A_499#2, %parallel_loop3A_499#0 : vector<16xf32>
    %eq3A_613 = arith.cmpf oeq, %parallel_loop3A_499#2, %parallel_loop3A_499#0 : vector<16xf32>
    %lt3A_614 = arith.cmpi slt, %add3A_513, %add3A_506 : vector<16xi32>
    %and3A_615 = arith.andi %eq3A_613, %lt3A_614 : vector<16xi1>
    %or3A_616 = arith.ori %gt3A_612, %and3A_615 : vector<16xi1>
    %select_n3A_617 = arith.select %or3A_616, %parallel_loop3A_499#2, %parallel_loop3A_499#0 : vector<16xi1>, vector<16xf32>
    %select_n3A_618 = arith.select %or3A_616, %add3A_513, %add3A_506 : vector<16xi1>, vector<16xi32>
    %gt3A_619 = arith.cmpf ogt, %parallel_loop3A_499#6, %parallel_loop3A_499#4 : vector<16xf32>
    %eq3A_620 = arith.cmpf oeq, %parallel_loop3A_499#6, %parallel_loop3A_499#4 : vector<16xf32>
    %lt3A_621 = arith.cmpi slt, %add3A_527, %add3A_520 : vector<16xi32>
    %and3A_622 = arith.andi %eq3A_620, %lt3A_621 : vector<16xi1>
    %or3A_623 = arith.ori %gt3A_619, %and3A_622 : vector<16xi1>
    %select_n3A_624 = arith.select %or3A_623, %parallel_loop3A_499#6, %parallel_loop3A_499#4 : vector<16xi1>, vector<16xf32>
    %select_n3A_625 = arith.select %or3A_623, %add3A_527, %add3A_520 : vector<16xi1>, vector<16xi32>
    %gt3A_626 = arith.cmpf ogt, %parallel_loop3A_499#10, %parallel_loop3A_499#8 : vector<16xf32>
    %eq3A_627 = arith.cmpf oeq, %parallel_loop3A_499#10, %parallel_loop3A_499#8 : vector<16xf32>
    %lt3A_628 = arith.cmpi slt, %add3A_541, %add3A_534 : vector<16xi32>
    %and3A_629 = arith.andi %eq3A_627, %lt3A_628 : vector<16xi1>
    %or3A_630 = arith.ori %gt3A_626, %and3A_629 : vector<16xi1>
    %select_n3A_631 = arith.select %or3A_630, %parallel_loop3A_499#10, %parallel_loop3A_499#8 : vector<16xi1>, vector<16xf32>
    %select_n3A_632 = arith.select %or3A_630, %add3A_541, %add3A_534 : vector<16xi1>, vector<16xi32>
    %gt3A_633 = arith.cmpf ogt, %parallel_loop3A_499#14, %parallel_loop3A_499#12 : vector<16xf32>
    %eq3A_634 = arith.cmpf oeq, %parallel_loop3A_499#14, %parallel_loop3A_499#12 : vector<16xf32>
    %lt3A_635 = arith.cmpi slt, %add3A_555, %add3A_548 : vector<16xi32>
    %and3A_636 = arith.andi %eq3A_634, %lt3A_635 : vector<16xi1>
    %or3A_637 = arith.ori %gt3A_633, %and3A_636 : vector<16xi1>
    %select_n3A_638 = arith.select %or3A_637, %parallel_loop3A_499#14, %parallel_loop3A_499#12 : vector<16xi1>, vector<16xf32>
    %select_n3A_639 = arith.select %or3A_637, %add3A_555, %add3A_548 : vector<16xi1>, vector<16xi32>
    %gt3A_640 = arith.cmpf ogt, %parallel_loop3A_499#18, %parallel_loop3A_499#16 : vector<16xf32>
    %eq3A_641 = arith.cmpf oeq, %parallel_loop3A_499#18, %parallel_loop3A_499#16 : vector<16xf32>
    %lt3A_642 = arith.cmpi slt, %add3A_569, %add3A_562 : vector<16xi32>
    %and3A_643 = arith.andi %eq3A_641, %lt3A_642 : vector<16xi1>
    %or3A_644 = arith.ori %gt3A_640, %and3A_643 : vector<16xi1>
    %select_n3A_645 = arith.select %or3A_644, %parallel_loop3A_499#18, %parallel_loop3A_499#16 : vector<16xi1>, vector<16xf32>
    %select_n3A_646 = arith.select %or3A_644, %add3A_569, %add3A_562 : vector<16xi1>, vector<16xi32>
    %gt3A_647 = arith.cmpf ogt, %parallel_loop3A_499#22, %parallel_loop3A_499#20 : vector<16xf32>
    %eq3A_648 = arith.cmpf oeq, %parallel_loop3A_499#22, %parallel_loop3A_499#20 : vector<16xf32>
    %lt3A_649 = arith.cmpi slt, %add3A_583, %add3A_576 : vector<16xi32>
    %and3A_650 = arith.andi %eq3A_648, %lt3A_649 : vector<16xi1>
    %or3A_651 = arith.ori %gt3A_647, %and3A_650 : vector<16xi1>
    %select_n3A_652 = arith.select %or3A_651, %parallel_loop3A_499#22, %parallel_loop3A_499#20 : vector<16xi1>, vector<16xf32>
    %select_n3A_653 = arith.select %or3A_651, %add3A_583, %add3A_576 : vector<16xi1>, vector<16xi32>
    %gt3A_654 = arith.cmpf ogt, %parallel_loop3A_499#26, %parallel_loop3A_499#24 : vector<16xf32>
    %eq3A_655 = arith.cmpf oeq, %parallel_loop3A_499#26, %parallel_loop3A_499#24 : vector<16xf32>
    %lt3A_656 = arith.cmpi slt, %add3A_597, %add3A_590 : vector<16xi32>
    %and3A_657 = arith.andi %eq3A_655, %lt3A_656 : vector<16xi1>
    %or3A_658 = arith.ori %gt3A_654, %and3A_657 : vector<16xi1>
    %select_n3A_659 = arith.select %or3A_658, %parallel_loop3A_499#26, %parallel_loop3A_499#24 : vector<16xi1>, vector<16xf32>
    %select_n3A_660 = arith.select %or3A_658, %add3A_597, %add3A_590 : vector<16xi1>, vector<16xi32>
    %gt3A_661 = arith.cmpf ogt, %parallel_loop3A_499#30, %parallel_loop3A_499#28 : vector<16xf32>
    %eq3A_662 = arith.cmpf oeq, %parallel_loop3A_499#30, %parallel_loop3A_499#28 : vector<16xf32>
    %lt3A_663 = arith.cmpi slt, %add3A_611, %add3A_604 : vector<16xi32>
    %and3A_664 = arith.andi %eq3A_662, %lt3A_663 : vector<16xi1>
    %or3A_665 = arith.ori %gt3A_661, %and3A_664 : vector<16xi1>
    %select_n3A_666 = arith.select %or3A_665, %parallel_loop3A_499#30, %parallel_loop3A_499#28 : vector<16xi1>, vector<16xf32>
    %select_n3A_667 = arith.select %or3A_665, %add3A_611, %add3A_604 : vector<16xi1>, vector<16xi32>
    %gt3A_668 = arith.cmpf ogt, %select_n3A_624, %select_n3A_617 : vector<16xf32>
    %eq3A_669 = arith.cmpf oeq, %select_n3A_624, %select_n3A_617 : vector<16xf32>
    %lt3A_670 = arith.cmpi slt, %select_n3A_625, %select_n3A_618 : vector<16xi32>
    %and3A_671 = arith.andi %eq3A_669, %lt3A_670 : vector<16xi1>
    %or3A_672 = arith.ori %gt3A_668, %and3A_671 : vector<16xi1>
    %select_n3A_673 = arith.select %or3A_672, %select_n3A_624, %select_n3A_617 : vector<16xi1>, vector<16xf32>
    %select_n3A_674 = arith.select %or3A_672, %select_n3A_625, %select_n3A_618 : vector<16xi1>, vector<16xi32>
    %gt3A_675 = arith.cmpf ogt, %select_n3A_638, %select_n3A_631 : vector<16xf32>
    %eq3A_676 = arith.cmpf oeq, %select_n3A_638, %select_n3A_631 : vector<16xf32>
    %lt3A_677 = arith.cmpi slt, %select_n3A_639, %select_n3A_632 : vector<16xi32>
    %and3A_678 = arith.andi %eq3A_676, %lt3A_677 : vector<16xi1>
    %or3A_679 = arith.ori %gt3A_675, %and3A_678 : vector<16xi1>
    %select_n3A_680 = arith.select %or3A_679, %select_n3A_638, %select_n3A_631 : vector<16xi1>, vector<16xf32>
    %select_n3A_681 = arith.select %or3A_679, %select_n3A_639, %select_n3A_632 : vector<16xi1>, vector<16xi32>
    %gt3A_682 = arith.cmpf ogt, %select_n3A_652, %select_n3A_645 : vector<16xf32>
    %eq3A_683 = arith.cmpf oeq, %select_n3A_652, %select_n3A_645 : vector<16xf32>
    %lt3A_684 = arith.cmpi slt, %select_n3A_653, %select_n3A_646 : vector<16xi32>
    %and3A_685 = arith.andi %eq3A_683, %lt3A_684 : vector<16xi1>
    %or3A_686 = arith.ori %gt3A_682, %and3A_685 : vector<16xi1>
    %select_n3A_687 = arith.select %or3A_686, %select_n3A_652, %select_n3A_645 : vector<16xi1>, vector<16xf32>
    %select_n3A_688 = arith.select %or3A_686, %select_n3A_653, %select_n3A_646 : vector<16xi1>, vector<16xi32>
    %gt3A_689 = arith.cmpf ogt, %select_n3A_666, %select_n3A_659 : vector<16xf32>
    %eq3A_690 = arith.cmpf oeq, %select_n3A_666, %select_n3A_659 : vector<16xf32>
    %lt3A_691 = arith.cmpi slt, %select_n3A_667, %select_n3A_660 : vector<16xi32>
    %and3A_692 = arith.andi %eq3A_690, %lt3A_691 : vector<16xi1>
    %or3A_693 = arith.ori %gt3A_689, %and3A_692 : vector<16xi1>
    %select_n3A_694 = arith.select %or3A_693, %select_n3A_666, %select_n3A_659 : vector<16xi1>, vector<16xf32>
    %select_n3A_695 = arith.select %or3A_693, %select_n3A_667, %select_n3A_660 : vector<16xi1>, vector<16xi32>
    %gt3A_696 = arith.cmpf ogt, %select_n3A_680, %select_n3A_673 : vector<16xf32>
    %eq3A_697 = arith.cmpf oeq, %select_n3A_680, %select_n3A_673 : vector<16xf32>
    %lt3A_698 = arith.cmpi slt, %select_n3A_681, %select_n3A_674 : vector<16xi32>
    %and3A_699 = arith.andi %eq3A_697, %lt3A_698 : vector<16xi1>
    %or3A_700 = arith.ori %gt3A_696, %and3A_699 : vector<16xi1>
    %select_n3A_701 = arith.select %or3A_700, %select_n3A_680, %select_n3A_673 : vector<16xi1>, vector<16xf32>
    %select_n3A_702 = arith.select %or3A_700, %select_n3A_681, %select_n3A_674 : vector<16xi1>, vector<16xi32>
    %gt3A_703 = arith.cmpf ogt, %select_n3A_694, %select_n3A_687 : vector<16xf32>
    %eq3A_704 = arith.cmpf oeq, %select_n3A_694, %select_n3A_687 : vector<16xf32>
    %lt3A_705 = arith.cmpi slt, %select_n3A_695, %select_n3A_688 : vector<16xi32>
    %and3A_706 = arith.andi %eq3A_704, %lt3A_705 : vector<16xi1>
    %or3A_707 = arith.ori %gt3A_703, %and3A_706 : vector<16xi1>
    %select_n3A_708 = arith.select %or3A_707, %select_n3A_694, %select_n3A_687 : vector<16xi1>, vector<16xf32>
    %select_n3A_709 = arith.select %or3A_707, %select_n3A_695, %select_n3A_688 : vector<16xi1>, vector<16xi32>
    %gt3A_710 = arith.cmpf ogt, %select_n3A_708, %select_n3A_701 : vector<16xf32>
    %eq3A_711 = arith.cmpf oeq, %select_n3A_708, %select_n3A_701 : vector<16xf32>
    %lt3A_712 = arith.cmpi slt, %select_n3A_709, %select_n3A_702 : vector<16xi32>
    %and3A_713 = arith.andi %eq3A_711, %lt3A_712 : vector<16xi1>
    %or3A_714 = arith.ori %gt3A_710, %and3A_713 : vector<16xi1>
    %select_n3A_715 = arith.select %or3A_714, %select_n3A_708, %select_n3A_701 : vector<16xi1>, vector<16xf32>
    %select_n3A_716 = arith.select %or3A_714, %select_n3A_709, %select_n3A_702 : vector<16xi1>, vector<16xi32>
    %xor3A_717 = arith.constant 8 : i32
    %xor3A_718 = vector.broadcast %xor3A_717 : i32 to vector<16xi32>
    %xor3A_719 = arith.xori %iota3A, %xor3A_718 : vector<16xi32>
    %lt3A_720 = arith.constant 0 : i32
    %lt3A_721 = vector.broadcast %lt3A_720 : i32 to vector<16xi32>
    %lt3A_722 = arith.cmpi slt, %xor3A_719, %lt3A_721 : vector<16xi32>
    %add3A_723 = arith.constant 16 : i32
    %add3A_724 = vector.broadcast %add3A_723 : i32 to vector<16xi32>
    %add3A_725 = arith.addi %xor3A_719, %add3A_724 : vector<16xi32>
    %select_n3A_726 = arith.select %lt3A_722, %add3A_725, %xor3A_719 : vector<16xi1>, vector<16xi32>
    %broadcast_in_dim3A_727 = vector.shape_cast %select_n3A_726 : vector<16xi32> to vector<16x1xi32>
    %gather3A_728 = vector.shape_cast %broadcast_in_dim3A_727 : vector<16x1xi32> to vector<16xi32>
    %gather3A_729 = tpu.dynamic_gather %select_n3A_715[%gather3A_728] in [0] : vector<16xf32>, vector<16xi32> -> vector<16xf32>
    %lt3A_730 = arith.constant 0 : i32
    %lt3A_731 = vector.broadcast %lt3A_730 : i32 to vector<16xi32>
    %lt3A_732 = arith.cmpi slt, %xor3A_719, %lt3A_731 : vector<16xi32>
    %add3A_733 = arith.constant 16 : i32
    %add3A_734 = vector.broadcast %add3A_733 : i32 to vector<16xi32>
    %add3A_735 = arith.addi %xor3A_719, %add3A_734 : vector<16xi32>
    %select_n3A_736 = arith.select %lt3A_732, %add3A_735, %xor3A_719 : vector<16xi1>, vector<16xi32>
    %broadcast_in_dim3A_737 = vector.shape_cast %select_n3A_736 : vector<16xi32> to vector<16x1xi32>
    %gather3A_738 = vector.shape_cast %broadcast_in_dim3A_737 : vector<16x1xi32> to vector<16xi32>
    %gather3A_739 = tpu.dynamic_gather %select_n3A_716[%gather3A_738] in [0] : vector<16xi32>, vector<16xi32> -> vector<16xi32>
    %gt3A_740 = arith.cmpf ogt, %gather3A_729, %select_n3A_715 : vector<16xf32>
    %eq3A_741 = arith.cmpf oeq, %gather3A_729, %select_n3A_715 : vector<16xf32>
    %lt3A_742 = arith.cmpi slt, %gather3A_739, %select_n3A_716 : vector<16xi32>
    %and3A_743 = arith.andi %eq3A_741, %lt3A_742 : vector<16xi1>
    %or3A_744 = arith.ori %gt3A_740, %and3A_743 : vector<16xi1>
    %select_n3A_745 = arith.select %or3A_744, %gather3A_729, %select_n3A_715 : vector<16xi1>, vector<16xf32>
    %select_n3A_746 = arith.select %or3A_744, %gather3A_739, %select_n3A_716 : vector<16xi1>, vector<16xi32>
    %xor3A_747 = arith.constant 4 : i32
    %xor3A_748 = vector.broadcast %xor3A_747 : i32 to vector<16xi32>
    %xor3A_749 = arith.xori %iota3A, %xor3A_748 : vector<16xi32>
    %lt3A_750 = arith.constant 0 : i32
    %lt3A_751 = vector.broadcast %lt3A_750 : i32 to vector<16xi32>
    %lt3A_752 = arith.cmpi slt, %xor3A_749, %lt3A_751 : vector<16xi32>
    %add3A_753 = arith.constant 16 : i32
    %add3A_754 = vector.broadcast %add3A_753 : i32 to vector<16xi32>
    %add3A_755 = arith.addi %xor3A_749, %add3A_754 : vector<16xi32>
    %select_n3A_756 = arith.select %lt3A_752, %add3A_755, %xor3A_749 : vector<16xi1>, vector<16xi32>
    %broadcast_in_dim3A_757 = vector.shape_cast %select_n3A_756 : vector<16xi32> to vector<16x1xi32>
    %gather3A_758 = vector.shape_cast %broadcast_in_dim3A_757 : vector<16x1xi32> to vector<16xi32>
    %gather3A_759 = tpu.dynamic_gather %select_n3A_745[%gather3A_758] in [0] : vector<16xf32>, vector<16xi32> -> vector<16xf32>
    %lt3A_760 = arith.constant 0 : i32
    %lt3A_761 = vector.broadcast %lt3A_760 : i32 to vector<16xi32>
    %lt3A_762 = arith.cmpi slt, %xor3A_749, %lt3A_761 : vector<16xi32>
    %add3A_763 = arith.constant 16 : i32
    %add3A_764 = vector.broadcast %add3A_763 : i32 to vector<16xi32>
    %add3A_765 = arith.addi %xor3A_749, %add3A_764 : vector<16xi32>
    %select_n3A_766 = arith.select %lt3A_762, %add3A_765, %xor3A_749 : vector<16xi1>, vector<16xi32>
    %broadcast_in_dim3A_767 = vector.shape_cast %select_n3A_766 : vector<16xi32> to vector<16x1xi32>
    %gather3A_768 = vector.shape_cast %broadcast_in_dim3A_767 : vector<16x1xi32> to vector<16xi32>
    %gather3A_769 = tpu.dynamic_gather %select_n3A_746[%gather3A_768] in [0] : vector<16xi32>, vector<16xi32> -> vector<16xi32>
    %gt3A_770 = arith.cmpf ogt, %gather3A_759, %select_n3A_745 : vector<16xf32>
    %eq3A_771 = arith.cmpf oeq, %gather3A_759, %select_n3A_745 : vector<16xf32>
    %lt3A_772 = arith.cmpi slt, %gather3A_769, %select_n3A_746 : vector<16xi32>
    %and3A_773 = arith.andi %eq3A_771, %lt3A_772 : vector<16xi1>
    %or3A_774 = arith.ori %gt3A_770, %and3A_773 : vector<16xi1>
    %select_n3A_775 = arith.select %or3A_774, %gather3A_759, %select_n3A_745 : vector<16xi1>, vector<16xf32>
    %select_n3A_776 = arith.select %or3A_774, %gather3A_769, %select_n3A_746 : vector<16xi1>, vector<16xi32>
    %xor3A_777 = arith.constant 2 : i32
    %xor3A_778 = vector.broadcast %xor3A_777 : i32 to vector<16xi32>
    %xor3A_779 = arith.xori %iota3A, %xor3A_778 : vector<16xi32>
    %lt3A_780 = arith.constant 0 : i32
    %lt3A_781 = vector.broadcast %lt3A_780 : i32 to vector<16xi32>
    %lt3A_782 = arith.cmpi slt, %xor3A_779, %lt3A_781 : vector<16xi32>
    %add3A_783 = arith.constant 16 : i32
    %add3A_784 = vector.broadcast %add3A_783 : i32 to vector<16xi32>
    %add3A_785 = arith.addi %xor3A_779, %add3A_784 : vector<16xi32>
    %select_n3A_786 = arith.select %lt3A_782, %add3A_785, %xor3A_779 : vector<16xi1>, vector<16xi32>
    %broadcast_in_dim3A_787 = vector.shape_cast %select_n3A_786 : vector<16xi32> to vector<16x1xi32>
    %gather3A_788 = vector.shape_cast %broadcast_in_dim3A_787 : vector<16x1xi32> to vector<16xi32>
    %gather3A_789 = tpu.dynamic_gather %select_n3A_775[%gather3A_788] in [0] : vector<16xf32>, vector<16xi32> -> vector<16xf32>
    %lt3A_790 = arith.constant 0 : i32
    %lt3A_791 = vector.broadcast %lt3A_790 : i32 to vector<16xi32>
    %lt3A_792 = arith.cmpi slt, %xor3A_779, %lt3A_791 : vector<16xi32>
    %add3A_793 = arith.constant 16 : i32
    %add3A_794 = vector.broadcast %add3A_793 : i32 to vector<16xi32>
    %add3A_795 = arith.addi %xor3A_779, %add3A_794 : vector<16xi32>
    %select_n3A_796 = arith.select %lt3A_792, %add3A_795, %xor3A_779 : vector<16xi1>, vector<16xi32>
    %broadcast_in_dim3A_797 = vector.shape_cast %select_n3A_796 : vector<16xi32> to vector<16x1xi32>
    %gather3A_798 = vector.shape_cast %broadcast_in_dim3A_797 : vector<16x1xi32> to vector<16xi32>
    %gather3A_799 = tpu.dynamic_gather %select_n3A_776[%gather3A_798] in [0] : vector<16xi32>, vector<16xi32> -> vector<16xi32>
    %gt3A_800 = arith.cmpf ogt, %gather3A_789, %select_n3A_775 : vector<16xf32>
    %eq3A_801 = arith.cmpf oeq, %gather3A_789, %select_n3A_775 : vector<16xf32>
    %lt3A_802 = arith.cmpi slt, %gather3A_799, %select_n3A_776 : vector<16xi32>
    %and3A_803 = arith.andi %eq3A_801, %lt3A_802 : vector<16xi1>
    %or3A_804 = arith.ori %gt3A_800, %and3A_803 : vector<16xi1>
    %select_n3A_805 = arith.select %or3A_804, %gather3A_789, %select_n3A_775 : vector<16xi1>, vector<16xf32>
    %select_n3A_806 = arith.select %or3A_804, %gather3A_799, %select_n3A_776 : vector<16xi1>, vector<16xi32>
    %xor3A_807 = arith.constant 1 : i32
    %xor3A_808 = vector.broadcast %xor3A_807 : i32 to vector<16xi32>
    %xor3A_809 = arith.xori %iota3A, %xor3A_808 : vector<16xi32>
    %lt3A_810 = arith.constant 0 : i32
    %lt3A_811 = vector.broadcast %lt3A_810 : i32 to vector<16xi32>
    %lt3A_812 = arith.cmpi slt, %xor3A_809, %lt3A_811 : vector<16xi32>
    %add3A_813 = arith.constant 16 : i32
    %add3A_814 = vector.broadcast %add3A_813 : i32 to vector<16xi32>
    %add3A_815 = arith.addi %xor3A_809, %add3A_814 : vector<16xi32>
    %select_n3A_816 = arith.select %lt3A_812, %add3A_815, %xor3A_809 : vector<16xi1>, vector<16xi32>
    %broadcast_in_dim3A_817 = vector.shape_cast %select_n3A_816 : vector<16xi32> to vector<16x1xi32>
    %gather3A_818 = vector.shape_cast %broadcast_in_dim3A_817 : vector<16x1xi32> to vector<16xi32>
    %gather3A_819 = tpu.dynamic_gather %select_n3A_805[%gather3A_818] in [0] : vector<16xf32>, vector<16xi32> -> vector<16xf32>
    %lt3A_820 = arith.constant 0 : i32
    %lt3A_821 = vector.broadcast %lt3A_820 : i32 to vector<16xi32>
    %lt3A_822 = arith.cmpi slt, %xor3A_809, %lt3A_821 : vector<16xi32>
    %add3A_823 = arith.constant 16 : i32
    %add3A_824 = vector.broadcast %add3A_823 : i32 to vector<16xi32>
    %add3A_825 = arith.addi %xor3A_809, %add3A_824 : vector<16xi32>
    %select_n3A_826 = arith.select %lt3A_822, %add3A_825, %xor3A_809 : vector<16xi1>, vector<16xi32>
    %broadcast_in_dim3A_827 = vector.shape_cast %select_n3A_826 : vector<16xi32> to vector<16x1xi32>
    %gather3A_828 = vector.shape_cast %broadcast_in_dim3A_827 : vector<16x1xi32> to vector<16xi32>
    %gather3A_829 = tpu.dynamic_gather %select_n3A_806[%gather3A_828] in [0] : vector<16xi32>, vector<16xi32> -> vector<16xi32>
    %gt3A_830 = arith.cmpf ogt, %gather3A_819, %select_n3A_805 : vector<16xf32>
    %eq3A_831 = arith.cmpf oeq, %gather3A_819, %select_n3A_805 : vector<16xf32>
    %lt3A_832 = arith.cmpi slt, %gather3A_829, %select_n3A_806 : vector<16xi32>
    %and3A_833 = arith.andi %eq3A_831, %lt3A_832 : vector<16xi1>
    %or3A_834 = arith.ori %gt3A_830, %and3A_833 : vector<16xi1>
    %select_n3A_835 = arith.select %or3A_834, %gather3A_819, %select_n3A_805 : vector<16xi1>, vector<16xf32>
    %select_n3A_836 = arith.select %or3A_834, %gather3A_829, %select_n3A_806 : vector<16xi1>, vector<16xi32>
    %eq3A_837 = arith.constant 1 : i32
    %eq3A_838 = vector.broadcast %eq3A_837 : i32 to vector<16xi32>
    %eq3A_839 = arith.cmpi eq, %iota3A, %eq3A_838 : vector<16xi32>
    %select_n3A_840 = arith.select %eq3A_839, %select_n3A_836, %select_n3A_425 : vector<16xi1>, vector<16xi32>
    %swap3A = arith.constant 0 : index
    %swap3A_841 = tpu.vector_load %arg6[%swap3A] {strides = array<i32>} : memref<16xi32, #tpu.memory_space<vmem>>, vector<16xi32>,
    %swap3A_842 = vector.shape_cast %swap3A_841 : vector<16xi32> to vector<16xi32>
    %swap3A_843 = vector.shape_cast %select_n3A_840 : vector<16xi32> to vector<16xi32>
    tpu.vector_store %arg6[%swap3A], %swap3A_843 {strides = array<i32>} : memref<16xi32, #tpu.memory_space<vmem>>, vector<16xi32>,
    "tpu.region"() ({
      %run_scoped3A = tpu.sem_alloc : memref<!tpu.dma_semaphore, #tpu.memory_space<semaphore_mem>>
      %dma_start3A_844 = arith.constant 0 : i32
      %dma_start3A_845 = tpu.memref_slice %arg3[%add3A, %dma_start3A_844] : memref<32x16xi32, #tpu.memory_space<hbm>> -> memref<1x16xi32, #tpu.memory_space<hbm>>
      %dma_start3A_846 = tpu.memref_squeeze %dma_start3A_845 : memref<1x16xi32, #tpu.memory_space<hbm>> -> memref<16xi32, #tpu.memory_space<hbm>>
      %dma_start3A_847 = arith.constant 0 : i32
      %dma_start3A_848 = tpu.memref_slice %arg3[%add3A, %dma_start3A_847] : memref<32x16xi32, #tpu.memory_space<hbm>> -> memref<1x16xi32, #tpu.memory_space<hbm>>
      %dma_start3A_849 = tpu.memref_squeeze %dma_start3A_848 : memref<1x16xi32, #tpu.memory_space<hbm>> -> memref<16xi32, #tpu.memory_space<hbm>>
      tpu.enqueue_dma source(%arg6 : memref<16xi32, #tpu.memory_space<vmem>>) target(%dma_start3A_849 : memref<16xi32, #tpu.memory_space<hbm>>) target_semaphore(%run_scoped3A : memref<!tpu.dma_semaphore, #tpu.memory_space<semaphore_mem>>)
      %dma_wait3A_850 = arith.constant 0 : i32
      %dma_wait3A_851 = tpu.memref_slice %arg3[%add3A, %dma_wait3A_850] : memref<32x16xi32, #tpu.memory_space<hbm>> -> memref<1x16xi32, #tpu.memory_space<hbm>>
      %dma_wait3A_852 = tpu.memref_squeeze %dma_wait3A_851 : memref<1x16xi32, #tpu.memory_space<hbm>> -> memref<16xi32, #tpu.memory_space<hbm>>
      %dma_wait3A_853 = arith.constant 0 : i32
      %dma_wait3A_854 = tpu.memref_slice %arg3[%add3A, %dma_wait3A_853] : memref<32x16xi32, #tpu.memory_space<hbm>> -> memref<1x16xi32, #tpu.memory_space<hbm>>
      %dma_wait3A_855 = tpu.memref_squeeze %dma_wait3A_854 : memref<1x16xi32, #tpu.memory_space<hbm>> -> memref<16xi32, #tpu.memory_space<hbm>>
      tpu.wait_dma2 semaphore(%run_scoped3A : memref<!tpu.dma_semaphore, #tpu.memory_space<semaphore_mem>>) src(%arg6 : memref<16xi32, #tpu.memory_space<vmem>>) dst(%dma_wait3A_855 : memref<16xi32, #tpu.memory_space<hbm>>)
      tpu.yield
    }) : () -> ()
    return
  }
}

module attributes {stable_mosaic.version = 14 : i64} {
  func.func @_tc_body(%arg0: i32, %arg1: memref<8x32768xf32, #tpu.memory_space<vmem>>, %arg2: memref<1x8x128xi32, #tpu.memory_space<vmem>>) attributes {dimension_semantics = [#tpu.dimension_semantics<parallel>], iteration_bounds = array<i64: 8>, scalar_prefetch = 0 : i64, scratch_operands = 0 : i64, tpu.core_type = #tpu.core_type<tc>, window_params = [{transform_indices = @transform_0, window_bounds = array<i64: 8, 32768>}, {transform_indices = @transform_1, window_bounds = array<i64: 1, 8, 128>}]} {
    %iota3A = tpu.iota {dimensions = array<i32: 1>} : vector<8x128xi32>
    %broadcast_in_dim3A = arith.constant 0xFF800000 : f32
    %broadcast_in_dim3A_0 = vector.broadcast %broadcast_in_dim3A : f32 to vector<8x128xf32>
    %broadcast_in_dim3A_1 = arith.constant 0 : i32
    %broadcast_in_dim3A_2 = vector.broadcast %broadcast_in_dim3A_1 : i32 to vector<8x128xi32>
    %broadcast_in_dim3A_3 = arith.constant 0xFF800000 : f32
    %broadcast_in_dim3A_4 = vector.broadcast %broadcast_in_dim3A_3 : f32 to vector<8x128xf32>
    %broadcast_in_dim3A_5 = arith.constant 0 : i32
    %broadcast_in_dim3A_6 = vector.broadcast %broadcast_in_dim3A_5 : i32 to vector<8x128xi32>
    %broadcast_in_dim3A_7 = arith.constant 0xFF800000 : f32
    %broadcast_in_dim3A_8 = vector.broadcast %broadcast_in_dim3A_7 : f32 to vector<8x128xf32>
    %broadcast_in_dim3A_9 = arith.constant 0 : i32
    %broadcast_in_dim3A_10 = vector.broadcast %broadcast_in_dim3A_9 : i32 to vector<8x128xi32>
    %broadcast_in_dim3A_11 = arith.constant 0xFF800000 : f32
    %broadcast_in_dim3A_12 = vector.broadcast %broadcast_in_dim3A_11 : f32 to vector<8x128xf32>
    %broadcast_in_dim3A_13 = arith.constant 0 : i32
    %broadcast_in_dim3A_14 = vector.broadcast %broadcast_in_dim3A_13 : i32 to vector<8x128xi32>
    %broadcast_in_dim3A_15 = arith.constant 0xFF800000 : f32
    %broadcast_in_dim3A_16 = vector.broadcast %broadcast_in_dim3A_15 : f32 to vector<8x128xf32>
    %broadcast_in_dim3A_17 = arith.constant 0 : i32
    %broadcast_in_dim3A_18 = vector.broadcast %broadcast_in_dim3A_17 : i32 to vector<8x128xi32>
    %broadcast_in_dim3A_19 = arith.constant 0xFF800000 : f32
    %broadcast_in_dim3A_20 = vector.broadcast %broadcast_in_dim3A_19 : f32 to vector<8x128xf32>
    %broadcast_in_dim3A_21 = arith.constant 0 : i32
    %broadcast_in_dim3A_22 = vector.broadcast %broadcast_in_dim3A_21 : i32 to vector<8x128xi32>
    %broadcast_in_dim3A_23 = arith.constant 0xFF800000 : f32
    %broadcast_in_dim3A_24 = vector.broadcast %broadcast_in_dim3A_23 : f32 to vector<8x128xf32>
    %broadcast_in_dim3A_25 = arith.constant 0 : i32
    %broadcast_in_dim3A_26 = vector.broadcast %broadcast_in_dim3A_25 : i32 to vector<8x128xi32>
    %broadcast_in_dim3A_27 = arith.constant 0xFF800000 : f32
    %broadcast_in_dim3A_28 = vector.broadcast %broadcast_in_dim3A_27 : f32 to vector<8x128xf32>
    %broadcast_in_dim3A_29 = arith.constant 0 : i32
    %broadcast_in_dim3A_30 = vector.broadcast %broadcast_in_dim3A_29 : i32 to vector<8x128xi32>
    %broadcast_in_dim3A_31 = arith.constant 0xFF800000 : f32
    %broadcast_in_dim3A_32 = vector.broadcast %broadcast_in_dim3A_31 : f32 to vector<8x128xf32>
    %broadcast_in_dim3A_33 = arith.constant 0 : i32
    %broadcast_in_dim3A_34 = vector.broadcast %broadcast_in_dim3A_33 : i32 to vector<8x128xi32>
    %broadcast_in_dim3A_35 = arith.constant 0xFF800000 : f32
    %broadcast_in_dim3A_36 = vector.broadcast %broadcast_in_dim3A_35 : f32 to vector<8x128xf32>
    %broadcast_in_dim3A_37 = arith.constant 0 : i32
    %broadcast_in_dim3A_38 = vector.broadcast %broadcast_in_dim3A_37 : i32 to vector<8x128xi32>
    %broadcast_in_dim3A_39 = arith.constant 0xFF800000 : f32
    %broadcast_in_dim3A_40 = vector.broadcast %broadcast_in_dim3A_39 : f32 to vector<8x128xf32>
    %broadcast_in_dim3A_41 = arith.constant 0 : i32
    %broadcast_in_dim3A_42 = vector.broadcast %broadcast_in_dim3A_41 : i32 to vector<8x128xi32>
    %broadcast_in_dim3A_43 = arith.constant 0xFF800000 : f32
    %broadcast_in_dim3A_44 = vector.broadcast %broadcast_in_dim3A_43 : f32 to vector<8x128xf32>
    %broadcast_in_dim3A_45 = arith.constant 0 : i32
    %broadcast_in_dim3A_46 = vector.broadcast %broadcast_in_dim3A_45 : i32 to vector<8x128xi32>
    %broadcast_in_dim3A_47 = arith.constant 0xFF800000 : f32
    %broadcast_in_dim3A_48 = vector.broadcast %broadcast_in_dim3A_47 : f32 to vector<8x128xf32>
    %broadcast_in_dim3A_49 = arith.constant 0 : i32
    %broadcast_in_dim3A_50 = vector.broadcast %broadcast_in_dim3A_49 : i32 to vector<8x128xi32>
    %broadcast_in_dim3A_51 = arith.constant 0xFF800000 : f32
    %broadcast_in_dim3A_52 = vector.broadcast %broadcast_in_dim3A_51 : f32 to vector<8x128xf32>
    %broadcast_in_dim3A_53 = arith.constant 0 : i32
    %broadcast_in_dim3A_54 = vector.broadcast %broadcast_in_dim3A_53 : i32 to vector<8x128xi32>
    %broadcast_in_dim3A_55 = arith.constant 0xFF800000 : f32
    %broadcast_in_dim3A_56 = vector.broadcast %broadcast_in_dim3A_55 : f32 to vector<8x128xf32>
    %broadcast_in_dim3A_57 = arith.constant 0 : i32
    %broadcast_in_dim3A_58 = vector.broadcast %broadcast_in_dim3A_57 : i32 to vector<8x128xi32>
    %broadcast_in_dim3A_59 = arith.constant 0xFF800000 : f32
    %broadcast_in_dim3A_60 = vector.broadcast %broadcast_in_dim3A_59 : f32 to vector<8x128xf32>
    %broadcast_in_dim3A_61 = arith.constant 0 : i32
    %broadcast_in_dim3A_62 = vector.broadcast %broadcast_in_dim3A_61 : i32 to vector<8x128xi32>
    %get3A = arith.constant 0 : index
    %get3A_63 = arith.constant 0 : index
    %get3A_64 = vector.load %arg1[%get3A, %get3A_63] : memref<8x32768xf32, #tpu.memory_space<vmem>>, vector<8x128xf32>
    %gt3A = arith.cmpf ogt, %get3A_64, %broadcast_in_dim3A_0 : vector<8x128xf32>
    %select_n3A = arith.select %gt3A, %get3A_64, %broadcast_in_dim3A_0 : vector<8x128xi1>, vector<8x128xf32>
    %jit3A = arith.constant 0 : i32
    %broadcast_in_dim3A_65 = vector.broadcast %jit3A : i32 to vector<8x128xi32>
    %select_n3A_66 = arith.select %gt3A, %broadcast_in_dim3A_65, %broadcast_in_dim3A_2 : vector<8x128xi1>, vector<8x128xi32>
    %get3A_67 = arith.constant 0 : index
    %get3A_68 = arith.constant 128 : index
    %get3A_69 = vector.load %arg1[%get3A_67, %get3A_68] : memref<8x32768xf32, #tpu.memory_space<vmem>>, vector<8x128xf32>
    %gt3A_70 = arith.cmpf ogt, %get3A_69, %broadcast_in_dim3A_4 : vector<8x128xf32>
    %select_n3A_71 = arith.select %gt3A_70, %get3A_69, %broadcast_in_dim3A_4 : vector<8x128xi1>, vector<8x128xf32>
    %jit3A_72 = arith.constant 0 : i32
    %broadcast_in_dim3A_73 = vector.broadcast %jit3A_72 : i32 to vector<8x128xi32>
    %select_n3A_74 = arith.select %gt3A_70, %broadcast_in_dim3A_73, %broadcast_in_dim3A_6 : vector<8x128xi1>, vector<8x128xi32>
    %get3A_75 = arith.constant 0 : index
    %get3A_76 = arith.constant 256 : index
    %get3A_77 = vector.load %arg1[%get3A_75, %get3A_76] : memref<8x32768xf32, #tpu.memory_space<vmem>>, vector<8x128xf32>
    %gt3A_78 = arith.cmpf ogt, %get3A_77, %broadcast_in_dim3A_8 : vector<8x128xf32>
    %select_n3A_79 = arith.select %gt3A_78, %get3A_77, %broadcast_in_dim3A_8 : vector<8x128xi1>, vector<8x128xf32>
    %jit3A_80 = arith.constant 0 : i32
    %broadcast_in_dim3A_81 = vector.broadcast %jit3A_80 : i32 to vector<8x128xi32>
    %select_n3A_82 = arith.select %gt3A_78, %broadcast_in_dim3A_81, %broadcast_in_dim3A_10 : vector<8x128xi1>, vector<8x128xi32>
    %get3A_83 = arith.constant 0 : index
    %get3A_84 = arith.constant 384 : index
    %get3A_85 = vector.load %arg1[%get3A_83, %get3A_84] : memref<8x32768xf32, #tpu.memory_space<vmem>>, vector<8x128xf32>
    %gt3A_86 = arith.cmpf ogt, %get3A_85, %broadcast_in_dim3A_12 : vector<8x128xf32>
    %select_n3A_87 = arith.select %gt3A_86, %get3A_85, %broadcast_in_dim3A_12 : vector<8x128xi1>, vector<8x128xf32>
    %jit3A_88 = arith.constant 0 : i32
    %broadcast_in_dim3A_89 = vector.broadcast %jit3A_88 : i32 to vector<8x128xi32>
    %select_n3A_90 = arith.select %gt3A_86, %broadcast_in_dim3A_89, %broadcast_in_dim3A_14 : vector<8x128xi1>, vector<8x128xi32>
    %get3A_91 = arith.constant 0 : index
    %get3A_92 = arith.constant 512 : index
    %get3A_93 = vector.load %arg1[%get3A_91, %get3A_92] : memref<8x32768xf32, #tpu.memory_space<vmem>>, vector<8x128xf32>
    %gt3A_94 = arith.cmpf ogt, %get3A_93, %broadcast_in_dim3A_16 : vector<8x128xf32>
    %select_n3A_95 = arith.select %gt3A_94, %get3A_93, %broadcast_in_dim3A_16 : vector<8x128xi1>, vector<8x128xf32>
    %jit3A_96 = arith.constant 0 : i32
    %broadcast_in_dim3A_97 = vector.broadcast %jit3A_96 : i32 to vector<8x128xi32>
    %select_n3A_98 = arith.select %gt3A_94, %broadcast_in_dim3A_97, %broadcast_in_dim3A_18 : vector<8x128xi1>, vector<8x128xi32>
    %get3A_99 = arith.constant 0 : index
    %get3A_100 = arith.constant 640 : index
    %get3A_101 = vector.load %arg1[%get3A_99, %get3A_100] : memref<8x32768xf32, #tpu.memory_space<vmem>>, vector<8x128xf32>
    %gt3A_102 = arith.cmpf ogt, %get3A_101, %broadcast_in_dim3A_20 : vector<8x128xf32>
    %select_n3A_103 = arith.select %gt3A_102, %get3A_101, %broadcast_in_dim3A_20 : vector<8x128xi1>, vector<8x128xf32>
    %jit3A_104 = arith.constant 0 : i32
    %broadcast_in_dim3A_105 = vector.broadcast %jit3A_104 : i32 to vector<8x128xi32>
    %select_n3A_106 = arith.select %gt3A_102, %broadcast_in_dim3A_105, %broadcast_in_dim3A_22 : vector<8x128xi1>, vector<8x128xi32>
    %get3A_107 = arith.constant 0 : index
    %get3A_108 = arith.constant 768 : index
    %get3A_109 = vector.load %arg1[%get3A_107, %get3A_108] : memref<8x32768xf32, #tpu.memory_space<vmem>>, vector<8x128xf32>
    %gt3A_110 = arith.cmpf ogt, %get3A_109, %broadcast_in_dim3A_24 : vector<8x128xf32>
    %select_n3A_111 = arith.select %gt3A_110, %get3A_109, %broadcast_in_dim3A_24 : vector<8x128xi1>, vector<8x128xf32>
    %jit3A_112 = arith.constant 0 : i32
    %broadcast_in_dim3A_113 = vector.broadcast %jit3A_112 : i32 to vector<8x128xi32>
    %select_n3A_114 = arith.select %gt3A_110, %broadcast_in_dim3A_113, %broadcast_in_dim3A_26 : vector<8x128xi1>, vector<8x128xi32>
    %get3A_115 = arith.constant 0 : index
    %get3A_116 = arith.constant 896 : index
    %get3A_117 = vector.load %arg1[%get3A_115, %get3A_116] : memref<8x32768xf32, #tpu.memory_space<vmem>>, vector<8x128xf32>
    %gt3A_118 = arith.cmpf ogt, %get3A_117, %broadcast_in_dim3A_28 : vector<8x128xf32>
    %select_n3A_119 = arith.select %gt3A_118, %get3A_117, %broadcast_in_dim3A_28 : vector<8x128xi1>, vector<8x128xf32>
    %jit3A_120 = arith.constant 0 : i32
    %broadcast_in_dim3A_121 = vector.broadcast %jit3A_120 : i32 to vector<8x128xi32>
    %select_n3A_122 = arith.select %gt3A_118, %broadcast_in_dim3A_121, %broadcast_in_dim3A_30 : vector<8x128xi1>, vector<8x128xi32>
    %get3A_123 = arith.constant 0 : index
    %get3A_124 = arith.constant 1024 : index
    %get3A_125 = vector.load %arg1[%get3A_123, %get3A_124] : memref<8x32768xf32, #tpu.memory_space<vmem>>, vector<8x128xf32>
    %gt3A_126 = arith.cmpf ogt, %get3A_125, %broadcast_in_dim3A_32 : vector<8x128xf32>
    %select_n3A_127 = arith.select %gt3A_126, %get3A_125, %broadcast_in_dim3A_32 : vector<8x128xi1>, vector<8x128xf32>
    %jit3A_128 = arith.constant 0 : i32
    %broadcast_in_dim3A_129 = vector.broadcast %jit3A_128 : i32 to vector<8x128xi32>
    %select_n3A_130 = arith.select %gt3A_126, %broadcast_in_dim3A_129, %broadcast_in_dim3A_34 : vector<8x128xi1>, vector<8x128xi32>
    %get3A_131 = arith.constant 0 : index
    %get3A_132 = arith.constant 1152 : index
    %get3A_133 = vector.load %arg1[%get3A_131, %get3A_132] : memref<8x32768xf32, #tpu.memory_space<vmem>>, vector<8x128xf32>
    %gt3A_134 = arith.cmpf ogt, %get3A_133, %broadcast_in_dim3A_36 : vector<8x128xf32>
    %select_n3A_135 = arith.select %gt3A_134, %get3A_133, %broadcast_in_dim3A_36 : vector<8x128xi1>, vector<8x128xf32>
    %jit3A_136 = arith.constant 0 : i32
    %broadcast_in_dim3A_137 = vector.broadcast %jit3A_136 : i32 to vector<8x128xi32>
    %select_n3A_138 = arith.select %gt3A_134, %broadcast_in_dim3A_137, %broadcast_in_dim3A_38 : vector<8x128xi1>, vector<8x128xi32>
    %get3A_139 = arith.constant 0 : index
    %get3A_140 = arith.constant 1280 : index
    %get3A_141 = vector.load %arg1[%get3A_139, %get3A_140] : memref<8x32768xf32, #tpu.memory_space<vmem>>, vector<8x128xf32>
    %gt3A_142 = arith.cmpf ogt, %get3A_141, %broadcast_in_dim3A_40 : vector<8x128xf32>
    %select_n3A_143 = arith.select %gt3A_142, %get3A_141, %broadcast_in_dim3A_40 : vector<8x128xi1>, vector<8x128xf32>
    %jit3A_144 = arith.constant 0 : i32
    %broadcast_in_dim3A_145 = vector.broadcast %jit3A_144 : i32 to vector<8x128xi32>
    %select_n3A_146 = arith.select %gt3A_142, %broadcast_in_dim3A_145, %broadcast_in_dim3A_42 : vector<8x128xi1>, vector<8x128xi32>
    %get3A_147 = arith.constant 0 : index
    %get3A_148 = arith.constant 1408 : index
    %get3A_149 = vector.load %arg1[%get3A_147, %get3A_148] : memref<8x32768xf32, #tpu.memory_space<vmem>>, vector<8x128xf32>
    %gt3A_150 = arith.cmpf ogt, %get3A_149, %broadcast_in_dim3A_44 : vector<8x128xf32>
    %select_n3A_151 = arith.select %gt3A_150, %get3A_149, %broadcast_in_dim3A_44 : vector<8x128xi1>, vector<8x128xf32>
    %jit3A_152 = arith.constant 0 : i32
    %broadcast_in_dim3A_153 = vector.broadcast %jit3A_152 : i32 to vector<8x128xi32>
    %select_n3A_154 = arith.select %gt3A_150, %broadcast_in_dim3A_153, %broadcast_in_dim3A_46 : vector<8x128xi1>, vector<8x128xi32>
    %get3A_155 = arith.constant 0 : index
    %get3A_156 = arith.constant 1536 : index
    %get3A_157 = vector.load %arg1[%get3A_155, %get3A_156] : memref<8x32768xf32, #tpu.memory_space<vmem>>, vector<8x128xf32>
    %gt3A_158 = arith.cmpf ogt, %get3A_157, %broadcast_in_dim3A_48 : vector<8x128xf32>
    %select_n3A_159 = arith.select %gt3A_158, %get3A_157, %broadcast_in_dim3A_48 : vector<8x128xi1>, vector<8x128xf32>
    %jit3A_160 = arith.constant 0 : i32
    %broadcast_in_dim3A_161 = vector.broadcast %jit3A_160 : i32 to vector<8x128xi32>
    %select_n3A_162 = arith.select %gt3A_158, %broadcast_in_dim3A_161, %broadcast_in_dim3A_50 : vector<8x128xi1>, vector<8x128xi32>
    %get3A_163 = arith.constant 0 : index
    %get3A_164 = arith.constant 1664 : index
    %get3A_165 = vector.load %arg1[%get3A_163, %get3A_164] : memref<8x32768xf32, #tpu.memory_space<vmem>>, vector<8x128xf32>
    %gt3A_166 = arith.cmpf ogt, %get3A_165, %broadcast_in_dim3A_52 : vector<8x128xf32>
    %select_n3A_167 = arith.select %gt3A_166, %get3A_165, %broadcast_in_dim3A_52 : vector<8x128xi1>, vector<8x128xf32>
    %jit3A_168 = arith.constant 0 : i32
    %broadcast_in_dim3A_169 = vector.broadcast %jit3A_168 : i32 to vector<8x128xi32>
    %select_n3A_170 = arith.select %gt3A_166, %broadcast_in_dim3A_169, %broadcast_in_dim3A_54 : vector<8x128xi1>, vector<8x128xi32>
    %get3A_171 = arith.constant 0 : index
    %get3A_172 = arith.constant 1792 : index
    %get3A_173 = vector.load %arg1[%get3A_171, %get3A_172] : memref<8x32768xf32, #tpu.memory_space<vmem>>, vector<8x128xf32>
    %gt3A_174 = arith.cmpf ogt, %get3A_173, %broadcast_in_dim3A_56 : vector<8x128xf32>
    %select_n3A_175 = arith.select %gt3A_174, %get3A_173, %broadcast_in_dim3A_56 : vector<8x128xi1>, vector<8x128xf32>
    %jit3A_176 = arith.constant 0 : i32
    %broadcast_in_dim3A_177 = vector.broadcast %jit3A_176 : i32 to vector<8x128xi32>
    %select_n3A_178 = arith.select %gt3A_174, %broadcast_in_dim3A_177, %broadcast_in_dim3A_58 : vector<8x128xi1>, vector<8x128xi32>
    %get3A_179 = arith.constant 0 : index
    %get3A_180 = arith.constant 1920 : index
    %get3A_181 = vector.load %arg1[%get3A_179, %get3A_180] : memref<8x32768xf32, #tpu.memory_space<vmem>>, vector<8x128xf32>
    %gt3A_182 = arith.cmpf ogt, %get3A_181, %broadcast_in_dim3A_60 : vector<8x128xf32>
    %select_n3A_183 = arith.select %gt3A_182, %get3A_181, %broadcast_in_dim3A_60 : vector<8x128xi1>, vector<8x128xf32>
    %jit3A_184 = arith.constant 0 : i32
    %broadcast_in_dim3A_185 = vector.broadcast %jit3A_184 : i32 to vector<8x128xi32>
    %select_n3A_186 = arith.select %gt3A_182, %broadcast_in_dim3A_185, %broadcast_in_dim3A_62 : vector<8x128xi1>, vector<8x128xi32>
    %get3A_187 = arith.constant 0 : index
    %get3A_188 = arith.constant 2048 : index
    %get3A_189 = vector.load %arg1[%get3A_187, %get3A_188] : memref<8x32768xf32, #tpu.memory_space<vmem>>, vector<8x128xf32>
    %gt3A_190 = arith.cmpf ogt, %get3A_189, %select_n3A : vector<8x128xf32>
    %select_n3A_191 = arith.select %gt3A_190, %get3A_189, %select_n3A : vector<8x128xi1>, vector<8x128xf32>
    %jit3A_192 = arith.constant 1 : i32
    %broadcast_in_dim3A_193 = vector.broadcast %jit3A_192 : i32 to vector<8x128xi32>
    %select_n3A_194 = arith.select %gt3A_190, %broadcast_in_dim3A_193, %select_n3A_66 : vector<8x128xi1>, vector<8x128xi32>
    %get3A_195 = arith.constant 0 : index
    %get3A_196 = arith.constant 2176 : index
    %get3A_197 = vector.load %arg1[%get3A_195, %get3A_196] : memref<8x32768xf32, #tpu.memory_space<vmem>>, vector<8x128xf32>
    %gt3A_198 = arith.cmpf ogt, %get3A_197, %select_n3A_71 : vector<8x128xf32>
    %select_n3A_199 = arith.select %gt3A_198, %get3A_197, %select_n3A_71 : vector<8x128xi1>, vector<8x128xf32>
    %jit3A_200 = arith.constant 1 : i32
    %broadcast_in_dim3A_201 = vector.broadcast %jit3A_200 : i32 to vector<8x128xi32>
    %select_n3A_202 = arith.select %gt3A_198, %broadcast_in_dim3A_201, %select_n3A_74 : vector<8x128xi1>, vector<8x128xi32>
    %get3A_203 = arith.constant 0 : index
    %get3A_204 = arith.constant 2304 : index
    %get3A_205 = vector.load %arg1[%get3A_203, %get3A_204] : memref<8x32768xf32, #tpu.memory_space<vmem>>, vector<8x128xf32>
    %gt3A_206 = arith.cmpf ogt, %get3A_205, %select_n3A_79 : vector<8x128xf32>
    %select_n3A_207 = arith.select %gt3A_206, %get3A_205, %select_n3A_79 : vector<8x128xi1>, vector<8x128xf32>
    %jit3A_208 = arith.constant 1 : i32
    %broadcast_in_dim3A_209 = vector.broadcast %jit3A_208 : i32 to vector<8x128xi32>
    %select_n3A_210 = arith.select %gt3A_206, %broadcast_in_dim3A_209, %select_n3A_82 : vector<8x128xi1>, vector<8x128xi32>
    %get3A_211 = arith.constant 0 : index
    %get3A_212 = arith.constant 2432 : index
    %get3A_213 = vector.load %arg1[%get3A_211, %get3A_212] : memref<8x32768xf32, #tpu.memory_space<vmem>>, vector<8x128xf32>
    %gt3A_214 = arith.cmpf ogt, %get3A_213, %select_n3A_87 : vector<8x128xf32>
    %select_n3A_215 = arith.select %gt3A_214, %get3A_213, %select_n3A_87 : vector<8x128xi1>, vector<8x128xf32>
    %jit3A_216 = arith.constant 1 : i32
    %broadcast_in_dim3A_217 = vector.broadcast %jit3A_216 : i32 to vector<8x128xi32>
    %select_n3A_218 = arith.select %gt3A_214, %broadcast_in_dim3A_217, %select_n3A_90 : vector<8x128xi1>, vector<8x128xi32>
    %get3A_219 = arith.constant 0 : index
    %get3A_220 = arith.constant 2560 : index
    %get3A_221 = vector.load %arg1[%get3A_219, %get3A_220] : memref<8x32768xf32, #tpu.memory_space<vmem>>, vector<8x128xf32>
    %gt3A_222 = arith.cmpf ogt, %get3A_221, %select_n3A_95 : vector<8x128xf32>
    %select_n3A_223 = arith.select %gt3A_222, %get3A_221, %select_n3A_95 : vector<8x128xi1>, vector<8x128xf32>
    %jit3A_224 = arith.constant 1 : i32
    %broadcast_in_dim3A_225 = vector.broadcast %jit3A_224 : i32 to vector<8x128xi32>
    %select_n3A_226 = arith.select %gt3A_222, %broadcast_in_dim3A_225, %select_n3A_98 : vector<8x128xi1>, vector<8x128xi32>
    %get3A_227 = arith.constant 0 : index
    %get3A_228 = arith.constant 2688 : index
    %get3A_229 = vector.load %arg1[%get3A_227, %get3A_228] : memref<8x32768xf32, #tpu.memory_space<vmem>>, vector<8x128xf32>
    %gt3A_230 = arith.cmpf ogt, %get3A_229, %select_n3A_103 : vector<8x128xf32>
    %select_n3A_231 = arith.select %gt3A_230, %get3A_229, %select_n3A_103 : vector<8x128xi1>, vector<8x128xf32>
    %jit3A_232 = arith.constant 1 : i32
    %broadcast_in_dim3A_233 = vector.broadcast %jit3A_232 : i32 to vector<8x128xi32>
    %select_n3A_234 = arith.select %gt3A_230, %broadcast_in_dim3A_233, %select_n3A_106 : vector<8x128xi1>, vector<8x128xi32>
    %get3A_235 = arith.constant 0 : index
    %get3A_236 = arith.constant 2816 : index
    %get3A_237 = vector.load %arg1[%get3A_235, %get3A_236] : memref<8x32768xf32, #tpu.memory_space<vmem>>, vector<8x128xf32>
    %gt3A_238 = arith.cmpf ogt, %get3A_237, %select_n3A_111 : vector<8x128xf32>
    %select_n3A_239 = arith.select %gt3A_238, %get3A_237, %select_n3A_111 : vector<8x128xi1>, vector<8x128xf32>
    %jit3A_240 = arith.constant 1 : i32
    %broadcast_in_dim3A_241 = vector.broadcast %jit3A_240 : i32 to vector<8x128xi32>
    %select_n3A_242 = arith.select %gt3A_238, %broadcast_in_dim3A_241, %select_n3A_114 : vector<8x128xi1>, vector<8x128xi32>
    %get3A_243 = arith.constant 0 : index
    %get3A_244 = arith.constant 2944 : index
    %get3A_245 = vector.load %arg1[%get3A_243, %get3A_244] : memref<8x32768xf32, #tpu.memory_space<vmem>>, vector<8x128xf32>
    %gt3A_246 = arith.cmpf ogt, %get3A_245, %select_n3A_119 : vector<8x128xf32>
    %select_n3A_247 = arith.select %gt3A_246, %get3A_245, %select_n3A_119 : vector<8x128xi1>, vector<8x128xf32>
    %jit3A_248 = arith.constant 1 : i32
    %broadcast_in_dim3A_249 = vector.broadcast %jit3A_248 : i32 to vector<8x128xi32>
    %select_n3A_250 = arith.select %gt3A_246, %broadcast_in_dim3A_249, %select_n3A_122 : vector<8x128xi1>, vector<8x128xi32>
    %get3A_251 = arith.constant 0 : index
    %get3A_252 = arith.constant 3072 : index
    %get3A_253 = vector.load %arg1[%get3A_251, %get3A_252] : memref<8x32768xf32, #tpu.memory_space<vmem>>, vector<8x128xf32>
    %gt3A_254 = arith.cmpf ogt, %get3A_253, %select_n3A_127 : vector<8x128xf32>
    %select_n3A_255 = arith.select %gt3A_254, %get3A_253, %select_n3A_127 : vector<8x128xi1>, vector<8x128xf32>
    %jit3A_256 = arith.constant 1 : i32
    %broadcast_in_dim3A_257 = vector.broadcast %jit3A_256 : i32 to vector<8x128xi32>
    %select_n3A_258 = arith.select %gt3A_254, %broadcast_in_dim3A_257, %select_n3A_130 : vector<8x128xi1>, vector<8x128xi32>
    %get3A_259 = arith.constant 0 : index
    %get3A_260 = arith.constant 3200 : index
    %get3A_261 = vector.load %arg1[%get3A_259, %get3A_260] : memref<8x32768xf32, #tpu.memory_space<vmem>>, vector<8x128xf32>
    %gt3A_262 = arith.cmpf ogt, %get3A_261, %select_n3A_135 : vector<8x128xf32>
    %select_n3A_263 = arith.select %gt3A_262, %get3A_261, %select_n3A_135 : vector<8x128xi1>, vector<8x128xf32>
    %jit3A_264 = arith.constant 1 : i32
    %broadcast_in_dim3A_265 = vector.broadcast %jit3A_264 : i32 to vector<8x128xi32>
    %select_n3A_266 = arith.select %gt3A_262, %broadcast_in_dim3A_265, %select_n3A_138 : vector<8x128xi1>, vector<8x128xi32>
    %get3A_267 = arith.constant 0 : index
    %get3A_268 = arith.constant 3328 : index
    %get3A_269 = vector.load %arg1[%get3A_267, %get3A_268] : memref<8x32768xf32, #tpu.memory_space<vmem>>, vector<8x128xf32>
    %gt3A_270 = arith.cmpf ogt, %get3A_269, %select_n3A_143 : vector<8x128xf32>
    %select_n3A_271 = arith.select %gt3A_270, %get3A_269, %select_n3A_143 : vector<8x128xi1>, vector<8x128xf32>
    %jit3A_272 = arith.constant 1 : i32
    %broadcast_in_dim3A_273 = vector.broadcast %jit3A_272 : i32 to vector<8x128xi32>
    %select_n3A_274 = arith.select %gt3A_270, %broadcast_in_dim3A_273, %select_n3A_146 : vector<8x128xi1>, vector<8x128xi32>
    %get3A_275 = arith.constant 0 : index
    %get3A_276 = arith.constant 3456 : index
    %get3A_277 = vector.load %arg1[%get3A_275, %get3A_276] : memref<8x32768xf32, #tpu.memory_space<vmem>>, vector<8x128xf32>
    %gt3A_278 = arith.cmpf ogt, %get3A_277, %select_n3A_151 : vector<8x128xf32>
    %select_n3A_279 = arith.select %gt3A_278, %get3A_277, %select_n3A_151 : vector<8x128xi1>, vector<8x128xf32>
    %jit3A_280 = arith.constant 1 : i32
    %broadcast_in_dim3A_281 = vector.broadcast %jit3A_280 : i32 to vector<8x128xi32>
    %select_n3A_282 = arith.select %gt3A_278, %broadcast_in_dim3A_281, %select_n3A_154 : vector<8x128xi1>, vector<8x128xi32>
    %get3A_283 = arith.constant 0 : index
    %get3A_284 = arith.constant 3584 : index
    %get3A_285 = vector.load %arg1[%get3A_283, %get3A_284] : memref<8x32768xf32, #tpu.memory_space<vmem>>, vector<8x128xf32>
    %gt3A_286 = arith.cmpf ogt, %get3A_285, %select_n3A_159 : vector<8x128xf32>
    %select_n3A_287 = arith.select %gt3A_286, %get3A_285, %select_n3A_159 : vector<8x128xi1>, vector<8x128xf32>
    %jit3A_288 = arith.constant 1 : i32
    %broadcast_in_dim3A_289 = vector.broadcast %jit3A_288 : i32 to vector<8x128xi32>
    %select_n3A_290 = arith.select %gt3A_286, %broadcast_in_dim3A_289, %select_n3A_162 : vector<8x128xi1>, vector<8x128xi32>
    %get3A_291 = arith.constant 0 : index
    %get3A_292 = arith.constant 3712 : index
    %get3A_293 = vector.load %arg1[%get3A_291, %get3A_292] : memref<8x32768xf32, #tpu.memory_space<vmem>>, vector<8x128xf32>
    %gt3A_294 = arith.cmpf ogt, %get3A_293, %select_n3A_167 : vector<8x128xf32>
    %select_n3A_295 = arith.select %gt3A_294, %get3A_293, %select_n3A_167 : vector<8x128xi1>, vector<8x128xf32>
    %jit3A_296 = arith.constant 1 : i32
    %broadcast_in_dim3A_297 = vector.broadcast %jit3A_296 : i32 to vector<8x128xi32>
    %select_n3A_298 = arith.select %gt3A_294, %broadcast_in_dim3A_297, %select_n3A_170 : vector<8x128xi1>, vector<8x128xi32>
    %get3A_299 = arith.constant 0 : index
    %get3A_300 = arith.constant 3840 : index
    %get3A_301 = vector.load %arg1[%get3A_299, %get3A_300] : memref<8x32768xf32, #tpu.memory_space<vmem>>, vector<8x128xf32>
    %gt3A_302 = arith.cmpf ogt, %get3A_301, %select_n3A_175 : vector<8x128xf32>
    %select_n3A_303 = arith.select %gt3A_302, %get3A_301, %select_n3A_175 : vector<8x128xi1>, vector<8x128xf32>
    %jit3A_304 = arith.constant 1 : i32
    %broadcast_in_dim3A_305 = vector.broadcast %jit3A_304 : i32 to vector<8x128xi32>
    %select_n3A_306 = arith.select %gt3A_302, %broadcast_in_dim3A_305, %select_n3A_178 : vector<8x128xi1>, vector<8x128xi32>
    %get3A_307 = arith.constant 0 : index
    %get3A_308 = arith.constant 3968 : index
    %get3A_309 = vector.load %arg1[%get3A_307, %get3A_308] : memref<8x32768xf32, #tpu.memory_space<vmem>>, vector<8x128xf32>
    %gt3A_310 = arith.cmpf ogt, %get3A_309, %select_n3A_183 : vector<8x128xf32>
    %select_n3A_311 = arith.select %gt3A_310, %get3A_309, %select_n3A_183 : vector<8x128xi1>, vector<8x128xf32>
    %jit3A_312 = arith.constant 1 : i32
    %broadcast_in_dim3A_313 = vector.broadcast %jit3A_312 : i32 to vector<8x128xi32>
    %select_n3A_314 = arith.select %gt3A_310, %broadcast_in_dim3A_313, %select_n3A_186 : vector<8x128xi1>, vector<8x128xi32>
    %get3A_315 = arith.constant 0 : index
    %get3A_316 = arith.constant 4096 : index
    %get3A_317 = vector.load %arg1[%get3A_315, %get3A_316] : memref<8x32768xf32, #tpu.memory_space<vmem>>, vector<8x128xf32>
    %gt3A_318 = arith.cmpf ogt, %get3A_317, %select_n3A_191 : vector<8x128xf32>
    %select_n3A_319 = arith.select %gt3A_318, %get3A_317, %select_n3A_191 : vector<8x128xi1>, vector<8x128xf32>
    %jit3A_320 = arith.constant 2 : i32
    %broadcast_in_dim3A_321 = vector.broadcast %jit3A_320 : i32 to vector<8x128xi32>
    %select_n3A_322 = arith.select %gt3A_318, %broadcast_in_dim3A_321, %select_n3A_194 : vector<8x128xi1>, vector<8x128xi32>
    %get3A_323 = arith.constant 0 : index
    %get3A_324 = arith.constant 4224 : index
    %get3A_325 = vector.load %arg1[%get3A_323, %get3A_324] : memref<8x32768xf32, #tpu.memory_space<vmem>>, vector<8x128xf32>
    %gt3A_326 = arith.cmpf ogt, %get3A_325, %select_n3A_199 : vector<8x128xf32>
    %select_n3A_327 = arith.select %gt3A_326, %get3A_325, %select_n3A_199 : vector<8x128xi1>, vector<8x128xf32>
    %jit3A_328 = arith.constant 2 : i32
    %broadcast_in_dim3A_329 = vector.broadcast %jit3A_328 : i32 to vector<8x128xi32>
    %select_n3A_330 = arith.select %gt3A_326, %broadcast_in_dim3A_329, %select_n3A_202 : vector<8x128xi1>, vector<8x128xi32>
    %get3A_331 = arith.constant 0 : index
    %get3A_332 = arith.constant 4352 : index
    %get3A_333 = vector.load %arg1[%get3A_331, %get3A_332] : memref<8x32768xf32, #tpu.memory_space<vmem>>, vector<8x128xf32>
    %gt3A_334 = arith.cmpf ogt, %get3A_333, %select_n3A_207 : vector<8x128xf32>
    %select_n3A_335 = arith.select %gt3A_334, %get3A_333, %select_n3A_207 : vector<8x128xi1>, vector<8x128xf32>
    %jit3A_336 = arith.constant 2 : i32
    %broadcast_in_dim3A_337 = vector.broadcast %jit3A_336 : i32 to vector<8x128xi32>
    %select_n3A_338 = arith.select %gt3A_334, %broadcast_in_dim3A_337, %select_n3A_210 : vector<8x128xi1>, vector<8x128xi32>
    %get3A_339 = arith.constant 0 : index
    %get3A_340 = arith.constant 4480 : index
    %get3A_341 = vector.load %arg1[%get3A_339, %get3A_340] : memref<8x32768xf32, #tpu.memory_space<vmem>>, vector<8x128xf32>
    %gt3A_342 = arith.cmpf ogt, %get3A_341, %select_n3A_215 : vector<8x128xf32>
    %select_n3A_343 = arith.select %gt3A_342, %get3A_341, %select_n3A_215 : vector<8x128xi1>, vector<8x128xf32>
    %jit3A_344 = arith.constant 2 : i32
    %broadcast_in_dim3A_345 = vector.broadcast %jit3A_344 : i32 to vector<8x128xi32>
    %select_n3A_346 = arith.select %gt3A_342, %broadcast_in_dim3A_345, %select_n3A_218 : vector<8x128xi1>, vector<8x128xi32>
    %get3A_347 = arith.constant 0 : index
    %get3A_348 = arith.constant 4608 : index
    %get3A_349 = vector.load %arg1[%get3A_347, %get3A_348] : memref<8x32768xf32, #tpu.memory_space<vmem>>, vector<8x128xf32>
    %gt3A_350 = arith.cmpf ogt, %get3A_349, %select_n3A_223 : vector<8x128xf32>
    %select_n3A_351 = arith.select %gt3A_350, %get3A_349, %select_n3A_223 : vector<8x128xi1>, vector<8x128xf32>
    %jit3A_352 = arith.constant 2 : i32
    %broadcast_in_dim3A_353 = vector.broadcast %jit3A_352 : i32 to vector<8x128xi32>
    %select_n3A_354 = arith.select %gt3A_350, %broadcast_in_dim3A_353, %select_n3A_226 : vector<8x128xi1>, vector<8x128xi32>
    %get3A_355 = arith.constant 0 : index
    %get3A_356 = arith.constant 4736 : index
    %get3A_357 = vector.load %arg1[%get3A_355, %get3A_356] : memref<8x32768xf32, #tpu.memory_space<vmem>>, vector<8x128xf32>
    %gt3A_358 = arith.cmpf ogt, %get3A_357, %select_n3A_231 : vector<8x128xf32>
    %select_n3A_359 = arith.select %gt3A_358, %get3A_357, %select_n3A_231 : vector<8x128xi1>, vector<8x128xf32>
    %jit3A_360 = arith.constant 2 : i32
    %broadcast_in_dim3A_361 = vector.broadcast %jit3A_360 : i32 to vector<8x128xi32>
    %select_n3A_362 = arith.select %gt3A_358, %broadcast_in_dim3A_361, %select_n3A_234 : vector<8x128xi1>, vector<8x128xi32>
    %get3A_363 = arith.constant 0 : index
    %get3A_364 = arith.constant 4864 : index
    %get3A_365 = vector.load %arg1[%get3A_363, %get3A_364] : memref<8x32768xf32, #tpu.memory_space<vmem>>, vector<8x128xf32>
    %gt3A_366 = arith.cmpf ogt, %get3A_365, %select_n3A_239 : vector<8x128xf32>
    %select_n3A_367 = arith.select %gt3A_366, %get3A_365, %select_n3A_239 : vector<8x128xi1>, vector<8x128xf32>
    %jit3A_368 = arith.constant 2 : i32
    %broadcast_in_dim3A_369 = vector.broadcast %jit3A_368 : i32 to vector<8x128xi32>
    %select_n3A_370 = arith.select %gt3A_366, %broadcast_in_dim3A_369, %select_n3A_242 : vector<8x128xi1>, vector<8x128xi32>
    %get3A_371 = arith.constant 0 : index
    %get3A_372 = arith.constant 4992 : index
    %get3A_373 = vector.load %arg1[%get3A_371, %get3A_372] : memref<8x32768xf32, #tpu.memory_space<vmem>>, vector<8x128xf32>
    %gt3A_374 = arith.cmpf ogt, %get3A_373, %select_n3A_247 : vector<8x128xf32>
    %select_n3A_375 = arith.select %gt3A_374, %get3A_373, %select_n3A_247 : vector<8x128xi1>, vector<8x128xf32>
    %jit3A_376 = arith.constant 2 : i32
    %broadcast_in_dim3A_377 = vector.broadcast %jit3A_376 : i32 to vector<8x128xi32>
    %select_n3A_378 = arith.select %gt3A_374, %broadcast_in_dim3A_377, %select_n3A_250 : vector<8x128xi1>, vector<8x128xi32>
    %get3A_379 = arith.constant 0 : index
    %get3A_380 = arith.constant 5120 : index
    %get3A_381 = vector.load %arg1[%get3A_379, %get3A_380] : memref<8x32768xf32, #tpu.memory_space<vmem>>, vector<8x128xf32>
    %gt3A_382 = arith.cmpf ogt, %get3A_381, %select_n3A_255 : vector<8x128xf32>
    %select_n3A_383 = arith.select %gt3A_382, %get3A_381, %select_n3A_255 : vector<8x128xi1>, vector<8x128xf32>
    %jit3A_384 = arith.constant 2 : i32
    %broadcast_in_dim3A_385 = vector.broadcast %jit3A_384 : i32 to vector<8x128xi32>
    %select_n3A_386 = arith.select %gt3A_382, %broadcast_in_dim3A_385, %select_n3A_258 : vector<8x128xi1>, vector<8x128xi32>
    %get3A_387 = arith.constant 0 : index
    %get3A_388 = arith.constant 5248 : index
    %get3A_389 = vector.load %arg1[%get3A_387, %get3A_388] : memref<8x32768xf32, #tpu.memory_space<vmem>>, vector<8x128xf32>
    %gt3A_390 = arith.cmpf ogt, %get3A_389, %select_n3A_263 : vector<8x128xf32>
    %select_n3A_391 = arith.select %gt3A_390, %get3A_389, %select_n3A_263 : vector<8x128xi1>, vector<8x128xf32>
    %jit3A_392 = arith.constant 2 : i32
    %broadcast_in_dim3A_393 = vector.broadcast %jit3A_392 : i32 to vector<8x128xi32>
    %select_n3A_394 = arith.select %gt3A_390, %broadcast_in_dim3A_393, %select_n3A_266 : vector<8x128xi1>, vector<8x128xi32>
    %get3A_395 = arith.constant 0 : index
    %get3A_396 = arith.constant 5376 : index
    %get3A_397 = vector.load %arg1[%get3A_395, %get3A_396] : memref<8x32768xf32, #tpu.memory_space<vmem>>, vector<8x128xf32>
    %gt3A_398 = arith.cmpf ogt, %get3A_397, %select_n3A_271 : vector<8x128xf32>
    %select_n3A_399 = arith.select %gt3A_398, %get3A_397, %select_n3A_271 : vector<8x128xi1>, vector<8x128xf32>
    %jit3A_400 = arith.constant 2 : i32
    %broadcast_in_dim3A_401 = vector.broadcast %jit3A_400 : i32 to vector<8x128xi32>
    %select_n3A_402 = arith.select %gt3A_398, %broadcast_in_dim3A_401, %select_n3A_274 : vector<8x128xi1>, vector<8x128xi32>
    %get3A_403 = arith.constant 0 : index
    %get3A_404 = arith.constant 5504 : index
    %get3A_405 = vector.load %arg1[%get3A_403, %get3A_404] : memref<8x32768xf32, #tpu.memory_space<vmem>>, vector<8x128xf32>
    %gt3A_406 = arith.cmpf ogt, %get3A_405, %select_n3A_279 : vector<8x128xf32>
    %select_n3A_407 = arith.select %gt3A_406, %get3A_405, %select_n3A_279 : vector<8x128xi1>, vector<8x128xf32>
    %jit3A_408 = arith.constant 2 : i32
    %broadcast_in_dim3A_409 = vector.broadcast %jit3A_408 : i32 to vector<8x128xi32>
    %select_n3A_410 = arith.select %gt3A_406, %broadcast_in_dim3A_409, %select_n3A_282 : vector<8x128xi1>, vector<8x128xi32>
    %get3A_411 = arith.constant 0 : index
    %get3A_412 = arith.constant 5632 : index
    %get3A_413 = vector.load %arg1[%get3A_411, %get3A_412] : memref<8x32768xf32, #tpu.memory_space<vmem>>, vector<8x128xf32>
    %gt3A_414 = arith.cmpf ogt, %get3A_413, %select_n3A_287 : vector<8x128xf32>
    %select_n3A_415 = arith.select %gt3A_414, %get3A_413, %select_n3A_287 : vector<8x128xi1>, vector<8x128xf32>
    %jit3A_416 = arith.constant 2 : i32
    %broadcast_in_dim3A_417 = vector.broadcast %jit3A_416 : i32 to vector<8x128xi32>
    %select_n3A_418 = arith.select %gt3A_414, %broadcast_in_dim3A_417, %select_n3A_290 : vector<8x128xi1>, vector<8x128xi32>
    %get3A_419 = arith.constant 0 : index
    %get3A_420 = arith.constant 5760 : index
    %get3A_421 = vector.load %arg1[%get3A_419, %get3A_420] : memref<8x32768xf32, #tpu.memory_space<vmem>>, vector<8x128xf32>
    %gt3A_422 = arith.cmpf ogt, %get3A_421, %select_n3A_295 : vector<8x128xf32>
    %select_n3A_423 = arith.select %gt3A_422, %get3A_421, %select_n3A_295 : vector<8x128xi1>, vector<8x128xf32>
    %jit3A_424 = arith.constant 2 : i32
    %broadcast_in_dim3A_425 = vector.broadcast %jit3A_424 : i32 to vector<8x128xi32>
    %select_n3A_426 = arith.select %gt3A_422, %broadcast_in_dim3A_425, %select_n3A_298 : vector<8x128xi1>, vector<8x128xi32>
    %get3A_427 = arith.constant 0 : index
    %get3A_428 = arith.constant 5888 : index
    %get3A_429 = vector.load %arg1[%get3A_427, %get3A_428] : memref<8x32768xf32, #tpu.memory_space<vmem>>, vector<8x128xf32>
    %gt3A_430 = arith.cmpf ogt, %get3A_429, %select_n3A_303 : vector<8x128xf32>
    %select_n3A_431 = arith.select %gt3A_430, %get3A_429, %select_n3A_303 : vector<8x128xi1>, vector<8x128xf32>
    %jit3A_432 = arith.constant 2 : i32
    %broadcast_in_dim3A_433 = vector.broadcast %jit3A_432 : i32 to vector<8x128xi32>
    %select_n3A_434 = arith.select %gt3A_430, %broadcast_in_dim3A_433, %select_n3A_306 : vector<8x128xi1>, vector<8x128xi32>
    %get3A_435 = arith.constant 0 : index
    %get3A_436 = arith.constant 6016 : index
    %get3A_437 = vector.load %arg1[%get3A_435, %get3A_436] : memref<8x32768xf32, #tpu.memory_space<vmem>>, vector<8x128xf32>
    %gt3A_438 = arith.cmpf ogt, %get3A_437, %select_n3A_311 : vector<8x128xf32>
    %select_n3A_439 = arith.select %gt3A_438, %get3A_437, %select_n3A_311 : vector<8x128xi1>, vector<8x128xf32>
    %jit3A_440 = arith.constant 2 : i32
    %broadcast_in_dim3A_441 = vector.broadcast %jit3A_440 : i32 to vector<8x128xi32>
    %select_n3A_442 = arith.select %gt3A_438, %broadcast_in_dim3A_441, %select_n3A_314 : vector<8x128xi1>, vector<8x128xi32>
    %get3A_443 = arith.constant 0 : index
    %get3A_444 = arith.constant 6144 : index
    %get3A_445 = vector.load %arg1[%get3A_443, %get3A_444] : memref<8x32768xf32, #tpu.memory_space<vmem>>, vector<8x128xf32>
    %gt3A_446 = arith.cmpf ogt, %get3A_445, %select_n3A_319 : vector<8x128xf32>
    %select_n3A_447 = arith.select %gt3A_446, %get3A_445, %select_n3A_319 : vector<8x128xi1>, vector<8x128xf32>
    %jit3A_448 = arith.constant 3 : i32
    %broadcast_in_dim3A_449 = vector.broadcast %jit3A_448 : i32 to vector<8x128xi32>
    %select_n3A_450 = arith.select %gt3A_446, %broadcast_in_dim3A_449, %select_n3A_322 : vector<8x128xi1>, vector<8x128xi32>
    %get3A_451 = arith.constant 0 : index
    %get3A_452 = arith.constant 6272 : index
    %get3A_453 = vector.load %arg1[%get3A_451, %get3A_452] : memref<8x32768xf32, #tpu.memory_space<vmem>>, vector<8x128xf32>
    %gt3A_454 = arith.cmpf ogt, %get3A_453, %select_n3A_327 : vector<8x128xf32>
    %select_n3A_455 = arith.select %gt3A_454, %get3A_453, %select_n3A_327 : vector<8x128xi1>, vector<8x128xf32>
    %jit3A_456 = arith.constant 3 : i32
    %broadcast_in_dim3A_457 = vector.broadcast %jit3A_456 : i32 to vector<8x128xi32>
    %select_n3A_458 = arith.select %gt3A_454, %broadcast_in_dim3A_457, %select_n3A_330 : vector<8x128xi1>, vector<8x128xi32>
    %get3A_459 = arith.constant 0 : index
    %get3A_460 = arith.constant 6400 : index
    %get3A_461 = vector.load %arg1[%get3A_459, %get3A_460] : memref<8x32768xf32, #tpu.memory_space<vmem>>, vector<8x128xf32>
    %gt3A_462 = arith.cmpf ogt, %get3A_461, %select_n3A_335 : vector<8x128xf32>
    %select_n3A_463 = arith.select %gt3A_462, %get3A_461, %select_n3A_335 : vector<8x128xi1>, vector<8x128xf32>
    %jit3A_464 = arith.constant 3 : i32
    %broadcast_in_dim3A_465 = vector.broadcast %jit3A_464 : i32 to vector<8x128xi32>
    %select_n3A_466 = arith.select %gt3A_462, %broadcast_in_dim3A_465, %select_n3A_338 : vector<8x128xi1>, vector<8x128xi32>
    %get3A_467 = arith.constant 0 : index
    %get3A_468 = arith.constant 6528 : index
    %get3A_469 = vector.load %arg1[%get3A_467, %get3A_468] : memref<8x32768xf32, #tpu.memory_space<vmem>>, vector<8x128xf32>
    %gt3A_470 = arith.cmpf ogt, %get3A_469, %select_n3A_343 : vector<8x128xf32>
    %select_n3A_471 = arith.select %gt3A_470, %get3A_469, %select_n3A_343 : vector<8x128xi1>, vector<8x128xf32>
    %jit3A_472 = arith.constant 3 : i32
    %broadcast_in_dim3A_473 = vector.broadcast %jit3A_472 : i32 to vector<8x128xi32>
    %select_n3A_474 = arith.select %gt3A_470, %broadcast_in_dim3A_473, %select_n3A_346 : vector<8x128xi1>, vector<8x128xi32>
    %get3A_475 = arith.constant 0 : index
    %get3A_476 = arith.constant 6656 : index
    %get3A_477 = vector.load %arg1[%get3A_475, %get3A_476] : memref<8x32768xf32, #tpu.memory_space<vmem>>, vector<8x128xf32>
    %gt3A_478 = arith.cmpf ogt, %get3A_477, %select_n3A_351 : vector<8x128xf32>
    %select_n3A_479 = arith.select %gt3A_478, %get3A_477, %select_n3A_351 : vector<8x128xi1>, vector<8x128xf32>
    %jit3A_480 = arith.constant 3 : i32
    %broadcast_in_dim3A_481 = vector.broadcast %jit3A_480 : i32 to vector<8x128xi32>
    %select_n3A_482 = arith.select %gt3A_478, %broadcast_in_dim3A_481, %select_n3A_354 : vector<8x128xi1>, vector<8x128xi32>
    %get3A_483 = arith.constant 0 : index
    %get3A_484 = arith.constant 6784 : index
    %get3A_485 = vector.load %arg1[%get3A_483, %get3A_484] : memref<8x32768xf32, #tpu.memory_space<vmem>>, vector<8x128xf32>
    %gt3A_486 = arith.cmpf ogt, %get3A_485, %select_n3A_359 : vector<8x128xf32>
    %select_n3A_487 = arith.select %gt3A_486, %get3A_485, %select_n3A_359 : vector<8x128xi1>, vector<8x128xf32>
    %jit3A_488 = arith.constant 3 : i32
    %broadcast_in_dim3A_489 = vector.broadcast %jit3A_488 : i32 to vector<8x128xi32>
    %select_n3A_490 = arith.select %gt3A_486, %broadcast_in_dim3A_489, %select_n3A_362 : vector<8x128xi1>, vector<8x128xi32>
    %get3A_491 = arith.constant 0 : index
    %get3A_492 = arith.constant 6912 : index
    %get3A_493 = vector.load %arg1[%get3A_491, %get3A_492] : memref<8x32768xf32, #tpu.memory_space<vmem>>, vector<8x128xf32>
    %gt3A_494 = arith.cmpf ogt, %get3A_493, %select_n3A_367 : vector<8x128xf32>
    %select_n3A_495 = arith.select %gt3A_494, %get3A_493, %select_n3A_367 : vector<8x128xi1>, vector<8x128xf32>
    %jit3A_496 = arith.constant 3 : i32
    %broadcast_in_dim3A_497 = vector.broadcast %jit3A_496 : i32 to vector<8x128xi32>
    %select_n3A_498 = arith.select %gt3A_494, %broadcast_in_dim3A_497, %select_n3A_370 : vector<8x128xi1>, vector<8x128xi32>
    %get3A_499 = arith.constant 0 : index
    %get3A_500 = arith.constant 7040 : index
    %get3A_501 = vector.load %arg1[%get3A_499, %get3A_500] : memref<8x32768xf32, #tpu.memory_space<vmem>>, vector<8x128xf32>
    %gt3A_502 = arith.cmpf ogt, %get3A_501, %select_n3A_375 : vector<8x128xf32>
    %select_n3A_503 = arith.select %gt3A_502, %get3A_501, %select_n3A_375 : vector<8x128xi1>, vector<8x128xf32>
    %jit3A_504 = arith.constant 3 : i32
    %broadcast_in_dim3A_505 = vector.broadcast %jit3A_504 : i32 to vector<8x128xi32>
    %select_n3A_506 = arith.select %gt3A_502, %broadcast_in_dim3A_505, %select_n3A_378 : vector<8x128xi1>, vector<8x128xi32>
    %get3A_507 = arith.constant 0 : index
    %get3A_508 = arith.constant 7168 : index
    %get3A_509 = vector.load %arg1[%get3A_507, %get3A_508] : memref<8x32768xf32, #tpu.memory_space<vmem>>, vector<8x128xf32>
    %gt3A_510 = arith.cmpf ogt, %get3A_509, %select_n3A_383 : vector<8x128xf32>
    %select_n3A_511 = arith.select %gt3A_510, %get3A_509, %select_n3A_383 : vector<8x128xi1>, vector<8x128xf32>
    %jit3A_512 = arith.constant 3 : i32
    %broadcast_in_dim3A_513 = vector.broadcast %jit3A_512 : i32 to vector<8x128xi32>
    %select_n3A_514 = arith.select %gt3A_510, %broadcast_in_dim3A_513, %select_n3A_386 : vector<8x128xi1>, vector<8x128xi32>
    %get3A_515 = arith.constant 0 : index
    %get3A_516 = arith.constant 7296 : index
    %get3A_517 = vector.load %arg1[%get3A_515, %get3A_516] : memref<8x32768xf32, #tpu.memory_space<vmem>>, vector<8x128xf32>
    %gt3A_518 = arith.cmpf ogt, %get3A_517, %select_n3A_391 : vector<8x128xf32>
    %select_n3A_519 = arith.select %gt3A_518, %get3A_517, %select_n3A_391 : vector<8x128xi1>, vector<8x128xf32>
    %jit3A_520 = arith.constant 3 : i32
    %broadcast_in_dim3A_521 = vector.broadcast %jit3A_520 : i32 to vector<8x128xi32>
    %select_n3A_522 = arith.select %gt3A_518, %broadcast_in_dim3A_521, %select_n3A_394 : vector<8x128xi1>, vector<8x128xi32>
    %get3A_523 = arith.constant 0 : index
    %get3A_524 = arith.constant 7424 : index
    %get3A_525 = vector.load %arg1[%get3A_523, %get3A_524] : memref<8x32768xf32, #tpu.memory_space<vmem>>, vector<8x128xf32>
    %gt3A_526 = arith.cmpf ogt, %get3A_525, %select_n3A_399 : vector<8x128xf32>
    %select_n3A_527 = arith.select %gt3A_526, %get3A_525, %select_n3A_399 : vector<8x128xi1>, vector<8x128xf32>
    %jit3A_528 = arith.constant 3 : i32
    %broadcast_in_dim3A_529 = vector.broadcast %jit3A_528 : i32 to vector<8x128xi32>
    %select_n3A_530 = arith.select %gt3A_526, %broadcast_in_dim3A_529, %select_n3A_402 : vector<8x128xi1>, vector<8x128xi32>
    %get3A_531 = arith.constant 0 : index
    %get3A_532 = arith.constant 7552 : index
    %get3A_533 = vector.load %arg1[%get3A_531, %get3A_532] : memref<8x32768xf32, #tpu.memory_space<vmem>>, vector<8x128xf32>
    %gt3A_534 = arith.cmpf ogt, %get3A_533, %select_n3A_407 : vector<8x128xf32>
    %select_n3A_535 = arith.select %gt3A_534, %get3A_533, %select_n3A_407 : vector<8x128xi1>, vector<8x128xf32>
    %jit3A_536 = arith.constant 3 : i32
    %broadcast_in_dim3A_537 = vector.broadcast %jit3A_536 : i32 to vector<8x128xi32>
    %select_n3A_538 = arith.select %gt3A_534, %broadcast_in_dim3A_537, %select_n3A_410 : vector<8x128xi1>, vector<8x128xi32>
    %get3A_539 = arith.constant 0 : index
    %get3A_540 = arith.constant 7680 : index
    %get3A_541 = vector.load %arg1[%get3A_539, %get3A_540] : memref<8x32768xf32, #tpu.memory_space<vmem>>, vector<8x128xf32>
    %gt3A_542 = arith.cmpf ogt, %get3A_541, %select_n3A_415 : vector<8x128xf32>
    %select_n3A_543 = arith.select %gt3A_542, %get3A_541, %select_n3A_415 : vector<8x128xi1>, vector<8x128xf32>
    %jit3A_544 = arith.constant 3 : i32
    %broadcast_in_dim3A_545 = vector.broadcast %jit3A_544 : i32 to vector<8x128xi32>
    %select_n3A_546 = arith.select %gt3A_542, %broadcast_in_dim3A_545, %select_n3A_418 : vector<8x128xi1>, vector<8x128xi32>
    %get3A_547 = arith.constant 0 : index
    %get3A_548 = arith.constant 7808 : index
    %get3A_549 = vector.load %arg1[%get3A_547, %get3A_548] : memref<8x32768xf32, #tpu.memory_space<vmem>>, vector<8x128xf32>
    %gt3A_550 = arith.cmpf ogt, %get3A_549, %select_n3A_423 : vector<8x128xf32>
    %select_n3A_551 = arith.select %gt3A_550, %get3A_549, %select_n3A_423 : vector<8x128xi1>, vector<8x128xf32>
    %jit3A_552 = arith.constant 3 : i32
    %broadcast_in_dim3A_553 = vector.broadcast %jit3A_552 : i32 to vector<8x128xi32>
    %select_n3A_554 = arith.select %gt3A_550, %broadcast_in_dim3A_553, %select_n3A_426 : vector<8x128xi1>, vector<8x128xi32>
    %get3A_555 = arith.constant 0 : index
    %get3A_556 = arith.constant 7936 : index
    %get3A_557 = vector.load %arg1[%get3A_555, %get3A_556] : memref<8x32768xf32, #tpu.memory_space<vmem>>, vector<8x128xf32>
    %gt3A_558 = arith.cmpf ogt, %get3A_557, %select_n3A_431 : vector<8x128xf32>
    %select_n3A_559 = arith.select %gt3A_558, %get3A_557, %select_n3A_431 : vector<8x128xi1>, vector<8x128xf32>
    %jit3A_560 = arith.constant 3 : i32
    %broadcast_in_dim3A_561 = vector.broadcast %jit3A_560 : i32 to vector<8x128xi32>
    %select_n3A_562 = arith.select %gt3A_558, %broadcast_in_dim3A_561, %select_n3A_434 : vector<8x128xi1>, vector<8x128xi32>
    %get3A_563 = arith.constant 0 : index
    %get3A_564 = arith.constant 8064 : index
    %get3A_565 = vector.load %arg1[%get3A_563, %get3A_564] : memref<8x32768xf32, #tpu.memory_space<vmem>>, vector<8x128xf32>
    %gt3A_566 = arith.cmpf ogt, %get3A_565, %select_n3A_439 : vector<8x128xf32>
    %select_n3A_567 = arith.select %gt3A_566, %get3A_565, %select_n3A_439 : vector<8x128xi1>, vector<8x128xf32>
    %jit3A_568 = arith.constant 3 : i32
    %broadcast_in_dim3A_569 = vector.broadcast %jit3A_568 : i32 to vector<8x128xi32>
    %select_n3A_570 = arith.select %gt3A_566, %broadcast_in_dim3A_569, %select_n3A_442 : vector<8x128xi1>, vector<8x128xi32>
    %get3A_571 = arith.constant 0 : index
    %get3A_572 = arith.constant 8192 : index
    %get3A_573 = vector.load %arg1[%get3A_571, %get3A_572] : memref<8x32768xf32, #tpu.memory_space<vmem>>, vector<8x128xf32>
    %gt3A_574 = arith.cmpf ogt, %get3A_573, %select_n3A_447 : vector<8x128xf32>
    %select_n3A_575 = arith.select %gt3A_574, %get3A_573, %select_n3A_447 : vector<8x128xi1>, vector<8x128xf32>
    %jit3A_576 = arith.constant 4 : i32
    %broadcast_in_dim3A_577 = vector.broadcast %jit3A_576 : i32 to vector<8x128xi32>
    %select_n3A_578 = arith.select %gt3A_574, %broadcast_in_dim3A_577, %select_n3A_450 : vector<8x128xi1>, vector<8x128xi32>
    %get3A_579 = arith.constant 0 : index
    %get3A_580 = arith.constant 8320 : index
    %get3A_581 = vector.load %arg1[%get3A_579, %get3A_580] : memref<8x32768xf32, #tpu.memory_space<vmem>>, vector<8x128xf32>
    %gt3A_582 = arith.cmpf ogt, %get3A_581, %select_n3A_455 : vector<8x128xf32>
    %select_n3A_583 = arith.select %gt3A_582, %get3A_581, %select_n3A_455 : vector<8x128xi1>, vector<8x128xf32>
    %jit3A_584 = arith.constant 4 : i32
    %broadcast_in_dim3A_585 = vector.broadcast %jit3A_584 : i32 to vector<8x128xi32>
    %select_n3A_586 = arith.select %gt3A_582, %broadcast_in_dim3A_585, %select_n3A_458 : vector<8x128xi1>, vector<8x128xi32>
    %get3A_587 = arith.constant 0 : index
    %get3A_588 = arith.constant 8448 : index
    %get3A_589 = vector.load %arg1[%get3A_587, %get3A_588] : memref<8x32768xf32, #tpu.memory_space<vmem>>, vector<8x128xf32>
    %gt3A_590 = arith.cmpf ogt, %get3A_589, %select_n3A_463 : vector<8x128xf32>
    %select_n3A_591 = arith.select %gt3A_590, %get3A_589, %select_n3A_463 : vector<8x128xi1>, vector<8x128xf32>
    %jit3A_592 = arith.constant 4 : i32
    %broadcast_in_dim3A_593 = vector.broadcast %jit3A_592 : i32 to vector<8x128xi32>
    %select_n3A_594 = arith.select %gt3A_590, %broadcast_in_dim3A_593, %select_n3A_466 : vector<8x128xi1>, vector<8x128xi32>
    %get3A_595 = arith.constant 0 : index
    %get3A_596 = arith.constant 8576 : index
    %get3A_597 = vector.load %arg1[%get3A_595, %get3A_596] : memref<8x32768xf32, #tpu.memory_space<vmem>>, vector<8x128xf32>
    %gt3A_598 = arith.cmpf ogt, %get3A_597, %select_n3A_471 : vector<8x128xf32>
    %select_n3A_599 = arith.select %gt3A_598, %get3A_597, %select_n3A_471 : vector<8x128xi1>, vector<8x128xf32>
    %jit3A_600 = arith.constant 4 : i32
    %broadcast_in_dim3A_601 = vector.broadcast %jit3A_600 : i32 to vector<8x128xi32>
    %select_n3A_602 = arith.select %gt3A_598, %broadcast_in_dim3A_601, %select_n3A_474 : vector<8x128xi1>, vector<8x128xi32>
    %get3A_603 = arith.constant 0 : index
    %get3A_604 = arith.constant 8704 : index
    %get3A_605 = vector.load %arg1[%get3A_603, %get3A_604] : memref<8x32768xf32, #tpu.memory_space<vmem>>, vector<8x128xf32>
    %gt3A_606 = arith.cmpf ogt, %get3A_605, %select_n3A_479 : vector<8x128xf32>
    %select_n3A_607 = arith.select %gt3A_606, %get3A_605, %select_n3A_479 : vector<8x128xi1>, vector<8x128xf32>
    %jit3A_608 = arith.constant 4 : i32
    %broadcast_in_dim3A_609 = vector.broadcast %jit3A_608 : i32 to vector<8x128xi32>
    %select_n3A_610 = arith.select %gt3A_606, %broadcast_in_dim3A_609, %select_n3A_482 : vector<8x128xi1>, vector<8x128xi32>
    %get3A_611 = arith.constant 0 : index
    %get3A_612 = arith.constant 8832 : index
    %get3A_613 = vector.load %arg1[%get3A_611, %get3A_612] : memref<8x32768xf32, #tpu.memory_space<vmem>>, vector<8x128xf32>
    %gt3A_614 = arith.cmpf ogt, %get3A_613, %select_n3A_487 : vector<8x128xf32>
    %select_n3A_615 = arith.select %gt3A_614, %get3A_613, %select_n3A_487 : vector<8x128xi1>, vector<8x128xf32>
    %jit3A_616 = arith.constant 4 : i32
    %broadcast_in_dim3A_617 = vector.broadcast %jit3A_616 : i32 to vector<8x128xi32>
    %select_n3A_618 = arith.select %gt3A_614, %broadcast_in_dim3A_617, %select_n3A_490 : vector<8x128xi1>, vector<8x128xi32>
    %get3A_619 = arith.constant 0 : index
    %get3A_620 = arith.constant 8960 : index
    %get3A_621 = vector.load %arg1[%get3A_619, %get3A_620] : memref<8x32768xf32, #tpu.memory_space<vmem>>, vector<8x128xf32>
    %gt3A_622 = arith.cmpf ogt, %get3A_621, %select_n3A_495 : vector<8x128xf32>
    %select_n3A_623 = arith.select %gt3A_622, %get3A_621, %select_n3A_495 : vector<8x128xi1>, vector<8x128xf32>
    %jit3A_624 = arith.constant 4 : i32
    %broadcast_in_dim3A_625 = vector.broadcast %jit3A_624 : i32 to vector<8x128xi32>
    %select_n3A_626 = arith.select %gt3A_622, %broadcast_in_dim3A_625, %select_n3A_498 : vector<8x128xi1>, vector<8x128xi32>
    %get3A_627 = arith.constant 0 : index
    %get3A_628 = arith.constant 9088 : index
    %get3A_629 = vector.load %arg1[%get3A_627, %get3A_628] : memref<8x32768xf32, #tpu.memory_space<vmem>>, vector<8x128xf32>
    %gt3A_630 = arith.cmpf ogt, %get3A_629, %select_n3A_503 : vector<8x128xf32>
    %select_n3A_631 = arith.select %gt3A_630, %get3A_629, %select_n3A_503 : vector<8x128xi1>, vector<8x128xf32>
    %jit3A_632 = arith.constant 4 : i32
    %broadcast_in_dim3A_633 = vector.broadcast %jit3A_632 : i32 to vector<8x128xi32>
    %select_n3A_634 = arith.select %gt3A_630, %broadcast_in_dim3A_633, %select_n3A_506 : vector<8x128xi1>, vector<8x128xi32>
    %get3A_635 = arith.constant 0 : index
    %get3A_636 = arith.constant 9216 : index
    %get3A_637 = vector.load %arg1[%get3A_635, %get3A_636] : memref<8x32768xf32, #tpu.memory_space<vmem>>, vector<8x128xf32>
    %gt3A_638 = arith.cmpf ogt, %get3A_637, %select_n3A_511 : vector<8x128xf32>
    %select_n3A_639 = arith.select %gt3A_638, %get3A_637, %select_n3A_511 : vector<8x128xi1>, vector<8x128xf32>
    %jit3A_640 = arith.constant 4 : i32
    %broadcast_in_dim3A_641 = vector.broadcast %jit3A_640 : i32 to vector<8x128xi32>
    %select_n3A_642 = arith.select %gt3A_638, %broadcast_in_dim3A_641, %select_n3A_514 : vector<8x128xi1>, vector<8x128xi32>
    %get3A_643 = arith.constant 0 : index
    %get3A_644 = arith.constant 9344 : index
    %get3A_645 = vector.load %arg1[%get3A_643, %get3A_644] : memref<8x32768xf32, #tpu.memory_space<vmem>>, vector<8x128xf32>
    %gt3A_646 = arith.cmpf ogt, %get3A_645, %select_n3A_519 : vector<8x128xf32>
    %select_n3A_647 = arith.select %gt3A_646, %get3A_645, %select_n3A_519 : vector<8x128xi1>, vector<8x128xf32>
    %jit3A_648 = arith.constant 4 : i32
    %broadcast_in_dim3A_649 = vector.broadcast %jit3A_648 : i32 to vector<8x128xi32>
    %select_n3A_650 = arith.select %gt3A_646, %broadcast_in_dim3A_649, %select_n3A_522 : vector<8x128xi1>, vector<8x128xi32>
    %get3A_651 = arith.constant 0 : index
    %get3A_652 = arith.constant 9472 : index
    %get3A_653 = vector.load %arg1[%get3A_651, %get3A_652] : memref<8x32768xf32, #tpu.memory_space<vmem>>, vector<8x128xf32>
    %gt3A_654 = arith.cmpf ogt, %get3A_653, %select_n3A_527 : vector<8x128xf32>
    %select_n3A_655 = arith.select %gt3A_654, %get3A_653, %select_n3A_527 : vector<8x128xi1>, vector<8x128xf32>
    %jit3A_656 = arith.constant 4 : i32
    %broadcast_in_dim3A_657 = vector.broadcast %jit3A_656 : i32 to vector<8x128xi32>
    %select_n3A_658 = arith.select %gt3A_654, %broadcast_in_dim3A_657, %select_n3A_530 : vector<8x128xi1>, vector<8x128xi32>
    %get3A_659 = arith.constant 0 : index
    %get3A_660 = arith.constant 9600 : index
    %get3A_661 = vector.load %arg1[%get3A_659, %get3A_660] : memref<8x32768xf32, #tpu.memory_space<vmem>>, vector<8x128xf32>
    %gt3A_662 = arith.cmpf ogt, %get3A_661, %select_n3A_535 : vector<8x128xf32>
    %select_n3A_663 = arith.select %gt3A_662, %get3A_661, %select_n3A_535 : vector<8x128xi1>, vector<8x128xf32>
    %jit3A_664 = arith.constant 4 : i32
    %broadcast_in_dim3A_665 = vector.broadcast %jit3A_664 : i32 to vector<8x128xi32>
    %select_n3A_666 = arith.select %gt3A_662, %broadcast_in_dim3A_665, %select_n3A_538 : vector<8x128xi1>, vector<8x128xi32>
    %get3A_667 = arith.constant 0 : index
    %get3A_668 = arith.constant 9728 : index
    %get3A_669 = vector.load %arg1[%get3A_667, %get3A_668] : memref<8x32768xf32, #tpu.memory_space<vmem>>, vector<8x128xf32>
    %gt3A_670 = arith.cmpf ogt, %get3A_669, %select_n3A_543 : vector<8x128xf32>
    %select_n3A_671 = arith.select %gt3A_670, %get3A_669, %select_n3A_543 : vector<8x128xi1>, vector<8x128xf32>
    %jit3A_672 = arith.constant 4 : i32
    %broadcast_in_dim3A_673 = vector.broadcast %jit3A_672 : i32 to vector<8x128xi32>
    %select_n3A_674 = arith.select %gt3A_670, %broadcast_in_dim3A_673, %select_n3A_546 : vector<8x128xi1>, vector<8x128xi32>
    %get3A_675 = arith.constant 0 : index
    %get3A_676 = arith.constant 9856 : index
    %get3A_677 = vector.load %arg1[%get3A_675, %get3A_676] : memref<8x32768xf32, #tpu.memory_space<vmem>>, vector<8x128xf32>
    %gt3A_678 = arith.cmpf ogt, %get3A_677, %select_n3A_551 : vector<8x128xf32>
    %select_n3A_679 = arith.select %gt3A_678, %get3A_677, %select_n3A_551 : vector<8x128xi1>, vector<8x128xf32>
    %jit3A_680 = arith.constant 4 : i32
    %broadcast_in_dim3A_681 = vector.broadcast %jit3A_680 : i32 to vector<8x128xi32>
    %select_n3A_682 = arith.select %gt3A_678, %broadcast_in_dim3A_681, %select_n3A_554 : vector<8x128xi1>, vector<8x128xi32>
    %get3A_683 = arith.constant 0 : index
    %get3A_684 = arith.constant 9984 : index
    %get3A_685 = vector.load %arg1[%get3A_683, %get3A_684] : memref<8x32768xf32, #tpu.memory_space<vmem>>, vector<8x128xf32>
    %gt3A_686 = arith.cmpf ogt, %get3A_685, %select_n3A_559 : vector<8x128xf32>
    %select_n3A_687 = arith.select %gt3A_686, %get3A_685, %select_n3A_559 : vector<8x128xi1>, vector<8x128xf32>
    %jit3A_688 = arith.constant 4 : i32
    %broadcast_in_dim3A_689 = vector.broadcast %jit3A_688 : i32 to vector<8x128xi32>
    %select_n3A_690 = arith.select %gt3A_686, %broadcast_in_dim3A_689, %select_n3A_562 : vector<8x128xi1>, vector<8x128xi32>
    %get3A_691 = arith.constant 0 : index
    %get3A_692 = arith.constant 10112 : index
    %get3A_693 = vector.load %arg1[%get3A_691, %get3A_692] : memref<8x32768xf32, #tpu.memory_space<vmem>>, vector<8x128xf32>
    %gt3A_694 = arith.cmpf ogt, %get3A_693, %select_n3A_567 : vector<8x128xf32>
    %select_n3A_695 = arith.select %gt3A_694, %get3A_693, %select_n3A_567 : vector<8x128xi1>, vector<8x128xf32>
    %jit3A_696 = arith.constant 4 : i32
    %broadcast_in_dim3A_697 = vector.broadcast %jit3A_696 : i32 to vector<8x128xi32>
    %select_n3A_698 = arith.select %gt3A_694, %broadcast_in_dim3A_697, %select_n3A_570 : vector<8x128xi1>, vector<8x128xi32>
    %get3A_699 = arith.constant 0 : index
    %get3A_700 = arith.constant 10240 : index
    %get3A_701 = vector.load %arg1[%get3A_699, %get3A_700] : memref<8x32768xf32, #tpu.memory_space<vmem>>, vector<8x128xf32>
    %gt3A_702 = arith.cmpf ogt, %get3A_701, %select_n3A_575 : vector<8x128xf32>
    %select_n3A_703 = arith.select %gt3A_702, %get3A_701, %select_n3A_575 : vector<8x128xi1>, vector<8x128xf32>
    %jit3A_704 = arith.constant 5 : i32
    %broadcast_in_dim3A_705 = vector.broadcast %jit3A_704 : i32 to vector<8x128xi32>
    %select_n3A_706 = arith.select %gt3A_702, %broadcast_in_dim3A_705, %select_n3A_578 : vector<8x128xi1>, vector<8x128xi32>
    %get3A_707 = arith.constant 0 : index
    %get3A_708 = arith.constant 10368 : index
    %get3A_709 = vector.load %arg1[%get3A_707, %get3A_708] : memref<8x32768xf32, #tpu.memory_space<vmem>>, vector<8x128xf32>
    %gt3A_710 = arith.cmpf ogt, %get3A_709, %select_n3A_583 : vector<8x128xf32>
    %select_n3A_711 = arith.select %gt3A_710, %get3A_709, %select_n3A_583 : vector<8x128xi1>, vector<8x128xf32>
    %jit3A_712 = arith.constant 5 : i32
    %broadcast_in_dim3A_713 = vector.broadcast %jit3A_712 : i32 to vector<8x128xi32>
    %select_n3A_714 = arith.select %gt3A_710, %broadcast_in_dim3A_713, %select_n3A_586 : vector<8x128xi1>, vector<8x128xi32>
    %get3A_715 = arith.constant 0 : index
    %get3A_716 = arith.constant 10496 : index
    %get3A_717 = vector.load %arg1[%get3A_715, %get3A_716] : memref<8x32768xf32, #tpu.memory_space<vmem>>, vector<8x128xf32>
    %gt3A_718 = arith.cmpf ogt, %get3A_717, %select_n3A_591 : vector<8x128xf32>
    %select_n3A_719 = arith.select %gt3A_718, %get3A_717, %select_n3A_591 : vector<8x128xi1>, vector<8x128xf32>
    %jit3A_720 = arith.constant 5 : i32
    %broadcast_in_dim3A_721 = vector.broadcast %jit3A_720 : i32 to vector<8x128xi32>
    %select_n3A_722 = arith.select %gt3A_718, %broadcast_in_dim3A_721, %select_n3A_594 : vector<8x128xi1>, vector<8x128xi32>
    %get3A_723 = arith.constant 0 : index
    %get3A_724 = arith.constant 10624 : index
    %get3A_725 = vector.load %arg1[%get3A_723, %get3A_724] : memref<8x32768xf32, #tpu.memory_space<vmem>>, vector<8x128xf32>
    %gt3A_726 = arith.cmpf ogt, %get3A_725, %select_n3A_599 : vector<8x128xf32>
    %select_n3A_727 = arith.select %gt3A_726, %get3A_725, %select_n3A_599 : vector<8x128xi1>, vector<8x128xf32>
    %jit3A_728 = arith.constant 5 : i32
    %broadcast_in_dim3A_729 = vector.broadcast %jit3A_728 : i32 to vector<8x128xi32>
    %select_n3A_730 = arith.select %gt3A_726, %broadcast_in_dim3A_729, %select_n3A_602 : vector<8x128xi1>, vector<8x128xi32>
    %get3A_731 = arith.constant 0 : index
    %get3A_732 = arith.constant 10752 : index
    %get3A_733 = vector.load %arg1[%get3A_731, %get3A_732] : memref<8x32768xf32, #tpu.memory_space<vmem>>, vector<8x128xf32>
    %gt3A_734 = arith.cmpf ogt, %get3A_733, %select_n3A_607 : vector<8x128xf32>
    %select_n3A_735 = arith.select %gt3A_734, %get3A_733, %select_n3A_607 : vector<8x128xi1>, vector<8x128xf32>
    %jit3A_736 = arith.constant 5 : i32
    %broadcast_in_dim3A_737 = vector.broadcast %jit3A_736 : i32 to vector<8x128xi32>
    %select_n3A_738 = arith.select %gt3A_734, %broadcast_in_dim3A_737, %select_n3A_610 : vector<8x128xi1>, vector<8x128xi32>
    %get3A_739 = arith.constant 0 : index
    %get3A_740 = arith.constant 10880 : index
    %get3A_741 = vector.load %arg1[%get3A_739, %get3A_740] : memref<8x32768xf32, #tpu.memory_space<vmem>>, vector<8x128xf32>
    %gt3A_742 = arith.cmpf ogt, %get3A_741, %select_n3A_615 : vector<8x128xf32>
    %select_n3A_743 = arith.select %gt3A_742, %get3A_741, %select_n3A_615 : vector<8x128xi1>, vector<8x128xf32>
    %jit3A_744 = arith.constant 5 : i32
    %broadcast_in_dim3A_745 = vector.broadcast %jit3A_744 : i32 to vector<8x128xi32>
    %select_n3A_746 = arith.select %gt3A_742, %broadcast_in_dim3A_745, %select_n3A_618 : vector<8x128xi1>, vector<8x128xi32>
    %get3A_747 = arith.constant 0 : index
    %get3A_748 = arith.constant 11008 : index
    %get3A_749 = vector.load %arg1[%get3A_747, %get3A_748] : memref<8x32768xf32, #tpu.memory_space<vmem>>, vector<8x128xf32>
    %gt3A_750 = arith.cmpf ogt, %get3A_749, %select_n3A_623 : vector<8x128xf32>
    %select_n3A_751 = arith.select %gt3A_750, %get3A_749, %select_n3A_623 : vector<8x128xi1>, vector<8x128xf32>
    %jit3A_752 = arith.constant 5 : i32
    %broadcast_in_dim3A_753 = vector.broadcast %jit3A_752 : i32 to vector<8x128xi32>
    %select_n3A_754 = arith.select %gt3A_750, %broadcast_in_dim3A_753, %select_n3A_626 : vector<8x128xi1>, vector<8x128xi32>
    %get3A_755 = arith.constant 0 : index
    %get3A_756 = arith.constant 11136 : index
    %get3A_757 = vector.load %arg1[%get3A_755, %get3A_756] : memref<8x32768xf32, #tpu.memory_space<vmem>>, vector<8x128xf32>
    %gt3A_758 = arith.cmpf ogt, %get3A_757, %select_n3A_631 : vector<8x128xf32>
    %select_n3A_759 = arith.select %gt3A_758, %get3A_757, %select_n3A_631 : vector<8x128xi1>, vector<8x128xf32>
    %jit3A_760 = arith.constant 5 : i32
    %broadcast_in_dim3A_761 = vector.broadcast %jit3A_760 : i32 to vector<8x128xi32>
    %select_n3A_762 = arith.select %gt3A_758, %broadcast_in_dim3A_761, %select_n3A_634 : vector<8x128xi1>, vector<8x128xi32>
    %get3A_763 = arith.constant 0 : index
    %get3A_764 = arith.constant 11264 : index
    %get3A_765 = vector.load %arg1[%get3A_763, %get3A_764] : memref<8x32768xf32, #tpu.memory_space<vmem>>, vector<8x128xf32>
    %gt3A_766 = arith.cmpf ogt, %get3A_765, %select_n3A_639 : vector<8x128xf32>
    %select_n3A_767 = arith.select %gt3A_766, %get3A_765, %select_n3A_639 : vector<8x128xi1>, vector<8x128xf32>
    %jit3A_768 = arith.constant 5 : i32
    %broadcast_in_dim3A_769 = vector.broadcast %jit3A_768 : i32 to vector<8x128xi32>
    %select_n3A_770 = arith.select %gt3A_766, %broadcast_in_dim3A_769, %select_n3A_642 : vector<8x128xi1>, vector<8x128xi32>
    %get3A_771 = arith.constant 0 : index
    %get3A_772 = arith.constant 11392 : index
    %get3A_773 = vector.load %arg1[%get3A_771, %get3A_772] : memref<8x32768xf32, #tpu.memory_space<vmem>>, vector<8x128xf32>
    %gt3A_774 = arith.cmpf ogt, %get3A_773, %select_n3A_647 : vector<8x128xf32>
    %select_n3A_775 = arith.select %gt3A_774, %get3A_773, %select_n3A_647 : vector<8x128xi1>, vector<8x128xf32>
    %jit3A_776 = arith.constant 5 : i32
    %broadcast_in_dim3A_777 = vector.broadcast %jit3A_776 : i32 to vector<8x128xi32>
    %select_n3A_778 = arith.select %gt3A_774, %broadcast_in_dim3A_777, %select_n3A_650 : vector<8x128xi1>, vector<8x128xi32>
    %get3A_779 = arith.constant 0 : index
    %get3A_780 = arith.constant 11520 : index
    %get3A_781 = vector.load %arg1[%get3A_779, %get3A_780] : memref<8x32768xf32, #tpu.memory_space<vmem>>, vector<8x128xf32>
    %gt3A_782 = arith.cmpf ogt, %get3A_781, %select_n3A_655 : vector<8x128xf32>
    %select_n3A_783 = arith.select %gt3A_782, %get3A_781, %select_n3A_655 : vector<8x128xi1>, vector<8x128xf32>
    %jit3A_784 = arith.constant 5 : i32
    %broadcast_in_dim3A_785 = vector.broadcast %jit3A_784 : i32 to vector<8x128xi32>
    %select_n3A_786 = arith.select %gt3A_782, %broadcast_in_dim3A_785, %select_n3A_658 : vector<8x128xi1>, vector<8x128xi32>
    %get3A_787 = arith.constant 0 : index
    %get3A_788 = arith.constant 11648 : index
    %get3A_789 = vector.load %arg1[%get3A_787, %get3A_788] : memref<8x32768xf32, #tpu.memory_space<vmem>>, vector<8x128xf32>
    %gt3A_790 = arith.cmpf ogt, %get3A_789, %select_n3A_663 : vector<8x128xf32>
    %select_n3A_791 = arith.select %gt3A_790, %get3A_789, %select_n3A_663 : vector<8x128xi1>, vector<8x128xf32>
    %jit3A_792 = arith.constant 5 : i32
    %broadcast_in_dim3A_793 = vector.broadcast %jit3A_792 : i32 to vector<8x128xi32>
    %select_n3A_794 = arith.select %gt3A_790, %broadcast_in_dim3A_793, %select_n3A_666 : vector<8x128xi1>, vector<8x128xi32>
    %get3A_795 = arith.constant 0 : index
    %get3A_796 = arith.constant 11776 : index
    %get3A_797 = vector.load %arg1[%get3A_795, %get3A_796] : memref<8x32768xf32, #tpu.memory_space<vmem>>, vector<8x128xf32>
    %gt3A_798 = arith.cmpf ogt, %get3A_797, %select_n3A_671 : vector<8x128xf32>
    %select_n3A_799 = arith.select %gt3A_798, %get3A_797, %select_n3A_671 : vector<8x128xi1>, vector<8x128xf32>
    %jit3A_800 = arith.constant 5 : i32
    %broadcast_in_dim3A_801 = vector.broadcast %jit3A_800 : i32 to vector<8x128xi32>
    %select_n3A_802 = arith.select %gt3A_798, %broadcast_in_dim3A_801, %select_n3A_674 : vector<8x128xi1>, vector<8x128xi32>
    %get3A_803 = arith.constant 0 : index
    %get3A_804 = arith.constant 11904 : index
    %get3A_805 = vector.load %arg1[%get3A_803, %get3A_804] : memref<8x32768xf32, #tpu.memory_space<vmem>>, vector<8x128xf32>
    %gt3A_806 = arith.cmpf ogt, %get3A_805, %select_n3A_679 : vector<8x128xf32>
    %select_n3A_807 = arith.select %gt3A_806, %get3A_805, %select_n3A_679 : vector<8x128xi1>, vector<8x128xf32>
    %jit3A_808 = arith.constant 5 : i32
    %broadcast_in_dim3A_809 = vector.broadcast %jit3A_808 : i32 to vector<8x128xi32>
    %select_n3A_810 = arith.select %gt3A_806, %broadcast_in_dim3A_809, %select_n3A_682 : vector<8x128xi1>, vector<8x128xi32>
    %get3A_811 = arith.constant 0 : index
    %get3A_812 = arith.constant 12032 : index
    %get3A_813 = vector.load %arg1[%get3A_811, %get3A_812] : memref<8x32768xf32, #tpu.memory_space<vmem>>, vector<8x128xf32>
    %gt3A_814 = arith.cmpf ogt, %get3A_813, %select_n3A_687 : vector<8x128xf32>
    %select_n3A_815 = arith.select %gt3A_814, %get3A_813, %select_n3A_687 : vector<8x128xi1>, vector<8x128xf32>
    %jit3A_816 = arith.constant 5 : i32
    %broadcast_in_dim3A_817 = vector.broadcast %jit3A_816 : i32 to vector<8x128xi32>
    %select_n3A_818 = arith.select %gt3A_814, %broadcast_in_dim3A_817, %select_n3A_690 : vector<8x128xi1>, vector<8x128xi32>
    %get3A_819 = arith.constant 0 : index
    %get3A_820 = arith.constant 12160 : index
    %get3A_821 = vector.load %arg1[%get3A_819, %get3A_820] : memref<8x32768xf32, #tpu.memory_space<vmem>>, vector<8x128xf32>
    %gt3A_822 = arith.cmpf ogt, %get3A_821, %select_n3A_695 : vector<8x128xf32>
    %select_n3A_823 = arith.select %gt3A_822, %get3A_821, %select_n3A_695 : vector<8x128xi1>, vector<8x128xf32>
    %jit3A_824 = arith.constant 5 : i32
    %broadcast_in_dim3A_825 = vector.broadcast %jit3A_824 : i32 to vector<8x128xi32>
    %select_n3A_826 = arith.select %gt3A_822, %broadcast_in_dim3A_825, %select_n3A_698 : vector<8x128xi1>, vector<8x128xi32>
    %get3A_827 = arith.constant 0 : index
    %get3A_828 = arith.constant 12288 : index
    %get3A_829 = vector.load %arg1[%get3A_827, %get3A_828] : memref<8x32768xf32, #tpu.memory_space<vmem>>, vector<8x128xf32>
    %gt3A_830 = arith.cmpf ogt, %get3A_829, %select_n3A_703 : vector<8x128xf32>
    %select_n3A_831 = arith.select %gt3A_830, %get3A_829, %select_n3A_703 : vector<8x128xi1>, vector<8x128xf32>
    %jit3A_832 = arith.constant 6 : i32
    %broadcast_in_dim3A_833 = vector.broadcast %jit3A_832 : i32 to vector<8x128xi32>
    %select_n3A_834 = arith.select %gt3A_830, %broadcast_in_dim3A_833, %select_n3A_706 : vector<8x128xi1>, vector<8x128xi32>
    %get3A_835 = arith.constant 0 : index
    %get3A_836 = arith.constant 12416 : index
    %get3A_837 = vector.load %arg1[%get3A_835, %get3A_836] : memref<8x32768xf32, #tpu.memory_space<vmem>>, vector<8x128xf32>
    %gt3A_838 = arith.cmpf ogt, %get3A_837, %select_n3A_711 : vector<8x128xf32>
    %select_n3A_839 = arith.select %gt3A_838, %get3A_837, %select_n3A_711 : vector<8x128xi1>, vector<8x128xf32>
    %jit3A_840 = arith.constant 6 : i32
    %broadcast_in_dim3A_841 = vector.broadcast %jit3A_840 : i32 to vector<8x128xi32>
    %select_n3A_842 = arith.select %gt3A_838, %broadcast_in_dim3A_841, %select_n3A_714 : vector<8x128xi1>, vector<8x128xi32>
    %get3A_843 = arith.constant 0 : index
    %get3A_844 = arith.constant 12544 : index
    %get3A_845 = vector.load %arg1[%get3A_843, %get3A_844] : memref<8x32768xf32, #tpu.memory_space<vmem>>, vector<8x128xf32>
    %gt3A_846 = arith.cmpf ogt, %get3A_845, %select_n3A_719 : vector<8x128xf32>
    %select_n3A_847 = arith.select %gt3A_846, %get3A_845, %select_n3A_719 : vector<8x128xi1>, vector<8x128xf32>
    %jit3A_848 = arith.constant 6 : i32
    %broadcast_in_dim3A_849 = vector.broadcast %jit3A_848 : i32 to vector<8x128xi32>
    %select_n3A_850 = arith.select %gt3A_846, %broadcast_in_dim3A_849, %select_n3A_722 : vector<8x128xi1>, vector<8x128xi32>
    %get3A_851 = arith.constant 0 : index
    %get3A_852 = arith.constant 12672 : index
    %get3A_853 = vector.load %arg1[%get3A_851, %get3A_852] : memref<8x32768xf32, #tpu.memory_space<vmem>>, vector<8x128xf32>
    %gt3A_854 = arith.cmpf ogt, %get3A_853, %select_n3A_727 : vector<8x128xf32>
    %select_n3A_855 = arith.select %gt3A_854, %get3A_853, %select_n3A_727 : vector<8x128xi1>, vector<8x128xf32>
    %jit3A_856 = arith.constant 6 : i32
    %broadcast_in_dim3A_857 = vector.broadcast %jit3A_856 : i32 to vector<8x128xi32>
    %select_n3A_858 = arith.select %gt3A_854, %broadcast_in_dim3A_857, %select_n3A_730 : vector<8x128xi1>, vector<8x128xi32>
    %get3A_859 = arith.constant 0 : index
    %get3A_860 = arith.constant 12800 : index
    %get3A_861 = vector.load %arg1[%get3A_859, %get3A_860] : memref<8x32768xf32, #tpu.memory_space<vmem>>, vector<8x128xf32>
    %gt3A_862 = arith.cmpf ogt, %get3A_861, %select_n3A_735 : vector<8x128xf32>
    %select_n3A_863 = arith.select %gt3A_862, %get3A_861, %select_n3A_735 : vector<8x128xi1>, vector<8x128xf32>
    %jit3A_864 = arith.constant 6 : i32
    %broadcast_in_dim3A_865 = vector.broadcast %jit3A_864 : i32 to vector<8x128xi32>
    %select_n3A_866 = arith.select %gt3A_862, %broadcast_in_dim3A_865, %select_n3A_738 : vector<8x128xi1>, vector<8x128xi32>
    %get3A_867 = arith.constant 0 : index
    %get3A_868 = arith.constant 12928 : index
    %get3A_869 = vector.load %arg1[%get3A_867, %get3A_868] : memref<8x32768xf32, #tpu.memory_space<vmem>>, vector<8x128xf32>
    %gt3A_870 = arith.cmpf ogt, %get3A_869, %select_n3A_743 : vector<8x128xf32>
    %select_n3A_871 = arith.select %gt3A_870, %get3A_869, %select_n3A_743 : vector<8x128xi1>, vector<8x128xf32>
    %jit3A_872 = arith.constant 6 : i32
    %broadcast_in_dim3A_873 = vector.broadcast %jit3A_872 : i32 to vector<8x128xi32>
    %select_n3A_874 = arith.select %gt3A_870, %broadcast_in_dim3A_873, %select_n3A_746 : vector<8x128xi1>, vector<8x128xi32>
    %get3A_875 = arith.constant 0 : index
    %get3A_876 = arith.constant 13056 : index
    %get3A_877 = vector.load %arg1[%get3A_875, %get3A_876] : memref<8x32768xf32, #tpu.memory_space<vmem>>, vector<8x128xf32>
    %gt3A_878 = arith.cmpf ogt, %get3A_877, %select_n3A_751 : vector<8x128xf32>
    %select_n3A_879 = arith.select %gt3A_878, %get3A_877, %select_n3A_751 : vector<8x128xi1>, vector<8x128xf32>
    %jit3A_880 = arith.constant 6 : i32
    %broadcast_in_dim3A_881 = vector.broadcast %jit3A_880 : i32 to vector<8x128xi32>
    %select_n3A_882 = arith.select %gt3A_878, %broadcast_in_dim3A_881, %select_n3A_754 : vector<8x128xi1>, vector<8x128xi32>
    %get3A_883 = arith.constant 0 : index
    %get3A_884 = arith.constant 13184 : index
    %get3A_885 = vector.load %arg1[%get3A_883, %get3A_884] : memref<8x32768xf32, #tpu.memory_space<vmem>>, vector<8x128xf32>
    %gt3A_886 = arith.cmpf ogt, %get3A_885, %select_n3A_759 : vector<8x128xf32>
    %select_n3A_887 = arith.select %gt3A_886, %get3A_885, %select_n3A_759 : vector<8x128xi1>, vector<8x128xf32>
    %jit3A_888 = arith.constant 6 : i32
    %broadcast_in_dim3A_889 = vector.broadcast %jit3A_888 : i32 to vector<8x128xi32>
    %select_n3A_890 = arith.select %gt3A_886, %broadcast_in_dim3A_889, %select_n3A_762 : vector<8x128xi1>, vector<8x128xi32>
    %get3A_891 = arith.constant 0 : index
    %get3A_892 = arith.constant 13312 : index
    %get3A_893 = vector.load %arg1[%get3A_891, %get3A_892] : memref<8x32768xf32, #tpu.memory_space<vmem>>, vector<8x128xf32>
    %gt3A_894 = arith.cmpf ogt, %get3A_893, %select_n3A_767 : vector<8x128xf32>
    %select_n3A_895 = arith.select %gt3A_894, %get3A_893, %select_n3A_767 : vector<8x128xi1>, vector<8x128xf32>
    %jit3A_896 = arith.constant 6 : i32
    %broadcast_in_dim3A_897 = vector.broadcast %jit3A_896 : i32 to vector<8x128xi32>
    %select_n3A_898 = arith.select %gt3A_894, %broadcast_in_dim3A_897, %select_n3A_770 : vector<8x128xi1>, vector<8x128xi32>
    %get3A_899 = arith.constant 0 : index
    %get3A_900 = arith.constant 13440 : index
    %get3A_901 = vector.load %arg1[%get3A_899, %get3A_900] : memref<8x32768xf32, #tpu.memory_space<vmem>>, vector<8x128xf32>
    %gt3A_902 = arith.cmpf ogt, %get3A_901, %select_n3A_775 : vector<8x128xf32>
    %select_n3A_903 = arith.select %gt3A_902, %get3A_901, %select_n3A_775 : vector<8x128xi1>, vector<8x128xf32>
    %jit3A_904 = arith.constant 6 : i32
    %broadcast_in_dim3A_905 = vector.broadcast %jit3A_904 : i32 to vector<8x128xi32>
    %select_n3A_906 = arith.select %gt3A_902, %broadcast_in_dim3A_905, %select_n3A_778 : vector<8x128xi1>, vector<8x128xi32>
    %get3A_907 = arith.constant 0 : index
    %get3A_908 = arith.constant 13568 : index
    %get3A_909 = vector.load %arg1[%get3A_907, %get3A_908] : memref<8x32768xf32, #tpu.memory_space<vmem>>, vector<8x128xf32>
    %gt3A_910 = arith.cmpf ogt, %get3A_909, %select_n3A_783 : vector<8x128xf32>
    %select_n3A_911 = arith.select %gt3A_910, %get3A_909, %select_n3A_783 : vector<8x128xi1>, vector<8x128xf32>
    %jit3A_912 = arith.constant 6 : i32
    %broadcast_in_dim3A_913 = vector.broadcast %jit3A_912 : i32 to vector<8x128xi32>
    %select_n3A_914 = arith.select %gt3A_910, %broadcast_in_dim3A_913, %select_n3A_786 : vector<8x128xi1>, vector<8x128xi32>
    %get3A_915 = arith.constant 0 : index
    %get3A_916 = arith.constant 13696 : index
    %get3A_917 = vector.load %arg1[%get3A_915, %get3A_916] : memref<8x32768xf32, #tpu.memory_space<vmem>>, vector<8x128xf32>
    %gt3A_918 = arith.cmpf ogt, %get3A_917, %select_n3A_791 : vector<8x128xf32>
    %select_n3A_919 = arith.select %gt3A_918, %get3A_917, %select_n3A_791 : vector<8x128xi1>, vector<8x128xf32>
    %jit3A_920 = arith.constant 6 : i32
    %broadcast_in_dim3A_921 = vector.broadcast %jit3A_920 : i32 to vector<8x128xi32>
    %select_n3A_922 = arith.select %gt3A_918, %broadcast_in_dim3A_921, %select_n3A_794 : vector<8x128xi1>, vector<8x128xi32>
    %get3A_923 = arith.constant 0 : index
    %get3A_924 = arith.constant 13824 : index
    %get3A_925 = vector.load %arg1[%get3A_923, %get3A_924] : memref<8x32768xf32, #tpu.memory_space<vmem>>, vector<8x128xf32>
    %gt3A_926 = arith.cmpf ogt, %get3A_925, %select_n3A_799 : vector<8x128xf32>
    %select_n3A_927 = arith.select %gt3A_926, %get3A_925, %select_n3A_799 : vector<8x128xi1>, vector<8x128xf32>
    %jit3A_928 = arith.constant 6 : i32
    %broadcast_in_dim3A_929 = vector.broadcast %jit3A_928 : i32 to vector<8x128xi32>
    %select_n3A_930 = arith.select %gt3A_926, %broadcast_in_dim3A_929, %select_n3A_802 : vector<8x128xi1>, vector<8x128xi32>
    %get3A_931 = arith.constant 0 : index
    %get3A_932 = arith.constant 13952 : index
    %get3A_933 = vector.load %arg1[%get3A_931, %get3A_932] : memref<8x32768xf32, #tpu.memory_space<vmem>>, vector<8x128xf32>
    %gt3A_934 = arith.cmpf ogt, %get3A_933, %select_n3A_807 : vector<8x128xf32>
    %select_n3A_935 = arith.select %gt3A_934, %get3A_933, %select_n3A_807 : vector<8x128xi1>, vector<8x128xf32>
    %jit3A_936 = arith.constant 6 : i32
    %broadcast_in_dim3A_937 = vector.broadcast %jit3A_936 : i32 to vector<8x128xi32>
    %select_n3A_938 = arith.select %gt3A_934, %broadcast_in_dim3A_937, %select_n3A_810 : vector<8x128xi1>, vector<8x128xi32>
    %get3A_939 = arith.constant 0 : index
    %get3A_940 = arith.constant 14080 : index
    %get3A_941 = vector.load %arg1[%get3A_939, %get3A_940] : memref<8x32768xf32, #tpu.memory_space<vmem>>, vector<8x128xf32>
    %gt3A_942 = arith.cmpf ogt, %get3A_941, %select_n3A_815 : vector<8x128xf32>
    %select_n3A_943 = arith.select %gt3A_942, %get3A_941, %select_n3A_815 : vector<8x128xi1>, vector<8x128xf32>
    %jit3A_944 = arith.constant 6 : i32
    %broadcast_in_dim3A_945 = vector.broadcast %jit3A_944 : i32 to vector<8x128xi32>
    %select_n3A_946 = arith.select %gt3A_942, %broadcast_in_dim3A_945, %select_n3A_818 : vector<8x128xi1>, vector<8x128xi32>
    %get3A_947 = arith.constant 0 : index
    %get3A_948 = arith.constant 14208 : index
    %get3A_949 = vector.load %arg1[%get3A_947, %get3A_948] : memref<8x32768xf32, #tpu.memory_space<vmem>>, vector<8x128xf32>
    %gt3A_950 = arith.cmpf ogt, %get3A_949, %select_n3A_823 : vector<8x128xf32>
    %select_n3A_951 = arith.select %gt3A_950, %get3A_949, %select_n3A_823 : vector<8x128xi1>, vector<8x128xf32>
    %jit3A_952 = arith.constant 6 : i32
    %broadcast_in_dim3A_953 = vector.broadcast %jit3A_952 : i32 to vector<8x128xi32>
    %select_n3A_954 = arith.select %gt3A_950, %broadcast_in_dim3A_953, %select_n3A_826 : vector<8x128xi1>, vector<8x128xi32>
    %get3A_955 = arith.constant 0 : index
    %get3A_956 = arith.constant 14336 : index
    %get3A_957 = vector.load %arg1[%get3A_955, %get3A_956] : memref<8x32768xf32, #tpu.memory_space<vmem>>, vector<8x128xf32>
    %gt3A_958 = arith.cmpf ogt, %get3A_957, %select_n3A_831 : vector<8x128xf32>
    %select_n3A_959 = arith.select %gt3A_958, %get3A_957, %select_n3A_831 : vector<8x128xi1>, vector<8x128xf32>
    %jit3A_960 = arith.constant 7 : i32
    %broadcast_in_dim3A_961 = vector.broadcast %jit3A_960 : i32 to vector<8x128xi32>
    %select_n3A_962 = arith.select %gt3A_958, %broadcast_in_dim3A_961, %select_n3A_834 : vector<8x128xi1>, vector<8x128xi32>
    %get3A_963 = arith.constant 0 : index
    %get3A_964 = arith.constant 14464 : index
    %get3A_965 = vector.load %arg1[%get3A_963, %get3A_964] : memref<8x32768xf32, #tpu.memory_space<vmem>>, vector<8x128xf32>
    %gt3A_966 = arith.cmpf ogt, %get3A_965, %select_n3A_839 : vector<8x128xf32>
    %select_n3A_967 = arith.select %gt3A_966, %get3A_965, %select_n3A_839 : vector<8x128xi1>, vector<8x128xf32>
    %jit3A_968 = arith.constant 7 : i32
    %broadcast_in_dim3A_969 = vector.broadcast %jit3A_968 : i32 to vector<8x128xi32>
    %select_n3A_970 = arith.select %gt3A_966, %broadcast_in_dim3A_969, %select_n3A_842 : vector<8x128xi1>, vector<8x128xi32>
    %get3A_971 = arith.constant 0 : index
    %get3A_972 = arith.constant 14592 : index
    %get3A_973 = vector.load %arg1[%get3A_971, %get3A_972] : memref<8x32768xf32, #tpu.memory_space<vmem>>, vector<8x128xf32>
    %gt3A_974 = arith.cmpf ogt, %get3A_973, %select_n3A_847 : vector<8x128xf32>
    %select_n3A_975 = arith.select %gt3A_974, %get3A_973, %select_n3A_847 : vector<8x128xi1>, vector<8x128xf32>
    %jit3A_976 = arith.constant 7 : i32
    %broadcast_in_dim3A_977 = vector.broadcast %jit3A_976 : i32 to vector<8x128xi32>
    %select_n3A_978 = arith.select %gt3A_974, %broadcast_in_dim3A_977, %select_n3A_850 : vector<8x128xi1>, vector<8x128xi32>
    %get3A_979 = arith.constant 0 : index
    %get3A_980 = arith.constant 14720 : index
    %get3A_981 = vector.load %arg1[%get3A_979, %get3A_980] : memref<8x32768xf32, #tpu.memory_space<vmem>>, vector<8x128xf32>
    %gt3A_982 = arith.cmpf ogt, %get3A_981, %select_n3A_855 : vector<8x128xf32>
    %select_n3A_983 = arith.select %gt3A_982, %get3A_981, %select_n3A_855 : vector<8x128xi1>, vector<8x128xf32>
    %jit3A_984 = arith.constant 7 : i32
    %broadcast_in_dim3A_985 = vector.broadcast %jit3A_984 : i32 to vector<8x128xi32>
    %select_n3A_986 = arith.select %gt3A_982, %broadcast_in_dim3A_985, %select_n3A_858 : vector<8x128xi1>, vector<8x128xi32>
    %get3A_987 = arith.constant 0 : index
    %get3A_988 = arith.constant 14848 : index
    %get3A_989 = vector.load %arg1[%get3A_987, %get3A_988] : memref<8x32768xf32, #tpu.memory_space<vmem>>, vector<8x128xf32>
    %gt3A_990 = arith.cmpf ogt, %get3A_989, %select_n3A_863 : vector<8x128xf32>
    %select_n3A_991 = arith.select %gt3A_990, %get3A_989, %select_n3A_863 : vector<8x128xi1>, vector<8x128xf32>
    %jit3A_992 = arith.constant 7 : i32
    %broadcast_in_dim3A_993 = vector.broadcast %jit3A_992 : i32 to vector<8x128xi32>
    %select_n3A_994 = arith.select %gt3A_990, %broadcast_in_dim3A_993, %select_n3A_866 : vector<8x128xi1>, vector<8x128xi32>
    %get3A_995 = arith.constant 0 : index
    %get3A_996 = arith.constant 14976 : index
    %get3A_997 = vector.load %arg1[%get3A_995, %get3A_996] : memref<8x32768xf32, #tpu.memory_space<vmem>>, vector<8x128xf32>
    %gt3A_998 = arith.cmpf ogt, %get3A_997, %select_n3A_871 : vector<8x128xf32>
    %select_n3A_999 = arith.select %gt3A_998, %get3A_997, %select_n3A_871 : vector<8x128xi1>, vector<8x128xf32>
    %jit3A_1000 = arith.constant 7 : i32
    %broadcast_in_dim3A_1001 = vector.broadcast %jit3A_1000 : i32 to vector<8x128xi32>
    %select_n3A_1002 = arith.select %gt3A_998, %broadcast_in_dim3A_1001, %select_n3A_874 : vector<8x128xi1>, vector<8x128xi32>
    %get3A_1003 = arith.constant 0 : index
    %get3A_1004 = arith.constant 15104 : index
    %get3A_1005 = vector.load %arg1[%get3A_1003, %get3A_1004] : memref<8x32768xf32, #tpu.memory_space<vmem>>, vector<8x128xf32>
    %gt3A_1006 = arith.cmpf ogt, %get3A_1005, %select_n3A_879 : vector<8x128xf32>
    %select_n3A_1007 = arith.select %gt3A_1006, %get3A_1005, %select_n3A_879 : vector<8x128xi1>, vector<8x128xf32>
    %jit3A_1008 = arith.constant 7 : i32
    %broadcast_in_dim3A_1009 = vector.broadcast %jit3A_1008 : i32 to vector<8x128xi32>
    %select_n3A_1010 = arith.select %gt3A_1006, %broadcast_in_dim3A_1009, %select_n3A_882 : vector<8x128xi1>, vector<8x128xi32>
    %get3A_1011 = arith.constant 0 : index
    %get3A_1012 = arith.constant 15232 : index
    %get3A_1013 = vector.load %arg1[%get3A_1011, %get3A_1012] : memref<8x32768xf32, #tpu.memory_space<vmem>>, vector<8x128xf32>
    %gt3A_1014 = arith.cmpf ogt, %get3A_1013, %select_n3A_887 : vector<8x128xf32>
    %select_n3A_1015 = arith.select %gt3A_1014, %get3A_1013, %select_n3A_887 : vector<8x128xi1>, vector<8x128xf32>
    %jit3A_1016 = arith.constant 7 : i32
    %broadcast_in_dim3A_1017 = vector.broadcast %jit3A_1016 : i32 to vector<8x128xi32>
    %select_n3A_1018 = arith.select %gt3A_1014, %broadcast_in_dim3A_1017, %select_n3A_890 : vector<8x128xi1>, vector<8x128xi32>
    %get3A_1019 = arith.constant 0 : index
    %get3A_1020 = arith.constant 15360 : index
    %get3A_1021 = vector.load %arg1[%get3A_1019, %get3A_1020] : memref<8x32768xf32, #tpu.memory_space<vmem>>, vector<8x128xf32>
    %gt3A_1022 = arith.cmpf ogt, %get3A_1021, %select_n3A_895 : vector<8x128xf32>
    %select_n3A_1023 = arith.select %gt3A_1022, %get3A_1021, %select_n3A_895 : vector<8x128xi1>, vector<8x128xf32>
    %jit3A_1024 = arith.constant 7 : i32
    %broadcast_in_dim3A_1025 = vector.broadcast %jit3A_1024 : i32 to vector<8x128xi32>
    %select_n3A_1026 = arith.select %gt3A_1022, %broadcast_in_dim3A_1025, %select_n3A_898 : vector<8x128xi1>, vector<8x128xi32>
    %get3A_1027 = arith.constant 0 : index
    %get3A_1028 = arith.constant 15488 : index
    %get3A_1029 = vector.load %arg1[%get3A_1027, %get3A_1028] : memref<8x32768xf32, #tpu.memory_space<vmem>>, vector<8x128xf32>
    %gt3A_1030 = arith.cmpf ogt, %get3A_1029, %select_n3A_903 : vector<8x128xf32>
    %select_n3A_1031 = arith.select %gt3A_1030, %get3A_1029, %select_n3A_903 : vector<8x128xi1>, vector<8x128xf32>
    %jit3A_1032 = arith.constant 7 : i32
    %broadcast_in_dim3A_1033 = vector.broadcast %jit3A_1032 : i32 to vector<8x128xi32>
    %select_n3A_1034 = arith.select %gt3A_1030, %broadcast_in_dim3A_1033, %select_n3A_906 : vector<8x128xi1>, vector<8x128xi32>
    %get3A_1035 = arith.constant 0 : index
    %get3A_1036 = arith.constant 15616 : index
    %get3A_1037 = vector.load %arg1[%get3A_1035, %get3A_1036] : memref<8x32768xf32, #tpu.memory_space<vmem>>, vector<8x128xf32>
    %gt3A_1038 = arith.cmpf ogt, %get3A_1037, %select_n3A_911 : vector<8x128xf32>
    %select_n3A_1039 = arith.select %gt3A_1038, %get3A_1037, %select_n3A_911 : vector<8x128xi1>, vector<8x128xf32>
    %jit3A_1040 = arith.constant 7 : i32
    %broadcast_in_dim3A_1041 = vector.broadcast %jit3A_1040 : i32 to vector<8x128xi32>
    %select_n3A_1042 = arith.select %gt3A_1038, %broadcast_in_dim3A_1041, %select_n3A_914 : vector<8x128xi1>, vector<8x128xi32>
    %get3A_1043 = arith.constant 0 : index
    %get3A_1044 = arith.constant 15744 : index
    %get3A_1045 = vector.load %arg1[%get3A_1043, %get3A_1044] : memref<8x32768xf32, #tpu.memory_space<vmem>>, vector<8x128xf32>
    %gt3A_1046 = arith.cmpf ogt, %get3A_1045, %select_n3A_919 : vector<8x128xf32>
    %select_n3A_1047 = arith.select %gt3A_1046, %get3A_1045, %select_n3A_919 : vector<8x128xi1>, vector<8x128xf32>
    %jit3A_1048 = arith.constant 7 : i32
    %broadcast_in_dim3A_1049 = vector.broadcast %jit3A_1048 : i32 to vector<8x128xi32>
    %select_n3A_1050 = arith.select %gt3A_1046, %broadcast_in_dim3A_1049, %select_n3A_922 : vector<8x128xi1>, vector<8x128xi32>
    %get3A_1051 = arith.constant 0 : index
    %get3A_1052 = arith.constant 15872 : index
    %get3A_1053 = vector.load %arg1[%get3A_1051, %get3A_1052] : memref<8x32768xf32, #tpu.memory_space<vmem>>, vector<8x128xf32>
    %gt3A_1054 = arith.cmpf ogt, %get3A_1053, %select_n3A_927 : vector<8x128xf32>
    %select_n3A_1055 = arith.select %gt3A_1054, %get3A_1053, %select_n3A_927 : vector<8x128xi1>, vector<8x128xf32>
    %jit3A_1056 = arith.constant 7 : i32
    %broadcast_in_dim3A_1057 = vector.broadcast %jit3A_1056 : i32 to vector<8x128xi32>
    %select_n3A_1058 = arith.select %gt3A_1054, %broadcast_in_dim3A_1057, %select_n3A_930 : vector<8x128xi1>, vector<8x128xi32>
    %get3A_1059 = arith.constant 0 : index
    %get3A_1060 = arith.constant 16000 : index
    %get3A_1061 = vector.load %arg1[%get3A_1059, %get3A_1060] : memref<8x32768xf32, #tpu.memory_space<vmem>>, vector<8x128xf32>
    %gt3A_1062 = arith.cmpf ogt, %get3A_1061, %select_n3A_935 : vector<8x128xf32>
    %select_n3A_1063 = arith.select %gt3A_1062, %get3A_1061, %select_n3A_935 : vector<8x128xi1>, vector<8x128xf32>
    %jit3A_1064 = arith.constant 7 : i32
    %broadcast_in_dim3A_1065 = vector.broadcast %jit3A_1064 : i32 to vector<8x128xi32>
    %select_n3A_1066 = arith.select %gt3A_1062, %broadcast_in_dim3A_1065, %select_n3A_938 : vector<8x128xi1>, vector<8x128xi32>
    %get3A_1067 = arith.constant 0 : index
    %get3A_1068 = arith.constant 16128 : index
    %get3A_1069 = vector.load %arg1[%get3A_1067, %get3A_1068] : memref<8x32768xf32, #tpu.memory_space<vmem>>, vector<8x128xf32>
    %gt3A_1070 = arith.cmpf ogt, %get3A_1069, %select_n3A_943 : vector<8x128xf32>
    %select_n3A_1071 = arith.select %gt3A_1070, %get3A_1069, %select_n3A_943 : vector<8x128xi1>, vector<8x128xf32>
    %jit3A_1072 = arith.constant 7 : i32
    %broadcast_in_dim3A_1073 = vector.broadcast %jit3A_1072 : i32 to vector<8x128xi32>
    %select_n3A_1074 = arith.select %gt3A_1070, %broadcast_in_dim3A_1073, %select_n3A_946 : vector<8x128xi1>, vector<8x128xi32>
    %get3A_1075 = arith.constant 0 : index
    %get3A_1076 = arith.constant 16256 : index
    %get3A_1077 = vector.load %arg1[%get3A_1075, %get3A_1076] : memref<8x32768xf32, #tpu.memory_space<vmem>>, vector<8x128xf32>
    %gt3A_1078 = arith.cmpf ogt, %get3A_1077, %select_n3A_951 : vector<8x128xf32>
    %select_n3A_1079 = arith.select %gt3A_1078, %get3A_1077, %select_n3A_951 : vector<8x128xi1>, vector<8x128xf32>
    %jit3A_1080 = arith.constant 7 : i32
    %broadcast_in_dim3A_1081 = vector.broadcast %jit3A_1080 : i32 to vector<8x128xi32>
    %select_n3A_1082 = arith.select %gt3A_1078, %broadcast_in_dim3A_1081, %select_n3A_954 : vector<8x128xi1>, vector<8x128xi32>
    %get3A_1083 = arith.constant 0 : index
    %get3A_1084 = arith.constant 16384 : index
    %get3A_1085 = vector.load %arg1[%get3A_1083, %get3A_1084] : memref<8x32768xf32, #tpu.memory_space<vmem>>, vector<8x128xf32>
    %gt3A_1086 = arith.cmpf ogt, %get3A_1085, %select_n3A_959 : vector<8x128xf32>
    %select_n3A_1087 = arith.select %gt3A_1086, %get3A_1085, %select_n3A_959 : vector<8x128xi1>, vector<8x128xf32>
    %jit3A_1088 = arith.constant 8 : i32
    %broadcast_in_dim3A_1089 = vector.broadcast %jit3A_1088 : i32 to vector<8x128xi32>
    %select_n3A_1090 = arith.select %gt3A_1086, %broadcast_in_dim3A_1089, %select_n3A_962 : vector<8x128xi1>, vector<8x128xi32>
    %get3A_1091 = arith.constant 0 : index
    %get3A_1092 = arith.constant 16512 : index
    %get3A_1093 = vector.load %arg1[%get3A_1091, %get3A_1092] : memref<8x32768xf32, #tpu.memory_space<vmem>>, vector<8x128xf32>
    %gt3A_1094 = arith.cmpf ogt, %get3A_1093, %select_n3A_967 : vector<8x128xf32>
    %select_n3A_1095 = arith.select %gt3A_1094, %get3A_1093, %select_n3A_967 : vector<8x128xi1>, vector<8x128xf32>
    %jit3A_1096 = arith.constant 8 : i32
    %broadcast_in_dim3A_1097 = vector.broadcast %jit3A_1096 : i32 to vector<8x128xi32>
    %select_n3A_1098 = arith.select %gt3A_1094, %broadcast_in_dim3A_1097, %select_n3A_970 : vector<8x128xi1>, vector<8x128xi32>
    %get3A_1099 = arith.constant 0 : index
    %get3A_1100 = arith.constant 16640 : index
    %get3A_1101 = vector.load %arg1[%get3A_1099, %get3A_1100] : memref<8x32768xf32, #tpu.memory_space<vmem>>, vector<8x128xf32>
    %gt3A_1102 = arith.cmpf ogt, %get3A_1101, %select_n3A_975 : vector<8x128xf32>
    %select_n3A_1103 = arith.select %gt3A_1102, %get3A_1101, %select_n3A_975 : vector<8x128xi1>, vector<8x128xf32>
    %jit3A_1104 = arith.constant 8 : i32
    %broadcast_in_dim3A_1105 = vector.broadcast %jit3A_1104 : i32 to vector<8x128xi32>
    %select_n3A_1106 = arith.select %gt3A_1102, %broadcast_in_dim3A_1105, %select_n3A_978 : vector<8x128xi1>, vector<8x128xi32>
    %get3A_1107 = arith.constant 0 : index
    %get3A_1108 = arith.constant 16768 : index
    %get3A_1109 = vector.load %arg1[%get3A_1107, %get3A_1108] : memref<8x32768xf32, #tpu.memory_space<vmem>>, vector<8x128xf32>
    %gt3A_1110 = arith.cmpf ogt, %get3A_1109, %select_n3A_983 : vector<8x128xf32>
    %select_n3A_1111 = arith.select %gt3A_1110, %get3A_1109, %select_n3A_983 : vector<8x128xi1>, vector<8x128xf32>
    %jit3A_1112 = arith.constant 8 : i32
    %broadcast_in_dim3A_1113 = vector.broadcast %jit3A_1112 : i32 to vector<8x128xi32>
    %select_n3A_1114 = arith.select %gt3A_1110, %broadcast_in_dim3A_1113, %select_n3A_986 : vector<8x128xi1>, vector<8x128xi32>
    %get3A_1115 = arith.constant 0 : index
    %get3A_1116 = arith.constant 16896 : index
    %get3A_1117 = vector.load %arg1[%get3A_1115, %get3A_1116] : memref<8x32768xf32, #tpu.memory_space<vmem>>, vector<8x128xf32>
    %gt3A_1118 = arith.cmpf ogt, %get3A_1117, %select_n3A_991 : vector<8x128xf32>
    %select_n3A_1119 = arith.select %gt3A_1118, %get3A_1117, %select_n3A_991 : vector<8x128xi1>, vector<8x128xf32>
    %jit3A_1120 = arith.constant 8 : i32
    %broadcast_in_dim3A_1121 = vector.broadcast %jit3A_1120 : i32 to vector<8x128xi32>
    %select_n3A_1122 = arith.select %gt3A_1118, %broadcast_in_dim3A_1121, %select_n3A_994 : vector<8x128xi1>, vector<8x128xi32>
    %get3A_1123 = arith.constant 0 : index
    %get3A_1124 = arith.constant 17024 : index
    %get3A_1125 = vector.load %arg1[%get3A_1123, %get3A_1124] : memref<8x32768xf32, #tpu.memory_space<vmem>>, vector<8x128xf32>
    %gt3A_1126 = arith.cmpf ogt, %get3A_1125, %select_n3A_999 : vector<8x128xf32>
    %select_n3A_1127 = arith.select %gt3A_1126, %get3A_1125, %select_n3A_999 : vector<8x128xi1>, vector<8x128xf32>
    %jit3A_1128 = arith.constant 8 : i32
    %broadcast_in_dim3A_1129 = vector.broadcast %jit3A_1128 : i32 to vector<8x128xi32>
    %select_n3A_1130 = arith.select %gt3A_1126, %broadcast_in_dim3A_1129, %select_n3A_1002 : vector<8x128xi1>, vector<8x128xi32>
    %get3A_1131 = arith.constant 0 : index
    %get3A_1132 = arith.constant 17152 : index
    %get3A_1133 = vector.load %arg1[%get3A_1131, %get3A_1132] : memref<8x32768xf32, #tpu.memory_space<vmem>>, vector<8x128xf32>
    %gt3A_1134 = arith.cmpf ogt, %get3A_1133, %select_n3A_1007 : vector<8x128xf32>
    %select_n3A_1135 = arith.select %gt3A_1134, %get3A_1133, %select_n3A_1007 : vector<8x128xi1>, vector<8x128xf32>
    %jit3A_1136 = arith.constant 8 : i32
    %broadcast_in_dim3A_1137 = vector.broadcast %jit3A_1136 : i32 to vector<8x128xi32>
    %select_n3A_1138 = arith.select %gt3A_1134, %broadcast_in_dim3A_1137, %select_n3A_1010 : vector<8x128xi1>, vector<8x128xi32>
    %get3A_1139 = arith.constant 0 : index
    %get3A_1140 = arith.constant 17280 : index
    %get3A_1141 = vector.load %arg1[%get3A_1139, %get3A_1140] : memref<8x32768xf32, #tpu.memory_space<vmem>>, vector<8x128xf32>
    %gt3A_1142 = arith.cmpf ogt, %get3A_1141, %select_n3A_1015 : vector<8x128xf32>
    %select_n3A_1143 = arith.select %gt3A_1142, %get3A_1141, %select_n3A_1015 : vector<8x128xi1>, vector<8x128xf32>
    %jit3A_1144 = arith.constant 8 : i32
    %broadcast_in_dim3A_1145 = vector.broadcast %jit3A_1144 : i32 to vector<8x128xi32>
    %select_n3A_1146 = arith.select %gt3A_1142, %broadcast_in_dim3A_1145, %select_n3A_1018 : vector<8x128xi1>, vector<8x128xi32>
    %get3A_1147 = arith.constant 0 : index
    %get3A_1148 = arith.constant 17408 : index
    %get3A_1149 = vector.load %arg1[%get3A_1147, %get3A_1148] : memref<8x32768xf32, #tpu.memory_space<vmem>>, vector<8x128xf32>
    %gt3A_1150 = arith.cmpf ogt, %get3A_1149, %select_n3A_1023 : vector<8x128xf32>
    %select_n3A_1151 = arith.select %gt3A_1150, %get3A_1149, %select_n3A_1023 : vector<8x128xi1>, vector<8x128xf32>
    %jit3A_1152 = arith.constant 8 : i32
    %broadcast_in_dim3A_1153 = vector.broadcast %jit3A_1152 : i32 to vector<8x128xi32>
    %select_n3A_1154 = arith.select %gt3A_1150, %broadcast_in_dim3A_1153, %select_n3A_1026 : vector<8x128xi1>, vector<8x128xi32>
    %get3A_1155 = arith.constant 0 : index
    %get3A_1156 = arith.constant 17536 : index
    %get3A_1157 = vector.load %arg1[%get3A_1155, %get3A_1156] : memref<8x32768xf32, #tpu.memory_space<vmem>>, vector<8x128xf32>
    %gt3A_1158 = arith.cmpf ogt, %get3A_1157, %select_n3A_1031 : vector<8x128xf32>
    %select_n3A_1159 = arith.select %gt3A_1158, %get3A_1157, %select_n3A_1031 : vector<8x128xi1>, vector<8x128xf32>
    %jit3A_1160 = arith.constant 8 : i32
    %broadcast_in_dim3A_1161 = vector.broadcast %jit3A_1160 : i32 to vector<8x128xi32>
    %select_n3A_1162 = arith.select %gt3A_1158, %broadcast_in_dim3A_1161, %select_n3A_1034 : vector<8x128xi1>, vector<8x128xi32>
    %get3A_1163 = arith.constant 0 : index
    %get3A_1164 = arith.constant 17664 : index
    %get3A_1165 = vector.load %arg1[%get3A_1163, %get3A_1164] : memref<8x32768xf32, #tpu.memory_space<vmem>>, vector<8x128xf32>
    %gt3A_1166 = arith.cmpf ogt, %get3A_1165, %select_n3A_1039 : vector<8x128xf32>
    %select_n3A_1167 = arith.select %gt3A_1166, %get3A_1165, %select_n3A_1039 : vector<8x128xi1>, vector<8x128xf32>
    %jit3A_1168 = arith.constant 8 : i32
    %broadcast_in_dim3A_1169 = vector.broadcast %jit3A_1168 : i32 to vector<8x128xi32>
    %select_n3A_1170 = arith.select %gt3A_1166, %broadcast_in_dim3A_1169, %select_n3A_1042 : vector<8x128xi1>, vector<8x128xi32>
    %get3A_1171 = arith.constant 0 : index
    %get3A_1172 = arith.constant 17792 : index
    %get3A_1173 = vector.load %arg1[%get3A_1171, %get3A_1172] : memref<8x32768xf32, #tpu.memory_space<vmem>>, vector<8x128xf32>
    %gt3A_1174 = arith.cmpf ogt, %get3A_1173, %select_n3A_1047 : vector<8x128xf32>
    %select_n3A_1175 = arith.select %gt3A_1174, %get3A_1173, %select_n3A_1047 : vector<8x128xi1>, vector<8x128xf32>
    %jit3A_1176 = arith.constant 8 : i32
    %broadcast_in_dim3A_1177 = vector.broadcast %jit3A_1176 : i32 to vector<8x128xi32>
    %select_n3A_1178 = arith.select %gt3A_1174, %broadcast_in_dim3A_1177, %select_n3A_1050 : vector<8x128xi1>, vector<8x128xi32>
    %get3A_1179 = arith.constant 0 : index
    %get3A_1180 = arith.constant 17920 : index
    %get3A_1181 = vector.load %arg1[%get3A_1179, %get3A_1180] : memref<8x32768xf32, #tpu.memory_space<vmem>>, vector<8x128xf32>
    %gt3A_1182 = arith.cmpf ogt, %get3A_1181, %select_n3A_1055 : vector<8x128xf32>
    %select_n3A_1183 = arith.select %gt3A_1182, %get3A_1181, %select_n3A_1055 : vector<8x128xi1>, vector<8x128xf32>
    %jit3A_1184 = arith.constant 8 : i32
    %broadcast_in_dim3A_1185 = vector.broadcast %jit3A_1184 : i32 to vector<8x128xi32>
    %select_n3A_1186 = arith.select %gt3A_1182, %broadcast_in_dim3A_1185, %select_n3A_1058 : vector<8x128xi1>, vector<8x128xi32>
    %get3A_1187 = arith.constant 0 : index
    %get3A_1188 = arith.constant 18048 : index
    %get3A_1189 = vector.load %arg1[%get3A_1187, %get3A_1188] : memref<8x32768xf32, #tpu.memory_space<vmem>>, vector<8x128xf32>
    %gt3A_1190 = arith.cmpf ogt, %get3A_1189, %select_n3A_1063 : vector<8x128xf32>
    %select_n3A_1191 = arith.select %gt3A_1190, %get3A_1189, %select_n3A_1063 : vector<8x128xi1>, vector<8x128xf32>
    %jit3A_1192 = arith.constant 8 : i32
    %broadcast_in_dim3A_1193 = vector.broadcast %jit3A_1192 : i32 to vector<8x128xi32>
    %select_n3A_1194 = arith.select %gt3A_1190, %broadcast_in_dim3A_1193, %select_n3A_1066 : vector<8x128xi1>, vector<8x128xi32>
    %get3A_1195 = arith.constant 0 : index
    %get3A_1196 = arith.constant 18176 : index
    %get3A_1197 = vector.load %arg1[%get3A_1195, %get3A_1196] : memref<8x32768xf32, #tpu.memory_space<vmem>>, vector<8x128xf32>
    %gt3A_1198 = arith.cmpf ogt, %get3A_1197, %select_n3A_1071 : vector<8x128xf32>
    %select_n3A_1199 = arith.select %gt3A_1198, %get3A_1197, %select_n3A_1071 : vector<8x128xi1>, vector<8x128xf32>
    %jit3A_1200 = arith.constant 8 : i32
    %broadcast_in_dim3A_1201 = vector.broadcast %jit3A_1200 : i32 to vector<8x128xi32>
    %select_n3A_1202 = arith.select %gt3A_1198, %broadcast_in_dim3A_1201, %select_n3A_1074 : vector<8x128xi1>, vector<8x128xi32>
    %get3A_1203 = arith.constant 0 : index
    %get3A_1204 = arith.constant 18304 : index
    %get3A_1205 = vector.load %arg1[%get3A_1203, %get3A_1204] : memref<8x32768xf32, #tpu.memory_space<vmem>>, vector<8x128xf32>
    %gt3A_1206 = arith.cmpf ogt, %get3A_1205, %select_n3A_1079 : vector<8x128xf32>
    %select_n3A_1207 = arith.select %gt3A_1206, %get3A_1205, %select_n3A_1079 : vector<8x128xi1>, vector<8x128xf32>
    %jit3A_1208 = arith.constant 8 : i32
    %broadcast_in_dim3A_1209 = vector.broadcast %jit3A_1208 : i32 to vector<8x128xi32>
    %select_n3A_1210 = arith.select %gt3A_1206, %broadcast_in_dim3A_1209, %select_n3A_1082 : vector<8x128xi1>, vector<8x128xi32>
    %get3A_1211 = arith.constant 0 : index
    %get3A_1212 = arith.constant 18432 : index
    %get3A_1213 = vector.load %arg1[%get3A_1211, %get3A_1212] : memref<8x32768xf32, #tpu.memory_space<vmem>>, vector<8x128xf32>
    %gt3A_1214 = arith.cmpf ogt, %get3A_1213, %select_n3A_1087 : vector<8x128xf32>
    %select_n3A_1215 = arith.select %gt3A_1214, %get3A_1213, %select_n3A_1087 : vector<8x128xi1>, vector<8x128xf32>
    %jit3A_1216 = arith.constant 9 : i32
    %broadcast_in_dim3A_1217 = vector.broadcast %jit3A_1216 : i32 to vector<8x128xi32>
    %select_n3A_1218 = arith.select %gt3A_1214, %broadcast_in_dim3A_1217, %select_n3A_1090 : vector<8x128xi1>, vector<8x128xi32>
    %get3A_1219 = arith.constant 0 : index
    %get3A_1220 = arith.constant 18560 : index
    %get3A_1221 = vector.load %arg1[%get3A_1219, %get3A_1220] : memref<8x32768xf32, #tpu.memory_space<vmem>>, vector<8x128xf32>
    %gt3A_1222 = arith.cmpf ogt, %get3A_1221, %select_n3A_1095 : vector<8x128xf32>
    %select_n3A_1223 = arith.select %gt3A_1222, %get3A_1221, %select_n3A_1095 : vector<8x128xi1>, vector<8x128xf32>
    %jit3A_1224 = arith.constant 9 : i32
    %broadcast_in_dim3A_1225 = vector.broadcast %jit3A_1224 : i32 to vector<8x128xi32>
    %select_n3A_1226 = arith.select %gt3A_1222, %broadcast_in_dim3A_1225, %select_n3A_1098 : vector<8x128xi1>, vector<8x128xi32>
    %get3A_1227 = arith.constant 0 : index
    %get3A_1228 = arith.constant 18688 : index
    %get3A_1229 = vector.load %arg1[%get3A_1227, %get3A_1228] : memref<8x32768xf32, #tpu.memory_space<vmem>>, vector<8x128xf32>
    %gt3A_1230 = arith.cmpf ogt, %get3A_1229, %select_n3A_1103 : vector<8x128xf32>
    %select_n3A_1231 = arith.select %gt3A_1230, %get3A_1229, %select_n3A_1103 : vector<8x128xi1>, vector<8x128xf32>
    %jit3A_1232 = arith.constant 9 : i32
    %broadcast_in_dim3A_1233 = vector.broadcast %jit3A_1232 : i32 to vector<8x128xi32>
    %select_n3A_1234 = arith.select %gt3A_1230, %broadcast_in_dim3A_1233, %select_n3A_1106 : vector<8x128xi1>, vector<8x128xi32>
    %get3A_1235 = arith.constant 0 : index
    %get3A_1236 = arith.constant 18816 : index
    %get3A_1237 = vector.load %arg1[%get3A_1235, %get3A_1236] : memref<8x32768xf32, #tpu.memory_space<vmem>>, vector<8x128xf32>
    %gt3A_1238 = arith.cmpf ogt, %get3A_1237, %select_n3A_1111 : vector<8x128xf32>
    %select_n3A_1239 = arith.select %gt3A_1238, %get3A_1237, %select_n3A_1111 : vector<8x128xi1>, vector<8x128xf32>
    %jit3A_1240 = arith.constant 9 : i32
    %broadcast_in_dim3A_1241 = vector.broadcast %jit3A_1240 : i32 to vector<8x128xi32>
    %select_n3A_1242 = arith.select %gt3A_1238, %broadcast_in_dim3A_1241, %select_n3A_1114 : vector<8x128xi1>, vector<8x128xi32>
    %get3A_1243 = arith.constant 0 : index
    %get3A_1244 = arith.constant 18944 : index
    %get3A_1245 = vector.load %arg1[%get3A_1243, %get3A_1244] : memref<8x32768xf32, #tpu.memory_space<vmem>>, vector<8x128xf32>
    %gt3A_1246 = arith.cmpf ogt, %get3A_1245, %select_n3A_1119 : vector<8x128xf32>
    %select_n3A_1247 = arith.select %gt3A_1246, %get3A_1245, %select_n3A_1119 : vector<8x128xi1>, vector<8x128xf32>
    %jit3A_1248 = arith.constant 9 : i32
    %broadcast_in_dim3A_1249 = vector.broadcast %jit3A_1248 : i32 to vector<8x128xi32>
    %select_n3A_1250 = arith.select %gt3A_1246, %broadcast_in_dim3A_1249, %select_n3A_1122 : vector<8x128xi1>, vector<8x128xi32>
    %get3A_1251 = arith.constant 0 : index
    %get3A_1252 = arith.constant 19072 : index
    %get3A_1253 = vector.load %arg1[%get3A_1251, %get3A_1252] : memref<8x32768xf32, #tpu.memory_space<vmem>>, vector<8x128xf32>
    %gt3A_1254 = arith.cmpf ogt, %get3A_1253, %select_n3A_1127 : vector<8x128xf32>
    %select_n3A_1255 = arith.select %gt3A_1254, %get3A_1253, %select_n3A_1127 : vector<8x128xi1>, vector<8x128xf32>
    %jit3A_1256 = arith.constant 9 : i32
    %broadcast_in_dim3A_1257 = vector.broadcast %jit3A_1256 : i32 to vector<8x128xi32>
    %select_n3A_1258 = arith.select %gt3A_1254, %broadcast_in_dim3A_1257, %select_n3A_1130 : vector<8x128xi1>, vector<8x128xi32>
    %get3A_1259 = arith.constant 0 : index
    %get3A_1260 = arith.constant 19200 : index
    %get3A_1261 = vector.load %arg1[%get3A_1259, %get3A_1260] : memref<8x32768xf32, #tpu.memory_space<vmem>>, vector<8x128xf32>
    %gt3A_1262 = arith.cmpf ogt, %get3A_1261, %select_n3A_1135 : vector<8x128xf32>
    %select_n3A_1263 = arith.select %gt3A_1262, %get3A_1261, %select_n3A_1135 : vector<8x128xi1>, vector<8x128xf32>
    %jit3A_1264 = arith.constant 9 : i32
    %broadcast_in_dim3A_1265 = vector.broadcast %jit3A_1264 : i32 to vector<8x128xi32>
    %select_n3A_1266 = arith.select %gt3A_1262, %broadcast_in_dim3A_1265, %select_n3A_1138 : vector<8x128xi1>, vector<8x128xi32>
    %get3A_1267 = arith.constant 0 : index
    %get3A_1268 = arith.constant 19328 : index
    %get3A_1269 = vector.load %arg1[%get3A_1267, %get3A_1268] : memref<8x32768xf32, #tpu.memory_space<vmem>>, vector<8x128xf32>
    %gt3A_1270 = arith.cmpf ogt, %get3A_1269, %select_n3A_1143 : vector<8x128xf32>
    %select_n3A_1271 = arith.select %gt3A_1270, %get3A_1269, %select_n3A_1143 : vector<8x128xi1>, vector<8x128xf32>
    %jit3A_1272 = arith.constant 9 : i32
    %broadcast_in_dim3A_1273 = vector.broadcast %jit3A_1272 : i32 to vector<8x128xi32>
    %select_n3A_1274 = arith.select %gt3A_1270, %broadcast_in_dim3A_1273, %select_n3A_1146 : vector<8x128xi1>, vector<8x128xi32>
    %get3A_1275 = arith.constant 0 : index
    %get3A_1276 = arith.constant 19456 : index
    %get3A_1277 = vector.load %arg1[%get3A_1275, %get3A_1276] : memref<8x32768xf32, #tpu.memory_space<vmem>>, vector<8x128xf32>
    %gt3A_1278 = arith.cmpf ogt, %get3A_1277, %select_n3A_1151 : vector<8x128xf32>
    %select_n3A_1279 = arith.select %gt3A_1278, %get3A_1277, %select_n3A_1151 : vector<8x128xi1>, vector<8x128xf32>
    %jit3A_1280 = arith.constant 9 : i32
    %broadcast_in_dim3A_1281 = vector.broadcast %jit3A_1280 : i32 to vector<8x128xi32>
    %select_n3A_1282 = arith.select %gt3A_1278, %broadcast_in_dim3A_1281, %select_n3A_1154 : vector<8x128xi1>, vector<8x128xi32>
    %get3A_1283 = arith.constant 0 : index
    %get3A_1284 = arith.constant 19584 : index
    %get3A_1285 = vector.load %arg1[%get3A_1283, %get3A_1284] : memref<8x32768xf32, #tpu.memory_space<vmem>>, vector<8x128xf32>
    %gt3A_1286 = arith.cmpf ogt, %get3A_1285, %select_n3A_1159 : vector<8x128xf32>
    %select_n3A_1287 = arith.select %gt3A_1286, %get3A_1285, %select_n3A_1159 : vector<8x128xi1>, vector<8x128xf32>
    %jit3A_1288 = arith.constant 9 : i32
    %broadcast_in_dim3A_1289 = vector.broadcast %jit3A_1288 : i32 to vector<8x128xi32>
    %select_n3A_1290 = arith.select %gt3A_1286, %broadcast_in_dim3A_1289, %select_n3A_1162 : vector<8x128xi1>, vector<8x128xi32>
    %get3A_1291 = arith.constant 0 : index
    %get3A_1292 = arith.constant 19712 : index
    %get3A_1293 = vector.load %arg1[%get3A_1291, %get3A_1292] : memref<8x32768xf32, #tpu.memory_space<vmem>>, vector<8x128xf32>
    %gt3A_1294 = arith.cmpf ogt, %get3A_1293, %select_n3A_1167 : vector<8x128xf32>
    %select_n3A_1295 = arith.select %gt3A_1294, %get3A_1293, %select_n3A_1167 : vector<8x128xi1>, vector<8x128xf32>
    %jit3A_1296 = arith.constant 9 : i32
    %broadcast_in_dim3A_1297 = vector.broadcast %jit3A_1296 : i32 to vector<8x128xi32>
    %select_n3A_1298 = arith.select %gt3A_1294, %broadcast_in_dim3A_1297, %select_n3A_1170 : vector<8x128xi1>, vector<8x128xi32>
    %get3A_1299 = arith.constant 0 : index
    %get3A_1300 = arith.constant 19840 : index
    %get3A_1301 = vector.load %arg1[%get3A_1299, %get3A_1300] : memref<8x32768xf32, #tpu.memory_space<vmem>>, vector<8x128xf32>
    %gt3A_1302 = arith.cmpf ogt, %get3A_1301, %select_n3A_1175 : vector<8x128xf32>
    %select_n3A_1303 = arith.select %gt3A_1302, %get3A_1301, %select_n3A_1175 : vector<8x128xi1>, vector<8x128xf32>
    %jit3A_1304 = arith.constant 9 : i32
    %broadcast_in_dim3A_1305 = vector.broadcast %jit3A_1304 : i32 to vector<8x128xi32>
    %select_n3A_1306 = arith.select %gt3A_1302, %broadcast_in_dim3A_1305, %select_n3A_1178 : vector<8x128xi1>, vector<8x128xi32>
    %get3A_1307 = arith.constant 0 : index
    %get3A_1308 = arith.constant 19968 : index
    %get3A_1309 = vector.load %arg1[%get3A_1307, %get3A_1308] : memref<8x32768xf32, #tpu.memory_space<vmem>>, vector<8x128xf32>
    %gt3A_1310 = arith.cmpf ogt, %get3A_1309, %select_n3A_1183 : vector<8x128xf32>
    %select_n3A_1311 = arith.select %gt3A_1310, %get3A_1309, %select_n3A_1183 : vector<8x128xi1>, vector<8x128xf32>
    %jit3A_1312 = arith.constant 9 : i32
    %broadcast_in_dim3A_1313 = vector.broadcast %jit3A_1312 : i32 to vector<8x128xi32>
    %select_n3A_1314 = arith.select %gt3A_1310, %broadcast_in_dim3A_1313, %select_n3A_1186 : vector<8x128xi1>, vector<8x128xi32>
    %get3A_1315 = arith.constant 0 : index
    %get3A_1316 = arith.constant 20096 : index
    %get3A_1317 = vector.load %arg1[%get3A_1315, %get3A_1316] : memref<8x32768xf32, #tpu.memory_space<vmem>>, vector<8x128xf32>
    %gt3A_1318 = arith.cmpf ogt, %get3A_1317, %select_n3A_1191 : vector<8x128xf32>
    %select_n3A_1319 = arith.select %gt3A_1318, %get3A_1317, %select_n3A_1191 : vector<8x128xi1>, vector<8x128xf32>
    %jit3A_1320 = arith.constant 9 : i32
    %broadcast_in_dim3A_1321 = vector.broadcast %jit3A_1320 : i32 to vector<8x128xi32>
    %select_n3A_1322 = arith.select %gt3A_1318, %broadcast_in_dim3A_1321, %select_n3A_1194 : vector<8x128xi1>, vector<8x128xi32>
    %get3A_1323 = arith.constant 0 : index
    %get3A_1324 = arith.constant 20224 : index
    %get3A_1325 = vector.load %arg1[%get3A_1323, %get3A_1324] : memref<8x32768xf32, #tpu.memory_space<vmem>>, vector<8x128xf32>
    %gt3A_1326 = arith.cmpf ogt, %get3A_1325, %select_n3A_1199 : vector<8x128xf32>
    %select_n3A_1327 = arith.select %gt3A_1326, %get3A_1325, %select_n3A_1199 : vector<8x128xi1>, vector<8x128xf32>
    %jit3A_1328 = arith.constant 9 : i32
    %broadcast_in_dim3A_1329 = vector.broadcast %jit3A_1328 : i32 to vector<8x128xi32>
    %select_n3A_1330 = arith.select %gt3A_1326, %broadcast_in_dim3A_1329, %select_n3A_1202 : vector<8x128xi1>, vector<8x128xi32>
    %get3A_1331 = arith.constant 0 : index
    %get3A_1332 = arith.constant 20352 : index
    %get3A_1333 = vector.load %arg1[%get3A_1331, %get3A_1332] : memref<8x32768xf32, #tpu.memory_space<vmem>>, vector<8x128xf32>
    %gt3A_1334 = arith.cmpf ogt, %get3A_1333, %select_n3A_1207 : vector<8x128xf32>
    %select_n3A_1335 = arith.select %gt3A_1334, %get3A_1333, %select_n3A_1207 : vector<8x128xi1>, vector<8x128xf32>
    %jit3A_1336 = arith.constant 9 : i32
    %broadcast_in_dim3A_1337 = vector.broadcast %jit3A_1336 : i32 to vector<8x128xi32>
    %select_n3A_1338 = arith.select %gt3A_1334, %broadcast_in_dim3A_1337, %select_n3A_1210 : vector<8x128xi1>, vector<8x128xi32>
    %get3A_1339 = arith.constant 0 : index
    %get3A_1340 = arith.constant 20480 : index
    %get3A_1341 = vector.load %arg1[%get3A_1339, %get3A_1340] : memref<8x32768xf32, #tpu.memory_space<vmem>>, vector<8x128xf32>
    %gt3A_1342 = arith.cmpf ogt, %get3A_1341, %select_n3A_1215 : vector<8x128xf32>
    %select_n3A_1343 = arith.select %gt3A_1342, %get3A_1341, %select_n3A_1215 : vector<8x128xi1>, vector<8x128xf32>
    %jit3A_1344 = arith.constant 10 : i32
    %broadcast_in_dim3A_1345 = vector.broadcast %jit3A_1344 : i32 to vector<8x128xi32>
    %select_n3A_1346 = arith.select %gt3A_1342, %broadcast_in_dim3A_1345, %select_n3A_1218 : vector<8x128xi1>, vector<8x128xi32>
    %get3A_1347 = arith.constant 0 : index
    %get3A_1348 = arith.constant 20608 : index
    %get3A_1349 = vector.load %arg1[%get3A_1347, %get3A_1348] : memref<8x32768xf32, #tpu.memory_space<vmem>>, vector<8x128xf32>
    %gt3A_1350 = arith.cmpf ogt, %get3A_1349, %select_n3A_1223 : vector<8x128xf32>
    %select_n3A_1351 = arith.select %gt3A_1350, %get3A_1349, %select_n3A_1223 : vector<8x128xi1>, vector<8x128xf32>
    %jit3A_1352 = arith.constant 10 : i32
    %broadcast_in_dim3A_1353 = vector.broadcast %jit3A_1352 : i32 to vector<8x128xi32>
    %select_n3A_1354 = arith.select %gt3A_1350, %broadcast_in_dim3A_1353, %select_n3A_1226 : vector<8x128xi1>, vector<8x128xi32>
    %get3A_1355 = arith.constant 0 : index
    %get3A_1356 = arith.constant 20736 : index
    %get3A_1357 = vector.load %arg1[%get3A_1355, %get3A_1356] : memref<8x32768xf32, #tpu.memory_space<vmem>>, vector<8x128xf32>
    %gt3A_1358 = arith.cmpf ogt, %get3A_1357, %select_n3A_1231 : vector<8x128xf32>
    %select_n3A_1359 = arith.select %gt3A_1358, %get3A_1357, %select_n3A_1231 : vector<8x128xi1>, vector<8x128xf32>
    %jit3A_1360 = arith.constant 10 : i32
    %broadcast_in_dim3A_1361 = vector.broadcast %jit3A_1360 : i32 to vector<8x128xi32>
    %select_n3A_1362 = arith.select %gt3A_1358, %broadcast_in_dim3A_1361, %select_n3A_1234 : vector<8x128xi1>, vector<8x128xi32>
    %get3A_1363 = arith.constant 0 : index
    %get3A_1364 = arith.constant 20864 : index
    %get3A_1365 = vector.load %arg1[%get3A_1363, %get3A_1364] : memref<8x32768xf32, #tpu.memory_space<vmem>>, vector<8x128xf32>
    %gt3A_1366 = arith.cmpf ogt, %get3A_1365, %select_n3A_1239 : vector<8x128xf32>
    %select_n3A_1367 = arith.select %gt3A_1366, %get3A_1365, %select_n3A_1239 : vector<8x128xi1>, vector<8x128xf32>
    %jit3A_1368 = arith.constant 10 : i32
    %broadcast_in_dim3A_1369 = vector.broadcast %jit3A_1368 : i32 to vector<8x128xi32>
    %select_n3A_1370 = arith.select %gt3A_1366, %broadcast_in_dim3A_1369, %select_n3A_1242 : vector<8x128xi1>, vector<8x128xi32>
    %get3A_1371 = arith.constant 0 : index
    %get3A_1372 = arith.constant 20992 : index
    %get3A_1373 = vector.load %arg1[%get3A_1371, %get3A_1372] : memref<8x32768xf32, #tpu.memory_space<vmem>>, vector<8x128xf32>
    %gt3A_1374 = arith.cmpf ogt, %get3A_1373, %select_n3A_1247 : vector<8x128xf32>
    %select_n3A_1375 = arith.select %gt3A_1374, %get3A_1373, %select_n3A_1247 : vector<8x128xi1>, vector<8x128xf32>
    %jit3A_1376 = arith.constant 10 : i32
    %broadcast_in_dim3A_1377 = vector.broadcast %jit3A_1376 : i32 to vector<8x128xi32>
    %select_n3A_1378 = arith.select %gt3A_1374, %broadcast_in_dim3A_1377, %select_n3A_1250 : vector<8x128xi1>, vector<8x128xi32>
    %get3A_1379 = arith.constant 0 : index
    %get3A_1380 = arith.constant 21120 : index
    %get3A_1381 = vector.load %arg1[%get3A_1379, %get3A_1380] : memref<8x32768xf32, #tpu.memory_space<vmem>>, vector<8x128xf32>
    %gt3A_1382 = arith.cmpf ogt, %get3A_1381, %select_n3A_1255 : vector<8x128xf32>
    %select_n3A_1383 = arith.select %gt3A_1382, %get3A_1381, %select_n3A_1255 : vector<8x128xi1>, vector<8x128xf32>
    %jit3A_1384 = arith.constant 10 : i32
    %broadcast_in_dim3A_1385 = vector.broadcast %jit3A_1384 : i32 to vector<8x128xi32>
    %select_n3A_1386 = arith.select %gt3A_1382, %broadcast_in_dim3A_1385, %select_n3A_1258 : vector<8x128xi1>, vector<8x128xi32>
    %get3A_1387 = arith.constant 0 : index
    %get3A_1388 = arith.constant 21248 : index
    %get3A_1389 = vector.load %arg1[%get3A_1387, %get3A_1388] : memref<8x32768xf32, #tpu.memory_space<vmem>>, vector<8x128xf32>
    %gt3A_1390 = arith.cmpf ogt, %get3A_1389, %select_n3A_1263 : vector<8x128xf32>
    %select_n3A_1391 = arith.select %gt3A_1390, %get3A_1389, %select_n3A_1263 : vector<8x128xi1>, vector<8x128xf32>
    %jit3A_1392 = arith.constant 10 : i32
    %broadcast_in_dim3A_1393 = vector.broadcast %jit3A_1392 : i32 to vector<8x128xi32>
    %select_n3A_1394 = arith.select %gt3A_1390, %broadcast_in_dim3A_1393, %select_n3A_1266 : vector<8x128xi1>, vector<8x128xi32>
    %get3A_1395 = arith.constant 0 : index
    %get3A_1396 = arith.constant 21376 : index
    %get3A_1397 = vector.load %arg1[%get3A_1395, %get3A_1396] : memref<8x32768xf32, #tpu.memory_space<vmem>>, vector<8x128xf32>
    %gt3A_1398 = arith.cmpf ogt, %get3A_1397, %select_n3A_1271 : vector<8x128xf32>
    %select_n3A_1399 = arith.select %gt3A_1398, %get3A_1397, %select_n3A_1271 : vector<8x128xi1>, vector<8x128xf32>
    %jit3A_1400 = arith.constant 10 : i32
    %broadcast_in_dim3A_1401 = vector.broadcast %jit3A_1400 : i32 to vector<8x128xi32>
    %select_n3A_1402 = arith.select %gt3A_1398, %broadcast_in_dim3A_1401, %select_n3A_1274 : vector<8x128xi1>, vector<8x128xi32>
    %get3A_1403 = arith.constant 0 : index
    %get3A_1404 = arith.constant 21504 : index
    %get3A_1405 = vector.load %arg1[%get3A_1403, %get3A_1404] : memref<8x32768xf32, #tpu.memory_space<vmem>>, vector<8x128xf32>
    %gt3A_1406 = arith.cmpf ogt, %get3A_1405, %select_n3A_1279 : vector<8x128xf32>
    %select_n3A_1407 = arith.select %gt3A_1406, %get3A_1405, %select_n3A_1279 : vector<8x128xi1>, vector<8x128xf32>
    %jit3A_1408 = arith.constant 10 : i32
    %broadcast_in_dim3A_1409 = vector.broadcast %jit3A_1408 : i32 to vector<8x128xi32>
    %select_n3A_1410 = arith.select %gt3A_1406, %broadcast_in_dim3A_1409, %select_n3A_1282 : vector<8x128xi1>, vector<8x128xi32>
    %get3A_1411 = arith.constant 0 : index
    %get3A_1412 = arith.constant 21632 : index
    %get3A_1413 = vector.load %arg1[%get3A_1411, %get3A_1412] : memref<8x32768xf32, #tpu.memory_space<vmem>>, vector<8x128xf32>
    %gt3A_1414 = arith.cmpf ogt, %get3A_1413, %select_n3A_1287 : vector<8x128xf32>
    %select_n3A_1415 = arith.select %gt3A_1414, %get3A_1413, %select_n3A_1287 : vector<8x128xi1>, vector<8x128xf32>
    %jit3A_1416 = arith.constant 10 : i32
    %broadcast_in_dim3A_1417 = vector.broadcast %jit3A_1416 : i32 to vector<8x128xi32>
    %select_n3A_1418 = arith.select %gt3A_1414, %broadcast_in_dim3A_1417, %select_n3A_1290 : vector<8x128xi1>, vector<8x128xi32>
    %get3A_1419 = arith.constant 0 : index
    %get3A_1420 = arith.constant 21760 : index
    %get3A_1421 = vector.load %arg1[%get3A_1419, %get3A_1420] : memref<8x32768xf32, #tpu.memory_space<vmem>>, vector<8x128xf32>
    %gt3A_1422 = arith.cmpf ogt, %get3A_1421, %select_n3A_1295 : vector<8x128xf32>
    %select_n3A_1423 = arith.select %gt3A_1422, %get3A_1421, %select_n3A_1295 : vector<8x128xi1>, vector<8x128xf32>
    %jit3A_1424 = arith.constant 10 : i32
    %broadcast_in_dim3A_1425 = vector.broadcast %jit3A_1424 : i32 to vector<8x128xi32>
    %select_n3A_1426 = arith.select %gt3A_1422, %broadcast_in_dim3A_1425, %select_n3A_1298 : vector<8x128xi1>, vector<8x128xi32>
    %get3A_1427 = arith.constant 0 : index
    %get3A_1428 = arith.constant 21888 : index
    %get3A_1429 = vector.load %arg1[%get3A_1427, %get3A_1428] : memref<8x32768xf32, #tpu.memory_space<vmem>>, vector<8x128xf32>
    %gt3A_1430 = arith.cmpf ogt, %get3A_1429, %select_n3A_1303 : vector<8x128xf32>
    %select_n3A_1431 = arith.select %gt3A_1430, %get3A_1429, %select_n3A_1303 : vector<8x128xi1>, vector<8x128xf32>
    %jit3A_1432 = arith.constant 10 : i32
    %broadcast_in_dim3A_1433 = vector.broadcast %jit3A_1432 : i32 to vector<8x128xi32>
    %select_n3A_1434 = arith.select %gt3A_1430, %broadcast_in_dim3A_1433, %select_n3A_1306 : vector<8x128xi1>, vector<8x128xi32>
    %get3A_1435 = arith.constant 0 : index
    %get3A_1436 = arith.constant 22016 : index
    %get3A_1437 = vector.load %arg1[%get3A_1435, %get3A_1436] : memref<8x32768xf32, #tpu.memory_space<vmem>>, vector<8x128xf32>
    %gt3A_1438 = arith.cmpf ogt, %get3A_1437, %select_n3A_1311 : vector<8x128xf32>
    %select_n3A_1439 = arith.select %gt3A_1438, %get3A_1437, %select_n3A_1311 : vector<8x128xi1>, vector<8x128xf32>
    %jit3A_1440 = arith.constant 10 : i32
    %broadcast_in_dim3A_1441 = vector.broadcast %jit3A_1440 : i32 to vector<8x128xi32>
    %select_n3A_1442 = arith.select %gt3A_1438, %broadcast_in_dim3A_1441, %select_n3A_1314 : vector<8x128xi1>, vector<8x128xi32>
    %get3A_1443 = arith.constant 0 : index
    %get3A_1444 = arith.constant 22144 : index
    %get3A_1445 = vector.load %arg1[%get3A_1443, %get3A_1444] : memref<8x32768xf32, #tpu.memory_space<vmem>>, vector<8x128xf32>
    %gt3A_1446 = arith.cmpf ogt, %get3A_1445, %select_n3A_1319 : vector<8x128xf32>
    %select_n3A_1447 = arith.select %gt3A_1446, %get3A_1445, %select_n3A_1319 : vector<8x128xi1>, vector<8x128xf32>
    %jit3A_1448 = arith.constant 10 : i32
    %broadcast_in_dim3A_1449 = vector.broadcast %jit3A_1448 : i32 to vector<8x128xi32>
    %select_n3A_1450 = arith.select %gt3A_1446, %broadcast_in_dim3A_1449, %select_n3A_1322 : vector<8x128xi1>, vector<8x128xi32>
    %get3A_1451 = arith.constant 0 : index
    %get3A_1452 = arith.constant 22272 : index
    %get3A_1453 = vector.load %arg1[%get3A_1451, %get3A_1452] : memref<8x32768xf32, #tpu.memory_space<vmem>>, vector<8x128xf32>
    %gt3A_1454 = arith.cmpf ogt, %get3A_1453, %select_n3A_1327 : vector<8x128xf32>
    %select_n3A_1455 = arith.select %gt3A_1454, %get3A_1453, %select_n3A_1327 : vector<8x128xi1>, vector<8x128xf32>
    %jit3A_1456 = arith.constant 10 : i32
    %broadcast_in_dim3A_1457 = vector.broadcast %jit3A_1456 : i32 to vector<8x128xi32>
    %select_n3A_1458 = arith.select %gt3A_1454, %broadcast_in_dim3A_1457, %select_n3A_1330 : vector<8x128xi1>, vector<8x128xi32>
    %get3A_1459 = arith.constant 0 : index
    %get3A_1460 = arith.constant 22400 : index
    %get3A_1461 = vector.load %arg1[%get3A_1459, %get3A_1460] : memref<8x32768xf32, #tpu.memory_space<vmem>>, vector<8x128xf32>
    %gt3A_1462 = arith.cmpf ogt, %get3A_1461, %select_n3A_1335 : vector<8x128xf32>
    %select_n3A_1463 = arith.select %gt3A_1462, %get3A_1461, %select_n3A_1335 : vector<8x128xi1>, vector<8x128xf32>
    %jit3A_1464 = arith.constant 10 : i32
    %broadcast_in_dim3A_1465 = vector.broadcast %jit3A_1464 : i32 to vector<8x128xi32>
    %select_n3A_1466 = arith.select %gt3A_1462, %broadcast_in_dim3A_1465, %select_n3A_1338 : vector<8x128xi1>, vector<8x128xi32>
    %get3A_1467 = arith.constant 0 : index
    %get3A_1468 = arith.constant 22528 : index
    %get3A_1469 = vector.load %arg1[%get3A_1467, %get3A_1468] : memref<8x32768xf32, #tpu.memory_space<vmem>>, vector<8x128xf32>
    %gt3A_1470 = arith.cmpf ogt, %get3A_1469, %select_n3A_1343 : vector<8x128xf32>
    %select_n3A_1471 = arith.select %gt3A_1470, %get3A_1469, %select_n3A_1343 : vector<8x128xi1>, vector<8x128xf32>
    %jit3A_1472 = arith.constant 11 : i32
    %broadcast_in_dim3A_1473 = vector.broadcast %jit3A_1472 : i32 to vector<8x128xi32>
    %select_n3A_1474 = arith.select %gt3A_1470, %broadcast_in_dim3A_1473, %select_n3A_1346 : vector<8x128xi1>, vector<8x128xi32>
    %get3A_1475 = arith.constant 0 : index
    %get3A_1476 = arith.constant 22656 : index
    %get3A_1477 = vector.load %arg1[%get3A_1475, %get3A_1476] : memref<8x32768xf32, #tpu.memory_space<vmem>>, vector<8x128xf32>
    %gt3A_1478 = arith.cmpf ogt, %get3A_1477, %select_n3A_1351 : vector<8x128xf32>
    %select_n3A_1479 = arith.select %gt3A_1478, %get3A_1477, %select_n3A_1351 : vector<8x128xi1>, vector<8x128xf32>
    %jit3A_1480 = arith.constant 11 : i32
    %broadcast_in_dim3A_1481 = vector.broadcast %jit3A_1480 : i32 to vector<8x128xi32>
    %select_n3A_1482 = arith.select %gt3A_1478, %broadcast_in_dim3A_1481, %select_n3A_1354 : vector<8x128xi1>, vector<8x128xi32>
    %get3A_1483 = arith.constant 0 : index
    %get3A_1484 = arith.constant 22784 : index
    %get3A_1485 = vector.load %arg1[%get3A_1483, %get3A_1484] : memref<8x32768xf32, #tpu.memory_space<vmem>>, vector<8x128xf32>
    %gt3A_1486 = arith.cmpf ogt, %get3A_1485, %select_n3A_1359 : vector<8x128xf32>
    %select_n3A_1487 = arith.select %gt3A_1486, %get3A_1485, %select_n3A_1359 : vector<8x128xi1>, vector<8x128xf32>
    %jit3A_1488 = arith.constant 11 : i32
    %broadcast_in_dim3A_1489 = vector.broadcast %jit3A_1488 : i32 to vector<8x128xi32>
    %select_n3A_1490 = arith.select %gt3A_1486, %broadcast_in_dim3A_1489, %select_n3A_1362 : vector<8x128xi1>, vector<8x128xi32>
    %get3A_1491 = arith.constant 0 : index
    %get3A_1492 = arith.constant 22912 : index
    %get3A_1493 = vector.load %arg1[%get3A_1491, %get3A_1492] : memref<8x32768xf32, #tpu.memory_space<vmem>>, vector<8x128xf32>
    %gt3A_1494 = arith.cmpf ogt, %get3A_1493, %select_n3A_1367 : vector<8x128xf32>
    %select_n3A_1495 = arith.select %gt3A_1494, %get3A_1493, %select_n3A_1367 : vector<8x128xi1>, vector<8x128xf32>
    %jit3A_1496 = arith.constant 11 : i32
    %broadcast_in_dim3A_1497 = vector.broadcast %jit3A_1496 : i32 to vector<8x128xi32>
    %select_n3A_1498 = arith.select %gt3A_1494, %broadcast_in_dim3A_1497, %select_n3A_1370 : vector<8x128xi1>, vector<8x128xi32>
    %get3A_1499 = arith.constant 0 : index
    %get3A_1500 = arith.constant 23040 : index
    %get3A_1501 = vector.load %arg1[%get3A_1499, %get3A_1500] : memref<8x32768xf32, #tpu.memory_space<vmem>>, vector<8x128xf32>
    %gt3A_1502 = arith.cmpf ogt, %get3A_1501, %select_n3A_1375 : vector<8x128xf32>
    %select_n3A_1503 = arith.select %gt3A_1502, %get3A_1501, %select_n3A_1375 : vector<8x128xi1>, vector<8x128xf32>
    %jit3A_1504 = arith.constant 11 : i32
    %broadcast_in_dim3A_1505 = vector.broadcast %jit3A_1504 : i32 to vector<8x128xi32>
    %select_n3A_1506 = arith.select %gt3A_1502, %broadcast_in_dim3A_1505, %select_n3A_1378 : vector<8x128xi1>, vector<8x128xi32>
    %get3A_1507 = arith.constant 0 : index
    %get3A_1508 = arith.constant 23168 : index
    %get3A_1509 = vector.load %arg1[%get3A_1507, %get3A_1508] : memref<8x32768xf32, #tpu.memory_space<vmem>>, vector<8x128xf32>
    %gt3A_1510 = arith.cmpf ogt, %get3A_1509, %select_n3A_1383 : vector<8x128xf32>
    %select_n3A_1511 = arith.select %gt3A_1510, %get3A_1509, %select_n3A_1383 : vector<8x128xi1>, vector<8x128xf32>
    %jit3A_1512 = arith.constant 11 : i32
    %broadcast_in_dim3A_1513 = vector.broadcast %jit3A_1512 : i32 to vector<8x128xi32>
    %select_n3A_1514 = arith.select %gt3A_1510, %broadcast_in_dim3A_1513, %select_n3A_1386 : vector<8x128xi1>, vector<8x128xi32>
    %get3A_1515 = arith.constant 0 : index
    %get3A_1516 = arith.constant 23296 : index
    %get3A_1517 = vector.load %arg1[%get3A_1515, %get3A_1516] : memref<8x32768xf32, #tpu.memory_space<vmem>>, vector<8x128xf32>
    %gt3A_1518 = arith.cmpf ogt, %get3A_1517, %select_n3A_1391 : vector<8x128xf32>
    %select_n3A_1519 = arith.select %gt3A_1518, %get3A_1517, %select_n3A_1391 : vector<8x128xi1>, vector<8x128xf32>
    %jit3A_1520 = arith.constant 11 : i32
    %broadcast_in_dim3A_1521 = vector.broadcast %jit3A_1520 : i32 to vector<8x128xi32>
    %select_n3A_1522 = arith.select %gt3A_1518, %broadcast_in_dim3A_1521, %select_n3A_1394 : vector<8x128xi1>, vector<8x128xi32>
    %get3A_1523 = arith.constant 0 : index
    %get3A_1524 = arith.constant 23424 : index
    %get3A_1525 = vector.load %arg1[%get3A_1523, %get3A_1524] : memref<8x32768xf32, #tpu.memory_space<vmem>>, vector<8x128xf32>
    %gt3A_1526 = arith.cmpf ogt, %get3A_1525, %select_n3A_1399 : vector<8x128xf32>
    %select_n3A_1527 = arith.select %gt3A_1526, %get3A_1525, %select_n3A_1399 : vector<8x128xi1>, vector<8x128xf32>
    %jit3A_1528 = arith.constant 11 : i32
    %broadcast_in_dim3A_1529 = vector.broadcast %jit3A_1528 : i32 to vector<8x128xi32>
    %select_n3A_1530 = arith.select %gt3A_1526, %broadcast_in_dim3A_1529, %select_n3A_1402 : vector<8x128xi1>, vector<8x128xi32>
    %get3A_1531 = arith.constant 0 : index
    %get3A_1532 = arith.constant 23552 : index
    %get3A_1533 = vector.load %arg1[%get3A_1531, %get3A_1532] : memref<8x32768xf32, #tpu.memory_space<vmem>>, vector<8x128xf32>
    %gt3A_1534 = arith.cmpf ogt, %get3A_1533, %select_n3A_1407 : vector<8x128xf32>
    %select_n3A_1535 = arith.select %gt3A_1534, %get3A_1533, %select_n3A_1407 : vector<8x128xi1>, vector<8x128xf32>
    %jit3A_1536 = arith.constant 11 : i32
    %broadcast_in_dim3A_1537 = vector.broadcast %jit3A_1536 : i32 to vector<8x128xi32>
    %select_n3A_1538 = arith.select %gt3A_1534, %broadcast_in_dim3A_1537, %select_n3A_1410 : vector<8x128xi1>, vector<8x128xi32>
    %get3A_1539 = arith.constant 0 : index
    %get3A_1540 = arith.constant 23680 : index
    %get3A_1541 = vector.load %arg1[%get3A_1539, %get3A_1540] : memref<8x32768xf32, #tpu.memory_space<vmem>>, vector<8x128xf32>
    %gt3A_1542 = arith.cmpf ogt, %get3A_1541, %select_n3A_1415 : vector<8x128xf32>
    %select_n3A_1543 = arith.select %gt3A_1542, %get3A_1541, %select_n3A_1415 : vector<8x128xi1>, vector<8x128xf32>
    %jit3A_1544 = arith.constant 11 : i32
    %broadcast_in_dim3A_1545 = vector.broadcast %jit3A_1544 : i32 to vector<8x128xi32>
    %select_n3A_1546 = arith.select %gt3A_1542, %broadcast_in_dim3A_1545, %select_n3A_1418 : vector<8x128xi1>, vector<8x128xi32>
    %get3A_1547 = arith.constant 0 : index
    %get3A_1548 = arith.constant 23808 : index
    %get3A_1549 = vector.load %arg1[%get3A_1547, %get3A_1548] : memref<8x32768xf32, #tpu.memory_space<vmem>>, vector<8x128xf32>
    %gt3A_1550 = arith.cmpf ogt, %get3A_1549, %select_n3A_1423 : vector<8x128xf32>
    %select_n3A_1551 = arith.select %gt3A_1550, %get3A_1549, %select_n3A_1423 : vector<8x128xi1>, vector<8x128xf32>
    %jit3A_1552 = arith.constant 11 : i32
    %broadcast_in_dim3A_1553 = vector.broadcast %jit3A_1552 : i32 to vector<8x128xi32>
    %select_n3A_1554 = arith.select %gt3A_1550, %broadcast_in_dim3A_1553, %select_n3A_1426 : vector<8x128xi1>, vector<8x128xi32>
    %get3A_1555 = arith.constant 0 : index
    %get3A_1556 = arith.constant 23936 : index
    %get3A_1557 = vector.load %arg1[%get3A_1555, %get3A_1556] : memref<8x32768xf32, #tpu.memory_space<vmem>>, vector<8x128xf32>
    %gt3A_1558 = arith.cmpf ogt, %get3A_1557, %select_n3A_1431 : vector<8x128xf32>
    %select_n3A_1559 = arith.select %gt3A_1558, %get3A_1557, %select_n3A_1431 : vector<8x128xi1>, vector<8x128xf32>
    %jit3A_1560 = arith.constant 11 : i32
    %broadcast_in_dim3A_1561 = vector.broadcast %jit3A_1560 : i32 to vector<8x128xi32>
    %select_n3A_1562 = arith.select %gt3A_1558, %broadcast_in_dim3A_1561, %select_n3A_1434 : vector<8x128xi1>, vector<8x128xi32>
    %get3A_1563 = arith.constant 0 : index
    %get3A_1564 = arith.constant 24064 : index
    %get3A_1565 = vector.load %arg1[%get3A_1563, %get3A_1564] : memref<8x32768xf32, #tpu.memory_space<vmem>>, vector<8x128xf32>
    %gt3A_1566 = arith.cmpf ogt, %get3A_1565, %select_n3A_1439 : vector<8x128xf32>
    %select_n3A_1567 = arith.select %gt3A_1566, %get3A_1565, %select_n3A_1439 : vector<8x128xi1>, vector<8x128xf32>
    %jit3A_1568 = arith.constant 11 : i32
    %broadcast_in_dim3A_1569 = vector.broadcast %jit3A_1568 : i32 to vector<8x128xi32>
    %select_n3A_1570 = arith.select %gt3A_1566, %broadcast_in_dim3A_1569, %select_n3A_1442 : vector<8x128xi1>, vector<8x128xi32>
    %get3A_1571 = arith.constant 0 : index
    %get3A_1572 = arith.constant 24192 : index
    %get3A_1573 = vector.load %arg1[%get3A_1571, %get3A_1572] : memref<8x32768xf32, #tpu.memory_space<vmem>>, vector<8x128xf32>
    %gt3A_1574 = arith.cmpf ogt, %get3A_1573, %select_n3A_1447 : vector<8x128xf32>
    %select_n3A_1575 = arith.select %gt3A_1574, %get3A_1573, %select_n3A_1447 : vector<8x128xi1>, vector<8x128xf32>
    %jit3A_1576 = arith.constant 11 : i32
    %broadcast_in_dim3A_1577 = vector.broadcast %jit3A_1576 : i32 to vector<8x128xi32>
    %select_n3A_1578 = arith.select %gt3A_1574, %broadcast_in_dim3A_1577, %select_n3A_1450 : vector<8x128xi1>, vector<8x128xi32>
    %get3A_1579 = arith.constant 0 : index
    %get3A_1580 = arith.constant 24320 : index
    %get3A_1581 = vector.load %arg1[%get3A_1579, %get3A_1580] : memref<8x32768xf32, #tpu.memory_space<vmem>>, vector<8x128xf32>
    %gt3A_1582 = arith.cmpf ogt, %get3A_1581, %select_n3A_1455 : vector<8x128xf32>
    %select_n3A_1583 = arith.select %gt3A_1582, %get3A_1581, %select_n3A_1455 : vector<8x128xi1>, vector<8x128xf32>
    %jit3A_1584 = arith.constant 11 : i32
    %broadcast_in_dim3A_1585 = vector.broadcast %jit3A_1584 : i32 to vector<8x128xi32>
    %select_n3A_1586 = arith.select %gt3A_1582, %broadcast_in_dim3A_1585, %select_n3A_1458 : vector<8x128xi1>, vector<8x128xi32>
    %get3A_1587 = arith.constant 0 : index
    %get3A_1588 = arith.constant 24448 : index
    %get3A_1589 = vector.load %arg1[%get3A_1587, %get3A_1588] : memref<8x32768xf32, #tpu.memory_space<vmem>>, vector<8x128xf32>
    %gt3A_1590 = arith.cmpf ogt, %get3A_1589, %select_n3A_1463 : vector<8x128xf32>
    %select_n3A_1591 = arith.select %gt3A_1590, %get3A_1589, %select_n3A_1463 : vector<8x128xi1>, vector<8x128xf32>
    %jit3A_1592 = arith.constant 11 : i32
    %broadcast_in_dim3A_1593 = vector.broadcast %jit3A_1592 : i32 to vector<8x128xi32>
    %select_n3A_1594 = arith.select %gt3A_1590, %broadcast_in_dim3A_1593, %select_n3A_1466 : vector<8x128xi1>, vector<8x128xi32>
    %get3A_1595 = arith.constant 0 : index
    %get3A_1596 = arith.constant 24576 : index
    %get3A_1597 = vector.load %arg1[%get3A_1595, %get3A_1596] : memref<8x32768xf32, #tpu.memory_space<vmem>>, vector<8x128xf32>
    %gt3A_1598 = arith.cmpf ogt, %get3A_1597, %select_n3A_1471 : vector<8x128xf32>
    %select_n3A_1599 = arith.select %gt3A_1598, %get3A_1597, %select_n3A_1471 : vector<8x128xi1>, vector<8x128xf32>
    %jit3A_1600 = arith.constant 12 : i32
    %broadcast_in_dim3A_1601 = vector.broadcast %jit3A_1600 : i32 to vector<8x128xi32>
    %select_n3A_1602 = arith.select %gt3A_1598, %broadcast_in_dim3A_1601, %select_n3A_1474 : vector<8x128xi1>, vector<8x128xi32>
    %get3A_1603 = arith.constant 0 : index
    %get3A_1604 = arith.constant 24704 : index
    %get3A_1605 = vector.load %arg1[%get3A_1603, %get3A_1604] : memref<8x32768xf32, #tpu.memory_space<vmem>>, vector<8x128xf32>
    %gt3A_1606 = arith.cmpf ogt, %get3A_1605, %select_n3A_1479 : vector<8x128xf32>
    %select_n3A_1607 = arith.select %gt3A_1606, %get3A_1605, %select_n3A_1479 : vector<8x128xi1>, vector<8x128xf32>
    %jit3A_1608 = arith.constant 12 : i32
    %broadcast_in_dim3A_1609 = vector.broadcast %jit3A_1608 : i32 to vector<8x128xi32>
    %select_n3A_1610 = arith.select %gt3A_1606, %broadcast_in_dim3A_1609, %select_n3A_1482 : vector<8x128xi1>, vector<8x128xi32>
    %get3A_1611 = arith.constant 0 : index
    %get3A_1612 = arith.constant 24832 : index
    %get3A_1613 = vector.load %arg1[%get3A_1611, %get3A_1612] : memref<8x32768xf32, #tpu.memory_space<vmem>>, vector<8x128xf32>
    %gt3A_1614 = arith.cmpf ogt, %get3A_1613, %select_n3A_1487 : vector<8x128xf32>
    %select_n3A_1615 = arith.select %gt3A_1614, %get3A_1613, %select_n3A_1487 : vector<8x128xi1>, vector<8x128xf32>
    %jit3A_1616 = arith.constant 12 : i32
    %broadcast_in_dim3A_1617 = vector.broadcast %jit3A_1616 : i32 to vector<8x128xi32>
    %select_n3A_1618 = arith.select %gt3A_1614, %broadcast_in_dim3A_1617, %select_n3A_1490 : vector<8x128xi1>, vector<8x128xi32>
    %get3A_1619 = arith.constant 0 : index
    %get3A_1620 = arith.constant 24960 : index
    %get3A_1621 = vector.load %arg1[%get3A_1619, %get3A_1620] : memref<8x32768xf32, #tpu.memory_space<vmem>>, vector<8x128xf32>
    %gt3A_1622 = arith.cmpf ogt, %get3A_1621, %select_n3A_1495 : vector<8x128xf32>
    %select_n3A_1623 = arith.select %gt3A_1622, %get3A_1621, %select_n3A_1495 : vector<8x128xi1>, vector<8x128xf32>
    %jit3A_1624 = arith.constant 12 : i32
    %broadcast_in_dim3A_1625 = vector.broadcast %jit3A_1624 : i32 to vector<8x128xi32>
    %select_n3A_1626 = arith.select %gt3A_1622, %broadcast_in_dim3A_1625, %select_n3A_1498 : vector<8x128xi1>, vector<8x128xi32>
    %get3A_1627 = arith.constant 0 : index
    %get3A_1628 = arith.constant 25088 : index
    %get3A_1629 = vector.load %arg1[%get3A_1627, %get3A_1628] : memref<8x32768xf32, #tpu.memory_space<vmem>>, vector<8x128xf32>
    %gt3A_1630 = arith.cmpf ogt, %get3A_1629, %select_n3A_1503 : vector<8x128xf32>
    %select_n3A_1631 = arith.select %gt3A_1630, %get3A_1629, %select_n3A_1503 : vector<8x128xi1>, vector<8x128xf32>
    %jit3A_1632 = arith.constant 12 : i32
    %broadcast_in_dim3A_1633 = vector.broadcast %jit3A_1632 : i32 to vector<8x128xi32>
    %select_n3A_1634 = arith.select %gt3A_1630, %broadcast_in_dim3A_1633, %select_n3A_1506 : vector<8x128xi1>, vector<8x128xi32>
    %get3A_1635 = arith.constant 0 : index
    %get3A_1636 = arith.constant 25216 : index
    %get3A_1637 = vector.load %arg1[%get3A_1635, %get3A_1636] : memref<8x32768xf32, #tpu.memory_space<vmem>>, vector<8x128xf32>
    %gt3A_1638 = arith.cmpf ogt, %get3A_1637, %select_n3A_1511 : vector<8x128xf32>
    %select_n3A_1639 = arith.select %gt3A_1638, %get3A_1637, %select_n3A_1511 : vector<8x128xi1>, vector<8x128xf32>
    %jit3A_1640 = arith.constant 12 : i32
    %broadcast_in_dim3A_1641 = vector.broadcast %jit3A_1640 : i32 to vector<8x128xi32>
    %select_n3A_1642 = arith.select %gt3A_1638, %broadcast_in_dim3A_1641, %select_n3A_1514 : vector<8x128xi1>, vector<8x128xi32>
    %get3A_1643 = arith.constant 0 : index
    %get3A_1644 = arith.constant 25344 : index
    %get3A_1645 = vector.load %arg1[%get3A_1643, %get3A_1644] : memref<8x32768xf32, #tpu.memory_space<vmem>>, vector<8x128xf32>
    %gt3A_1646 = arith.cmpf ogt, %get3A_1645, %select_n3A_1519 : vector<8x128xf32>
    %select_n3A_1647 = arith.select %gt3A_1646, %get3A_1645, %select_n3A_1519 : vector<8x128xi1>, vector<8x128xf32>
    %jit3A_1648 = arith.constant 12 : i32
    %broadcast_in_dim3A_1649 = vector.broadcast %jit3A_1648 : i32 to vector<8x128xi32>
    %select_n3A_1650 = arith.select %gt3A_1646, %broadcast_in_dim3A_1649, %select_n3A_1522 : vector<8x128xi1>, vector<8x128xi32>
    %get3A_1651 = arith.constant 0 : index
    %get3A_1652 = arith.constant 25472 : index
    %get3A_1653 = vector.load %arg1[%get3A_1651, %get3A_1652] : memref<8x32768xf32, #tpu.memory_space<vmem>>, vector<8x128xf32>
    %gt3A_1654 = arith.cmpf ogt, %get3A_1653, %select_n3A_1527 : vector<8x128xf32>
    %select_n3A_1655 = arith.select %gt3A_1654, %get3A_1653, %select_n3A_1527 : vector<8x128xi1>, vector<8x128xf32>
    %jit3A_1656 = arith.constant 12 : i32
    %broadcast_in_dim3A_1657 = vector.broadcast %jit3A_1656 : i32 to vector<8x128xi32>
    %select_n3A_1658 = arith.select %gt3A_1654, %broadcast_in_dim3A_1657, %select_n3A_1530 : vector<8x128xi1>, vector<8x128xi32>
    %get3A_1659 = arith.constant 0 : index
    %get3A_1660 = arith.constant 25600 : index
    %get3A_1661 = vector.load %arg1[%get3A_1659, %get3A_1660] : memref<8x32768xf32, #tpu.memory_space<vmem>>, vector<8x128xf32>
    %gt3A_1662 = arith.cmpf ogt, %get3A_1661, %select_n3A_1535 : vector<8x128xf32>
    %select_n3A_1663 = arith.select %gt3A_1662, %get3A_1661, %select_n3A_1535 : vector<8x128xi1>, vector<8x128xf32>
    %jit3A_1664 = arith.constant 12 : i32
    %broadcast_in_dim3A_1665 = vector.broadcast %jit3A_1664 : i32 to vector<8x128xi32>
    %select_n3A_1666 = arith.select %gt3A_1662, %broadcast_in_dim3A_1665, %select_n3A_1538 : vector<8x128xi1>, vector<8x128xi32>
    %get3A_1667 = arith.constant 0 : index
    %get3A_1668 = arith.constant 25728 : index
    %get3A_1669 = vector.load %arg1[%get3A_1667, %get3A_1668] : memref<8x32768xf32, #tpu.memory_space<vmem>>, vector<8x128xf32>
    %gt3A_1670 = arith.cmpf ogt, %get3A_1669, %select_n3A_1543 : vector<8x128xf32>
    %select_n3A_1671 = arith.select %gt3A_1670, %get3A_1669, %select_n3A_1543 : vector<8x128xi1>, vector<8x128xf32>
    %jit3A_1672 = arith.constant 12 : i32
    %broadcast_in_dim3A_1673 = vector.broadcast %jit3A_1672 : i32 to vector<8x128xi32>
    %select_n3A_1674 = arith.select %gt3A_1670, %broadcast_in_dim3A_1673, %select_n3A_1546 : vector<8x128xi1>, vector<8x128xi32>
    %get3A_1675 = arith.constant 0 : index
    %get3A_1676 = arith.constant 25856 : index
    %get3A_1677 = vector.load %arg1[%get3A_1675, %get3A_1676] : memref<8x32768xf32, #tpu.memory_space<vmem>>, vector<8x128xf32>
    %gt3A_1678 = arith.cmpf ogt, %get3A_1677, %select_n3A_1551 : vector<8x128xf32>
    %select_n3A_1679 = arith.select %gt3A_1678, %get3A_1677, %select_n3A_1551 : vector<8x128xi1>, vector<8x128xf32>
    %jit3A_1680 = arith.constant 12 : i32
    %broadcast_in_dim3A_1681 = vector.broadcast %jit3A_1680 : i32 to vector<8x128xi32>
    %select_n3A_1682 = arith.select %gt3A_1678, %broadcast_in_dim3A_1681, %select_n3A_1554 : vector<8x128xi1>, vector<8x128xi32>
    %get3A_1683 = arith.constant 0 : index
    %get3A_1684 = arith.constant 25984 : index
    %get3A_1685 = vector.load %arg1[%get3A_1683, %get3A_1684] : memref<8x32768xf32, #tpu.memory_space<vmem>>, vector<8x128xf32>
    %gt3A_1686 = arith.cmpf ogt, %get3A_1685, %select_n3A_1559 : vector<8x128xf32>
    %select_n3A_1687 = arith.select %gt3A_1686, %get3A_1685, %select_n3A_1559 : vector<8x128xi1>, vector<8x128xf32>
    %jit3A_1688 = arith.constant 12 : i32
    %broadcast_in_dim3A_1689 = vector.broadcast %jit3A_1688 : i32 to vector<8x128xi32>
    %select_n3A_1690 = arith.select %gt3A_1686, %broadcast_in_dim3A_1689, %select_n3A_1562 : vector<8x128xi1>, vector<8x128xi32>
    %get3A_1691 = arith.constant 0 : index
    %get3A_1692 = arith.constant 26112 : index
    %get3A_1693 = vector.load %arg1[%get3A_1691, %get3A_1692] : memref<8x32768xf32, #tpu.memory_space<vmem>>, vector<8x128xf32>
    %gt3A_1694 = arith.cmpf ogt, %get3A_1693, %select_n3A_1567 : vector<8x128xf32>
    %select_n3A_1695 = arith.select %gt3A_1694, %get3A_1693, %select_n3A_1567 : vector<8x128xi1>, vector<8x128xf32>
    %jit3A_1696 = arith.constant 12 : i32
    %broadcast_in_dim3A_1697 = vector.broadcast %jit3A_1696 : i32 to vector<8x128xi32>
    %select_n3A_1698 = arith.select %gt3A_1694, %broadcast_in_dim3A_1697, %select_n3A_1570 : vector<8x128xi1>, vector<8x128xi32>
    %get3A_1699 = arith.constant 0 : index
    %get3A_1700 = arith.constant 26240 : index
    %get3A_1701 = vector.load %arg1[%get3A_1699, %get3A_1700] : memref<8x32768xf32, #tpu.memory_space<vmem>>, vector<8x128xf32>
    %gt3A_1702 = arith.cmpf ogt, %get3A_1701, %select_n3A_1575 : vector<8x128xf32>
    %select_n3A_1703 = arith.select %gt3A_1702, %get3A_1701, %select_n3A_1575 : vector<8x128xi1>, vector<8x128xf32>
    %jit3A_1704 = arith.constant 12 : i32
    %broadcast_in_dim3A_1705 = vector.broadcast %jit3A_1704 : i32 to vector<8x128xi32>
    %select_n3A_1706 = arith.select %gt3A_1702, %broadcast_in_dim3A_1705, %select_n3A_1578 : vector<8x128xi1>, vector<8x128xi32>
    %get3A_1707 = arith.constant 0 : index
    %get3A_1708 = arith.constant 26368 : index
    %get3A_1709 = vector.load %arg1[%get3A_1707, %get3A_1708] : memref<8x32768xf32, #tpu.memory_space<vmem>>, vector<8x128xf32>
    %gt3A_1710 = arith.cmpf ogt, %get3A_1709, %select_n3A_1583 : vector<8x128xf32>
    %select_n3A_1711 = arith.select %gt3A_1710, %get3A_1709, %select_n3A_1583 : vector<8x128xi1>, vector<8x128xf32>
    %jit3A_1712 = arith.constant 12 : i32
    %broadcast_in_dim3A_1713 = vector.broadcast %jit3A_1712 : i32 to vector<8x128xi32>
    %select_n3A_1714 = arith.select %gt3A_1710, %broadcast_in_dim3A_1713, %select_n3A_1586 : vector<8x128xi1>, vector<8x128xi32>
    %get3A_1715 = arith.constant 0 : index
    %get3A_1716 = arith.constant 26496 : index
    %get3A_1717 = vector.load %arg1[%get3A_1715, %get3A_1716] : memref<8x32768xf32, #tpu.memory_space<vmem>>, vector<8x128xf32>
    %gt3A_1718 = arith.cmpf ogt, %get3A_1717, %select_n3A_1591 : vector<8x128xf32>
    %select_n3A_1719 = arith.select %gt3A_1718, %get3A_1717, %select_n3A_1591 : vector<8x128xi1>, vector<8x128xf32>
    %jit3A_1720 = arith.constant 12 : i32
    %broadcast_in_dim3A_1721 = vector.broadcast %jit3A_1720 : i32 to vector<8x128xi32>
    %select_n3A_1722 = arith.select %gt3A_1718, %broadcast_in_dim3A_1721, %select_n3A_1594 : vector<8x128xi1>, vector<8x128xi32>
    %get3A_1723 = arith.constant 0 : index
    %get3A_1724 = arith.constant 26624 : index
    %get3A_1725 = vector.load %arg1[%get3A_1723, %get3A_1724] : memref<8x32768xf32, #tpu.memory_space<vmem>>, vector<8x128xf32>
    %gt3A_1726 = arith.cmpf ogt, %get3A_1725, %select_n3A_1599 : vector<8x128xf32>
    %select_n3A_1727 = arith.select %gt3A_1726, %get3A_1725, %select_n3A_1599 : vector<8x128xi1>, vector<8x128xf32>
    %jit3A_1728 = arith.constant 13 : i32
    %broadcast_in_dim3A_1729 = vector.broadcast %jit3A_1728 : i32 to vector<8x128xi32>
    %select_n3A_1730 = arith.select %gt3A_1726, %broadcast_in_dim3A_1729, %select_n3A_1602 : vector<8x128xi1>, vector<8x128xi32>
    %get3A_1731 = arith.constant 0 : index
    %get3A_1732 = arith.constant 26752 : index
    %get3A_1733 = vector.load %arg1[%get3A_1731, %get3A_1732] : memref<8x32768xf32, #tpu.memory_space<vmem>>, vector<8x128xf32>
    %gt3A_1734 = arith.cmpf ogt, %get3A_1733, %select_n3A_1607 : vector<8x128xf32>
    %select_n3A_1735 = arith.select %gt3A_1734, %get3A_1733, %select_n3A_1607 : vector<8x128xi1>, vector<8x128xf32>
    %jit3A_1736 = arith.constant 13 : i32
    %broadcast_in_dim3A_1737 = vector.broadcast %jit3A_1736 : i32 to vector<8x128xi32>
    %select_n3A_1738 = arith.select %gt3A_1734, %broadcast_in_dim3A_1737, %select_n3A_1610 : vector<8x128xi1>, vector<8x128xi32>
    %get3A_1739 = arith.constant 0 : index
    %get3A_1740 = arith.constant 26880 : index
    %get3A_1741 = vector.load %arg1[%get3A_1739, %get3A_1740] : memref<8x32768xf32, #tpu.memory_space<vmem>>, vector<8x128xf32>
    %gt3A_1742 = arith.cmpf ogt, %get3A_1741, %select_n3A_1615 : vector<8x128xf32>
    %select_n3A_1743 = arith.select %gt3A_1742, %get3A_1741, %select_n3A_1615 : vector<8x128xi1>, vector<8x128xf32>
    %jit3A_1744 = arith.constant 13 : i32
    %broadcast_in_dim3A_1745 = vector.broadcast %jit3A_1744 : i32 to vector<8x128xi32>
    %select_n3A_1746 = arith.select %gt3A_1742, %broadcast_in_dim3A_1745, %select_n3A_1618 : vector<8x128xi1>, vector<8x128xi32>
    %get3A_1747 = arith.constant 0 : index
    %get3A_1748 = arith.constant 27008 : index
    %get3A_1749 = vector.load %arg1[%get3A_1747, %get3A_1748] : memref<8x32768xf32, #tpu.memory_space<vmem>>, vector<8x128xf32>
    %gt3A_1750 = arith.cmpf ogt, %get3A_1749, %select_n3A_1623 : vector<8x128xf32>
    %select_n3A_1751 = arith.select %gt3A_1750, %get3A_1749, %select_n3A_1623 : vector<8x128xi1>, vector<8x128xf32>
    %jit3A_1752 = arith.constant 13 : i32
    %broadcast_in_dim3A_1753 = vector.broadcast %jit3A_1752 : i32 to vector<8x128xi32>
    %select_n3A_1754 = arith.select %gt3A_1750, %broadcast_in_dim3A_1753, %select_n3A_1626 : vector<8x128xi1>, vector<8x128xi32>
    %get3A_1755 = arith.constant 0 : index
    %get3A_1756 = arith.constant 27136 : index
    %get3A_1757 = vector.load %arg1[%get3A_1755, %get3A_1756] : memref<8x32768xf32, #tpu.memory_space<vmem>>, vector<8x128xf32>
    %gt3A_1758 = arith.cmpf ogt, %get3A_1757, %select_n3A_1631 : vector<8x128xf32>
    %select_n3A_1759 = arith.select %gt3A_1758, %get3A_1757, %select_n3A_1631 : vector<8x128xi1>, vector<8x128xf32>
    %jit3A_1760 = arith.constant 13 : i32
    %broadcast_in_dim3A_1761 = vector.broadcast %jit3A_1760 : i32 to vector<8x128xi32>
    %select_n3A_1762 = arith.select %gt3A_1758, %broadcast_in_dim3A_1761, %select_n3A_1634 : vector<8x128xi1>, vector<8x128xi32>
    %get3A_1763 = arith.constant 0 : index
    %get3A_1764 = arith.constant 27264 : index
    %get3A_1765 = vector.load %arg1[%get3A_1763, %get3A_1764] : memref<8x32768xf32, #tpu.memory_space<vmem>>, vector<8x128xf32>
    %gt3A_1766 = arith.cmpf ogt, %get3A_1765, %select_n3A_1639 : vector<8x128xf32>
    %select_n3A_1767 = arith.select %gt3A_1766, %get3A_1765, %select_n3A_1639 : vector<8x128xi1>, vector<8x128xf32>
    %jit3A_1768 = arith.constant 13 : i32
    %broadcast_in_dim3A_1769 = vector.broadcast %jit3A_1768 : i32 to vector<8x128xi32>
    %select_n3A_1770 = arith.select %gt3A_1766, %broadcast_in_dim3A_1769, %select_n3A_1642 : vector<8x128xi1>, vector<8x128xi32>
    %get3A_1771 = arith.constant 0 : index
    %get3A_1772 = arith.constant 27392 : index
    %get3A_1773 = vector.load %arg1[%get3A_1771, %get3A_1772] : memref<8x32768xf32, #tpu.memory_space<vmem>>, vector<8x128xf32>
    %gt3A_1774 = arith.cmpf ogt, %get3A_1773, %select_n3A_1647 : vector<8x128xf32>
    %select_n3A_1775 = arith.select %gt3A_1774, %get3A_1773, %select_n3A_1647 : vector<8x128xi1>, vector<8x128xf32>
    %jit3A_1776 = arith.constant 13 : i32
    %broadcast_in_dim3A_1777 = vector.broadcast %jit3A_1776 : i32 to vector<8x128xi32>
    %select_n3A_1778 = arith.select %gt3A_1774, %broadcast_in_dim3A_1777, %select_n3A_1650 : vector<8x128xi1>, vector<8x128xi32>
    %get3A_1779 = arith.constant 0 : index
    %get3A_1780 = arith.constant 27520 : index
    %get3A_1781 = vector.load %arg1[%get3A_1779, %get3A_1780] : memref<8x32768xf32, #tpu.memory_space<vmem>>, vector<8x128xf32>
    %gt3A_1782 = arith.cmpf ogt, %get3A_1781, %select_n3A_1655 : vector<8x128xf32>
    %select_n3A_1783 = arith.select %gt3A_1782, %get3A_1781, %select_n3A_1655 : vector<8x128xi1>, vector<8x128xf32>
    %jit3A_1784 = arith.constant 13 : i32
    %broadcast_in_dim3A_1785 = vector.broadcast %jit3A_1784 : i32 to vector<8x128xi32>
    %select_n3A_1786 = arith.select %gt3A_1782, %broadcast_in_dim3A_1785, %select_n3A_1658 : vector<8x128xi1>, vector<8x128xi32>
    %get3A_1787 = arith.constant 0 : index
    %get3A_1788 = arith.constant 27648 : index
    %get3A_1789 = vector.load %arg1[%get3A_1787, %get3A_1788] : memref<8x32768xf32, #tpu.memory_space<vmem>>, vector<8x128xf32>
    %gt3A_1790 = arith.cmpf ogt, %get3A_1789, %select_n3A_1663 : vector<8x128xf32>
    %select_n3A_1791 = arith.select %gt3A_1790, %get3A_1789, %select_n3A_1663 : vector<8x128xi1>, vector<8x128xf32>
    %jit3A_1792 = arith.constant 13 : i32
    %broadcast_in_dim3A_1793 = vector.broadcast %jit3A_1792 : i32 to vector<8x128xi32>
    %select_n3A_1794 = arith.select %gt3A_1790, %broadcast_in_dim3A_1793, %select_n3A_1666 : vector<8x128xi1>, vector<8x128xi32>
    %get3A_1795 = arith.constant 0 : index
    %get3A_1796 = arith.constant 27776 : index
    %get3A_1797 = vector.load %arg1[%get3A_1795, %get3A_1796] : memref<8x32768xf32, #tpu.memory_space<vmem>>, vector<8x128xf32>
    %gt3A_1798 = arith.cmpf ogt, %get3A_1797, %select_n3A_1671 : vector<8x128xf32>
    %select_n3A_1799 = arith.select %gt3A_1798, %get3A_1797, %select_n3A_1671 : vector<8x128xi1>, vector<8x128xf32>
    %jit3A_1800 = arith.constant 13 : i32
    %broadcast_in_dim3A_1801 = vector.broadcast %jit3A_1800 : i32 to vector<8x128xi32>
    %select_n3A_1802 = arith.select %gt3A_1798, %broadcast_in_dim3A_1801, %select_n3A_1674 : vector<8x128xi1>, vector<8x128xi32>
    %get3A_1803 = arith.constant 0 : index
    %get3A_1804 = arith.constant 27904 : index
    %get3A_1805 = vector.load %arg1[%get3A_1803, %get3A_1804] : memref<8x32768xf32, #tpu.memory_space<vmem>>, vector<8x128xf32>
    %gt3A_1806 = arith.cmpf ogt, %get3A_1805, %select_n3A_1679 : vector<8x128xf32>
    %select_n3A_1807 = arith.select %gt3A_1806, %get3A_1805, %select_n3A_1679 : vector<8x128xi1>, vector<8x128xf32>
    %jit3A_1808 = arith.constant 13 : i32
    %broadcast_in_dim3A_1809 = vector.broadcast %jit3A_1808 : i32 to vector<8x128xi32>
    %select_n3A_1810 = arith.select %gt3A_1806, %broadcast_in_dim3A_1809, %select_n3A_1682 : vector<8x128xi1>, vector<8x128xi32>
    %get3A_1811 = arith.constant 0 : index
    %get3A_1812 = arith.constant 28032 : index
    %get3A_1813 = vector.load %arg1[%get3A_1811, %get3A_1812] : memref<8x32768xf32, #tpu.memory_space<vmem>>, vector<8x128xf32>
    %gt3A_1814 = arith.cmpf ogt, %get3A_1813, %select_n3A_1687 : vector<8x128xf32>
    %select_n3A_1815 = arith.select %gt3A_1814, %get3A_1813, %select_n3A_1687 : vector<8x128xi1>, vector<8x128xf32>
    %jit3A_1816 = arith.constant 13 : i32
    %broadcast_in_dim3A_1817 = vector.broadcast %jit3A_1816 : i32 to vector<8x128xi32>
    %select_n3A_1818 = arith.select %gt3A_1814, %broadcast_in_dim3A_1817, %select_n3A_1690 : vector<8x128xi1>, vector<8x128xi32>
    %get3A_1819 = arith.constant 0 : index
    %get3A_1820 = arith.constant 28160 : index
    %get3A_1821 = vector.load %arg1[%get3A_1819, %get3A_1820] : memref<8x32768xf32, #tpu.memory_space<vmem>>, vector<8x128xf32>
    %gt3A_1822 = arith.cmpf ogt, %get3A_1821, %select_n3A_1695 : vector<8x128xf32>
    %select_n3A_1823 = arith.select %gt3A_1822, %get3A_1821, %select_n3A_1695 : vector<8x128xi1>, vector<8x128xf32>
    %jit3A_1824 = arith.constant 13 : i32
    %broadcast_in_dim3A_1825 = vector.broadcast %jit3A_1824 : i32 to vector<8x128xi32>
    %select_n3A_1826 = arith.select %gt3A_1822, %broadcast_in_dim3A_1825, %select_n3A_1698 : vector<8x128xi1>, vector<8x128xi32>
    %get3A_1827 = arith.constant 0 : index
    %get3A_1828 = arith.constant 28288 : index
    %get3A_1829 = vector.load %arg1[%get3A_1827, %get3A_1828] : memref<8x32768xf32, #tpu.memory_space<vmem>>, vector<8x128xf32>
    %gt3A_1830 = arith.cmpf ogt, %get3A_1829, %select_n3A_1703 : vector<8x128xf32>
    %select_n3A_1831 = arith.select %gt3A_1830, %get3A_1829, %select_n3A_1703 : vector<8x128xi1>, vector<8x128xf32>
    %jit3A_1832 = arith.constant 13 : i32
    %broadcast_in_dim3A_1833 = vector.broadcast %jit3A_1832 : i32 to vector<8x128xi32>
    %select_n3A_1834 = arith.select %gt3A_1830, %broadcast_in_dim3A_1833, %select_n3A_1706 : vector<8x128xi1>, vector<8x128xi32>
    %get3A_1835 = arith.constant 0 : index
    %get3A_1836 = arith.constant 28416 : index
    %get3A_1837 = vector.load %arg1[%get3A_1835, %get3A_1836] : memref<8x32768xf32, #tpu.memory_space<vmem>>, vector<8x128xf32>
    %gt3A_1838 = arith.cmpf ogt, %get3A_1837, %select_n3A_1711 : vector<8x128xf32>
    %select_n3A_1839 = arith.select %gt3A_1838, %get3A_1837, %select_n3A_1711 : vector<8x128xi1>, vector<8x128xf32>
    %jit3A_1840 = arith.constant 13 : i32
    %broadcast_in_dim3A_1841 = vector.broadcast %jit3A_1840 : i32 to vector<8x128xi32>
    %select_n3A_1842 = arith.select %gt3A_1838, %broadcast_in_dim3A_1841, %select_n3A_1714 : vector<8x128xi1>, vector<8x128xi32>
    %get3A_1843 = arith.constant 0 : index
    %get3A_1844 = arith.constant 28544 : index
    %get3A_1845 = vector.load %arg1[%get3A_1843, %get3A_1844] : memref<8x32768xf32, #tpu.memory_space<vmem>>, vector<8x128xf32>
    %gt3A_1846 = arith.cmpf ogt, %get3A_1845, %select_n3A_1719 : vector<8x128xf32>
    %select_n3A_1847 = arith.select %gt3A_1846, %get3A_1845, %select_n3A_1719 : vector<8x128xi1>, vector<8x128xf32>
    %jit3A_1848 = arith.constant 13 : i32
    %broadcast_in_dim3A_1849 = vector.broadcast %jit3A_1848 : i32 to vector<8x128xi32>
    %select_n3A_1850 = arith.select %gt3A_1846, %broadcast_in_dim3A_1849, %select_n3A_1722 : vector<8x128xi1>, vector<8x128xi32>
    %get3A_1851 = arith.constant 0 : index
    %get3A_1852 = arith.constant 28672 : index
    %get3A_1853 = vector.load %arg1[%get3A_1851, %get3A_1852] : memref<8x32768xf32, #tpu.memory_space<vmem>>, vector<8x128xf32>
    %gt3A_1854 = arith.cmpf ogt, %get3A_1853, %select_n3A_1727 : vector<8x128xf32>
    %select_n3A_1855 = arith.select %gt3A_1854, %get3A_1853, %select_n3A_1727 : vector<8x128xi1>, vector<8x128xf32>
    %jit3A_1856 = arith.constant 14 : i32
    %broadcast_in_dim3A_1857 = vector.broadcast %jit3A_1856 : i32 to vector<8x128xi32>
    %select_n3A_1858 = arith.select %gt3A_1854, %broadcast_in_dim3A_1857, %select_n3A_1730 : vector<8x128xi1>, vector<8x128xi32>
    %get3A_1859 = arith.constant 0 : index
    %get3A_1860 = arith.constant 28800 : index
    %get3A_1861 = vector.load %arg1[%get3A_1859, %get3A_1860] : memref<8x32768xf32, #tpu.memory_space<vmem>>, vector<8x128xf32>
    %gt3A_1862 = arith.cmpf ogt, %get3A_1861, %select_n3A_1735 : vector<8x128xf32>
    %select_n3A_1863 = arith.select %gt3A_1862, %get3A_1861, %select_n3A_1735 : vector<8x128xi1>, vector<8x128xf32>
    %jit3A_1864 = arith.constant 14 : i32
    %broadcast_in_dim3A_1865 = vector.broadcast %jit3A_1864 : i32 to vector<8x128xi32>
    %select_n3A_1866 = arith.select %gt3A_1862, %broadcast_in_dim3A_1865, %select_n3A_1738 : vector<8x128xi1>, vector<8x128xi32>
    %get3A_1867 = arith.constant 0 : index
    %get3A_1868 = arith.constant 28928 : index
    %get3A_1869 = vector.load %arg1[%get3A_1867, %get3A_1868] : memref<8x32768xf32, #tpu.memory_space<vmem>>, vector<8x128xf32>
    %gt3A_1870 = arith.cmpf ogt, %get3A_1869, %select_n3A_1743 : vector<8x128xf32>
    %select_n3A_1871 = arith.select %gt3A_1870, %get3A_1869, %select_n3A_1743 : vector<8x128xi1>, vector<8x128xf32>
    %jit3A_1872 = arith.constant 14 : i32
    %broadcast_in_dim3A_1873 = vector.broadcast %jit3A_1872 : i32 to vector<8x128xi32>
    %select_n3A_1874 = arith.select %gt3A_1870, %broadcast_in_dim3A_1873, %select_n3A_1746 : vector<8x128xi1>, vector<8x128xi32>
    %get3A_1875 = arith.constant 0 : index
    %get3A_1876 = arith.constant 29056 : index
    %get3A_1877 = vector.load %arg1[%get3A_1875, %get3A_1876] : memref<8x32768xf32, #tpu.memory_space<vmem>>, vector<8x128xf32>
    %gt3A_1878 = arith.cmpf ogt, %get3A_1877, %select_n3A_1751 : vector<8x128xf32>
    %select_n3A_1879 = arith.select %gt3A_1878, %get3A_1877, %select_n3A_1751 : vector<8x128xi1>, vector<8x128xf32>
    %jit3A_1880 = arith.constant 14 : i32
    %broadcast_in_dim3A_1881 = vector.broadcast %jit3A_1880 : i32 to vector<8x128xi32>
    %select_n3A_1882 = arith.select %gt3A_1878, %broadcast_in_dim3A_1881, %select_n3A_1754 : vector<8x128xi1>, vector<8x128xi32>
    %get3A_1883 = arith.constant 0 : index
    %get3A_1884 = arith.constant 29184 : index
    %get3A_1885 = vector.load %arg1[%get3A_1883, %get3A_1884] : memref<8x32768xf32, #tpu.memory_space<vmem>>, vector<8x128xf32>
    %gt3A_1886 = arith.cmpf ogt, %get3A_1885, %select_n3A_1759 : vector<8x128xf32>
    %select_n3A_1887 = arith.select %gt3A_1886, %get3A_1885, %select_n3A_1759 : vector<8x128xi1>, vector<8x128xf32>
    %jit3A_1888 = arith.constant 14 : i32
    %broadcast_in_dim3A_1889 = vector.broadcast %jit3A_1888 : i32 to vector<8x128xi32>
    %select_n3A_1890 = arith.select %gt3A_1886, %broadcast_in_dim3A_1889, %select_n3A_1762 : vector<8x128xi1>, vector<8x128xi32>
    %get3A_1891 = arith.constant 0 : index
    %get3A_1892 = arith.constant 29312 : index
    %get3A_1893 = vector.load %arg1[%get3A_1891, %get3A_1892] : memref<8x32768xf32, #tpu.memory_space<vmem>>, vector<8x128xf32>
    %gt3A_1894 = arith.cmpf ogt, %get3A_1893, %select_n3A_1767 : vector<8x128xf32>
    %select_n3A_1895 = arith.select %gt3A_1894, %get3A_1893, %select_n3A_1767 : vector<8x128xi1>, vector<8x128xf32>
    %jit3A_1896 = arith.constant 14 : i32
    %broadcast_in_dim3A_1897 = vector.broadcast %jit3A_1896 : i32 to vector<8x128xi32>
    %select_n3A_1898 = arith.select %gt3A_1894, %broadcast_in_dim3A_1897, %select_n3A_1770 : vector<8x128xi1>, vector<8x128xi32>
    %get3A_1899 = arith.constant 0 : index
    %get3A_1900 = arith.constant 29440 : index
    %get3A_1901 = vector.load %arg1[%get3A_1899, %get3A_1900] : memref<8x32768xf32, #tpu.memory_space<vmem>>, vector<8x128xf32>
    %gt3A_1902 = arith.cmpf ogt, %get3A_1901, %select_n3A_1775 : vector<8x128xf32>
    %select_n3A_1903 = arith.select %gt3A_1902, %get3A_1901, %select_n3A_1775 : vector<8x128xi1>, vector<8x128xf32>
    %jit3A_1904 = arith.constant 14 : i32
    %broadcast_in_dim3A_1905 = vector.broadcast %jit3A_1904 : i32 to vector<8x128xi32>
    %select_n3A_1906 = arith.select %gt3A_1902, %broadcast_in_dim3A_1905, %select_n3A_1778 : vector<8x128xi1>, vector<8x128xi32>
    %get3A_1907 = arith.constant 0 : index
    %get3A_1908 = arith.constant 29568 : index
    %get3A_1909 = vector.load %arg1[%get3A_1907, %get3A_1908] : memref<8x32768xf32, #tpu.memory_space<vmem>>, vector<8x128xf32>
    %gt3A_1910 = arith.cmpf ogt, %get3A_1909, %select_n3A_1783 : vector<8x128xf32>
    %select_n3A_1911 = arith.select %gt3A_1910, %get3A_1909, %select_n3A_1783 : vector<8x128xi1>, vector<8x128xf32>
    %jit3A_1912 = arith.constant 14 : i32
    %broadcast_in_dim3A_1913 = vector.broadcast %jit3A_1912 : i32 to vector<8x128xi32>
    %select_n3A_1914 = arith.select %gt3A_1910, %broadcast_in_dim3A_1913, %select_n3A_1786 : vector<8x128xi1>, vector<8x128xi32>
    %get3A_1915 = arith.constant 0 : index
    %get3A_1916 = arith.constant 29696 : index
    %get3A_1917 = vector.load %arg1[%get3A_1915, %get3A_1916] : memref<8x32768xf32, #tpu.memory_space<vmem>>, vector<8x128xf32>
    %gt3A_1918 = arith.cmpf ogt, %get3A_1917, %select_n3A_1791 : vector<8x128xf32>
    %select_n3A_1919 = arith.select %gt3A_1918, %get3A_1917, %select_n3A_1791 : vector<8x128xi1>, vector<8x128xf32>
    %jit3A_1920 = arith.constant 14 : i32
    %broadcast_in_dim3A_1921 = vector.broadcast %jit3A_1920 : i32 to vector<8x128xi32>
    %select_n3A_1922 = arith.select %gt3A_1918, %broadcast_in_dim3A_1921, %select_n3A_1794 : vector<8x128xi1>, vector<8x128xi32>
    %get3A_1923 = arith.constant 0 : index
    %get3A_1924 = arith.constant 29824 : index
    %get3A_1925 = vector.load %arg1[%get3A_1923, %get3A_1924] : memref<8x32768xf32, #tpu.memory_space<vmem>>, vector<8x128xf32>
    %gt3A_1926 = arith.cmpf ogt, %get3A_1925, %select_n3A_1799 : vector<8x128xf32>
    %select_n3A_1927 = arith.select %gt3A_1926, %get3A_1925, %select_n3A_1799 : vector<8x128xi1>, vector<8x128xf32>
    %jit3A_1928 = arith.constant 14 : i32
    %broadcast_in_dim3A_1929 = vector.broadcast %jit3A_1928 : i32 to vector<8x128xi32>
    %select_n3A_1930 = arith.select %gt3A_1926, %broadcast_in_dim3A_1929, %select_n3A_1802 : vector<8x128xi1>, vector<8x128xi32>
    %get3A_1931 = arith.constant 0 : index
    %get3A_1932 = arith.constant 29952 : index
    %get3A_1933 = vector.load %arg1[%get3A_1931, %get3A_1932] : memref<8x32768xf32, #tpu.memory_space<vmem>>, vector<8x128xf32>
    %gt3A_1934 = arith.cmpf ogt, %get3A_1933, %select_n3A_1807 : vector<8x128xf32>
    %select_n3A_1935 = arith.select %gt3A_1934, %get3A_1933, %select_n3A_1807 : vector<8x128xi1>, vector<8x128xf32>
    %jit3A_1936 = arith.constant 14 : i32
    %broadcast_in_dim3A_1937 = vector.broadcast %jit3A_1936 : i32 to vector<8x128xi32>
    %select_n3A_1938 = arith.select %gt3A_1934, %broadcast_in_dim3A_1937, %select_n3A_1810 : vector<8x128xi1>, vector<8x128xi32>
    %get3A_1939 = arith.constant 0 : index
    %get3A_1940 = arith.constant 30080 : index
    %get3A_1941 = vector.load %arg1[%get3A_1939, %get3A_1940] : memref<8x32768xf32, #tpu.memory_space<vmem>>, vector<8x128xf32>
    %gt3A_1942 = arith.cmpf ogt, %get3A_1941, %select_n3A_1815 : vector<8x128xf32>
    %select_n3A_1943 = arith.select %gt3A_1942, %get3A_1941, %select_n3A_1815 : vector<8x128xi1>, vector<8x128xf32>
    %jit3A_1944 = arith.constant 14 : i32
    %broadcast_in_dim3A_1945 = vector.broadcast %jit3A_1944 : i32 to vector<8x128xi32>
    %select_n3A_1946 = arith.select %gt3A_1942, %broadcast_in_dim3A_1945, %select_n3A_1818 : vector<8x128xi1>, vector<8x128xi32>
    %get3A_1947 = arith.constant 0 : index
    %get3A_1948 = arith.constant 30208 : index
    %get3A_1949 = vector.load %arg1[%get3A_1947, %get3A_1948] : memref<8x32768xf32, #tpu.memory_space<vmem>>, vector<8x128xf32>
    %gt3A_1950 = arith.cmpf ogt, %get3A_1949, %select_n3A_1823 : vector<8x128xf32>
    %select_n3A_1951 = arith.select %gt3A_1950, %get3A_1949, %select_n3A_1823 : vector<8x128xi1>, vector<8x128xf32>
    %jit3A_1952 = arith.constant 14 : i32
    %broadcast_in_dim3A_1953 = vector.broadcast %jit3A_1952 : i32 to vector<8x128xi32>
    %select_n3A_1954 = arith.select %gt3A_1950, %broadcast_in_dim3A_1953, %select_n3A_1826 : vector<8x128xi1>, vector<8x128xi32>
    %get3A_1955 = arith.constant 0 : index
    %get3A_1956 = arith.constant 30336 : index
    %get3A_1957 = vector.load %arg1[%get3A_1955, %get3A_1956] : memref<8x32768xf32, #tpu.memory_space<vmem>>, vector<8x128xf32>
    %gt3A_1958 = arith.cmpf ogt, %get3A_1957, %select_n3A_1831 : vector<8x128xf32>
    %select_n3A_1959 = arith.select %gt3A_1958, %get3A_1957, %select_n3A_1831 : vector<8x128xi1>, vector<8x128xf32>
    %jit3A_1960 = arith.constant 14 : i32
    %broadcast_in_dim3A_1961 = vector.broadcast %jit3A_1960 : i32 to vector<8x128xi32>
    %select_n3A_1962 = arith.select %gt3A_1958, %broadcast_in_dim3A_1961, %select_n3A_1834 : vector<8x128xi1>, vector<8x128xi32>
    %get3A_1963 = arith.constant 0 : index
    %get3A_1964 = arith.constant 30464 : index
    %get3A_1965 = vector.load %arg1[%get3A_1963, %get3A_1964] : memref<8x32768xf32, #tpu.memory_space<vmem>>, vector<8x128xf32>
    %gt3A_1966 = arith.cmpf ogt, %get3A_1965, %select_n3A_1839 : vector<8x128xf32>
    %select_n3A_1967 = arith.select %gt3A_1966, %get3A_1965, %select_n3A_1839 : vector<8x128xi1>, vector<8x128xf32>
    %jit3A_1968 = arith.constant 14 : i32
    %broadcast_in_dim3A_1969 = vector.broadcast %jit3A_1968 : i32 to vector<8x128xi32>
    %select_n3A_1970 = arith.select %gt3A_1966, %broadcast_in_dim3A_1969, %select_n3A_1842 : vector<8x128xi1>, vector<8x128xi32>
    %get3A_1971 = arith.constant 0 : index
    %get3A_1972 = arith.constant 30592 : index
    %get3A_1973 = vector.load %arg1[%get3A_1971, %get3A_1972] : memref<8x32768xf32, #tpu.memory_space<vmem>>, vector<8x128xf32>
    %gt3A_1974 = arith.cmpf ogt, %get3A_1973, %select_n3A_1847 : vector<8x128xf32>
    %select_n3A_1975 = arith.select %gt3A_1974, %get3A_1973, %select_n3A_1847 : vector<8x128xi1>, vector<8x128xf32>
    %jit3A_1976 = arith.constant 14 : i32
    %broadcast_in_dim3A_1977 = vector.broadcast %jit3A_1976 : i32 to vector<8x128xi32>
    %select_n3A_1978 = arith.select %gt3A_1974, %broadcast_in_dim3A_1977, %select_n3A_1850 : vector<8x128xi1>, vector<8x128xi32>
    %get3A_1979 = arith.constant 0 : index
    %get3A_1980 = arith.constant 30720 : index
    %get3A_1981 = vector.load %arg1[%get3A_1979, %get3A_1980] : memref<8x32768xf32, #tpu.memory_space<vmem>>, vector<8x128xf32>
    %gt3A_1982 = arith.cmpf ogt, %get3A_1981, %select_n3A_1855 : vector<8x128xf32>
    %select_n3A_1983 = arith.select %gt3A_1982, %get3A_1981, %select_n3A_1855 : vector<8x128xi1>, vector<8x128xf32>
    %jit3A_1984 = arith.constant 15 : i32
    %broadcast_in_dim3A_1985 = vector.broadcast %jit3A_1984 : i32 to vector<8x128xi32>
    %select_n3A_1986 = arith.select %gt3A_1982, %broadcast_in_dim3A_1985, %select_n3A_1858 : vector<8x128xi1>, vector<8x128xi32>
    %get3A_1987 = arith.constant 0 : index
    %get3A_1988 = arith.constant 30848 : index
    %get3A_1989 = vector.load %arg1[%get3A_1987, %get3A_1988] : memref<8x32768xf32, #tpu.memory_space<vmem>>, vector<8x128xf32>
    %gt3A_1990 = arith.cmpf ogt, %get3A_1989, %select_n3A_1863 : vector<8x128xf32>
    %select_n3A_1991 = arith.select %gt3A_1990, %get3A_1989, %select_n3A_1863 : vector<8x128xi1>, vector<8x128xf32>
    %jit3A_1992 = arith.constant 15 : i32
    %broadcast_in_dim3A_1993 = vector.broadcast %jit3A_1992 : i32 to vector<8x128xi32>
    %select_n3A_1994 = arith.select %gt3A_1990, %broadcast_in_dim3A_1993, %select_n3A_1866 : vector<8x128xi1>, vector<8x128xi32>
    %get3A_1995 = arith.constant 0 : index
    %get3A_1996 = arith.constant 30976 : index
    %get3A_1997 = vector.load %arg1[%get3A_1995, %get3A_1996] : memref<8x32768xf32, #tpu.memory_space<vmem>>, vector<8x128xf32>
    %gt3A_1998 = arith.cmpf ogt, %get3A_1997, %select_n3A_1871 : vector<8x128xf32>
    %select_n3A_1999 = arith.select %gt3A_1998, %get3A_1997, %select_n3A_1871 : vector<8x128xi1>, vector<8x128xf32>
    %jit3A_2000 = arith.constant 15 : i32
    %broadcast_in_dim3A_2001 = vector.broadcast %jit3A_2000 : i32 to vector<8x128xi32>
    %select_n3A_2002 = arith.select %gt3A_1998, %broadcast_in_dim3A_2001, %select_n3A_1874 : vector<8x128xi1>, vector<8x128xi32>
    %get3A_2003 = arith.constant 0 : index
    %get3A_2004 = arith.constant 31104 : index
    %get3A_2005 = vector.load %arg1[%get3A_2003, %get3A_2004] : memref<8x32768xf32, #tpu.memory_space<vmem>>, vector<8x128xf32>
    %gt3A_2006 = arith.cmpf ogt, %get3A_2005, %select_n3A_1879 : vector<8x128xf32>
    %select_n3A_2007 = arith.select %gt3A_2006, %get3A_2005, %select_n3A_1879 : vector<8x128xi1>, vector<8x128xf32>
    %jit3A_2008 = arith.constant 15 : i32
    %broadcast_in_dim3A_2009 = vector.broadcast %jit3A_2008 : i32 to vector<8x128xi32>
    %select_n3A_2010 = arith.select %gt3A_2006, %broadcast_in_dim3A_2009, %select_n3A_1882 : vector<8x128xi1>, vector<8x128xi32>
    %get3A_2011 = arith.constant 0 : index
    %get3A_2012 = arith.constant 31232 : index
    %get3A_2013 = vector.load %arg1[%get3A_2011, %get3A_2012] : memref<8x32768xf32, #tpu.memory_space<vmem>>, vector<8x128xf32>
    %gt3A_2014 = arith.cmpf ogt, %get3A_2013, %select_n3A_1887 : vector<8x128xf32>
    %select_n3A_2015 = arith.select %gt3A_2014, %get3A_2013, %select_n3A_1887 : vector<8x128xi1>, vector<8x128xf32>
    %jit3A_2016 = arith.constant 15 : i32
    %broadcast_in_dim3A_2017 = vector.broadcast %jit3A_2016 : i32 to vector<8x128xi32>
    %select_n3A_2018 = arith.select %gt3A_2014, %broadcast_in_dim3A_2017, %select_n3A_1890 : vector<8x128xi1>, vector<8x128xi32>
    %get3A_2019 = arith.constant 0 : index
    %get3A_2020 = arith.constant 31360 : index
    %get3A_2021 = vector.load %arg1[%get3A_2019, %get3A_2020] : memref<8x32768xf32, #tpu.memory_space<vmem>>, vector<8x128xf32>
    %gt3A_2022 = arith.cmpf ogt, %get3A_2021, %select_n3A_1895 : vector<8x128xf32>
    %select_n3A_2023 = arith.select %gt3A_2022, %get3A_2021, %select_n3A_1895 : vector<8x128xi1>, vector<8x128xf32>
    %jit3A_2024 = arith.constant 15 : i32
    %broadcast_in_dim3A_2025 = vector.broadcast %jit3A_2024 : i32 to vector<8x128xi32>
    %select_n3A_2026 = arith.select %gt3A_2022, %broadcast_in_dim3A_2025, %select_n3A_1898 : vector<8x128xi1>, vector<8x128xi32>
    %get3A_2027 = arith.constant 0 : index
    %get3A_2028 = arith.constant 31488 : index
    %get3A_2029 = vector.load %arg1[%get3A_2027, %get3A_2028] : memref<8x32768xf32, #tpu.memory_space<vmem>>, vector<8x128xf32>
    %gt3A_2030 = arith.cmpf ogt, %get3A_2029, %select_n3A_1903 : vector<8x128xf32>
    %select_n3A_2031 = arith.select %gt3A_2030, %get3A_2029, %select_n3A_1903 : vector<8x128xi1>, vector<8x128xf32>
    %jit3A_2032 = arith.constant 15 : i32
    %broadcast_in_dim3A_2033 = vector.broadcast %jit3A_2032 : i32 to vector<8x128xi32>
    %select_n3A_2034 = arith.select %gt3A_2030, %broadcast_in_dim3A_2033, %select_n3A_1906 : vector<8x128xi1>, vector<8x128xi32>
    %get3A_2035 = arith.constant 0 : index
    %get3A_2036 = arith.constant 31616 : index
    %get3A_2037 = vector.load %arg1[%get3A_2035, %get3A_2036] : memref<8x32768xf32, #tpu.memory_space<vmem>>, vector<8x128xf32>
    %gt3A_2038 = arith.cmpf ogt, %get3A_2037, %select_n3A_1911 : vector<8x128xf32>
    %select_n3A_2039 = arith.select %gt3A_2038, %get3A_2037, %select_n3A_1911 : vector<8x128xi1>, vector<8x128xf32>
    %jit3A_2040 = arith.constant 15 : i32
    %broadcast_in_dim3A_2041 = vector.broadcast %jit3A_2040 : i32 to vector<8x128xi32>
    %select_n3A_2042 = arith.select %gt3A_2038, %broadcast_in_dim3A_2041, %select_n3A_1914 : vector<8x128xi1>, vector<8x128xi32>
    %get3A_2043 = arith.constant 0 : index
    %get3A_2044 = arith.constant 31744 : index
    %get3A_2045 = vector.load %arg1[%get3A_2043, %get3A_2044] : memref<8x32768xf32, #tpu.memory_space<vmem>>, vector<8x128xf32>
    %gt3A_2046 = arith.cmpf ogt, %get3A_2045, %select_n3A_1919 : vector<8x128xf32>
    %select_n3A_2047 = arith.select %gt3A_2046, %get3A_2045, %select_n3A_1919 : vector<8x128xi1>, vector<8x128xf32>
    %jit3A_2048 = arith.constant 15 : i32
    %broadcast_in_dim3A_2049 = vector.broadcast %jit3A_2048 : i32 to vector<8x128xi32>
    %select_n3A_2050 = arith.select %gt3A_2046, %broadcast_in_dim3A_2049, %select_n3A_1922 : vector<8x128xi1>, vector<8x128xi32>
    %get3A_2051 = arith.constant 0 : index
    %get3A_2052 = arith.constant 31872 : index
    %get3A_2053 = vector.load %arg1[%get3A_2051, %get3A_2052] : memref<8x32768xf32, #tpu.memory_space<vmem>>, vector<8x128xf32>
    %gt3A_2054 = arith.cmpf ogt, %get3A_2053, %select_n3A_1927 : vector<8x128xf32>
    %select_n3A_2055 = arith.select %gt3A_2054, %get3A_2053, %select_n3A_1927 : vector<8x128xi1>, vector<8x128xf32>
    %jit3A_2056 = arith.constant 15 : i32
    %broadcast_in_dim3A_2057 = vector.broadcast %jit3A_2056 : i32 to vector<8x128xi32>
    %select_n3A_2058 = arith.select %gt3A_2054, %broadcast_in_dim3A_2057, %select_n3A_1930 : vector<8x128xi1>, vector<8x128xi32>
    %get3A_2059 = arith.constant 0 : index
    %get3A_2060 = arith.constant 32000 : index
    %get3A_2061 = vector.load %arg1[%get3A_2059, %get3A_2060] : memref<8x32768xf32, #tpu.memory_space<vmem>>, vector<8x128xf32>
    %gt3A_2062 = arith.cmpf ogt, %get3A_2061, %select_n3A_1935 : vector<8x128xf32>
    %select_n3A_2063 = arith.select %gt3A_2062, %get3A_2061, %select_n3A_1935 : vector<8x128xi1>, vector<8x128xf32>
    %jit3A_2064 = arith.constant 15 : i32
    %broadcast_in_dim3A_2065 = vector.broadcast %jit3A_2064 : i32 to vector<8x128xi32>
    %select_n3A_2066 = arith.select %gt3A_2062, %broadcast_in_dim3A_2065, %select_n3A_1938 : vector<8x128xi1>, vector<8x128xi32>
    %get3A_2067 = arith.constant 0 : index
    %get3A_2068 = arith.constant 32128 : index
    %get3A_2069 = vector.load %arg1[%get3A_2067, %get3A_2068] : memref<8x32768xf32, #tpu.memory_space<vmem>>, vector<8x128xf32>
    %gt3A_2070 = arith.cmpf ogt, %get3A_2069, %select_n3A_1943 : vector<8x128xf32>
    %select_n3A_2071 = arith.select %gt3A_2070, %get3A_2069, %select_n3A_1943 : vector<8x128xi1>, vector<8x128xf32>
    %jit3A_2072 = arith.constant 15 : i32
    %broadcast_in_dim3A_2073 = vector.broadcast %jit3A_2072 : i32 to vector<8x128xi32>
    %select_n3A_2074 = arith.select %gt3A_2070, %broadcast_in_dim3A_2073, %select_n3A_1946 : vector<8x128xi1>, vector<8x128xi32>
    %get3A_2075 = arith.constant 0 : index
    %get3A_2076 = arith.constant 32256 : index
    %get3A_2077 = vector.load %arg1[%get3A_2075, %get3A_2076] : memref<8x32768xf32, #tpu.memory_space<vmem>>, vector<8x128xf32>
    %gt3A_2078 = arith.cmpf ogt, %get3A_2077, %select_n3A_1951 : vector<8x128xf32>
    %select_n3A_2079 = arith.select %gt3A_2078, %get3A_2077, %select_n3A_1951 : vector<8x128xi1>, vector<8x128xf32>
    %jit3A_2080 = arith.constant 15 : i32
    %broadcast_in_dim3A_2081 = vector.broadcast %jit3A_2080 : i32 to vector<8x128xi32>
    %select_n3A_2082 = arith.select %gt3A_2078, %broadcast_in_dim3A_2081, %select_n3A_1954 : vector<8x128xi1>, vector<8x128xi32>
    %get3A_2083 = arith.constant 0 : index
    %get3A_2084 = arith.constant 32384 : index
    %get3A_2085 = vector.load %arg1[%get3A_2083, %get3A_2084] : memref<8x32768xf32, #tpu.memory_space<vmem>>, vector<8x128xf32>
    %gt3A_2086 = arith.cmpf ogt, %get3A_2085, %select_n3A_1959 : vector<8x128xf32>
    %select_n3A_2087 = arith.select %gt3A_2086, %get3A_2085, %select_n3A_1959 : vector<8x128xi1>, vector<8x128xf32>
    %jit3A_2088 = arith.constant 15 : i32
    %broadcast_in_dim3A_2089 = vector.broadcast %jit3A_2088 : i32 to vector<8x128xi32>
    %select_n3A_2090 = arith.select %gt3A_2086, %broadcast_in_dim3A_2089, %select_n3A_1962 : vector<8x128xi1>, vector<8x128xi32>
    %get3A_2091 = arith.constant 0 : index
    %get3A_2092 = arith.constant 32512 : index
    %get3A_2093 = vector.load %arg1[%get3A_2091, %get3A_2092] : memref<8x32768xf32, #tpu.memory_space<vmem>>, vector<8x128xf32>
    %gt3A_2094 = arith.cmpf ogt, %get3A_2093, %select_n3A_1967 : vector<8x128xf32>
    %select_n3A_2095 = arith.select %gt3A_2094, %get3A_2093, %select_n3A_1967 : vector<8x128xi1>, vector<8x128xf32>
    %jit3A_2096 = arith.constant 15 : i32
    %broadcast_in_dim3A_2097 = vector.broadcast %jit3A_2096 : i32 to vector<8x128xi32>
    %select_n3A_2098 = arith.select %gt3A_2094, %broadcast_in_dim3A_2097, %select_n3A_1970 : vector<8x128xi1>, vector<8x128xi32>
    %get3A_2099 = arith.constant 0 : index
    %get3A_2100 = arith.constant 32640 : index
    %get3A_2101 = vector.load %arg1[%get3A_2099, %get3A_2100] : memref<8x32768xf32, #tpu.memory_space<vmem>>, vector<8x128xf32>
    %gt3A_2102 = arith.cmpf ogt, %get3A_2101, %select_n3A_1975 : vector<8x128xf32>
    %select_n3A_2103 = arith.select %gt3A_2102, %get3A_2101, %select_n3A_1975 : vector<8x128xi1>, vector<8x128xf32>
    %jit3A_2104 = arith.constant 15 : i32
    %broadcast_in_dim3A_2105 = vector.broadcast %jit3A_2104 : i32 to vector<8x128xi32>
    %select_n3A_2106 = arith.select %gt3A_2102, %broadcast_in_dim3A_2105, %select_n3A_1978 : vector<8x128xi1>, vector<8x128xi32>
    %mul3A = arith.constant 2048 : i32
    %mul3A_2107 = vector.broadcast %mul3A : i32 to vector<8x128xi32>
    %mul3A_2108 = arith.muli %select_n3A_1986, %mul3A_2107 : vector<8x128xi32>
    %add3A = arith.constant 0 : i32
    %add3A_2109 = vector.broadcast %add3A : i32 to vector<8x128xi32>
    %add3A_2110 = arith.addi %mul3A_2108, %add3A_2109 : vector<8x128xi32>
    %add3A_2111 = arith.addi %add3A_2110, %iota3A : vector<8x128xi32>
    %mul3A_2112 = arith.constant 2048 : i32
    %mul3A_2113 = vector.broadcast %mul3A_2112 : i32 to vector<8x128xi32>
    %mul3A_2114 = arith.muli %select_n3A_1994, %mul3A_2113 : vector<8x128xi32>
    %add3A_2115 = arith.constant 128 : i32
    %add3A_2116 = vector.broadcast %add3A_2115 : i32 to vector<8x128xi32>
    %add3A_2117 = arith.addi %mul3A_2114, %add3A_2116 : vector<8x128xi32>
    %add3A_2118 = arith.addi %add3A_2117, %iota3A : vector<8x128xi32>
    %mul3A_2119 = arith.constant 2048 : i32
    %mul3A_2120 = vector.broadcast %mul3A_2119 : i32 to vector<8x128xi32>
    %mul3A_2121 = arith.muli %select_n3A_2002, %mul3A_2120 : vector<8x128xi32>
    %add3A_2122 = arith.constant 256 : i32
    %add3A_2123 = vector.broadcast %add3A_2122 : i32 to vector<8x128xi32>
    %add3A_2124 = arith.addi %mul3A_2121, %add3A_2123 : vector<8x128xi32>
    %add3A_2125 = arith.addi %add3A_2124, %iota3A : vector<8x128xi32>
    %mul3A_2126 = arith.constant 2048 : i32
    %mul3A_2127 = vector.broadcast %mul3A_2126 : i32 to vector<8x128xi32>
    %mul3A_2128 = arith.muli %select_n3A_2010, %mul3A_2127 : vector<8x128xi32>
    %add3A_2129 = arith.constant 384 : i32
    %add3A_2130 = vector.broadcast %add3A_2129 : i32 to vector<8x128xi32>
    %add3A_2131 = arith.addi %mul3A_2128, %add3A_2130 : vector<8x128xi32>
    %add3A_2132 = arith.addi %add3A_2131, %iota3A : vector<8x128xi32>
    %mul3A_2133 = arith.constant 2048 : i32
    %mul3A_2134 = vector.broadcast %mul3A_2133 : i32 to vector<8x128xi32>
    %mul3A_2135 = arith.muli %select_n3A_2018, %mul3A_2134 : vector<8x128xi32>
    %add3A_2136 = arith.constant 512 : i32
    %add3A_2137 = vector.broadcast %add3A_2136 : i32 to vector<8x128xi32>
    %add3A_2138 = arith.addi %mul3A_2135, %add3A_2137 : vector<8x128xi32>
    %add3A_2139 = arith.addi %add3A_2138, %iota3A : vector<8x128xi32>
    %mul3A_2140 = arith.constant 2048 : i32
    %mul3A_2141 = vector.broadcast %mul3A_2140 : i32 to vector<8x128xi32>
    %mul3A_2142 = arith.muli %select_n3A_2026, %mul3A_2141 : vector<8x128xi32>
    %add3A_2143 = arith.constant 640 : i32
    %add3A_2144 = vector.broadcast %add3A_2143 : i32 to vector<8x128xi32>
    %add3A_2145 = arith.addi %mul3A_2142, %add3A_2144 : vector<8x128xi32>
    %add3A_2146 = arith.addi %add3A_2145, %iota3A : vector<8x128xi32>
    %mul3A_2147 = arith.constant 2048 : i32
    %mul3A_2148 = vector.broadcast %mul3A_2147 : i32 to vector<8x128xi32>
    %mul3A_2149 = arith.muli %select_n3A_2034, %mul3A_2148 : vector<8x128xi32>
    %add3A_2150 = arith.constant 768 : i32
    %add3A_2151 = vector.broadcast %add3A_2150 : i32 to vector<8x128xi32>
    %add3A_2152 = arith.addi %mul3A_2149, %add3A_2151 : vector<8x128xi32>
    %add3A_2153 = arith.addi %add3A_2152, %iota3A : vector<8x128xi32>
    %mul3A_2154 = arith.constant 2048 : i32
    %mul3A_2155 = vector.broadcast %mul3A_2154 : i32 to vector<8x128xi32>
    %mul3A_2156 = arith.muli %select_n3A_2042, %mul3A_2155 : vector<8x128xi32>
    %add3A_2157 = arith.constant 896 : i32
    %add3A_2158 = vector.broadcast %add3A_2157 : i32 to vector<8x128xi32>
    %add3A_2159 = arith.addi %mul3A_2156, %add3A_2158 : vector<8x128xi32>
    %add3A_2160 = arith.addi %add3A_2159, %iota3A : vector<8x128xi32>
    %mul3A_2161 = arith.constant 2048 : i32
    %mul3A_2162 = vector.broadcast %mul3A_2161 : i32 to vector<8x128xi32>
    %mul3A_2163 = arith.muli %select_n3A_2050, %mul3A_2162 : vector<8x128xi32>
    %add3A_2164 = arith.constant 1024 : i32
    %add3A_2165 = vector.broadcast %add3A_2164 : i32 to vector<8x128xi32>
    %add3A_2166 = arith.addi %mul3A_2163, %add3A_2165 : vector<8x128xi32>
    %add3A_2167 = arith.addi %add3A_2166, %iota3A : vector<8x128xi32>
    %mul3A_2168 = arith.constant 2048 : i32
    %mul3A_2169 = vector.broadcast %mul3A_2168 : i32 to vector<8x128xi32>
    %mul3A_2170 = arith.muli %select_n3A_2058, %mul3A_2169 : vector<8x128xi32>
    %add3A_2171 = arith.constant 1152 : i32
    %add3A_2172 = vector.broadcast %add3A_2171 : i32 to vector<8x128xi32>
    %add3A_2173 = arith.addi %mul3A_2170, %add3A_2172 : vector<8x128xi32>
    %add3A_2174 = arith.addi %add3A_2173, %iota3A : vector<8x128xi32>
    %mul3A_2175 = arith.constant 2048 : i32
    %mul3A_2176 = vector.broadcast %mul3A_2175 : i32 to vector<8x128xi32>
    %mul3A_2177 = arith.muli %select_n3A_2066, %mul3A_2176 : vector<8x128xi32>
    %add3A_2178 = arith.constant 1280 : i32
    %add3A_2179 = vector.broadcast %add3A_2178 : i32 to vector<8x128xi32>
    %add3A_2180 = arith.addi %mul3A_2177, %add3A_2179 : vector<8x128xi32>
    %add3A_2181 = arith.addi %add3A_2180, %iota3A : vector<8x128xi32>
    %mul3A_2182 = arith.constant 2048 : i32
    %mul3A_2183 = vector.broadcast %mul3A_2182 : i32 to vector<8x128xi32>
    %mul3A_2184 = arith.muli %select_n3A_2074, %mul3A_2183 : vector<8x128xi32>
    %add3A_2185 = arith.constant 1408 : i32
    %add3A_2186 = vector.broadcast %add3A_2185 : i32 to vector<8x128xi32>
    %add3A_2187 = arith.addi %mul3A_2184, %add3A_2186 : vector<8x128xi32>
    %add3A_2188 = arith.addi %add3A_2187, %iota3A : vector<8x128xi32>
    %mul3A_2189 = arith.constant 2048 : i32
    %mul3A_2190 = vector.broadcast %mul3A_2189 : i32 to vector<8x128xi32>
    %mul3A_2191 = arith.muli %select_n3A_2082, %mul3A_2190 : vector<8x128xi32>
    %add3A_2192 = arith.constant 1536 : i32
    %add3A_2193 = vector.broadcast %add3A_2192 : i32 to vector<8x128xi32>
    %add3A_2194 = arith.addi %mul3A_2191, %add3A_2193 : vector<8x128xi32>
    %add3A_2195 = arith.addi %add3A_2194, %iota3A : vector<8x128xi32>
    %mul3A_2196 = arith.constant 2048 : i32
    %mul3A_2197 = vector.broadcast %mul3A_2196 : i32 to vector<8x128xi32>
    %mul3A_2198 = arith.muli %select_n3A_2090, %mul3A_2197 : vector<8x128xi32>
    %add3A_2199 = arith.constant 1664 : i32
    %add3A_2200 = vector.broadcast %add3A_2199 : i32 to vector<8x128xi32>
    %add3A_2201 = arith.addi %mul3A_2198, %add3A_2200 : vector<8x128xi32>
    %add3A_2202 = arith.addi %add3A_2201, %iota3A : vector<8x128xi32>
    %mul3A_2203 = arith.constant 2048 : i32
    %mul3A_2204 = vector.broadcast %mul3A_2203 : i32 to vector<8x128xi32>
    %mul3A_2205 = arith.muli %select_n3A_2098, %mul3A_2204 : vector<8x128xi32>
    %add3A_2206 = arith.constant 1792 : i32
    %add3A_2207 = vector.broadcast %add3A_2206 : i32 to vector<8x128xi32>
    %add3A_2208 = arith.addi %mul3A_2205, %add3A_2207 : vector<8x128xi32>
    %add3A_2209 = arith.addi %add3A_2208, %iota3A : vector<8x128xi32>
    %mul3A_2210 = arith.constant 2048 : i32
    %mul3A_2211 = vector.broadcast %mul3A_2210 : i32 to vector<8x128xi32>
    %mul3A_2212 = arith.muli %select_n3A_2106, %mul3A_2211 : vector<8x128xi32>
    %add3A_2213 = arith.constant 1920 : i32
    %add3A_2214 = vector.broadcast %add3A_2213 : i32 to vector<8x128xi32>
    %add3A_2215 = arith.addi %mul3A_2212, %add3A_2214 : vector<8x128xi32>
    %add3A_2216 = arith.addi %add3A_2215, %iota3A : vector<8x128xi32>
    %gt3A_2217 = arith.cmpf ogt, %select_n3A_1991, %select_n3A_1983 : vector<8x128xf32>
    %eq3A = arith.cmpf oeq, %select_n3A_1991, %select_n3A_1983 : vector<8x128xf32>
    %lt3A = arith.cmpi slt, %add3A_2118, %add3A_2111 : vector<8x128xi32>
    %and3A = arith.andi %eq3A, %lt3A : vector<8x128xi1>
    %or3A = arith.ori %gt3A_2217, %and3A : vector<8x128xi1>
    %select_n3A_2218 = arith.select %or3A, %select_n3A_1991, %select_n3A_1983 : vector<8x128xi1>, vector<8x128xf32>
    %select_n3A_2219 = arith.select %or3A, %add3A_2118, %add3A_2111 : vector<8x128xi1>, vector<8x128xi32>
    %gt3A_2220 = arith.cmpf ogt, %select_n3A_2007, %select_n3A_1999 : vector<8x128xf32>
    %eq3A_2221 = arith.cmpf oeq, %select_n3A_2007, %select_n3A_1999 : vector<8x128xf32>
    %lt3A_2222 = arith.cmpi slt, %add3A_2132, %add3A_2125 : vector<8x128xi32>
    %and3A_2223 = arith.andi %eq3A_2221, %lt3A_2222 : vector<8x128xi1>
    %or3A_2224 = arith.ori %gt3A_2220, %and3A_2223 : vector<8x128xi1>
    %select_n3A_2225 = arith.select %or3A_2224, %select_n3A_2007, %select_n3A_1999 : vector<8x128xi1>, vector<8x128xf32>
    %select_n3A_2226 = arith.select %or3A_2224, %add3A_2132, %add3A_2125 : vector<8x128xi1>, vector<8x128xi32>
    %gt3A_2227 = arith.cmpf ogt, %select_n3A_2023, %select_n3A_2015 : vector<8x128xf32>
    %eq3A_2228 = arith.cmpf oeq, %select_n3A_2023, %select_n3A_2015 : vector<8x128xf32>
    %lt3A_2229 = arith.cmpi slt, %add3A_2146, %add3A_2139 : vector<8x128xi32>
    %and3A_2230 = arith.andi %eq3A_2228, %lt3A_2229 : vector<8x128xi1>
    %or3A_2231 = arith.ori %gt3A_2227, %and3A_2230 : vector<8x128xi1>
    %select_n3A_2232 = arith.select %or3A_2231, %select_n3A_2023, %select_n3A_2015 : vector<8x128xi1>, vector<8x128xf32>
    %select_n3A_2233 = arith.select %or3A_2231, %add3A_2146, %add3A_2139 : vector<8x128xi1>, vector<8x128xi32>
    %gt3A_2234 = arith.cmpf ogt, %select_n3A_2039, %select_n3A_2031 : vector<8x128xf32>
    %eq3A_2235 = arith.cmpf oeq, %select_n3A_2039, %select_n3A_2031 : vector<8x128xf32>
    %lt3A_2236 = arith.cmpi slt, %add3A_2160, %add3A_2153 : vector<8x128xi32>
    %and3A_2237 = arith.andi %eq3A_2235, %lt3A_2236 : vector<8x128xi1>
    %or3A_2238 = arith.ori %gt3A_2234, %and3A_2237 : vector<8x128xi1>
    %select_n3A_2239 = arith.select %or3A_2238, %select_n3A_2039, %select_n3A_2031 : vector<8x128xi1>, vector<8x128xf32>
    %select_n3A_2240 = arith.select %or3A_2238, %add3A_2160, %add3A_2153 : vector<8x128xi1>, vector<8x128xi32>
    %gt3A_2241 = arith.cmpf ogt, %select_n3A_2055, %select_n3A_2047 : vector<8x128xf32>
    %eq3A_2242 = arith.cmpf oeq, %select_n3A_2055, %select_n3A_2047 : vector<8x128xf32>
    %lt3A_2243 = arith.cmpi slt, %add3A_2174, %add3A_2167 : vector<8x128xi32>
    %and3A_2244 = arith.andi %eq3A_2242, %lt3A_2243 : vector<8x128xi1>
    %or3A_2245 = arith.ori %gt3A_2241, %and3A_2244 : vector<8x128xi1>
    %select_n3A_2246 = arith.select %or3A_2245, %select_n3A_2055, %select_n3A_2047 : vector<8x128xi1>, vector<8x128xf32>
    %select_n3A_2247 = arith.select %or3A_2245, %add3A_2174, %add3A_2167 : vector<8x128xi1>, vector<8x128xi32>
    %gt3A_2248 = arith.cmpf ogt, %select_n3A_2071, %select_n3A_2063 : vector<8x128xf32>
    %eq3A_2249 = arith.cmpf oeq, %select_n3A_2071, %select_n3A_2063 : vector<8x128xf32>
    %lt3A_2250 = arith.cmpi slt, %add3A_2188, %add3A_2181 : vector<8x128xi32>
    %and3A_2251 = arith.andi %eq3A_2249, %lt3A_2250 : vector<8x128xi1>
    %or3A_2252 = arith.ori %gt3A_2248, %and3A_2251 : vector<8x128xi1>
    %select_n3A_2253 = arith.select %or3A_2252, %select_n3A_2071, %select_n3A_2063 : vector<8x128xi1>, vector<8x128xf32>
    %select_n3A_2254 = arith.select %or3A_2252, %add3A_2188, %add3A_2181 : vector<8x128xi1>, vector<8x128xi32>
    %gt3A_2255 = arith.cmpf ogt, %select_n3A_2087, %select_n3A_2079 : vector<8x128xf32>
    %eq3A_2256 = arith.cmpf oeq, %select_n3A_2087, %select_n3A_2079 : vector<8x128xf32>
    %lt3A_2257 = arith.cmpi slt, %add3A_2202, %add3A_2195 : vector<8x128xi32>
    %and3A_2258 = arith.andi %eq3A_2256, %lt3A_2257 : vector<8x128xi1>
    %or3A_2259 = arith.ori %gt3A_2255, %and3A_2258 : vector<8x128xi1>
    %select_n3A_2260 = arith.select %or3A_2259, %select_n3A_2087, %select_n3A_2079 : vector<8x128xi1>, vector<8x128xf32>
    %select_n3A_2261 = arith.select %or3A_2259, %add3A_2202, %add3A_2195 : vector<8x128xi1>, vector<8x128xi32>
    %gt3A_2262 = arith.cmpf ogt, %select_n3A_2103, %select_n3A_2095 : vector<8x128xf32>
    %eq3A_2263 = arith.cmpf oeq, %select_n3A_2103, %select_n3A_2095 : vector<8x128xf32>
    %lt3A_2264 = arith.cmpi slt, %add3A_2216, %add3A_2209 : vector<8x128xi32>
    %and3A_2265 = arith.andi %eq3A_2263, %lt3A_2264 : vector<8x128xi1>
    %or3A_2266 = arith.ori %gt3A_2262, %and3A_2265 : vector<8x128xi1>
    %select_n3A_2267 = arith.select %or3A_2266, %select_n3A_2103, %select_n3A_2095 : vector<8x128xi1>, vector<8x128xf32>
    %select_n3A_2268 = arith.select %or3A_2266, %add3A_2216, %add3A_2209 : vector<8x128xi1>, vector<8x128xi32>
    %gt3A_2269 = arith.cmpf ogt, %select_n3A_2225, %select_n3A_2218 : vector<8x128xf32>
    %eq3A_2270 = arith.cmpf oeq, %select_n3A_2225, %select_n3A_2218 : vector<8x128xf32>
    %lt3A_2271 = arith.cmpi slt, %select_n3A_2226, %select_n3A_2219 : vector<8x128xi32>
    %and3A_2272 = arith.andi %eq3A_2270, %lt3A_2271 : vector<8x128xi1>
    %or3A_2273 = arith.ori %gt3A_2269, %and3A_2272 : vector<8x128xi1>
    %select_n3A_2274 = arith.select %or3A_2273, %select_n3A_2225, %select_n3A_2218 : vector<8x128xi1>, vector<8x128xf32>
    %select_n3A_2275 = arith.select %or3A_2273, %select_n3A_2226, %select_n3A_2219 : vector<8x128xi1>, vector<8x128xi32>
    %gt3A_2276 = arith.cmpf ogt, %select_n3A_2239, %select_n3A_2232 : vector<8x128xf32>
    %eq3A_2277 = arith.cmpf oeq, %select_n3A_2239, %select_n3A_2232 : vector<8x128xf32>
    %lt3A_2278 = arith.cmpi slt, %select_n3A_2240, %select_n3A_2233 : vector<8x128xi32>
    %and3A_2279 = arith.andi %eq3A_2277, %lt3A_2278 : vector<8x128xi1>
    %or3A_2280 = arith.ori %gt3A_2276, %and3A_2279 : vector<8x128xi1>
    %select_n3A_2281 = arith.select %or3A_2280, %select_n3A_2239, %select_n3A_2232 : vector<8x128xi1>, vector<8x128xf32>
    %select_n3A_2282 = arith.select %or3A_2280, %select_n3A_2240, %select_n3A_2233 : vector<8x128xi1>, vector<8x128xi32>
    %gt3A_2283 = arith.cmpf ogt, %select_n3A_2253, %select_n3A_2246 : vector<8x128xf32>
    %eq3A_2284 = arith.cmpf oeq, %select_n3A_2253, %select_n3A_2246 : vector<8x128xf32>
    %lt3A_2285 = arith.cmpi slt, %select_n3A_2254, %select_n3A_2247 : vector<8x128xi32>
    %and3A_2286 = arith.andi %eq3A_2284, %lt3A_2285 : vector<8x128xi1>
    %or3A_2287 = arith.ori %gt3A_2283, %and3A_2286 : vector<8x128xi1>
    %select_n3A_2288 = arith.select %or3A_2287, %select_n3A_2253, %select_n3A_2246 : vector<8x128xi1>, vector<8x128xf32>
    %select_n3A_2289 = arith.select %or3A_2287, %select_n3A_2254, %select_n3A_2247 : vector<8x128xi1>, vector<8x128xi32>
    %gt3A_2290 = arith.cmpf ogt, %select_n3A_2267, %select_n3A_2260 : vector<8x128xf32>
    %eq3A_2291 = arith.cmpf oeq, %select_n3A_2267, %select_n3A_2260 : vector<8x128xf32>
    %lt3A_2292 = arith.cmpi slt, %select_n3A_2268, %select_n3A_2261 : vector<8x128xi32>
    %and3A_2293 = arith.andi %eq3A_2291, %lt3A_2292 : vector<8x128xi1>
    %or3A_2294 = arith.ori %gt3A_2290, %and3A_2293 : vector<8x128xi1>
    %select_n3A_2295 = arith.select %or3A_2294, %select_n3A_2267, %select_n3A_2260 : vector<8x128xi1>, vector<8x128xf32>
    %select_n3A_2296 = arith.select %or3A_2294, %select_n3A_2268, %select_n3A_2261 : vector<8x128xi1>, vector<8x128xi32>
    %gt3A_2297 = arith.cmpf ogt, %select_n3A_2281, %select_n3A_2274 : vector<8x128xf32>
    %eq3A_2298 = arith.cmpf oeq, %select_n3A_2281, %select_n3A_2274 : vector<8x128xf32>
    %lt3A_2299 = arith.cmpi slt, %select_n3A_2282, %select_n3A_2275 : vector<8x128xi32>
    %and3A_2300 = arith.andi %eq3A_2298, %lt3A_2299 : vector<8x128xi1>
    %or3A_2301 = arith.ori %gt3A_2297, %and3A_2300 : vector<8x128xi1>
    %select_n3A_2302 = arith.select %or3A_2301, %select_n3A_2281, %select_n3A_2274 : vector<8x128xi1>, vector<8x128xf32>
    %select_n3A_2303 = arith.select %or3A_2301, %select_n3A_2282, %select_n3A_2275 : vector<8x128xi1>, vector<8x128xi32>
    %gt3A_2304 = arith.cmpf ogt, %select_n3A_2295, %select_n3A_2288 : vector<8x128xf32>
    %eq3A_2305 = arith.cmpf oeq, %select_n3A_2295, %select_n3A_2288 : vector<8x128xf32>
    %lt3A_2306 = arith.cmpi slt, %select_n3A_2296, %select_n3A_2289 : vector<8x128xi32>
    %and3A_2307 = arith.andi %eq3A_2305, %lt3A_2306 : vector<8x128xi1>
    %or3A_2308 = arith.ori %gt3A_2304, %and3A_2307 : vector<8x128xi1>
    %select_n3A_2309 = arith.select %or3A_2308, %select_n3A_2295, %select_n3A_2288 : vector<8x128xi1>, vector<8x128xf32>
    %select_n3A_2310 = arith.select %or3A_2308, %select_n3A_2296, %select_n3A_2289 : vector<8x128xi1>, vector<8x128xi32>
    %gt3A_2311 = arith.cmpf ogt, %select_n3A_2309, %select_n3A_2302 : vector<8x128xf32>
    %eq3A_2312 = arith.cmpf oeq, %select_n3A_2309, %select_n3A_2302 : vector<8x128xf32>
    %lt3A_2313 = arith.cmpi slt, %select_n3A_2310, %select_n3A_2303 : vector<8x128xi32>
    %and3A_2314 = arith.andi %eq3A_2312, %lt3A_2313 : vector<8x128xi1>
    %or3A_2315 = arith.ori %gt3A_2311, %and3A_2314 : vector<8x128xi1>
    %select_n3A_2316 = arith.select %or3A_2315, %select_n3A_2309, %select_n3A_2302 : vector<8x128xi1>, vector<8x128xf32>
    %select_n3A_2317 = arith.select %or3A_2315, %select_n3A_2310, %select_n3A_2303 : vector<8x128xi1>, vector<8x128xi32>
    %reduce_max3A = arith.constant dense<0xFF800000> : vector<8xf32>
    %reduce_max3A_2318 = vector.multi_reduction <maximumf>, %select_n3A_2316, %reduce_max3A [1] : vector<8x128xf32> to vector<8xf32>
    %broadcast_in_dim3A_2319 = vector.shape_cast %reduce_max3A_2318 : vector<8xf32> to vector<8x1xf32>
    %eq3A_2320 = vector.broadcast %broadcast_in_dim3A_2319 : vector<8x1xf32> to vector<8x128xf32>
    %eq3A_2321 = arith.cmpf oeq, %select_n3A_2316, %eq3A_2320 : vector<8x128xf32>
    %jit3A_2322 = arith.constant 2147483647 : i32
    %broadcast_in_dim3A_2323 = vector.broadcast %jit3A_2322 : i32 to vector<8x128xi32>
    %select_n3A_2324 = arith.select %eq3A_2321, %select_n3A_2317, %broadcast_in_dim3A_2323 : vector<8x128xi1>, vector<8x128xi32>
    %reduce_min3A = arith.constant dense<2147483647> : vector<8xi32>
    %reduce_min3A_2325 = vector.multi_reduction <minsi>, %select_n3A_2324, %reduce_min3A [1] : vector<8x128xi32> to vector<8xi32>
    %broadcast_in_dim3A_2326 = vector.shape_cast %reduce_min3A_2325 : vector<8xi32> to vector<8x1xi32>
    %broadcast_in_dim3A_2327 = vector.shape_cast %broadcast_in_dim3A_2326 : vector<8x1xi32> to vector<8x1xi32>
    %broadcast_in_dim3A_2328 = vector.broadcast %broadcast_in_dim3A_2327 : vector<8x1xi32> to vector<8x128xi32>
    %broadcast_in_dim3A_2329 = vector.shape_cast %broadcast_in_dim3A_2328 : vector<8x128xi32> to vector<1x8x128xi32>
    %swap3A = arith.constant 0 : index
    %swap3A_2330 = arith.constant 0 : index
    %swap3A_2331 = arith.constant 0 : index
    %swap3A_2332 = vector.load %arg2[%swap3A, %swap3A_2330, %swap3A_2331] : memref<1x8x128xi32, #tpu.memory_space<vmem>>, vector<1x8x128xi32>
    tpu.vector_store %arg2[%swap3A, %swap3A_2330, %swap3A_2331], %broadcast_in_dim3A_2329 {strides = array<i32>} : memref<1x8x128xi32, #tpu.memory_space<vmem>>, vector<1x8x128xi32>,
    return
  }
  func.func @transform_0(%arg0: i32) -> (i32, i32) {
    %c0_i32 = arith.constant 0 : i32
    %c0_i32_0 = arith.constant 0 : i32
    return %arg0, %c0_i32 : i32, i32
  }
  func.func @transform_1(%arg0: i32) -> (i32, i32, i32) {
    %c0_i32 = arith.constant 0 : i32
    %c0_i32_0 = arith.constant 0 : i32
    %c0_i32_1 = arith.constant 0 : i32
    return %arg0, %c0_i32, %c0_i32_0 : i32, i32, i32
  }
}

</mosaic_0001>

<sc_bundles>
// kernel: kernel.4.cloned.1.call-start
scs
__scs_entry_jumppad:
0x0: {  	(pc) =	sbr.rel $0x88, $3  }
0x1: {  	(tag) =	ssettag $0x0;
	lr =	simm.s32 $0x1  }
0x2: {  	[smem:$0x3FA0] =	sst lr;
	_ =	strace $0xD0000000  }
0x3: {  	_ = 	snop  }
0x4: {  	_ = 	snop  }
0x5: {  	_ = 	snop  }
0x6: {  	_ = 	snop  }
0x7: {  	_ = 	snop  }
__scs_overlays_trampoline_lowered:
0x8: {  	[smem:$0x3FAF] =	sst s0  }
0x9: {  	[smem:$0x3FB0] =	sst s1  }
0xa: {  	[smem:$0x3FB1] =	sst s2  }
0xb: {  	[smem:$0x3FB2] =	sst s3  }
0xc: {  	[smem:$0x3FB3] =	sst s4  }
0xd: {  	[smem:$0x3FB4] =	sst s5  }
0xe: {  	[smem:$0x3FB5] =	sst s6  }
0xf: {  	[smem:$0x3FB6] =	sst s7  }
0x10: {  	[smem:$0x3FB7] =	sst s8  }
0x11: {  	[smem:$0x3FB8] =	sst s9;
	s0 =	simm.s32 @!p0 $0x0  }
0x12: {  	s1 =	sld [smem:$0x3F9E];
	s0 =	simm.s32 @p0 $0x1  }
0x13: {  	[smem:$0x3FB9] =	sst s0;
	s0 =	simm.s32 @!p1 $0x0  }
0x14: {  	s2 =	sld [smem:$0x3F9D];
	s0 =	simm.s32 @p1 $0x1  }
0x15: {  	[smem:$0x3FBA] =	sst s0;
	s0 =	simm.s32 @!p2 $0x0  }
0x16: {  	s3 =	sld [smem:$0x3FDB];
	s0 =	simm.s32 @p2 $0x1  }
0x17: {  	s4 =	simm.s32 $0x1BF5;
	[smem:$0x3FBC] =	sst s0  }
0x18: {  	s0 =	sld [smem:$0x3F9F];
	_ =	swait.ge [sflag:s4], $0x0  }
0x19: {  	s7 =	sld [smem:$0x3FA0]  }
0x1a: {  	s8 =	sadd.s32 $0xFFFFE003, lr  }
0x1b: {  	s9 =	sadd.s32 $0xFFFFFEF7, lr;
	s5 =	simm.s32 $0xFFFFFFFF;
	p2 =	slt.u32 s8, $0xFFFFF086  }
0x1c: {  	p1 =	slt.u32 s9, $0xF7A;
	s5 =	simm.s32 @!p2 $0x0  }
0x1d: {  	s5 =	simm.s32 @p1 $0x1;
	p0 =	seq.s32 s7, s2  }
0x1e: {  	s7 =	smul.u32 @!p0 $0xF7A, s2;
	p2 =	seq.s32 @!p0 s5, $0x0  }
0x1f: {  	s9 =	smul.u32 $0xF7A, s1;
	s8 =	simm.s32 @!p0 $0x1BF5;
	p2 =	por !p2, p0  }
0x20: {  	[sflag:s8] =	ssyncset.s32 @!p0 $0xFFFFF086;
	s6 =	sadd.s32 @!p0 s3, s7;
	s7 =	simm.s32 @!p0 $0x108  }
0x21: {  	s3 =	sadd.s32 s3, s9;
	s6 =	sadd.s32 @!p0 $0x88, s6;
	s7 =	simm.s32 @p2 $0x1082  }
0x22: {  	[simem:s7], [sflag:s8] =	dma.local @!p0 [hbm:s6], $0xF7A  }
0x23: {  	s9 =	sor.u32 $0xD0000000, s2;
	s6 =	simm.s32 $0x108;
	_ =	swait.ge @!p0 [sflag:s8], $0x0  }
0x24: {  	s3 =	sadd.s32 $0x88, s3;
	s6 =	simm.s32 @!p1 $0x1082;
	[sflag:s4] =	ssyncset.s32 $0xFFFFF086  }
0x25: {  	[simem:s6], [sflag:s4] =	dma.local [hbm:s3], $0xF7A  }
0x26: {  	[smem:$0x3FA0] =	sst s1;
	(tag) =	ssettag s2;
	_ =	strace s9  }
0x27: {  	s1 =	sld [smem:$0x3FB0]  }
0x28: {  	s2 =	sld [smem:$0x3FB1]  }
0x29: {  	s4 =	sld [smem:$0x3FB3]  }
0x2a: {  	p0 =	seq.s32 s5, $0x0;
	s5 =	sld [smem:$0x3FB4]  }
0x2b: {  	s6 =	sld [smem:$0x3FB5]  }
0x2c: {  	s7 =	sld [smem:$0x3FB6]  }
0x2d: {  	s3 =	simm.s32 $0x108;
	s8 =	sld [smem:$0x3FB7]  }
0x2e: {  	s3 =	simm.s32 @!p0 $0x1082;
	s9 =	sld [smem:$0x3FB8]  }
0x2f: {  	lr =	sadd.s32 s0, s3;
	s0 =	sld [smem:$0x3FAF]  }
0x30: {  	s3 =	sld [smem:$0x3FB2]  }
0x31: {  	[smem:$0x3FBB] =	sst s10  }
0x32: {  	s10 =	sld [smem:$0x3FB9];
	_ =	sdelay $0x3  }
0x33: {  	p0 =	seq.s32 s10, $0x1;
	s10 =	sld [smem:$0x3FBB];
	_ =	sdelay $0x3  }
0x34: {  	[smem:$0x3FBB] =	sst s10  }
0x35: {  	s10 =	sld [smem:$0x3FBA];
	_ =	sdelay $0x3  }
0x36: {  	p1 =	seq.s32 s10, $0x1;
	s10 =	sld [smem:$0x3FBB];
	_ =	sdelay $0x3  }
0x37: {  	[smem:$0x3FBB] =	sst s10  }
0x38: {  	s10 =	sld [smem:$0x3FBC]  }
0x39: {  	_ = 	snop;
	(pc) =	sbr.ind lr, $3  }
0x3a: {  	_ = 	snop  }
0x3b: {  	_ = 	snop  }
0x3c: {  	p2 =	seq.s32 s10, $0x1;
	s10 =	sld [smem:$0x3FBB]  }
0x3d: {  	_ =	shalt  }
0x3e: {  	_ =	shalt  }
0x3f: {  	_ =	shalt  }
0x40: {  	_ =	shalt  }
0x41: {  	_ =	shalt  }
0x42: {  	_ =	shalt  }
0x43: {  	_ =	shalt  }
0x44: {  	_ =	shalt  }
0x45: {  	_ =	shalt  }
0x46: {  	_ =	shalt  }
0x47: {  	_ =	shalt  }
0x48: {  	_ =	shalt  }
0x49: {  	_ =	shalt  }
0x4a: {  	_ =	shalt  }
0x4b: {  	_ =	shalt  }
0x4c: {  	_ =	shalt  }
0x4d: {  	_ =	shalt  }
0x4e: {  	_ =	shalt  }
0x4f: {  	_ =	shalt  }
0x50: {  	_ =	shalt  }
0x51: {  	_ =	shalt  }
0x52: {  	_ =	shalt  }
0x53: {  	_ =	shalt  }
0x54: {  	_ =	shalt  }
0x55: {  	_ =	shalt  }
0x56: {  	_ =	shalt  }
0x57: {  	_ =	shalt  }
0x58: {  	_ =	shalt  }
0x59: {  	_ =	shalt  }
0x5a: {  	_ =	shalt  }
0x5b: {  	_ =	shalt  }
0x5c: {  	_ =	shalt  }
0x5d: {  	_ =	shalt  }
0x5e: {  	_ =	shalt  }
0x5f: {  	_ =	shalt  }
0x60: {  	_ =	shalt  }
0x61: {  	_ =	shalt  }
0x62: {  	_ =	shalt  }
0x63: {  	_ =	shalt  }
0x64: {  	_ =	shalt  }
0x65: {  	_ =	shalt  }
0x66: {  	_ =	shalt  }
0x67: {  	_ =	shalt  }
0x68: {  	_ =	shalt  }
0x69: {  	_ =	shalt  }
0x6a: {  	_ =	shalt  }
0x6b: {  	_ =	shalt  }
0x6c: {  	_ =	shalt  }
0x6d: {  	_ =	shalt  }
0x6e: {  	_ =	shalt  }
0x6f: {  	_ =	shalt  }
0x70: {  	_ =	shalt  }
0x71: {  	_ =	shalt  }
0x72: {  	_ =	shalt  }
0x73: {  	_ =	shalt  }
0x74: {  	_ =	shalt  }
0x75: {  	_ =	shalt  }
0x76: {  	_ =	shalt  }
0x77: {  	_ =	shalt  }
0x78: {  	_ =	shalt  }
0x79: {  	_ =	shalt  }
0x7a: {  	_ =	shalt  }
0x7b: {  	_ =	shalt  }
0x7c: {  	_ =	shalt  }
0x7d: {  	_ =	shalt  }
0x7e: {  	_ =	shalt  }
0x7f: {  	_ =	shalt  }
0x80: {  	_ =	shalt  }
0x81: {  	_ =	shalt  }
0x82: {  	_ =	shalt  }
0x83: {  	_ =	shalt  }
0x84: {  	_ =	shalt  }
0x85: {  	_ =	shalt  }
0x86: {  	_ =	shalt  }
0x87: {  	_ =	shalt  }
.Lfunc_end0:
.L_simem_size_0:
called_computation_lowered:
.L_overlay_start_0:
0x88: {  	s2 =	sld [smem:$0x3FD9]  }
0x89: {  	s3 =	sld [smem:$0x3FFE];
	_ =	sdelay $0x1  }
0x8a: {  	s1 =	srdreg.scid  }
0x8b: {  	s0 =	sand.u32 $0x1, s1  }
0x8c: {  	s17 =	sshll.u32 s0, $0xA;
	s2 =	sadd.s32 s3, s2  }
0x8d: {  	s2 =	sadd.s32 s2, s17  }
0x8e: {  	[smem:$0x3FC7] =	sst s2  }
0x8f: {  	_ = 	snop  }
0x90: {  	s2 =	sld [smem:$0x3FC9];
	(tm) =	ssettm $0x1  }
0x91: {  	s18 =	sld [smem:$0x3FFB];
	_ =	sdelay $0x3  }
0x92: {  	_ =	strace s18  }
0x93: {  	s3 =	sld [smem:$0x3FFC];
	_ =	sdelay $0x3  }
0x94: {  	_ =	strace s3  }
0x95: {  	s3 =	sld [smem:$0x3FFD];
	_ =	sdelay $0x3  }
0x96: {  	_ =	strace s3  }
0x97: {  	_ =	strace $0x8FFFFFFF  }
0x98: {  	s19 =	sld [smem:$0x3FDB];
	_ =	sdelay $0x1  }
0x99: {  	s4 =	simm.s32 $_scs_section_size  }
0x9a: {  	s5 =	simm.s32 $_size__tile_overlayer_lowered;
	s6 =	simm.s32 $_tile_overlayer_lowered  }
0x9b: {  	s22 =	simm.s32 $0x1BFF;
	s21 =	sshll.u32 s6, $0x1;
	s3 =	sadd.s32 s4, s19  }
0x9c: {  	s7 =	simm.s32 $0x0;
	s20 =	sshll.u32 s5, $0x1;
	s5 =	sadd.s32 s21, s3  }
0x9d: {  	[timem:s7], [sflag:s22] =	dma.local [hbm:s5], s20  }
0x9e: {  	_ =	swait.ge [sflag:s22], s20  }
0x9f: {  	s4 =	ssub.s32 $0x0, s20;
	[sflag:s22] =	ssyncset.done $0x0  }
0xa0: {  	[sflag:s22] =	ssyncadd.s32 s4;
	_ =	sdelay $0x1  }
0xa1: {  	s23 =	simm.s32 $0x1B8B  }
0xa2: {  	_ =	swait.ge [sflag:s23], $0x1  }
0xa3: {  	[sflag:s23] =	ssyncset.done $0x0  }
0xa4: {  	s25 =	simm.s32 $0x1B8E;
	s24 =	sld [smem:$0x3FFE];
	[sflag:s23] =	ssyncadd.s32 $0xFFFFFFFF  }
0xa5: {  	s26 =	simm.s32 $execute0_lowered;
	[smem:$0x3FD2] =	sst s25  }
0xa6: {  	s5 =	sshll.u32 s26, $0x1;
	_ =	strace $0x80000046;
	[dreg:$0x1] =	wrdreg $0xFFFFFFFF  }
0xa7: {  	s28 =	simm.s32 $_size_execute0_lowered;
	s3 =	sadd.s32 s3, s5;
	[dreg:$0x0] =	wrdreg $0x0  }
0xa8: {  	s5 =	sshll.u32 s28, $0x1;
	[dreg:$0x2] =	wrdreg s3  }
0xa9: {  	[dreg:$0x3] =	wrdreg s5  }
0xaa: {  	[dreg:$0x4] =	wrdreg $0xC0  }
0xab: {  	_ =	task [dreg:s7], $0x5FFFF  }
0xac: {  	[dreg:$0x1] =	wrdreg $0xFFFFFFFF  }
0xad: {  	[dreg:$0x0] =	wrdreg $0x60  }
0xae: {  	[dreg:$0x2] =	wrdreg s2  }
0xaf: {  	[dreg:$0x3] =	wrdreg s24  }
0xb0: {  	[dreg:$0x4] =	wrdreg $0x9  }
0xb1: {  	_ =	task.clear_ibuf [dreg:s7], $0x5FFFF;
	_ =	strace $0x90000046  }
0xb2: {  	s29 =	simm.s32 $0x9;
	_ =	strace $0x80000048  }
0xb3: {  	_ =	swait.ge [sflag:s29], $0x1  }
0xb4: {  	[sflag:s29] =	ssyncadd.s32 $0xFFFFFFFF  }
0xb5: {  	_ =	strace $0x90000048  }
0xb6: {  	_ =	sfence  }
0xb7: {  	s30 =	sld [smem:$0x0];
	_ =	sdelay $0x2  }
0xb8: {  	s31 =	sshll.u32 s1, $0xD;
	s1 =	sshrl.u32 s1, $0x2  }
0xb9: {  	s3 =	sand.u32 $0x4000, s31;
	s1 =	sadd.s32 s1, s30  }
0xba: {  	s0 =	sor.u32 s3, s0;
	s1 =	sshll.u32 s1, $0x11  }
0xbb: {  	s0 =	sor.u32 s1, s0  }
0xbc: {  	s0 =	sadd.s32 $0x8F2B, s0  }
0xbd: {  	[sflag:s0] =	ssyncadd.remote.s32 $0x1  }
0xbe: {  	_ =	sfence.sel $0xFFFF  }
0xbf: {  	[dreg:$0x0] =	wrdreg $0xFFFFFFFF;
	(pc) =	sbr.abs _section_cstart, $3  }
0xc0: {  	[dreg:$0x1] =	wrdreg $0xFFFFFFFF  }
0xc1: {  	_ =	task.clear_ibuf [dreg:s7], $0x2FFFF;
	_ =	strace $0x9FFFFFFF  }
0xc2: {  	(tm) =	ssettm $0x7FFFFFFF  }
0xc3: {  	_ =	shalt  }
tec
execute0_lowered:
.L_overlay_start_1:
0x0: {  	(tag) =	ssettag $0x1  }
0x1: {  	s3 =	rddreg [dreg:$0x0]  }
0x2: {  	s4 =	rddreg [dreg:$0x1];
	v0 =	vimm.s32 $0xFEDCBA98;
	v1 =	vimm.s32 $0x76543210;
	v2 =	vimm.s32 $0xBA98FEDC  }
0x3: {  	s0 =	rddreg [dreg:$0x2];
	v3 =	vimm.s32 $0x32107654;
	v4 =	vimm.s32 $0xDCFE98BA;
	v5 =	vimm.s32 $0x54761032  }
0x4: {  	s2 =	simm.s32 $0x0;
	s5 =	srdreg.scid;
	s1 =	stileid.u32;
	v6 =	vimm.s32 $0xEFCDAB89;
	v7 =	vimm.s32 $0x67452301;
	v0 =	vunpack.c.l.s4.s8 v0  }
0x5: {  	s10 =	simm.s32 $0x2;
	s11 =	simm.s32 $0x10000;
	s12 =	simm.s32 $0x3;
	v1 =	vunpack.c.l.s4.s8 v1;
	v2 =	vunpack.c.l.s4.s8 v2;
	v3 =	vunpack.c.l.s4.s8 v3  }
0x6: {  	s13 =	simm.s32 $0x0;
	s5 =	sand.u32 $0x1, s5;
	s6 =	sshll.u32 s1, $0x1;
	v4 =	vunpack.c.l.s4.s8 v4;
	v5 =	vunpack.c.l.s4.s8 v5;
	v6 =	vunpack.c.l.s4.s8 v6  }
0x7: {  	[smem:$0x7FF] =	sst s2;
	s9 =	sshll.u32 s1, $0xE;
	v7 =	vunpack.c.l.s4.s8 v7;
	s6 =	sor.u32 s5, s6;
	v0 =	vunpack.c.0.s8.s32 v0;
	v2 =	vunpack.c.0.s8.s32 v2  }
0x8: {  	_ =	strace $0x80000047;
	s28 =	ssub.s32 $0x2, s5;
	s7 =	sshll.u32 s6, $0x1;
	v3 =	vunpack.c.0.s8.s32 v3;
	v4 =	vunpack.c.0.s8.s32 v4;
	v1 =	vunpack.c.0.s8.s32 v1  }
0x9: {  	s8 =	sshll.u32 s6, $0x4;
	s29 =	sshll.u32 s6, $0x5;
	s30 =	sshrl.u32 s28, $0x1;
	v5 =	vunpack.c.0.s8.s32 v5;
	v6 =	vunpack.c.0.s8.s32 v6;
	v62 =	vand.u32 $0xF, v0  }
0xa: {  	v7 =	vunpack.c.0.s8.s32 v7;
	s7 =	sor.u32 $0x41, s7;
	s8 =	sadd.s32 s8, s4;
	s5 =	sor.u32 s29, s9;
	v2 =	vcombine.low v3, v2;
	v51 =	vcombine.low v62, v1  }
0xb: {  	s6 =	ssub.s32 s28, s30;
	s31 =	sshll.u32 s7, $0x4;
	s5 =	sand.u32 $0x38060, s5;
	v3 =	vcombine.low v5, v4  }
0xc: {  	s7 =	sshll.u32 s7, $0xC;
	s6 =	smax.u32 s6, $0x1;
	v63 =	vcombine.low v7, v6;
	s9 =	sand.u32 $0x70, s31;
	v52 =	vand.u32 $0xF, v2;
	[tilespmem:$0x1FFC0] =	vst v51  }
0xd: {  	s5 =	sadd.s32 s5, s3;
	s7 =	sand.u32 $0x78000, s7;
	s9 =	sadd.s32 s3, s9;
	v53 =	vand.u32 $0xF, v3;
	[tilespmem:$0x1FFD0] =	vst v52  }
0xe: {  	s3 =	sadd.s32 $0x40000, s5;
	s5 =	sadd.s32 $0x200, s8;
	s8 =	simm.s32 $0x1;
	v54 =	vand.u32 $0xF, v63;
	[tilespmem:$0x1FFE0] =	vst v53  }
0xf: {  	vm0 =	vcmask $0x308;
	v0 =	vlaneseq.u32;
	s4 =	sadd.s32 s7, s9;
	s7 =	simm.s32 $0x400;
	s9 =	simm.s32 $0x8000;
	[tilespmem:$0x1FFF0] =	vst v54  }
.LBB2_1:
0x10: {  	s14 =	simm.s32 $0x80  }
0x11: {  	[tilespmem:s2], [sflag:$0x1] =	stream.strided.gather [hbm4b:s3+s14], $0x8000, s7, s14, $0x38;
	[tilespmem:$0x10080] =	vst v63  }
0x12: {  	_ =	swait.ge [sflag:s8], $0x8000  }
0x13: {  	[sflag:s8] =	ssyncset.done $0x0  }
0x14: {  	[sflag:s8] =	ssyncadd.s32 $0xFFFF8000  }
0x15: {  	[tilespmem:s9], [sflag:$0x2] =	stream.strided.gather [hbm4b:s4+s14], $0x8000, s7, s14, $0x38;
	[tilespmem:$0x10080] =	vst v63  }
0x16: {  	v1 =	vld [tilespmem:s14+$0xFFFFFF80]  }
0x17: {  	v8 =	vld [tilespmem:s14+$0xFFFFFF90]  }
0x18: {  	v9 =	vld [tilespmem:s14+$0xFFFFFFA0]  }
0x19: {  	v7 =	vimm.f32 $-Inf;
	v6 =	vimm.s32 $0x0;
	v32 =	vimm.f32 $-Inf;
	v10 =	vld [tilespmem:s14+$0xFFFFFFB0]  }
0x1a: {  	v33 =	vimm.f32 $-Inf;
	v17 =	vimm.f32 $-Inf;
	v18 =	vimm.f32 $-Inf;
	v11 =	vld [tilespmem:s14+$0xFFFFFFC0]  }
0x1b: {  	v28 =	vimm.f32 $-Inf;
	v14 =	vimm.s32 $0x0;
	v15 =	vimm.s32 $0x0;
	v12 =	vld [tilespmem:s14+$0xFFFFFFD0]  }
0x1c: {  	v16 =	vimm.s32 $0x0;
	v19 =	vimm.s32 $0x0;
	v20 =	vimm.s32 $0x0;
	v13 =	vld [tilespmem:s14+$0xFFFFFFE0]  }
0x1d: {  	v27 =	vimm.s32 $0x0;
	v29 =	vimm.s32 $0x0;
	v30 =	vimm.s32 $0x0;
	v37 =	vld [tilespmem:s14+$0xFFFFFFF0]  }
0x1e: {  	v31 =	vimm.s32 $0x0;
	v36 =	vimm.s32 $0x0;
	v34 =	vimm.s32 $0x0;
	v38 =	vld [tilespmem:s14+$0x0]  }
0x1f: {  	v35 =	vimm.s32 $0x0;
	v40 =	vld [tilespmem:s14+$0x10];
	vm1 =	vgt.f32 v1, v7;
	vm2 =	vgt.f32 v9, v7  }
0x20: {  	v39 =	vld [tilespmem:s14+$0x20];
	vm3 =	vgt.f32 v10, v7;
	vm4 =	vgt.f32 v11, v7;
	vm5 =	vgt.f32 v12, v7  }
0x21: {  	v41 =	vld [tilespmem:s14+$0x30];
	vm6 =	vgt.f32 v13, v7;
	v23 =	vsel vm1, v1, v7;
	v5 =	vsel vm1, s2, v6  }
0x22: {  	v43 =	vld [tilespmem:s14+$0x40];
	vm1 =	vgt.f32 v8, v7;
	v24 =	vsel vm2, v9, v7;
	v25 =	vsel vm3, v10, v7  }
0x23: {  	v42 =	vld [tilespmem:s14+$0x50];
	v10 =	vsel vm4, v11, v7;
	v22 =	vsel vm5, v12, v7;
	v21 =	vsel vm6, v13, v7  }
0x24: {  	v44 =	vld [tilespmem:s14+$0x60];
	v9 =	vimm.f32 $-Inf;
	v13 =	vimm.f32 $-Inf;
	v11 =	vimm.s32 $0x0  }
0x25: {  	s15 =	simm.s32 $0x180;
	s16 =	simm.s32 $0x1;
	v45 =	vld [tilespmem:s14+$0x70];
	s14 =	simm.s32 $0x0;
	v12 =	vimm.s32 $0x0;
	v26 =	vsel vm1, v8, v7;
	v8 =	vimm.f32 $-Inf  }
.LBB2_2:
0x26: {  	v1 =	vld [tilespmem:s15+$0xFFFFFF80];
	p0 =	sne.s32 s16, $0x7F;
	vm7 =	vgt.f32 v37, v7;
	vm8 =	vgt.f32 v38, v32;
	vm9 =	vgt.f32 v40, v33  }
0x27: {  	v46 =	vld [tilespmem:s15+$0xFFFFFF90];
	v7 =	vsel vm7, v37, v7;
	v32 =	vsel vm8, v38, v32;
	v33 =	vsel vm9, v40, v33  }
0x28: {  	vm10 =	vgt.f32 v39, v17;
	vm11 =	vgt.f32 v41, v18;
	vm12 =	vgt.f32 v43, v28;
	v47 =	vld [tilespmem:s15+$0xFFFFFFA0]  }
0x29: {  	v17 =	vsel vm10, v39, v17;
	v18 =	vsel vm11, v41, v18;
	v28 =	vsel vm12, v43, v28;
	v48 =	vld [tilespmem:s15+$0xFFFFFFB0]  }
0x2a: {  	vm14 =	vgt.f32 v42, v8;
	vm15 =	vgt.f32 v44, v9;
	v49 =	vld [tilespmem:s15+$0xFFFFFFC0];
	vm13 =	vgt.f32 v45, v13  }
0x2b: {  	v8 =	vsel vm14, v42, v8;
	v9 =	vsel vm15, v44, v9;
	v50 =	vld [tilespmem:s15+$0xFFFFFFD0];
	v13 =	vsel vm13, v45, v13  }
0x2c: {  	v6 =	vsel vm1, s14, v6;
	v11 =	vsel vm2, s14, v11;
	v12 =	vsel vm3, s14, v12;
	v45 =	vld [tilespmem:s15+$0xFFFFFFE0]  }
0x2d: {  	v14 =	vsel vm4, s14, v14;
	v15 =	vsel vm5, s14, v15;
	v16 =	vsel vm6, s14, v16;
	v37 =	vld [tilespmem:s15+$0xFFFFFFF0]  }
0x2e: {  	v19 =	vsel vm7, s14, v19;
	v20 =	vsel vm8, s14, v20;
	v27 =	vsel vm9, s14, v27;
	v38 =	vld [tilespmem:s15+$0x0]  }
0x2f: {  	v29 =	vsel vm10, s14, v29;
	v30 =	vsel vm11, s14, v30;
	v31 =	vsel vm12, s14, v31;
	v40 =	vld [tilespmem:s15+$0x10]  }
0x30: {  	v36 =	vsel vm14, s14, v36;
	v34 =	vsel vm15, s14, v34;
	vm1 =	vgt.f32 v1, v23;
	v39 =	vld [tilespmem:s15+$0x20]  }
.Ltmp0:
0x31: {  	v35 =	vsel vm13, s14, v35;
	s14 =	smov.u32 s16;
	v23 =	vsel vm1, v1, v23;
	v5 =	vsel vm1, s16, v5;
	v41 =	vld [tilespmem:s15+$0x30];
	(pc) =	sbr.rel @p0 .LBB2_2-.Ltmp0, $4  }
0x32: {  	vm1 =	vgt.f32 v46, v26;
	vm2 =	vgt.f32 v47, v24;
	vm3 =	vgt.f32 v48, v25;
	v43 =	vld [tilespmem:s15+$0x40]  }
0x33: {  	v26 =	vsel vm1, v46, v26;
	v24 =	vsel vm2, v47, v24;
	v25 =	vsel vm3, v48, v25;
	v42 =	vld [tilespmem:s15+$0x50]  }
0x34: {  	vm4 =	vgt.f32 v49, v10;
	vm5 =	vgt.f32 v50, v22;
	vm6 =	vgt.f32 v45, v21;
	v44 =	vld [tilespmem:s15+$0x60]  }
0x35: {  	s16 =	sadd.s32 $0x1, s16;
	v10 =	vsel vm4, v49, v10;
	v22 =	vsel vm5, v50, v22;
	v21 =	vsel vm6, v45, v21;
	v45 =	vld [tilespmem:s15+$0x70];
	s15 =	sadd.s32 $0x100, s15  }
0x36: {  	vm7 =	vgt.f32 v37, v7;
	vm8 =	vgt.f32 v38, v32  }
0x37: {  	vm9 =	vgt.f32 v40, v33;
	vm10 =	vgt.f32 v39, v17;
	vm11 =	vgt.f32 v41, v18  }
0x38: {  	v6 =	vsel vm1, s14, v6;
	v5 =	vshll.u32 v5, $0x8;
	v2 =	vor.u32 $0x20, v0  }
0x39: {  	vm1 =	vgt.f32 v26, v23;
	v1 =	vsel vm7, v37, v7;
	v32 =	vsel vm8, v38, v32  }
0x3a: {  	v33 =	vsel vm9, v40, v33;
	vm12 =	vgt.f32 v43, v28;
	v37 =	vsel vm10, v39, v17  }
0x3b: {  	v61 =	vsel vm11, v41, v18;
	v7 =	vsel vm2, s14, v11;
	v63 =	vor.u32 v0, v5  }
0x3c: {  	v6 =	vshll.u32 v6, $0x8;
	v11 =	vor.u32 $0x30, v0;
	v17 =	vor.u32 $0x40, v0  }
0x3d: {  	v18 =	vor.u32 $0x70, v0;
	vm2 =	veq.f32 v26, v23;
	v28 =	vsel vm12, v43, v28  }
0x3e: {  	vm13 =	vgt.f32 v42, v8;
	v7 =	vshll.u32 v7, $0x8;
	vm14 =	vgt.f32 v44, v9  }
0x3f: {  	v39 =	vsel vm13, v42, v8;
	v8 =	vsel vm3, s14, v12;
	v12 =	vsel vm5, s14, v15  }
0x40: {  	v15 =	vsel vm8, s14, v20;
	v20 =	vsel vm10, s14, v29;
	v29 =	vsel vm12, s14, v31  }
0x41: {  	[tilespmem:$0x1FF90] =	vst v2;
	v56 =	vor.u32 v2, v7;
	v2 =	vor.u32 $0x50, v0;
	vm5 =	veq.f32 v1, v21  }
0x42: {  	vm15 =	vgt.f32 v45, v13;
	v40 =	vsel vm14, v44, v9;
	v9 =	vsel vm4, s14, v14  }
0x43: {  	v14 =	vsel vm7, s14, v19;
	v19 =	vsel vm9, s14, v27;
	v27 =	vsel vm11, s14, v30  }
0x44: {  	v30 =	vsel vm13, s14, v36;
	v31 =	vsel vm14, s14, v34;
	v8 =	vshll.u32 v8, $0x8  }
0x45: {  	v41 =	vsel vm15, v45, v13;
	v13 =	vsel vm6, s14, v16;
	v62 =	vsel vm15, s14, v35  }
0x46: {  	v16 =	vor.u32 $0x10, v0;
	v57 =	vor.u32 v11, v8;
	v7 =	vshll.u32 v9, $0x8  }
0x47: {  	v8 =	vshll.u32 v12, $0x8;
	v12 =	vor.u32 $0x60, v0;
	v30 =	vshll.u32 v30, $0x8  }
0x48: {  	v31 =	vshll.u32 v31, $0x8;
	v55 =	vor.u32 v16, v6;
	v9 =	vshll.u32 v13, $0x8  }
0x49: {  	v58 =	vor.u32 v17, v7;
	v59 =	vor.u32 v2, v8;
	v8 =	vshll.u32 v14, $0x8  }
0x4a: {  	[tilespmem:$0x1FFA0] =	vst v2;
	v2 =	vor.u32 $0x80, v0;
	v14 =	vshll.u32 v19, $0x8;
	v13 =	vor.u32 $0x90, v0  }
0x4b: {  	v19 =	vor.u32 $0xA0, v0;
	v34 =	vshll.u32 v62, $0x8;
	vm4 =	vlt.s32 v57, v56  }
0x4c: {  	v46 =	vor.u32 v12, v9;
	v9 =	vshll.u32 v15, $0x8;
	v47 =	vor.u32 v18, v8  }
0x4d: {  	v49 =	vor.u32 v13, v14;
	v15 =	vshll.u32 v27, $0x8;
	v8 =	vor.u32 $0xB0, v0  }
0x4e: {  	v14 =	vor.u32 $0xC0, v0;
	vm3 =	vlt.s32 v55, v63;
	v48 =	vor.u32 v2, v9  }
0x4f: {  	v9 =	vshll.u32 v20, $0x8;
	v20 =	vshll.u32 v29, $0x8;
	v29 =	vor.u32 v8, v15  }
0x50: {  	v15 =	vor.u32 $0xF0, v0;
	vm2 =	vmand vm2, vm3;
	vm3 =	veq.f32 v25, v24  }
0x51: {  	vm6 =	vlt.s32 v47, v46;
	v27 =	vor.u32 v19, v9;
	v50 =	vor.u32 v14, v20  }
0x52: {  	v20 =	vor.u32 $0xD0, v0;
	v9 =	vor.u32 $0xE0, v0;
	v34 =	vor.u32 v15, v34  }
0x53: {  	vm1 =	vmor vm1, vm2;
	vm2 =	vgt.f32 v25, v24;
	vm3 =	vmand vm3, vm4  }
0x54: {  	vm4 =	vlt.s32 v59, v58;
	vm5 =	vmand vm5, vm6;
	v30 =	vor.u32 v20, v30  }
0x55: {  	v31 =	vor.u32 v9, v31;
	v23 =	vsel vm1, v26, v23;
	v26 =	vsel vm1, v55, v63  }
0x56: {  	vm1 =	vmor vm2, vm3;
	vm2 =	vgt.f32 v22, v10;
	vm3 =	veq.f32 v22, v10  }
0x57: {  	v24 =	vsel vm1, v25, v24;
	vm3 =	vmand vm3, vm4;
	vm4 =	vgt.f32 v1, v21  }
0x58: {  	v25 =	vsel vm1, v57, v56;
	vm1 =	vmor vm2, vm3;
	vm2 =	vmor vm4, vm5  }
0x59: {  	vm3 =	veq.f32 v33, v32;
	vm4 =	vlt.s32 v49, v48;
	vm5 =	vlt.s32 v29, v27  }
0x5a: {  	v10 =	vsel vm1, v22, v10;
	v22 =	vsel vm1, v59, v58;
	v1 =	vsel vm2, v1, v21  }
0x5b: {  	vm1 =	vgt.f32 v33, v32;
	vm3 =	vmand vm3, vm4;
	vm4 =	veq.f32 v61, v37  }
0x5c: {  	v21 =	vsel vm2, v47, v46;
	vm1 =	vmor vm1, vm3;
	vm3 =	vgt.f32 v61, v37  }
0x5d: {  	vm4 =	vmand vm4, vm5;
	vm5 =	veq.f32 v1, v10;
	vm6 =	vlt.s32 v21, v22  }
0x5e: {  	v32 =	vsel vm1, v33, v32;
	vm2 =	vmor vm3, vm4;
	v60 =	vsel vm1, v49, v48  }
0x5f: {  	vm1 =	vgt.f32 v39, v28;
	vm3 =	vlt.s32 v30, v50;
	vm4 =	vlt.s32 v34, v31  }
0x60: {  	v61 =	vsel vm2, v61, v37;
	v27 =	vsel vm2, v29, v27;
	vm2 =	veq.f32 v39, v28  }
0x61: {  	vm5 =	vmand vm5, vm6;
	vm2 =	vmand vm2, vm3;
	vm3 =	veq.f32 v41, v40  }
0x62: {  	vm1 =	vmor vm1, vm2;
	vm2 =	vgt.f32 v41, v40;
	vm3 =	vmand vm3, vm4  }
0x63: {  	vm4 =	vlt.s32 v25, v26;
	v28 =	vsel vm1, v39, v28;
	v29 =	vsel vm1, v30, v50  }
0x64: {  	vm1 =	vmor vm2, vm3;
	vm2 =	vgt.f32 v24, v23;
	vm3 =	veq.f32 v24, v23  }
0x65: {  	v30 =	vsel vm1, v41, v40;
	vm3 =	vmand vm3, vm4;
	vm4 =	vgt.f32 v1, v10  }
0x66: {  	v31 =	vsel vm1, v34, v31;
	vm1 =	vmor vm2, vm3;
	vm2 =	vmor vm4, vm5  }
0x67: {  	vm3 =	veq.f32 v61, v32;
	vm4 =	vlt.s32 v27, v60;
	vm5 =	vlt.s32 v31, v29  }
0x68: {  	v23 =	vsel vm1, v24, v23;
	v24 =	vsel vm1, v25, v26;
	v1 =	vsel vm2, v1, v10  }
0x69: {  	vm1 =	vgt.f32 v61, v32;
	vm3 =	vmand vm3, vm4;
	vm4 =	veq.f32 v30, v28  }
0x6a: {  	vm1 =	vmor vm1, vm3;
	vm3 =	vgt.f32 v30, v28;
	vm4 =	vmand vm4, vm5  }
0x6b: {  	v10 =	vsel vm2, v21, v22;
	v21 =	vsel vm1, v61, v32;
	vm2 =	vmor vm3, vm4  }
0x6c: {  	v22 =	vsel vm1, v27, v60;
	vm1 =	vgt.f32 v1, v23;
	vm3 =	vlt.s32 v10, v24  }
0x6d: {  	v25 =	vsel vm2, v30, v28;
	v26 =	vsel vm2, v31, v29;
	vm2 =	veq.f32 v1, v23  }
0x6e: {  	vm2 =	vmand vm2, vm3;
	vm3 =	veq.f32 v25, v21;
	vm4 =	vlt.s32 v26, v22  }
0x6f: {  	vm1 =	vmor vm1, vm2;
	vm2 =	vgt.f32 v25, v21;
	vm3 =	vmand vm3, vm4  }
0x70: {  	v1 =	vsel vm1, v1, v23;
	vm2 =	vmor vm2, vm3  }
0x71: {  	v10 =	vsel vm1, v10, v24;
	v21 =	vsel vm2, v25, v21;
	v22 =	vsel vm2, v26, v22  }
0x72: {  	vm1 =	veq.f32 v21, v1;
	vm2 =	vlt.s32 v22, v10  }
0x73: {  	vm3 =	vgt.f32 v21, v1;
	vm1 =	vmand vm1, vm2  }
0x74: {  	vm1 =	vmor vm3, vm1  }
0x75: {  	v1 =	vsel vm1, v21, v1;
	v10 =	vsel vm1, v22, v10  }
0x76: {  	v21 =	vperm.xlane v1, v51;
	v22 =	vperm.xlane v10, v51;
	_ =	sdelay $0x1  }
0x77: {  	v38 =	vimm.s32 $0x0;
	vm1 =	veq.f32 v21, v1;
	vm2 =	vlt.s32 v22, v10  }
0x78: {  	v43 =	vimm.s32 $0x0;
	[tilespmem:$0x1FFB0] =	vst v2;
	vm3 =	vgt.f32 v21, v1;
	vm1 =	vmand vm1, vm2  }
0x79: {  	v42 =	vimm.s32 $0x0;
	v44 =	vimm.s32 $0x0;
	_ =	swait.ge [sflag:s10], $0x8000;
	vm1 =	vmor vm3, vm1  }
0x7a: {  	v36 =	vimm.s32 $0x0;
	[sflag:s10] =	ssyncset.done $0x0;
	v1 =	vsel vm1, v21, v1;
	v10 =	vsel vm1, v22, v10  }
0x7b: {  	s15 =	simm.s32 $0x8080;
	v45 =	vimm.s32 $0x0;
	[sflag:s10] =	ssyncadd.s32 $0xFFFF8000;
	v21 =	vperm.xlane v1, v52;
	v22 =	vperm.xlane v10, v52  }
0x7c: {  	v35 =	vimm.s32 $0x0;
	v55 =	vimm.f32 $-Inf;
	v62 =	vld [tilespmem:s15+$0xFFFFFFC0];
	v47 =	vimm.f32 $-Inf  }
0x7d: {  	v46 =	vimm.s32 $0x0;
	vm1 =	veq.f32 v21, v1;
	vm2 =	vlt.s32 v22, v10  }
0x7e: {  	v63 =	vld [tilespmem:s15+$0xFFFFFFE0];
	v49 =	vimm.f32 $-Inf;
	vm3 =	vgt.f32 v21, v1;
	vm1 =	vmand vm1, vm2  }
0x7f: {  	v56 =	vld [tilespmem:s15+$0xFFFFFFF0];
	v48 =	vimm.s32 $0x0;
	v33 =	vimm.s32 $0x0;
	vm1 =	vmor vm3, vm1  }
0x80: {  	v57 =	vld [tilespmem:s15+$0x0];
	v37 =	vimm.f32 $-Inf;
	v1 =	vsel vm1, v21, v1;
	v10 =	vsel vm1, v22, v10  }
0x81: {  	vm6 =	vgt.f32 v62, v37;
	v25 =	vld [tilespmem:s15+$0xFFFFFF90];
	v21 =	vperm.xlane v1, v53;
	v23 =	vperm.xlane v10, v53  }
0x82: {  	v50 =	vimm.f32 $-Inf;
	v39 =	vimm.s32 $0x0;
	v40 =	vimm.s32 $0x0;
	v29 =	vld [tilespmem:s15+$0xFFFFFFB0]  }
0x83: {  	v58 =	vld [tilespmem:s15+$0x10];
	v41 =	vimm.s32 $0x0;
	vm1 =	veq.f32 v21, v1;
	vm2 =	vlt.s32 v23, v10  }
0x84: {  	v34 =	vimm.s32 $0x0;
	v24 =	vld [tilespmem:s15+$0xFFFFFF80];
	vm3 =	vgt.f32 v21, v1;
	vm1 =	vmand vm1, vm2  }
0x85: {  	v32 =	vimm.s32 $0x0;
	vm4 =	vgt.f32 v63, v37;
	v26 =	vld [tilespmem:s15+$0xFFFFFFA0];
	vm1 =	vmor vm3, vm1  }
0x86: {  	vm5 =	vgt.f32 v25, v37;
	v51 =	vimm.f32 $-Inf;
	v22 =	vsel vm1, v21, v1;
	v1 =	vld [tilespmem:s15+$0xFFFFFFD0]  }
0x87: {  	v59 =	vld [tilespmem:s15+$0x20];
	v30 =	vsel vm5, v25, v37;
	v25 =	vsel vm4, v63, v37;
	vm2 =	vgt.f32 v29, v37  }
0x88: {  	v60 =	vld [tilespmem:s15+$0x30];
	v52 =	vimm.f32 $-Inf;
	v53 =	vimm.f32 $-Inf;
	v29 =	vsel vm2, v29, v37  }
0x89: {  	s14 =	simm.s32 $0x0;
	v61 =	vld [tilespmem:s15+$0x40];
	v10 =	vsel vm1, v23, v10;
	vm1 =	vgt.f32 v24, v37;
	v23 =	vperm.xlane v22, v54  }
0x8a: {  	v63 =	vld [tilespmem:s15+$0x60];
	v21 =	vperm.xlane v10, v54;
	v27 =	vsel vm1, v24, v37;
	v31 =	vsel vm1, s14, v32  }
0x8b: {  	vm1 =	vgt.f32 v26, v37;
	v24 =	vsel vm6, v62, v37;
	v62 =	vld [tilespmem:s15+$0x50];
	vm3 =	vgt.f32 v1, v37  }
0x8c: {  	s16 =	simm.s32 $0x1;
	v54 =	vimm.f32 $-Inf;
	v28 =	vsel vm1, v26, v37;
	v26 =	vsel vm3, v1, v37;
	v1 =	vld [tilespmem:s15+$0x70];
	s15 =	simm.s32 $0x8180  }
.LBB2_4:
0x8d: {  	v2 =	vld [tilespmem:s15+$0xFFFFFF80];
	p0 =	sne.s32 s16, $0x7F;
	vm7 =	vgt.f32 v56, v37;
	vm8 =	vgt.f32 v57, v53;
	vm9 =	vgt.f32 v58, v54  }
0x8e: {  	v3 =	vld [tilespmem:s15+$0xFFFFFF90];
	v37 =	vsel vm7, v56, v37;
	v53 =	vsel vm8, v57, v53;
	v54 =	vsel vm9, v58, v54  }
0x8f: {  	vm10 =	vgt.f32 v59, v55;
	vm11 =	vgt.f32 v60, v50;
	vm12 =	vgt.f32 v61, v51;
	v4 =	vld [tilespmem:s15+$0xFFFFFFA0]  }
0x90: {  	v55 =	vsel vm10, v59, v55;
	v50 =	vsel vm11, v60, v50;
	v51 =	vsel vm12, v61, v51;
	v5 =	vld [tilespmem:s15+$0xFFFFFFB0]  }
0x91: {  	vm14 =	vgt.f32 v62, v52;
	vm15 =	vgt.f32 v63, v47;
	v6 =	vld [tilespmem:s15+$0xFFFFFFC0];
	vm13 =	vgt.f32 v1, v49  }
0x92: {  	v52 =	vsel vm14, v62, v52;
	v47 =	vsel vm15, v63, v47;
	v7 =	vld [tilespmem:s15+$0xFFFFFFD0];
	v49 =	vsel vm13, v1, v49  }
0x93: {  	v32 =	vsel vm5, s14, v32;
	v45 =	vsel vm1, s14, v45;
	v46 =	vsel vm2, s14, v46;
	v1 =	vld [tilespmem:s15+$0xFFFFFFE0]  }
0x94: {  	v48 =	vsel vm6, s14, v48;
	v42 =	vsel vm3, s14, v42;
	v43 =	vsel vm4, s14, v43;
	v56 =	vld [tilespmem:s15+$0xFFFFFFF0]  }
0x95: {  	v44 =	vsel vm7, s14, v44;
	v39 =	vsel vm8, s14, v39;
	v40 =	vsel vm9, s14, v40;
	v57 =	vld [tilespmem:s15+$0x0]  }
0x96: {  	v41 =	vsel vm10, s14, v41;
	v35 =	vsel vm11, s14, v35;
	v36 =	vsel vm12, s14, v36;
	v58 =	vld [tilespmem:s15+$0x10]  }
0x97: {  	v38 =	vsel vm14, s14, v38;
	v33 =	vsel vm15, s14, v33;
	vm1 =	vgt.f32 v2, v27;
	v59 =	vld [tilespmem:s15+$0x20]  }
.Ltmp1:
0x98: {  	v34 =	vsel vm13, s14, v34;
	s14 =	smov.u32 s16;
	v27 =	vsel vm1, v2, v27;
	v31 =	vsel vm1, s16, v31;
	v60 =	vld [tilespmem:s15+$0x30];
	(pc) =	sbr.rel @p0 .LBB2_4-.Ltmp1, $4  }
0x99: {  	vm5 =	vgt.f32 v3, v30;
	vm1 =	vgt.f32 v4, v28;
	vm2 =	vgt.f32 v5, v29;
	v61 =	vld [tilespmem:s15+$0x40]  }
0x9a: {  	v30 =	vsel vm5, v3, v30;
	v28 =	vsel vm1, v4, v28;
	v29 =	vsel vm2, v5, v29;
	v62 =	vld [tilespmem:s15+$0x50]  }
0x9b: {  	vm6 =	vgt.f32 v6, v24;
	vm3 =	vgt.f32 v7, v26;
	vm4 =	vgt.f32 v1, v25;
	v63 =	vld [tilespmem:s15+$0x60]  }
0x9c: {  	s16 =	sadd.s32 $0x1, s16;
	v24 =	vsel vm6, v6, v24;
	v26 =	vsel vm3, v7, v26;
	v25 =	vsel vm4, v1, v25;
	v1 =	vld [tilespmem:s15+$0x70];
	s15 =	sadd.s32 $0x100, s15  }
0x9d: {  	vm15 =	vgt.f32 v56, v37;
	vm12 =	vgt.f32 v57, v53  }
0x9e: {  	vm13 =	vgt.f32 v58, v54;
	vm14 =	vgt.f32 v59, v55;
	vm9 =	vgt.f32 v60, v50  }
0x9f: {  	v32 =	vsel vm5, s14, v32;
	v42 =	vsel vm3, s14, v42;
	v43 =	vsel vm4, s14, v43  }
0xa0: {  	v31 =	vshll.u32 v31, $0x8;
	v2 =	vsel vm15, v56, v37;
	v3 =	vsel vm12, v57, v53  }
0xa1: {  	v4 =	vsel vm13, v58, v54;
	v5 =	vsel vm14, v59, v55;
	vm10 =	vgt.f32 v61, v51  }
0xa2: {  	v6 =	vsel vm9, v60, v50;
	v32 =	vshll.u32 v32, $0x8;
	v60 =	vsel vm1, s14, v45  }
0xa3: {  	v44 =	vsel vm15, s14, v44;
	v42 =	vshll.u32 v42, $0x8;
	v43 =	vshll.u32 v43, $0x8  }
0xa4: {  	v39 =	vsel vm12, s14, v39;
	v40 =	vsel vm13, s14, v40;
	v41 =	vsel vm14, s14, v41  }
0xa5: {  	v35 =	vsel vm9, s14, v35;
	v31 =	vor.u32 v0, v31;
	vm1 =	vgt.f32 v30, v27  }
0xa6: {  	vm11 =	vgt.f32 v62, v52;
	v7 =	vsel vm10, v61, v51;
	v16 =	vor.u32 v16, v32  }
0xa7: {  	v61 =	vsel vm2, s14, v46;
	v32 =	vshll.u32 v60, $0x8;
	v12 =	vor.u32 v12, v43  }
0xa8: {  	v50 =	vshll.u32 v44, $0x8;
	v39 =	vshll.u32 v39, $0x8;
	v40 =	vshll.u32 v40, $0x8  }
0xa9: {  	v36 =	vsel vm10, s14, v36;
	v35 =	vshll.u32 v35, $0x8;
	vm2 =	veq.f32 v30, v27  }
0xaa: {  	vm14 =	veq.f32 v2, v25;
	vm10 =	veq.f32 v6, v5;
	v59 =	vsel vm11, v62, v52  }
0xab: {  	vm7 =	vgt.f32 v63, v47;
	v62 =	vsel vm6, s14, v48;
	v45 =	vshll.u32 v61, $0x8  }
0xac: {  	v18 =	vor.u32 v18, v50;
	v13 =	vor.u32 v13, v40;
	v52 =	vshll.u32 v41, $0x8  }
0xad: {  	v38 =	vsel vm11, s14, v38;
	v36 =	vshll.u32 v36, $0x8;
	v8 =	vor.u32 v8, v35  }
0xae: {  	vm3 =	vlt.s32 v16, v31;
	vm8 =	vgt.f32 v1, v49;
	v47 =	vsel vm7, v63, v47  }
0xaf: {  	v11 =	vor.u32 v11, v45;
	v48 =	vshll.u32 v62, $0x8;
	v19 =	vor.u32 v19, v52  }
0xb0: {  	v14 =	vor.u32 v14, v36;
	v53 =	vshll.u32 v38, $0x8;
	v33 =	vsel vm7, s14, v33  }
0xb1: {  	v51 =	vld [tilespmem:$0x1FFB0];
	vm2 =	vmand vm2, vm3;
	vm3 =	veq.f32 v29, v28;
	vm15 =	vlt.s32 v18, v12  }
0xb2: {  	v63 =	vld [tilespmem:$0x1FF90];
	v1 =	vsel vm8, v1, v49;
	v17 =	vor.u32 v17, v48;
	v20 =	vor.u32 v20, v53  }
0xb3: {  	v49 =	vld [tilespmem:$0x1FFA0];
	v34 =	vsel vm8, s14, v34;
	v33 =	vshll.u32 v33, $0x8;
	vm1 =	vmor vm1, vm2  }
0xb4: {  	vm2 =	vgt.f32 v29, v28;
	vm8 =	vgt.f32 v2, v25;
	vm5 =	vmand vm14, vm15  }
0xb5: {  	vm11 =	vlt.s32 v8, v19;
	v34 =	vshll.u32 v34, $0x8;
	v9 =	vor.u32 v9, v33  }
0xb6: {  	v54 =	vsel vm1, v30, v27;
	v16 =	vsel vm1, v16, v31;
	vm4 =	vmand vm10, vm11  }
0xb7: {  	v39 =	vor.u32 v51, v39;
	v15 =	vor.u32 v15, v34;
	v32 =	vor.u32 v63, v32  }
0xb8: {  	vm9 =	vlt.s32 v13, v39;
	v42 =	vor.u32 v49, v42;
	vm12 =	vlt.s32 v11, v32  }
0xb9: {  	vm3 =	vmand vm3, vm12;
	vm13 =	vlt.s32 v42, v17;
	vm12 =	vlt.s32 v15, v9  }
0xba: {  	vm1 =	vmor vm2, vm3;
	vm2 =	vgt.f32 v26, v24;
	vm3 =	veq.f32 v26, v24  }
0xbb: {  	v55 =	vsel vm1, v29, v28;
	vm3 =	vmand vm3, vm13;
	v11 =	vsel vm1, v11, v32  }
0xbc: {  	vm1 =	vmor vm2, vm3;
	vm2 =	vmor vm8, vm5;
	vm3 =	veq.f32 v4, v3  }
0xbd: {  	vm13 =	vlt.s32 v11, v16;
	v56 =	vsel vm1, v26, v24;
	v17 =	vsel vm1, v42, v17  }
0xbe: {  	v2 =	vsel vm2, v2, v25;
	vm1 =	vgt.f32 v4, v3;
	vm3 =	vmand vm3, vm9  }
0xbf: {  	v12 =	vsel vm2, v18, v12;
	vm1 =	vmor vm1, vm3;
	vm3 =	vgt.f32 v6, v5  }
0xc0: {  	vm14 =	veq.f32 v2, v56;
	vm15 =	vlt.s32 v12, v17;
	vm9 =	vgt.f32 v2, v56  }
0xc1: {  	v3 =	vsel vm1, v4, v3;
	vm2 =	vmor vm3, vm4;
	vm3 =	vlt.s32 v20, v14  }
0xc2: {  	v5 =	vsel vm2, v6, v5;
	v58 =	vsel vm2, v8, v19;
	vm2 =	veq.f32 v59, v7  }
0xc3: {  	v57 =	vsel vm1, v13, v39;
	vm1 =	vgt.f32 v59, v7;
	vm2 =	vmand vm2, vm3  }
0xc4: {  	vm5 =	vmand vm14, vm15;
	vm3 =	veq.f32 v1, v47;
	vm1 =	vmor vm1, vm2  }
0xc5: {  	vm2 =	vgt.f32 v1, v47;
	vm3 =	vmand vm3, vm12;
	v7 =	vsel vm1, v59, v7  }
0xc6: {  	v59 =	vsel vm1, v20, v14;
	vm1 =	vmor vm2, vm3;
	vm3 =	veq.f32 v55, v54  }
0xc7: {  	vm10 =	vlt.s32 v58, v57;
	vm2 =	vgt.f32 v55, v54;
	vm3 =	vmand vm3, vm13  }
0xc8: {  	v1 =	vsel vm1, v1, v47;
	v9 =	vsel vm1, v15, v9;
	vm1 =	vmor vm2, vm3  }
0xc9: {  	vm2 =	vmor vm9, vm5;
	vm3 =	veq.f32 v5, v3;
	vm11 =	veq.f32 v1, v7  }
0xca: {  	vm12 =	vlt.s32 v9, v59;
	v60 =	vsel vm1, v55, v54;
	v11 =	vsel vm1, v11, v16  }
0xcb: {  	v2 =	vsel vm2, v2, v56;
	vm1 =	vgt.f32 v5, v3;
	vm3 =	vmand vm3, vm10  }
0xcc: {  	vm4 =	vmand vm11, vm12;
	vm1 =	vmor vm1, vm3;
	vm3 =	vgt.f32 v1, v7  }
0xcd: {  	v12 =	vsel vm2, v12, v17;
	v3 =	vsel vm1, v5, v3;
	vm2 =	vmor vm3, vm4  }
0xce: {  	v4 =	vsel vm1, v58, v57;
	vm1 =	vgt.f32 v2, v60;
	vm3 =	vlt.s32 v12, v11  }
0xcf: {  	v1 =	vsel vm2, v1, v7;
	v61 =	vsel vm2, v9, v59;
	vm2 =	veq.f32 v2, v60  }
0xd0: {  	vm2 =	vmand vm2, vm3;
	vm3 =	veq.f32 v1, v3;
	vm13 =	vlt.s32 v61, v4  }
0xd1: {  	vm1 =	vmor vm1, vm2;
	vm2 =	vgt.f32 v1, v3;
	vm3 =	vmand vm3, vm13  }
0xd2: {  	v2 =	vsel vm1, v2, v60;
	vm2 =	vmor vm2, vm3  }
0xd3: {  	v51 =	vld [tilespmem:$0x1FFC0];
	v62 =	vsel vm1, v12, v11;
	v1 =	vsel vm2, v1, v3;
	v3 =	vsel vm2, v61, v4  }
0xd4: {  	vm1 =	veq.f32 v1, v2;
	vm2 =	vlt.s32 v3, v62  }
0xd5: {  	vm3 =	vgt.f32 v1, v2;
	vm1 =	vmand vm1, vm2  }
0xd6: {  	vm1 =	vmor vm3, vm1  }
0xd7: {  	v1 =	vsel vm1, v1, v2;
	v2 =	vsel vm1, v3, v62  }
0xd8: {  	v3 =	vperm.xlane v1, v51;
	v63 =	vperm.xlane v2, v51  }
0xd9: {  	v52 =	vld [tilespmem:$0x1FFD0]  }
0xda: {  	vm1 =	veq.f32 v3, v1;
	vm2 =	vlt.s32 v63, v2  }
0xdb: {  	vm3 =	vgt.f32 v3, v1;
	vm1 =	vmand vm1, vm2  }
0xdc: {  	vm1 =	vmor vm3, vm1  }
0xdd: {  	v1 =	vsel vm1, v3, v1;
	v2 =	vsel vm1, v63, v2  }
0xde: {  	v3 =	vperm.xlane v1, v52;
	v4 =	vperm.xlane v2, v52  }
0xdf: {  	v53 =	vld [tilespmem:$0x1FFE0]  }
0xe0: {  	vm1 =	veq.f32 v3, v1;
	vm2 =	vlt.s32 v4, v2  }
0xe1: {  	vm3 =	vgt.f32 v3, v1;
	vm1 =	vmand vm1, vm2  }
0xe2: {  	vm1 =	vmor vm3, vm1  }
0xe3: {  	v1 =	vsel vm1, v3, v1;
	v2 =	vsel vm1, v4, v2  }
0xe4: {  	v3 =	vperm.xlane v1, v53;
	v4 =	vperm.xlane v2, v53  }
0xe5: {  	v54 =	vld [tilespmem:$0x1FFF0]  }
0xe6: {  	vm1 =	veq.f32 v3, v1;
	vm2 =	vlt.s32 v4, v2  }
0xe7: {  	vm3 =	vgt.f32 v3, v1;
	vm1 =	vmand vm1, vm2  }
0xe8: {  	vm1 =	vmor vm3, vm1  }
0xe9: {  	v1 =	vsel vm1, v3, v1;
	v2 =	vsel vm1, v4, v2  }
0xea: {  	v3 =	vperm.xlane v1, v54;
	v4 =	vperm.xlane v2, v54  }
0xeb: {  	vm2 =	veq.f32 v23, v22;
	vm3 =	vlt.s32 v21, v10;
	vm1 =	vgt.f32 v23, v22  }
0xec: {  	vm2 =	vmand vm2, vm3;
	vm3 =	veq.f32 v3, v1;
	vm14 =	vlt.s32 v4, v2  }
0xed: {  	vm1 =	vmor vm1, vm2;
	vm15 =	vgt.f32 v3, v1;
	vm2 =	vmand vm3, vm14  }
0xee: {  	v1 =	vsel vm1, v21, v10;
	vm1 =	vmmov $0x1;
	vm2 =	vmor vm15, vm2  }
0xef: {  	s13 =	sadd.s32 $0x1, s13;
	v1 =	vnsel vm1, $0x0, v1;
	v2 =	vsel vm2, v4, v2  }
0xf0: {  	p0 =	sne.s32 s13, s6;
	v1 =	vsel vm0, v1, v2  }
.Ltmp2:
0xf1: {  	[tilespmem:$0x10000] =	vst v1;
	(pc) =	sbr.rel @p0 .LBB2_1-.Ltmp2, $4  }
0xf2: {  	[hbm4b:s5+s2] =	stream.linear.scatter [tilespmem:s11], [sflag:$0x3], $0x80, $0x38;
	[tilespmem:$0x10080] =	vst v63  }
0xf3: {  	_ =	swait.ge [sflag:s12], $0x80  }
0xf4: {  	[sflag:s12] =	ssyncset.done $0x0  }
0xf5: {  	[sflag:s12] =	ssyncadd.s32 $0xFFFFFF80  }
0xf6: {  	_ =	sfence.sel $0x180000  }
0xf7: {  	[bflag:$0x0] =	sbarrier.arrive $0xFFFF  }
0xf8: {  	p0 =	sne.s32 s1, $0x0;
	_ =	strace $0x90000047  }
0xf9: {  	s0 =	sadd.s32 @!p0 $0x100000, s0;
	[bflag:$0x2] =	sbarrier.arrive $0xFFFF  }
0xfa: {  	[sflag:s0] =	ssyncadd.tile.s32 @!p0 $0x1;
	_ =	shalt  }
.Lfunc_end2:
_tile_overlayer_lowered:
.L_overlay_start_2:
0xfb: {  	(tag) =	ssettag $0x2  }
0xfc: {  	s0 =	rddreg [dreg:$0x0];
	s2 =	stileid.u32  }
0xfd: {  	s1 =	rddreg [dreg:$0x1];
	p0 =	sne.s32 s2, $0x0  }
0xfe: {  	s3 =	rddreg [dreg:$0x2];
	[bflag:$0x3] =	sbarrier.arrive $0xFFFF;
	s2 =	simm.s32 @!p0 $0x1C03  }
0xff: {  	[timem:s3], [sflag:s2] =	dma.local @!p0 [hbm:s0], s1  }
0x100: {  	s0 =	simm.s32 @!p0 $0x3  }
0x101: {  	_ =	swait.ge @!p0 [sflag:s0], s1  }
0x102: {  	s1 =	ssub.s32 @!p0 $0x0, s1;
	[sflag:s0] =	ssyncset.done @!p0 $0x0  }
0x103: {  	[sflag:s0] =	ssyncadd.s32 @!p0 s1  }
0x104: {  	[bflag:$0x3] =	sbarrier.arrive $0xFFFF  }
0x105: {  	_ =	shalt  }

</sc_bundles>
